<compile_context>
chip_gen: v7x
topology: tpu7x:2x2x1
jax: 0.10.2.dev20260603
libtpu: 0.0.44.dev20260713+nightly
codegen_flags: <defaults>
</compile_context>

<pallas_src>
import functools
import math

import jax
import jax.numpy as jnp
from jax import lax
from jax.experimental import pallas as pl
from jax.experimental.pallas import tpu as pltpu
from jax.experimental.pallas import tpu_sc as plsc

N = 10000
E = 160000
SIGMA_MIN = 0.01 * math.pi
SIGMA_MAX = math.pi
_LAYERS = [(32, 96), (96, 160), (160, 192), (192, 192)]

NTILES = 32
EPT = E // NTILES
CHUNK = 40
NCHUNK = EPT // CHUNK
NCHUNK_PAD = 128
NP = 10240
ROWS_PT = NP // 16

_SMEAR_STEP = 5.0 / 49.0
_SMEAR_COEFF = -0.5 / (_SMEAR_STEP * _SMEAR_STEP)
_C3 = math.sqrt(3.0)
_C5 = math.sqrt(5.0)
_C15 = math.sqrt(15.0)


def _mesh():
    return plsc.VectorSubcoreMesh(core_axis_name="c", subcore_axis_name="s",
                                  num_cores=2, num_subcores=16)



@functools.lru_cache(maxsize=None)
def _gather2_kernel(DA, DB):

    @functools.partial(
        pl.kernel,
        out_type=(jax.ShapeDtypeStruct((E, DA), jnp.float32),
                  jax.ShapeDtypeStruct((E, DB), jnp.float32)),
        mesh=_mesh(),
        scratch_types=[
            pltpu.VMEM((NCHUNK_PAD, CHUNK), jnp.int32),
            pltpu.VMEM((NCHUNK_PAD, CHUNK), jnp.int32),
            pltpu.VMEM((CHUNK, DA), jnp.float32),
            pltpu.VMEM((CHUNK, DB), jnp.float32),
            pltpu.SemaphoreType.DMA,
            pltpu.SemaphoreType.DMA,
        ],
        compiler_params=pltpu.CompilerParams(use_tc_tiling_on_sc=False),
    )
    def gk(tab_a, idx_a, tab_b, idx_b, out_a, out_b,
           ia, ib, buf_a, buf_b, sem_a, sem_b):
        t = lax.axis_index("c") * 16 + lax.axis_index("s")
        pltpu.sync_copy(idx_a.at[t], ia)
        pltpu.sync_copy(idx_b.at[t], ib)

        def body(j, carry):
            base = t * EPT + j * CHUNK
            cp_a = pltpu.async_copy(tab_a.at[ia.at[j]], buf_a, sem_a)
            cp_b = pltpu.async_copy(tab_b.at[ib.at[j]], buf_b, sem_b)
            cp_a.wait()
            pltpu.sync_copy(buf_a, out_a.at[pl.ds(base, CHUNK)])
            cp_b.wait()
            pltpu.sync_copy(buf_b, out_b.at[pl.ds(base, CHUNK)])
            return carry

        lax.fori_loop(0, NCHUNK, body, 0)

    return gk


_SPMEM_ACC_WORDS = 1_800_000


@functools.lru_cache(maxsize=None)
def _scatter_kernel(DF, C0, DC):

    @functools.partial(
        pl.kernel,
        out_type=jax.ShapeDtypeStruct((2, NP, DC), jnp.float32),
        mesh=_mesh(),
        scratch_types=[
            pltpu.VMEM((NCHUNK_PAD, CHUNK), jnp.int32),
            pltpu.VMEM((CHUNK, DC), jnp.float32),
            pltpu.VMEM_SHARED((NP, DC), jnp.float32),
        ],
        compiler_params=pltpu.CompilerParams(use_tc_tiling_on_sc=False),
    )
    def sk(vals, idx3, zeros, out, iv, buf, acc):
        c = lax.axis_index("c")
        s = lax.axis_index("s")
        t = c * 16 + s
        r0 = s * ROWS_PT
        pltpu.sync_copy(zeros.at[pl.ds(r0, ROWS_PT)],
                        acc.at[pl.ds(r0, ROWS_PT)])
        pltpu.sync_copy(idx3.at[t], iv)
        plsc.subcore_barrier()

        def body(j, carry):
            base = t * EPT + j * CHUNK
            pltpu.sync_copy(vals.at[pl.ds(base, CHUNK), pl.ds(C0, DC)], buf)
            pltpu.sync_copy(buf, acc.at[iv.at[j]], add=True)
            return carry

        lax.fori_loop(0, NCHUNK, body, 0)
        plsc.subcore_barrier()
        pltpu.sync_copy(acc.at[pl.ds(r0, ROWS_PT)],
                        out.at[c, pl.ds(r0, ROWS_PT)])

    return sk


def _run_gather2(tab_a, idx_a3, tab_b, idx_b3):
    return _gather2_kernel(tab_a.shape[1], tab_b.shape[1])(
        tab_a, idx_a3, tab_b, idx_b3)


def _run_scatter(vals, idx3):
    D = vals.shape[1]
    if NP * D <= _SPMEM_ACC_WORDS:
        parts = [(0, D)]
    else:
        h = ((D // 2) + 7) // 8 * 8
        parts = [(0, h), (h, D - h)]
    outs = [
        _scatter_kernel(D, c0, dc)(vals, idx3, jnp.zeros((NP, dc), jnp.float32))
        [:, :N, :]
        for c0, dc in parts
    ]
    return outs[0] if len(outs) == 1 else jnp.concatenate(outs, axis=2)



_BN_NODE = 2000
_BE = 2000


def _node_body(sig_ref, x_ref, pos8_ref, freq_ref, w1x_ref, w1s_ref, b1_ref,
               w2_ref, b2_ref, tab40_ref, na0_ref):
    tlog = jnp.log(sig_ref[...] * (1.0 / SIGMA_MIN)) * (
        10000.0 / math.log(SIGMA_MAX / SIGMA_MIN))
    e = tlog * freq_ref[...]
    semb = jnp.concatenate([jnp.sin(e), jnp.cos(e)], axis=1)
    h = jnp.maximum(
        jnp.dot(x_ref[...], w1x_ref[...], preferred_element_type=jnp.float32)
        + jnp.dot(semb, w1s_ref[...], preferred_element_type=jnp.float32)
        + b1_ref[...], 0.0)
    na0 = jnp.dot(h, w2_ref[...], preferred_element_type=jnp.float32) + b2_ref[...]
    tab40_ref[...] = jnp.concatenate([semb, pos8_ref[...]], axis=1)
    na0_ref[...] = na0


def _node_call(sig2, x, pos8, freq, w1x, w1s, b1, w2, b2):
    g = N // _BN_NODE
    row = lambda i: (i, 0)
    full = lambda i: (0, 0)
    return pl.pallas_call(
        _node_body,
        grid=(g,),
        in_specs=[
            pl.BlockSpec((_BN_NODE, 1), row),
            pl.BlockSpec((_BN_NODE, 74), row),
            pl.BlockSpec((_BN_NODE, 8), row),
            pl.BlockSpec((1, 16), full),
            pl.BlockSpec((74, 32), full),
            pl.BlockSpec((32, 32), full),
            pl.BlockSpec((1, 32), full),
            pl.BlockSpec((32, 32), full),
            pl.BlockSpec((1, 32), full),
        ],
        out_specs=[pl.BlockSpec((_BN_NODE, 40), row),
                   pl.BlockSpec((_BN_NODE, 32), row)],
        out_shape=[jax.ShapeDtypeStruct((N, 40), jnp.float32),
                   jax.ShapeDtypeStruct((N, 32), jnp.float32)],
    )(sig2, x, pos8, freq, w1x, w1s, b1, w2, b2)


def _edge_body(eattr_ref, g40_ref, posd_ref, w1a_ref, w1s_ref, w1r_ref,
               b1_ref, w2_ref, b2_ref, off_ref, es_ref):
    g40 = g40_ref[...]
    semb = g40[:, 0:32]
    ps = g40[:, 32:35]
    pd = posd_ref[:, 0:3]
    v = pd - ps
    r = jnp.sqrt(jnp.sum(v * v, axis=1, keepdims=True))
    d = r - off_ref[...]
    lemb = jnp.exp(_SMEAR_COEFF * d * d)
    u = v / (r + 1e-9)
    ux = u[:, 0:1]
    uy = u[:, 1:2]
    uz = u[:, 2:3]
    sh = jnp.concatenate([
        jnp.ones_like(ux),
        _C3 * uy, _C3 * uz, _C3 * ux,
        _C15 * ux * uy, _C15 * uy * uz,
        (_C5 / 2.0) * (3.0 * uz * uz - 1.0),
        _C15 * ux * uz, (_C15 / 2.0) * (ux * ux - uy * uy),
    ], axis=1)
    h = jnp.maximum(
        jnp.dot(eattr_ref[...], w1a_ref[...], preferred_element_type=jnp.float32)
        + jnp.dot(semb, w1s_ref[...], preferred_element_type=jnp.float32)
        + jnp.dot(lemb, w1r_ref[...], preferred_element_type=jnp.float32)
        + b1_ref[...], 0.0)
    ea = jnp.dot(h, w2_ref[...], preferred_element_type=jnp.float32) + b2_ref[...]
    pad = jnp.zeros((ea.shape[0], 7), jnp.float32)
    es_ref[...] = jnp.concatenate([ea, sh, pad], axis=1)


def _edge_call(edge_attr, g40, posd, w1a, w1s, w1r, b1, w2, b2, offs):
    g = E // _BE
    row = lambda i: (i, 0)
    full = lambda i: (0, 0)
    return pl.pallas_call(
        _edge_body,
        grid=(g,),
        in_specs=[
            pl.BlockSpec((_BE, 4), row),
            pl.BlockSpec((_BE, 40), row),
            pl.BlockSpec((_BE, 8), row),
            pl.BlockSpec((4, 8), full),
            pl.BlockSpec((32, 8), full),
            pl.BlockSpec((50, 8), full),
            pl.BlockSpec((1, 8), full),
            pl.BlockSpec((8, 8), full),
            pl.BlockSpec((1, 8), full),
            pl.BlockSpec((1, 50), full),
        ],
        out_specs=pl.BlockSpec((_BE, 24), row),
        out_shape=jax.ShapeDtypeStruct((E, 24), jnp.float32),
    )(edge_attr, g40, posd, w1a, w1s, w1r, b1, w2, b2, offs)


def _dense_body(es_ref, nsrc_ref, ndst_ref, w1a_ref, w1s_ref, w1d_ref,
                b1_ref, w2_ref, b2_ref, tpw_ref, shv_ref, out_ref):
    es = es_ref[...]
    ea = es[:, 0:8]
    sh = es[:, 8:17]
    nsrc = nsrc_ref[...]
    s32 = nsrc[:, 0:32]
    d32 = ndst_ref[...]
    h = jnp.maximum(
        jnp.dot(ea, w1a_ref[...], preferred_element_type=jnp.float32)
        + jnp.dot(s32, w1s_ref[...], preferred_element_type=jnp.float32)
        + jnp.dot(d32, w1d_ref[...], preferred_element_type=jnp.float32)
        + b1_ref[...], 0.0)
    gate = jnp.dot(h, w2_ref[...], preferred_element_type=jnp.float32) + b2_ref[...]
    tp = jnp.dot(nsrc, tpw_ref[...], preferred_element_type=jnp.float32)
    shg = jnp.dot(sh, shv_ref[...], preferred_element_type=jnp.float32)
    out_ref[...] = tp * gate * shg


def _dense_call(es, nsrc, ndst, w1a, w1s, w1d, b1, w2, b2, tpw, shv, di, do):
    g = E // _BE
    row = lambda i: (i, 0)
    full = lambda i: (0, 0)
    return pl.pallas_call(
        _dense_body,
        grid=(g,),
        in_specs=[
            pl.BlockSpec((_BE, 24), row),
            pl.BlockSpec((_BE, di), row),
            pl.BlockSpec((_BE, 32), row),
            pl.BlockSpec((8, 72), full),
            pl.BlockSpec((32, 72), full),
            pl.BlockSpec((32, 72), full),
            pl.BlockSpec((1, 72), full),
            pl.BlockSpec((72, do), full),
            pl.BlockSpec((1, do), full),
            pl.BlockSpec((di, do), full),
            pl.BlockSpec((9, do), full),
        ],
        out_specs=pl.BlockSpec((_BE, do), row),
        out_shape=jax.ShapeDtypeStruct((E, do), jnp.float32),
    )(es, nsrc, ndst, w1a, w1s, w1d, b1, w2, b2, tpw, shv)


def _bn_stats_body(sums_ref, deg_ref, nap_ref, out_ref, stats_ref, acc_ref):
    i = pl.program_id(0)

    @pl.when(i == 0)
    def _():
        acc_ref[...] = jnp.zeros_like(acc_ref)

    blk = sums_ref[0] + sums_ref[1]
    deg = deg_ref[0][:, 0:1] + deg_ref[1][:, 0:1]
    invd = 1.0 / jnp.maximum(deg, 1.0)
    nap = nap_ref[...]
    do = blk.shape[1]
    di = nap.shape[1]
    if di < do:
        nap = jnp.concatenate(
            [nap, jnp.zeros((nap.shape[0], do - di), jnp.float32)], axis=1)
    outb = blk * invd + nap
    out_ref[...] = outb
    acc_ref[0:1] = acc_ref[0:1] + jnp.sum(outb, axis=0, keepdims=True)
    acc_ref[1:2] = acc_ref[1:2] + jnp.sum(outb * outb, axis=0, keepdims=True)

    @pl.when(i == pl.num_programs(0) - 1)
    def _():
        mean = acc_ref[0:1] * (1.0 / N)
        var = acc_ref[1:2] * (1.0 / N) - mean * mean
        stats_ref[0:1] = mean
        stats_ref[1:2] = lax.rsqrt(var + 1e-5)


def _bn_stats_call(sums, deg2, na_prev, do):
    g = N // _BN_NODE
    di = na_prev.shape[1]
    return pl.pallas_call(
        _bn_stats_body,
        grid=(g,),
        in_specs=[
            pl.BlockSpec((2, _BN_NODE, do), lambda i: (0, i, 0)),
            pl.BlockSpec((2, _BN_NODE, 8), lambda i: (0, i, 0)),
            pl.BlockSpec((_BN_NODE, di), lambda i: (i, 0)),
        ],
        out_specs=[pl.BlockSpec((_BN_NODE, do), lambda i: (i, 0)),
                   pl.BlockSpec((8, do), lambda i: (0, 0))],
        out_shape=[jax.ShapeDtypeStruct((N, do), jnp.float32),
                   jax.ShapeDtypeStruct((8, do), jnp.float32)],
        scratch_shapes=[pltpu.VMEM((8, do), jnp.float32)],
    )(sums, deg2, na_prev)


def _bn_apply_body(out_ref, stats_ref, g_ref, b_ref, na_ref, na32_ref):
    mean = stats_ref[0:1]
    rstd = stats_ref[1:2]
    na = (out_ref[...] - mean) * rstd * g_ref[...] + b_ref[...]
    na_ref[...] = na
    na32_ref[...] = na[:, 0:32]


def _bn_apply_call(out, stats, bn_g, bn_b, do):
    g = N // _BN_NODE
    row = lambda i: (i, 0)
    full = lambda i: (0, 0)
    return pl.pallas_call(
        _bn_apply_body,
        grid=(g,),
        in_specs=[
            pl.BlockSpec((_BN_NODE, do), row),
            pl.BlockSpec((8, do), full),
            pl.BlockSpec((1, do), full),
            pl.BlockSpec((1, do), full),
        ],
        out_specs=[pl.BlockSpec((_BN_NODE, do), row),
                   pl.BlockSpec((_BN_NODE, 32), row)],
        out_shape=[jax.ShapeDtypeStruct((N, do), jnp.float32),
                   jax.ShapeDtypeStruct((N, 32), jnp.float32)],
    )(out, stats, bn_g, bn_b)



def kernel(x, pos, edge_attr, node_sigma, edge_index, params):
    ei = edge_index.astype(jnp.int32)
    pad_rows = ((0, 0), (0, NCHUNK_PAD - NCHUNK), (0, 0))
    src3 = jnp.pad(ei[0].reshape(NTILES, NCHUNK, CHUNK), pad_rows)
    dst3 = jnp.pad(ei[1].reshape(NTILES, NCHUNK, CHUNK), pad_rows)
    pos8 = jnp.pad(pos, ((0, 0), (0, 5)))
    sig2 = node_sigma.reshape(N, 1)
    p = params

    freq = jnp.exp(jnp.arange(16, dtype=jnp.float32)
                   * (-math.log(10000.0) / 15.0)).reshape(1, 16)
    tab40, na = _node_call(
        sig2, x, pos8, freq,
        p['ne_W1'][:74], p['ne_W1'][74:],
        p['ne_b1'].reshape(1, -1), p['ne_W2'], p['ne_b2'].reshape(1, -1))

    g40, posd = _run_gather2(tab40, src3, pos8, dst3)

    offs = jnp.linspace(0.0, 5.0, 50).astype(jnp.float32).reshape(1, 50)
    es = _edge_call(
        edge_attr, g40, posd,
        p['ee_W1'][:4], p['ee_W1'][4:36], p['ee_W1'][36:],
        p['ee_b1'].reshape(1, -1), p['ee_W2'], p['ee_b2'].reshape(1, -1), offs)

    deg2 = _run_scatter(jnp.ones((E, 8), jnp.float32), dst3)

    na32 = na
    for l, (di, do) in enumerate(_LAYERS):
        lp = p['layer%d' % l]
        nsrc, ndst = _run_gather2(na, src3, na32, dst3)
        summand = _dense_call(
            es, nsrc, ndst,
            lp['fc_W1'][:8], lp['fc_W1'][8:40], lp['fc_W1'][40:],
            lp['fc_b1'].reshape(1, -1), lp['fc_W2'], lp['fc_b2'].reshape(1, -1),
            lp['tp_W'], lp['sh_V'], di, do)
        sums = _run_scatter(summand, dst3)
        out, stats = _bn_stats_call(sums, deg2, na, do)
        na, na32 = _bn_apply_call(
            out, stats, lp['bn_g'].reshape(1, -1), lp['bn_b'].reshape(1, -1), do)

    return (na, edge_index)

# --- scband reference (transcript-rebuilt; emitter-appended) ---
"""Pipeline reference for scband-tensor-product-score-model-19894288515356 (READ-ONLY COPY).

The authoritative reference and input builder live on the scoring server;
editing this copy changes nothing except your own understanding.
"""

import math
import jax, jax.numpy as jnp
import numpy as np

N = 10000
E = 160000
IN_NODE = 74
IN_EDGE = 4
SED = 32
RED = 50
NS = 32
SIGMA_MIN = 0.01 * math.pi
SIGMA_MAX = math.pi
LAYER_DIMS = [(32, 96), (96, 160), (160, 192), (192, 192)]
SH_DIM = 9
EDGE_FC_IN = 8 + 2 * NS


def _p(key, idx, shape, scale=0.1):
    return jax.random.normal(jax.random.fold_in(key, idx), shape, dtype=jnp.float32) * scale


def _make_params(key):
    params = {}
    i = 0
    params['ne_W1'] = _p(key, i, (IN_NODE + SED, NS)); i += 1
    params['ne_b1'] = _p(key, i, (NS,)); i += 1
    params['ne_W2'] = _p(key, i, (NS, NS)); i += 1
    params['ne_b2'] = _p(key, i, (NS,)); i += 1
    params['ee_W1'] = _p(key, i, (IN_EDGE + SED + RED, 8)); i += 1
    params['ee_b1'] = _p(key, i, (8,)); i += 1
    params['ee_W2'] = _p(key, i, (8, 8)); i += 1
    params['ee_b2'] = _p(key, i, (8,)); i += 1
    for l, (di, do) in enumerate(LAYER_DIMS):
        lp = {}
        lp['fc_W1'] = _p(key, i, (EDGE_FC_IN, EDGE_FC_IN)); i += 1
        lp['fc_b1'] = _p(key, i, (EDGE_FC_IN,)); i += 1
        lp['fc_W2'] = _p(key, i, (EDGE_FC_IN, do)); i += 1
        lp['fc_b2'] = _p(key, i, (do,)); i += 1
        lp['tp_W'] = _p(key, i, (di, do)); i += 1
        lp['sh_V'] = _p(key, i, (SH_DIM, do)); i += 1
        lp['bn_g'] = jnp.ones((do,), jnp.float32)
        lp['bn_b'] = jnp.zeros((do,), jnp.float32)
        params['layer%d' % l] = lp
    return params


def setup_inputs(seed: int = 0):
    key = jax.random.key(seed)
    ks = jax.random.split(key, 6)
    x = jax.random.normal(ks[0], (N, IN_NODE), dtype=jnp.float32)
    pos = jax.random.uniform(ks[1], (N, 3), dtype=jnp.float32) * 20.0
    edge_index = jax.random.randint(ks[2], (2, E), 0, N)
    edge_attr = jax.random.normal(ks[3], (E, IN_EDGE), dtype=jnp.float32)
    node_sigma = SIGMA_MIN + jax.random.uniform(ks[4], (N,), dtype=jnp.float32) * (SIGMA_MAX - SIGMA_MIN)
    params = _make_params(ks[5])
    return {'x': x, 'pos': pos, 'edge_attr': edge_attr, 'node_sigma': node_sigma, 'edge_index': edge_index, 'params': params}


def _timestep_emb(t, dim):
    half = dim // 2
    emb = jnp.exp(jnp.arange(half, dtype=jnp.float32) * (-math.log(10000.0) / (half - 1)))
    e = t[:, None] * emb[None, :]
    return jnp.concatenate([jnp.sin(e), jnp.cos(e)], axis=1)


def _gaussian_smearing(d):
    offset = jnp.linspace(0.0, 5.0, RED)
    step = 5.0 / (RED - 1)
    coeff = -0.5 / (step * step)
    return jnp.exp(coeff * (d[:, None] - offset[None, :]) ** 2)


def _spherical_harmonics(u):
    x, y, z = u[:, 0], u[:, 1], u[:, 2]
    c3 = math.sqrt(3.0)
    c5 = math.sqrt(5.0)
    c15 = math.sqrt(15.0)
    return jnp.stack([
        jnp.ones_like(x),
        c3 * y, c3 * z, c3 * x,
        c15 * x * y, c15 * y * z, (c5 / 2.0) * (3.0 * z * z - 1.0), c15 * x * z, (c15 / 2.0) * (x * x - y * y)
    ], axis=1)


def _forward(x, pos, edge_attr, node_sigma, edge_index, params):
    src = edge_index[0]
    dst = edge_index[1]
    t = jnp.log(node_sigma / SIGMA_MIN) / math.log(SIGMA_MAX / SIGMA_MIN) * 10000.0
    sig_emb = _timestep_emb(t, SED)
    edge_sig = sig_emb[src]
    edge_vec = pos[dst] - pos[src]
    r = jnp.linalg.norm(edge_vec, axis=1)
    len_emb = _gaussian_smearing(r)
    u = edge_vec / (r[:, None] + 1e-9)
    sh = _spherical_harmonics(u)
    na = jnp.concatenate([x, sig_emb], axis=1)
    ea = jnp.concatenate([edge_attr, edge_sig, len_emb], axis=1)
    na = jax.nn.relu(na @ params['ne_W1'] + params['ne_b1']) @ params['ne_W2'] + params['ne_b2']
    ea = jax.nn.relu(ea @ params['ee_W1'] + params['ee_b1']) @ params['ee_W2'] + params['ee_b2']
    for l, (di, do) in enumerate(LAYER_DIMS):
        p = params['layer%d' % l]
        e_in = jnp.concatenate([ea, na[src, :NS], na[dst, :NS]], axis=1)
        gate = jax.nn.relu(e_in @ p['fc_W1'] + p['fc_b1']) @ p['fc_W2'] + p['fc_b2']
        summand = (na[src] @ p['tp_W']) * gate * (sh @ p['sh_V'])
        deg = jax.ops.segment_sum(jnp.ones((E,), dtype=summand.dtype), dst, num_segments=N)
        out_tp = jax.ops.segment_sum(summand, dst, num_segments=N) / jnp.clip(deg, 1.0)[:, None]
        padded = jnp.pad(na, ((0, 0), (0, do - na.shape[1])))
        out = out_tp + padded
        mean = jnp.mean(out, axis=0)
        var = jnp.var(out, axis=0)
        na = (out - mean) / jnp.sqrt(var + 1e-5) * p['bn_g'] + p['bn_b']
    return na


def reference(x, pos, edge_attr, node_sigma, edge_index, params):
    na = _forward(x, pos, edge_attr, node_sigma, edge_index, params)
    return (na, edge_index)

if __name__ == "__main__":
    import jax
    _d = setup_inputs()
    print(jax.jit(kernel)(*tuple(_d.values())))

</pallas_src>

<mosaic_0001>
#map = affine_map<(d0, d1) -> (0, 0)>
#map1 = affine_map<(d0, d1) -> (0, 0, 0)>
module attributes {stable_mosaic.version = 14 : i64} {
  func.func @sk(%arg0: i32, %arg1: i32, %arg2: memref<160000x8xf32, #tpu.memory_space<hbm>>, %arg3: memref<32x128x40xi32, #tpu.memory_space<hbm>>, %arg4: memref<10240x8xf32, #tpu.memory_space<hbm>>, %arg5: memref<2x10240x8xf32, #tpu.memory_space<hbm>>, %arg6: memref<128x40xi32, #tpu.memory_space<vmem>>, %arg7: memref<40x8xf32, #tpu.memory_space<vmem>>, %arg8: memref<10240x8xf32, #tpu.memory_space<vmem_shared>>) attributes {dimension_semantics = [#tpu.dimension_semantics<core_parallel>, #tpu.dimension_semantics<subcore_parallel>], iteration_bounds = array<i64: 2, 16>, scalar_prefetch = 0 : i64, scratch_operands = 3 : i64, tpu.core_type = #tpu.core_type<sc_vector_subcore>, window_params = [{transform_indices = #map}, {transform_indices = #map1}, {transform_indices = #map}, {transform_indices = #map1}]} {
    %mul3A = arith.constant 16 : i32
    %mul3A_0 = arith.muli %arg0, %mul3A : i32
    %add3A = arith.addi %mul3A_0, %arg1 : i32
    %mul3A_1 = arith.constant 640 : i32
    %mul3A_2 = arith.muli %arg1, %mul3A_1 : i32
    "tpu.region"() ({
      %run_scoped3A = tpu.sem_alloc : memref<!tpu.dma_semaphore, #tpu.memory_space<semaphore_mem>>
      %dma_start3A = arith.constant 0 : i32
      %dma_start3A_9 = tpu.memref_slice %arg8[%mul3A_2, %dma_start3A] : memref<10240x8xf32, #tpu.memory_space<vmem_shared>> -> memref<640x8xf32, #tpu.memory_space<vmem_shared>>
      %dma_start3A_10 = arith.constant 0 : i32
      %dma_start3A_11 = tpu.memref_slice %arg4[%mul3A_2, %dma_start3A_10] : memref<10240x8xf32, #tpu.memory_space<hbm>> -> memref<640x8xf32, #tpu.memory_space<hbm>>
      tpu.enqueue_dma source(%dma_start3A_11 : memref<640x8xf32, #tpu.memory_space<hbm>>) target(%dma_start3A_9 : memref<640x8xf32, #tpu.memory_space<vmem_shared>>) target_semaphore(%run_scoped3A : memref<!tpu.dma_semaphore, #tpu.memory_space<semaphore_mem>>)
      %dma_wait3A = arith.constant 0 : i32
      %dma_wait3A_12 = tpu.memref_slice %arg8[%mul3A_2, %dma_wait3A] : memref<10240x8xf32, #tpu.memory_space<vmem_shared>> -> memref<640x8xf32, #tpu.memory_space<vmem_shared>>
      %dma_wait3A_13 = arith.constant 0 : i32
      %dma_wait3A_14 = tpu.memref_slice %arg4[%mul3A_2, %dma_wait3A_13] : memref<10240x8xf32, #tpu.memory_space<hbm>> -> memref<640x8xf32, #tpu.memory_space<hbm>>
      tpu.wait_dma2 semaphore(%run_scoped3A : memref<!tpu.dma_semaphore, #tpu.memory_space<semaphore_mem>>) src(%dma_wait3A_14 : memref<640x8xf32, #tpu.memory_space<hbm>>) dst(%dma_wait3A_12 : memref<640x8xf32, #tpu.memory_space<vmem_shared>>)
      tpu.yield
    }) : () -> ()
    "tpu.region"() ({
      %run_scoped3A = tpu.sem_alloc : memref<!tpu.dma_semaphore, #tpu.memory_space<semaphore_mem>>
      %dma_start3A = arith.constant 0 : i32
      %dma_start3A_9 = arith.constant 0 : i32
      %dma_start3A_10 = tpu.memref_slice %arg3[%add3A, %dma_start3A, %dma_start3A_9] : memref<32x128x40xi32, #tpu.memory_space<hbm>> -> memref<1x128x40xi32, #tpu.memory_space<hbm>>
      %dma_start3A_11 = tpu.memref_squeeze %dma_start3A_10 : memref<1x128x40xi32, #tpu.memory_space<hbm>> -> memref<128x40xi32, #tpu.memory_space<hbm>>
      %dma_start3A_12 = arith.constant 0 : i32
      %dma_start3A_13 = arith.constant 0 : i32
      %dma_start3A_14 = tpu.memref_slice %arg3[%add3A, %dma_start3A_12, %dma_start3A_13] : memref<32x128x40xi32, #tpu.memory_space<hbm>> -> memref<1x128x40xi32, #tpu.memory_space<hbm>>
      %dma_start3A_15 = tpu.memref_squeeze %dma_start3A_14 : memref<1x128x40xi32, #tpu.memory_space<hbm>> -> memref<128x40xi32, #tpu.memory_space<hbm>>
      tpu.enqueue_dma source(%dma_start3A_15 : memref<128x40xi32, #tpu.memory_space<hbm>>) target(%arg6 : memref<128x40xi32, #tpu.memory_space<vmem>>) target_semaphore(%run_scoped3A : memref<!tpu.dma_semaphore, #tpu.memory_space<semaphore_mem>>)
      %dma_wait3A = arith.constant 0 : i32
      %dma_wait3A_16 = arith.constant 0 : i32
      %dma_wait3A_17 = tpu.memref_slice %arg3[%add3A, %dma_wait3A, %dma_wait3A_16] : memref<32x128x40xi32, #tpu.memory_space<hbm>> -> memref<1x128x40xi32, #tpu.memory_space<hbm>>
      %dma_wait3A_18 = tpu.memref_squeeze %dma_wait3A_17 : memref<1x128x40xi32, #tpu.memory_space<hbm>> -> memref<128x40xi32, #tpu.memory_space<hbm>>
      %dma_wait3A_19 = arith.constant 0 : i32
      %dma_wait3A_20 = arith.constant 0 : i32
      %dma_wait3A_21 = tpu.memref_slice %arg3[%add3A, %dma_wait3A_19, %dma_wait3A_20] : memref<32x128x40xi32, #tpu.memory_space<hbm>> -> memref<1x128x40xi32, #tpu.memory_space<hbm>>
      %dma_wait3A_22 = tpu.memref_squeeze %dma_wait3A_21 : memref<1x128x40xi32, #tpu.memory_space<hbm>> -> memref<128x40xi32, #tpu.memory_space<hbm>>
      tpu.wait_dma2 semaphore(%run_scoped3A : memref<!tpu.dma_semaphore, #tpu.memory_space<semaphore_mem>>) src(%dma_wait3A_22 : memref<128x40xi32, #tpu.memory_space<hbm>>) dst(%arg6 : memref<128x40xi32, #tpu.memory_space<vmem>>)
      tpu.yield
    }) : () -> ()
    %barrier3A = arith.constant 0 : index
    tpu.barrier barrier_id(%barrier3A)
    %scan3A = arith.constant 0 : i32
    %scan3A_3 = arith.constant 0 : i32
    %scan3A_4 = arith.constant 125 : i32
    %scan3A_5 = arith.addi %scan3A_3, %scan3A_4 : i32
    %scan3A_6 = arith.constant 1 : i32
    scf.for %scan3A_9 = %scan3A_3 to %scan3A_5 step %scan3A_6  : i32 {
      %mul3A_10 = arith.constant 5000 : i32
      %mul3A_11 = arith.muli %add3A, %mul3A_10 : i32
      %mul3A_12 = arith.constant 40 : i32
      %mul3A_13 = arith.muli %scan3A_9, %mul3A_12 : i32
      %add3A_14 = arith.addi %mul3A_11, %mul3A_13 : i32
      "tpu.region"() ({
        %run_scoped3A = tpu.sem_alloc : memref<!tpu.dma_semaphore, #tpu.memory_space<semaphore_mem>>
        %dma_start3A = arith.constant 0 : i32
        %dma_start3A_15 = tpu.memref_slice %arg2[%add3A_14, %dma_start3A] : memref<160000x8xf32, #tpu.memory_space<hbm>> -> memref<40x8xf32, #tpu.memory_space<hbm>>
        %dma_start3A_16 = arith.constant 0 : i32
        %dma_start3A_17 = tpu.memref_slice %arg2[%add3A_14, %dma_start3A_16] : memref<160000x8xf32, #tpu.memory_space<hbm>> -> memref<40x8xf32, #tpu.memory_space<hbm>>
        tpu.enqueue_dma source(%dma_start3A_17 : memref<40x8xf32, #tpu.memory_space<hbm>>) target(%arg7 : memref<40x8xf32, #tpu.memory_space<vmem>>) target_semaphore(%run_scoped3A : memref<!tpu.dma_semaphore, #tpu.memory_space<semaphore_mem>>)
        %dma_wait3A = arith.constant 0 : i32
        %dma_wait3A_18 = tpu.memref_slice %arg2[%add3A_14, %dma_wait3A] : memref<160000x8xf32, #tpu.memory_space<hbm>> -> memref<40x8xf32, #tpu.memory_space<hbm>>
        %dma_wait3A_19 = arith.constant 0 : i32
        %dma_wait3A_20 = tpu.memref_slice %arg2[%add3A_14, %dma_wait3A_19] : memref<160000x8xf32, #tpu.memory_space<hbm>> -> memref<40x8xf32, #tpu.memory_space<hbm>>
        tpu.wait_dma2 semaphore(%run_scoped3A : memref<!tpu.dma_semaphore, #tpu.memory_space<semaphore_mem>>) src(%dma_wait3A_20 : memref<40x8xf32, #tpu.memory_space<hbm>>) dst(%arg7 : memref<40x8xf32, #tpu.memory_space<vmem>>)
        tpu.yield
      }) : () -> ()
      "tpu.region"() ({
        %run_scoped3A = tpu.sem_alloc : memref<!tpu.dma_semaphore, #tpu.memory_space<semaphore_mem>>
        %dma_start3A = arith.constant 0 : i32
        %dma_start3A_15 = tpu.memref_slice %arg6[%scan3A_9, %dma_start3A] : memref<128x40xi32, #tpu.memory_space<vmem>> -> memref<1x40xi32, #tpu.memory_space<vmem>>
        %dma_start3A_16 = tpu.memref_squeeze %dma_start3A_15 : memref<1x40xi32, #tpu.memory_space<vmem>> -> memref<40xi32, #tpu.memory_space<vmem>>
        %dma_start3A_17 = arith.constant 0 : i32
        %dma_start3A_18 = arith.constant 0 : i32
        %dma_start3A_19 = tpu.memref_slice %arg8[%dma_start3A_17, %dma_start3A_18] : memref<10240x8xf32, #tpu.memory_space<vmem_shared>> -> memref<10240x8xf32, #tpu.memory_space<vmem_shared>>
        tpu.enqueue_indirect_dma source(%arg7 : memref<40x8xf32, #tpu.memory_space<vmem>>) target(%dma_start3A_19 : memref<10240x8xf32, #tpu.memory_space<vmem_shared>>) offsets(%dma_start3A_16 : memref<40xi32, #tpu.memory_space<vmem>>) semaphore(%run_scoped3A : memref<!tpu.dma_semaphore, #tpu.memory_space<semaphore_mem>>) {add = true}
        %dma_wait3A = arith.constant 0 : i32
        %dma_wait3A_20 = tpu.memref_slice %arg6[%scan3A_9, %dma_wait3A] : memref<128x40xi32, #tpu.memory_space<vmem>> -> memref<1x40xi32, #tpu.memory_space<vmem>>
        %dma_wait3A_21 = tpu.memref_squeeze %dma_wait3A_20 : memref<1x40xi32, #tpu.memory_space<vmem>> -> memref<40xi32, #tpu.memory_space<vmem>>
        %dma_wait3A_22 = arith.constant 0 : i32
        %dma_wait3A_23 = arith.constant 0 : i32
        %dma_wait3A_24 = tpu.memref_slice %arg8[%dma_wait3A_22, %dma_wait3A_23] : memref<10240x8xf32, #tpu.memory_space<vmem_shared>> -> memref<10240x8xf32, #tpu.memory_space<vmem_shared>>
        tpu.wait_indirect_dma semaphore(%run_scoped3A : memref<!tpu.dma_semaphore, #tpu.memory_space<semaphore_mem>>) src(%arg7 : memref<40x8xf32, #tpu.memory_space<vmem>>) dst(%dma_wait3A_24 : memref<10240x8xf32, #tpu.memory_space<vmem_shared>>)
        tpu.yield
      }) : () -> ()
    }
    %scan3A_7 = arith.constant 125 : i32
    %barrier3A_8 = arith.constant 0 : index
    tpu.barrier barrier_id(%barrier3A_8)
    "tpu.region"() ({
      %run_scoped3A = tpu.sem_alloc : memref<!tpu.dma_semaphore, #tpu.memory_space<semaphore_mem>>
      %dma_start3A = arith.constant 0 : i32
      %dma_start3A_9 = tpu.memref_slice %arg5[%arg0, %mul3A_2, %dma_start3A] : memref<2x10240x8xf32, #tpu.memory_space<hbm>> -> memref<1x640x8xf32, #tpu.memory_space<hbm>>
      %dma_start3A_10 = tpu.memref_squeeze %dma_start3A_9 : memref<1x640x8xf32, #tpu.memory_space<hbm>> -> memref<640x8xf32, #tpu.memory_space<hbm>>
      %dma_start3A_11 = arith.constant 0 : i32
      %dma_start3A_12 = tpu.memref_slice %arg8[%mul3A_2, %dma_start3A_11] : memref<10240x8xf32, #tpu.memory_space<vmem_shared>> -> memref<640x8xf32, #tpu.memory_space<vmem_shared>>
      tpu.enqueue_dma source(%dma_start3A_12 : memref<640x8xf32, #tpu.memory_space<vmem_shared>>) target(%dma_start3A_10 : memref<640x8xf32, #tpu.memory_space<hbm>>) target_semaphore(%run_scoped3A : memref<!tpu.dma_semaphore, #tpu.memory_space<semaphore_mem>>)
      %dma_wait3A = arith.constant 0 : i32
      %dma_wait3A_13 = tpu.memref_slice %arg5[%arg0, %mul3A_2, %dma_wait3A] : memref<2x10240x8xf32, #tpu.memory_space<hbm>> -> memref<1x640x8xf32, #tpu.memory_space<hbm>>
      %dma_wait3A_14 = tpu.memref_squeeze %dma_wait3A_13 : memref<1x640x8xf32, #tpu.memory_space<hbm>> -> memref<640x8xf32, #tpu.memory_space<hbm>>
      %dma_wait3A_15 = arith.constant 0 : i32
      %dma_wait3A_16 = tpu.memref_slice %arg8[%mul3A_2, %dma_wait3A_15] : memref<10240x8xf32, #tpu.memory_space<vmem_shared>> -> memref<640x8xf32, #tpu.memory_space<vmem_shared>>
      tpu.wait_dma2 semaphore(%run_scoped3A : memref<!tpu.dma_semaphore, #tpu.memory_space<semaphore_mem>>) src(%dma_wait3A_16 : memref<640x8xf32, #tpu.memory_space<vmem_shared>>) dst(%dma_wait3A_14 : memref<640x8xf32, #tpu.memory_space<hbm>>)
      tpu.yield
    }) : () -> ()
    return
  }
}

#map = affine_map<(d0, d1) -> (0, 0)>
#map1 = affine_map<(d0, d1) -> (0, 0, 0)>
module attributes {stable_mosaic.version = 14 : i64} {
  func.func @gk(%arg0: i32, %arg1: i32, %arg2: memref<10000x40xf32, #tpu.memory_space<hbm>>, %arg3: memref<32x128x40xi32, #tpu.memory_space<hbm>>, %arg4: memref<10000x8xf32, #tpu.memory_space<hbm>>, %arg5: memref<32x128x40xi32, #tpu.memory_space<hbm>>, %arg6: memref<160000x40xf32, #tpu.memory_space<hbm>>, %arg7: memref<160000x8xf32, #tpu.memory_space<hbm>>, %arg8: memref<128x40xi32, #tpu.memory_space<vmem>>, %arg9: memref<128x40xi32, #tpu.memory_space<vmem>>, %arg10: memref<40x40xf32, #tpu.memory_space<vmem>>, %arg11: memref<40x8xf32, #tpu.memory_space<vmem>>, %arg12: memref<!tpu.dma_semaphore, #tpu.memory_space<semaphore_mem>>, %arg13: memref<!tpu.dma_semaphore, #tpu.memory_space<semaphore_mem>>) attributes {dimension_semantics = [#tpu.dimension_semantics<core_parallel>, #tpu.dimension_semantics<subcore_parallel>], iteration_bounds = array<i64: 2, 16>, scalar_prefetch = 0 : i64, scratch_operands = 6 : i64, tpu.core_type = #tpu.core_type<sc_vector_subcore>, window_params = [{transform_indices = #map}, {transform_indices = #map1}, {transform_indices = #map}, {transform_indices = #map1}, {transform_indices = #map}, {transform_indices = #map}]} {
    %mul3A = arith.constant 16 : i32
    %mul3A_0 = arith.muli %arg0, %mul3A : i32
    %add3A = arith.addi %mul3A_0, %arg1 : i32
    "tpu.region"() ({
      %run_scoped3A = tpu.sem_alloc : memref<!tpu.dma_semaphore, #tpu.memory_space<semaphore_mem>>
      %dma_start3A = arith.constant 0 : i32
      %dma_start3A_6 = arith.constant 0 : i32
      %dma_start3A_7 = tpu.memref_slice %arg3[%add3A, %dma_start3A, %dma_start3A_6] : memref<32x128x40xi32, #tpu.memory_space<hbm>> -> memref<1x128x40xi32, #tpu.memory_space<hbm>>
      %dma_start3A_8 = tpu.memref_squeeze %dma_start3A_7 : memref<1x128x40xi32, #tpu.memory_space<hbm>> -> memref<128x40xi32, #tpu.memory_space<hbm>>
      %dma_start3A_9 = arith.constant 0 : i32
      %dma_start3A_10 = arith.constant 0 : i32
      %dma_start3A_11 = tpu.memref_slice %arg3[%add3A, %dma_start3A_9, %dma_start3A_10] : memref<32x128x40xi32, #tpu.memory_space<hbm>> -> memref<1x128x40xi32, #tpu.memory_space<hbm>>
      %dma_start3A_12 = tpu.memref_squeeze %dma_start3A_11 : memref<1x128x40xi32, #tpu.memory_space<hbm>> -> memref<128x40xi32, #tpu.memory_space<hbm>>
      tpu.enqueue_dma source(%dma_start3A_12 : memref<128x40xi32, #tpu.memory_space<hbm>>) target(%arg8 : memref<128x40xi32, #tpu.memory_space<vmem>>) target_semaphore(%run_scoped3A : memref<!tpu.dma_semaphore, #tpu.memory_space<semaphore_mem>>)
      %dma_wait3A = arith.constant 0 : i32
      %dma_wait3A_13 = arith.constant 0 : i32
      %dma_wait3A_14 = tpu.memref_slice %arg3[%add3A, %dma_wait3A, %dma_wait3A_13] : memref<32x128x40xi32, #tpu.memory_space<hbm>> -> memref<1x128x40xi32, #tpu.memory_space<hbm>>
      %dma_wait3A_15 = tpu.memref_squeeze %dma_wait3A_14 : memref<1x128x40xi32, #tpu.memory_space<hbm>> -> memref<128x40xi32, #tpu.memory_space<hbm>>
      %dma_wait3A_16 = arith.constant 0 : i32
      %dma_wait3A_17 = arith.constant 0 : i32
      %dma_wait3A_18 = tpu.memref_slice %arg3[%add3A, %dma_wait3A_16, %dma_wait3A_17] : memref<32x128x40xi32, #tpu.memory_space<hbm>> -> memref<1x128x40xi32, #tpu.memory_space<hbm>>
      %dma_wait3A_19 = tpu.memref_squeeze %dma_wait3A_18 : memref<1x128x40xi32, #tpu.memory_space<hbm>> -> memref<128x40xi32, #tpu.memory_space<hbm>>
      tpu.wait_dma2 semaphore(%run_scoped3A : memref<!tpu.dma_semaphore, #tpu.memory_space<semaphore_mem>>) src(%dma_wait3A_19 : memref<128x40xi32, #tpu.memory_space<hbm>>) dst(%arg8 : memref<128x40xi32, #tpu.memory_space<vmem>>)
      tpu.yield
    }) : () -> ()
    "tpu.region"() ({
      %run_scoped3A = tpu.sem_alloc : memref<!tpu.dma_semaphore, #tpu.memory_space<semaphore_mem>>
      %dma_start3A = arith.constant 0 : i32
      %dma_start3A_6 = arith.constant 0 : i32
      %dma_start3A_7 = tpu.memref_slice %arg5[%add3A, %dma_start3A, %dma_start3A_6] : memref<32x128x40xi32, #tpu.memory_space<hbm>> -> memref<1x128x40xi32, #tpu.memory_space<hbm>>
      %dma_start3A_8 = tpu.memref_squeeze %dma_start3A_7 : memref<1x128x40xi32, #tpu.memory_space<hbm>> -> memref<128x40xi32, #tpu.memory_space<hbm>>
      %dma_start3A_9 = arith.constant 0 : i32
      %dma_start3A_10 = arith.constant 0 : i32
      %dma_start3A_11 = tpu.memref_slice %arg5[%add3A, %dma_start3A_9, %dma_start3A_10] : memref<32x128x40xi32, #tpu.memory_space<hbm>> -> memref<1x128x40xi32, #tpu.memory_space<hbm>>
      %dma_start3A_12 = tpu.memref_squeeze %dma_start3A_11 : memref<1x128x40xi32, #tpu.memory_space<hbm>> -> memref<128x40xi32, #tpu.memory_space<hbm>>
      tpu.enqueue_dma source(%dma_start3A_12 : memref<128x40xi32, #tpu.memory_space<hbm>>) target(%arg9 : memref<128x40xi32, #tpu.memory_space<vmem>>) target_semaphore(%run_scoped3A : memref<!tpu.dma_semaphore, #tpu.memory_space<semaphore_mem>>)
      %dma_wait3A = arith.constant 0 : i32
      %dma_wait3A_13 = arith.constant 0 : i32
      %dma_wait3A_14 = tpu.memref_slice %arg5[%add3A, %dma_wait3A, %dma_wait3A_13] : memref<32x128x40xi32, #tpu.memory_space<hbm>> -> memref<1x128x40xi32, #tpu.memory_space<hbm>>
      %dma_wait3A_15 = tpu.memref_squeeze %dma_wait3A_14 : memref<1x128x40xi32, #tpu.memory_space<hbm>> -> memref<128x40xi32, #tpu.memory_space<hbm>>
      %dma_wait3A_16 = arith.constant 0 : i32
      %dma_wait3A_17 = arith.constant 0 : i32
      %dma_wait3A_18 = tpu.memref_slice %arg5[%add3A, %dma_wait3A_16, %dma_wait3A_17] : memref<32x128x40xi32, #tpu.memory_space<hbm>> -> memref<1x128x40xi32, #tpu.memory_space<hbm>>
      %dma_wait3A_19 = tpu.memref_squeeze %dma_wait3A_18 : memref<1x128x40xi32, #tpu.memory_space<hbm>> -> memref<128x40xi32, #tpu.memory_space<hbm>>
      tpu.wait_dma2 semaphore(%run_scoped3A : memref<!tpu.dma_semaphore, #tpu.memory_space<semaphore_mem>>) src(%dma_wait3A_19 : memref<128x40xi32, #tpu.memory_space<hbm>>) dst(%arg9 : memref<128x40xi32, #tpu.memory_space<vmem>>)
      tpu.yield
    }) : () -> ()
    %scan3A = arith.constant 0 : i32
    %scan3A_1 = arith.constant 0 : i32
    %scan3A_2 = arith.constant 125 : i32
    %scan3A_3 = arith.addi %scan3A_1, %scan3A_2 : i32
    %scan3A_4 = arith.constant 1 : i32
    scf.for %scan3A_6 = %scan3A_1 to %scan3A_3 step %scan3A_4  : i32 {
      %mul3A_7 = arith.constant 5000 : i32
      %mul3A_8 = arith.muli %add3A, %mul3A_7 : i32
      %mul3A_9 = arith.constant 40 : i32
      %mul3A_10 = arith.muli %scan3A_6, %mul3A_9 : i32
      %add3A_11 = arith.addi %mul3A_8, %mul3A_10 : i32
      %dma_start3A = arith.constant 0 : i32
      %dma_start3A_12 = tpu.memref_slice %arg8[%scan3A_6, %dma_start3A] : memref<128x40xi32, #tpu.memory_space<vmem>> -> memref<1x40xi32, #tpu.memory_space<vmem>>
      %dma_start3A_13 = tpu.memref_squeeze %dma_start3A_12 : memref<1x40xi32, #tpu.memory_space<vmem>> -> memref<40xi32, #tpu.memory_space<vmem>>
      %dma_start3A_14 = arith.constant 0 : i32
      %dma_start3A_15 = arith.constant 0 : i32
      %dma_start3A_16 = tpu.memref_slice %arg2[%dma_start3A_14, %dma_start3A_15] : memref<10000x40xf32, #tpu.memory_space<hbm>> -> memref<10000x40xf32, #tpu.memory_space<hbm>>
      tpu.enqueue_indirect_dma source(%dma_start3A_16 : memref<10000x40xf32, #tpu.memory_space<hbm>>) target(%arg10 : memref<40x40xf32, #tpu.memory_space<vmem>>) offsets(%dma_start3A_13 : memref<40xi32, #tpu.memory_space<vmem>>) semaphore(%arg12 : memref<!tpu.dma_semaphore, #tpu.memory_space<semaphore_mem>>)
      %dma_start3A_17 = arith.constant 0 : i32
      %dma_start3A_18 = tpu.memref_slice %arg9[%scan3A_6, %dma_start3A_17] : memref<128x40xi32, #tpu.memory_space<vmem>> -> memref<1x40xi32, #tpu.memory_space<vmem>>
      %dma_start3A_19 = tpu.memref_squeeze %dma_start3A_18 : memref<1x40xi32, #tpu.memory_space<vmem>> -> memref<40xi32, #tpu.memory_space<vmem>>
      %dma_start3A_20 = arith.constant 0 : i32
      %dma_start3A_21 = arith.constant 0 : i32
      %dma_start3A_22 = tpu.memref_slice %arg4[%dma_start3A_20, %dma_start3A_21] : memref<10000x8xf32, #tpu.memory_space<hbm>> -> memref<10000x8xf32, #tpu.memory_space<hbm>>
      tpu.enqueue_indirect_dma source(%dma_start3A_22 : memref<10000x8xf32, #tpu.memory_space<hbm>>) target(%arg11 : memref<40x8xf32, #tpu.memory_space<vmem>>) offsets(%dma_start3A_19 : memref<40xi32, #tpu.memory_space<vmem>>) semaphore(%arg13 : memref<!tpu.dma_semaphore, #tpu.memory_space<semaphore_mem>>)
      %dma_wait3A = arith.constant 0 : i32
      %dma_wait3A_23 = tpu.memref_slice %arg8[%scan3A_6, %dma_wait3A] : memref<128x40xi32, #tpu.memory_space<vmem>> -> memref<1x40xi32, #tpu.memory_space<vmem>>
      %dma_wait3A_24 = tpu.memref_squeeze %dma_wait3A_23 : memref<1x40xi32, #tpu.memory_space<vmem>> -> memref<40xi32, #tpu.memory_space<vmem>>
      %dma_wait3A_25 = arith.constant 0 : i32
      %dma_wait3A_26 = arith.constant 0 : i32
      %dma_wait3A_27 = tpu.memref_slice %arg2[%dma_wait3A_25, %dma_wait3A_26] : memref<10000x40xf32, #tpu.memory_space<hbm>> -> memref<10000x40xf32, #tpu.memory_space<hbm>>
      tpu.wait_indirect_dma semaphore(%arg12 : memref<!tpu.dma_semaphore, #tpu.memory_space<semaphore_mem>>) src(%dma_wait3A_27 : memref<10000x40xf32, #tpu.memory_space<hbm>>) dst(%arg10 : memref<40x40xf32, #tpu.memory_space<vmem>>)
      "tpu.region"() ({
        %run_scoped3A = tpu.sem_alloc : memref<!tpu.dma_semaphore, #tpu.memory_space<semaphore_mem>>
        %dma_start3A_34 = arith.constant 0 : i32
        %dma_start3A_35 = tpu.memref_slice %arg6[%add3A_11, %dma_start3A_34] : memref<160000x40xf32, #tpu.memory_space<hbm>> -> memref<40x40xf32, #tpu.memory_space<hbm>>
        %dma_start3A_36 = arith.constant 0 : i32
        %dma_start3A_37 = tpu.memref_slice %arg6[%add3A_11, %dma_start3A_36] : memref<160000x40xf32, #tpu.memory_space<hbm>> -> memref<40x40xf32, #tpu.memory_space<hbm>>
        tpu.enqueue_dma source(%arg10 : memref<40x40xf32, #tpu.memory_space<vmem>>) target(%dma_start3A_37 : memref<40x40xf32, #tpu.memory_space<hbm>>) target_semaphore(%run_scoped3A : memref<!tpu.dma_semaphore, #tpu.memory_space<semaphore_mem>>)
        %dma_wait3A_38 = arith.constant 0 : i32
        %dma_wait3A_39 = tpu.memref_slice %arg6[%add3A_11, %dma_wait3A_38] : memref<160000x40xf32, #tpu.memory_space<hbm>> -> memref<40x40xf32, #tpu.memory_space<hbm>>
        %dma_wait3A_40 = arith.constant 0 : i32
        %dma_wait3A_41 = tpu.memref_slice %arg6[%add3A_11, %dma_wait3A_40] : memref<160000x40xf32, #tpu.memory_space<hbm>> -> memref<40x40xf32, #tpu.memory_space<hbm>>
        tpu.wait_dma2 semaphore(%run_scoped3A : memref<!tpu.dma_semaphore, #tpu.memory_space<semaphore_mem>>) src(%arg10 : memref<40x40xf32, #tpu.memory_space<vmem>>) dst(%dma_wait3A_41 : memref<40x40xf32, #tpu.memory_space<hbm>>)
        tpu.yield
      }) : () -> ()
      %dma_wait3A_28 = arith.constant 0 : i32
      %dma_wait3A_29 = tpu.memref_slice %arg9[%scan3A_6, %dma_wait3A_28] : memref<128x40xi32, #tpu.memory_space<vmem>> -> memref<1x40xi32, #tpu.memory_space<vmem>>
      %dma_wait3A_30 = tpu.memref_squeeze %dma_wait3A_29 : memref<1x40xi32, #tpu.memory_space<vmem>> -> memref<40xi32, #tpu.memory_space<vmem>>
      %dma_wait3A_31 = arith.constant 0 : i32
      %dma_wait3A_32 = arith.constant 0 : i32
      %dma_wait3A_33 = tpu.memref_slice %arg4[%dma_wait3A_31, %dma_wait3A_32] : memref<10000x8xf32, #tpu.memory_space<hbm>> -> memref<10000x8xf32, #tpu.memory_space<hbm>>
      tpu.wait_indirect_dma semaphore(%arg13 : memref<!tpu.dma_semaphore, #tpu.memory_space<semaphore_mem>>) src(%dma_wait3A_33 : memref<10000x8xf32, #tpu.memory_space<hbm>>) dst(%arg11 : memref<40x8xf32, #tpu.memory_space<vmem>>)
      "tpu.region"() ({
        %run_scoped3A = tpu.sem_alloc : memref<!tpu.dma_semaphore, #tpu.memory_space<semaphore_mem>>
        %dma_start3A_34 = arith.constant 0 : i32
        %dma_start3A_35 = tpu.memref_slice %arg7[%add3A_11, %dma_start3A_34] : memref<160000x8xf32, #tpu.memory_space<hbm>> -> memref<40x8xf32, #tpu.memory_space<hbm>>
        %dma_start3A_36 = arith.constant 0 : i32
        %dma_start3A_37 = tpu.memref_slice %arg7[%add3A_11, %dma_start3A_36] : memref<160000x8xf32, #tpu.memory_space<hbm>> -> memref<40x8xf32, #tpu.memory_space<hbm>>
        tpu.enqueue_dma source(%arg11 : memref<40x8xf32, #tpu.memory_space<vmem>>) target(%dma_start3A_37 : memref<40x8xf32, #tpu.memory_space<hbm>>) target_semaphore(%run_scoped3A : memref<!tpu.dma_semaphore, #tpu.memory_space<semaphore_mem>>)
        %dma_wait3A_38 = arith.constant 0 : i32
        %dma_wait3A_39 = tpu.memref_slice %arg7[%add3A_11, %dma_wait3A_38] : memref<160000x8xf32, #tpu.memory_space<hbm>> -> memref<40x8xf32, #tpu.memory_space<hbm>>
        %dma_wait3A_40 = arith.constant 0 : i32
        %dma_wait3A_41 = tpu.memref_slice %arg7[%add3A_11, %dma_wait3A_40] : memref<160000x8xf32, #tpu.memory_space<hbm>> -> memref<40x8xf32, #tpu.memory_space<hbm>>
        tpu.wait_dma2 semaphore(%run_scoped3A : memref<!tpu.dma_semaphore, #tpu.memory_space<semaphore_mem>>) src(%arg11 : memref<40x8xf32, #tpu.memory_space<vmem>>) dst(%dma_wait3A_41 : memref<40x8xf32, #tpu.memory_space<hbm>>)
        tpu.yield
      }) : () -> ()
    }
    %scan3A_5 = arith.constant 125 : i32
    return
  }
}

#map = affine_map<(d0, d1) -> (0, 0)>
#map1 = affine_map<(d0, d1) -> (0, 0, 0)>
module attributes {stable_mosaic.version = 14 : i64} {
  func.func @sk(%arg0: i32, %arg1: i32, %arg2: memref<160000x96xf32, #tpu.memory_space<hbm>>, %arg3: memref<32x128x40xi32, #tpu.memory_space<hbm>>, %arg4: memref<10240x96xf32, #tpu.memory_space<hbm>>, %arg5: memref<2x10240x96xf32, #tpu.memory_space<hbm>>, %arg6: memref<128x40xi32, #tpu.memory_space<vmem>>, %arg7: memref<40x96xf32, #tpu.memory_space<vmem>>, %arg8: memref<10240x96xf32, #tpu.memory_space<vmem_shared>>) attributes {dimension_semantics = [#tpu.dimension_semantics<core_parallel>, #tpu.dimension_semantics<subcore_parallel>], iteration_bounds = array<i64: 2, 16>, scalar_prefetch = 0 : i64, scratch_operands = 3 : i64, tpu.core_type = #tpu.core_type<sc_vector_subcore>, window_params = [{transform_indices = #map}, {transform_indices = #map1}, {transform_indices = #map}, {transform_indices = #map1}]} {
    %mul3A = arith.constant 16 : i32
    %mul3A_0 = arith.muli %arg0, %mul3A : i32
    %add3A = arith.addi %mul3A_0, %arg1 : i32
    %mul3A_1 = arith.constant 640 : i32
    %mul3A_2 = arith.muli %arg1, %mul3A_1 : i32
    "tpu.region"() ({
      %run_scoped3A = tpu.sem_alloc : memref<!tpu.dma_semaphore, #tpu.memory_space<semaphore_mem>>
      %dma_start3A = arith.constant 0 : i32
      %dma_start3A_9 = tpu.memref_slice %arg8[%mul3A_2, %dma_start3A] : memref<10240x96xf32, #tpu.memory_space<vmem_shared>> -> memref<640x96xf32, #tpu.memory_space<vmem_shared>>
      %dma_start3A_10 = arith.constant 0 : i32
      %dma_start3A_11 = tpu.memref_slice %arg4[%mul3A_2, %dma_start3A_10] : memref<10240x96xf32, #tpu.memory_space<hbm>> -> memref<640x96xf32, #tpu.memory_space<hbm>>
      tpu.enqueue_dma source(%dma_start3A_11 : memref<640x96xf32, #tpu.memory_space<hbm>>) target(%dma_start3A_9 : memref<640x96xf32, #tpu.memory_space<vmem_shared>>) target_semaphore(%run_scoped3A : memref<!tpu.dma_semaphore, #tpu.memory_space<semaphore_mem>>)
      %dma_wait3A = arith.constant 0 : i32
      %dma_wait3A_12 = tpu.memref_slice %arg8[%mul3A_2, %dma_wait3A] : memref<10240x96xf32, #tpu.memory_space<vmem_shared>> -> memref<640x96xf32, #tpu.memory_space<vmem_shared>>
      %dma_wait3A_13 = arith.constant 0 : i32
      %dma_wait3A_14 = tpu.memref_slice %arg4[%mul3A_2, %dma_wait3A_13] : memref<10240x96xf32, #tpu.memory_space<hbm>> -> memref<640x96xf32, #tpu.memory_space<hbm>>
      tpu.wait_dma2 semaphore(%run_scoped3A : memref<!tpu.dma_semaphore, #tpu.memory_space<semaphore_mem>>) src(%dma_wait3A_14 : memref<640x96xf32, #tpu.memory_space<hbm>>) dst(%dma_wait3A_12 : memref<640x96xf32, #tpu.memory_space<vmem_shared>>)
      tpu.yield
    }) : () -> ()
    "tpu.region"() ({
      %run_scoped3A = tpu.sem_alloc : memref<!tpu.dma_semaphore, #tpu.memory_space<semaphore_mem>>
      %dma_start3A = arith.constant 0 : i32
      %dma_start3A_9 = arith.constant 0 : i32
      %dma_start3A_10 = tpu.memref_slice %arg3[%add3A, %dma_start3A, %dma_start3A_9] : memref<32x128x40xi32, #tpu.memory_space<hbm>> -> memref<1x128x40xi32, #tpu.memory_space<hbm>>
      %dma_start3A_11 = tpu.memref_squeeze %dma_start3A_10 : memref<1x128x40xi32, #tpu.memory_space<hbm>> -> memref<128x40xi32, #tpu.memory_space<hbm>>
      %dma_start3A_12 = arith.constant 0 : i32
      %dma_start3A_13 = arith.constant 0 : i32
      %dma_start3A_14 = tpu.memref_slice %arg3[%add3A, %dma_start3A_12, %dma_start3A_13] : memref<32x128x40xi32, #tpu.memory_space<hbm>> -> memref<1x128x40xi32, #tpu.memory_space<hbm>>
      %dma_start3A_15 = tpu.memref_squeeze %dma_start3A_14 : memref<1x128x40xi32, #tpu.memory_space<hbm>> -> memref<128x40xi32, #tpu.memory_space<hbm>>
      tpu.enqueue_dma source(%dma_start3A_15 : memref<128x40xi32, #tpu.memory_space<hbm>>) target(%arg6 : memref<128x40xi32, #tpu.memory_space<vmem>>) target_semaphore(%run_scoped3A : memref<!tpu.dma_semaphore, #tpu.memory_space<semaphore_mem>>)
      %dma_wait3A = arith.constant 0 : i32
      %dma_wait3A_16 = arith.constant 0 : i32
      %dma_wait3A_17 = tpu.memref_slice %arg3[%add3A, %dma_wait3A, %dma_wait3A_16] : memref<32x128x40xi32, #tpu.memory_space<hbm>> -> memref<1x128x40xi32, #tpu.memory_space<hbm>>
      %dma_wait3A_18 = tpu.memref_squeeze %dma_wait3A_17 : memref<1x128x40xi32, #tpu.memory_space<hbm>> -> memref<128x40xi32, #tpu.memory_space<hbm>>
      %dma_wait3A_19 = arith.constant 0 : i32
      %dma_wait3A_20 = arith.constant 0 : i32
      %dma_wait3A_21 = tpu.memref_slice %arg3[%add3A, %dma_wait3A_19, %dma_wait3A_20] : memref<32x128x40xi32, #tpu.memory_space<hbm>> -> memref<1x128x40xi32, #tpu.memory_space<hbm>>
      %dma_wait3A_22 = tpu.memref_squeeze %dma_wait3A_21 : memref<1x128x40xi32, #tpu.memory_space<hbm>> -> memref<128x40xi32, #tpu.memory_space<hbm>>
      tpu.wait_dma2 semaphore(%run_scoped3A : memref<!tpu.dma_semaphore, #tpu.memory_space<semaphore_mem>>) src(%dma_wait3A_22 : memref<128x40xi32, #tpu.memory_space<hbm>>) dst(%arg6 : memref<128x40xi32, #tpu.memory_space<vmem>>)
      tpu.yield
    }) : () -> ()
    %barrier3A = arith.constant 0 : index
    tpu.barrier barrier_id(%barrier3A)
    %scan3A = arith.constant 0 : i32
    %scan3A_3 = arith.constant 0 : i32
    %scan3A_4 = arith.constant 125 : i32
    %scan3A_5 = arith.addi %scan3A_3, %scan3A_4 : i32
    %scan3A_6 = arith.constant 1 : i32
    scf.for %scan3A_9 = %scan3A_3 to %scan3A_5 step %scan3A_6  : i32 {
      %mul3A_10 = arith.constant 5000 : i32
      %mul3A_11 = arith.muli %add3A, %mul3A_10 : i32
      %mul3A_12 = arith.constant 40 : i32
      %mul3A_13 = arith.muli %scan3A_9, %mul3A_12 : i32
      %add3A_14 = arith.addi %mul3A_11, %mul3A_13 : i32
      "tpu.region"() ({
        %run_scoped3A = tpu.sem_alloc : memref<!tpu.dma_semaphore, #tpu.memory_space<semaphore_mem>>
        %dma_start3A = arith.constant 0 : i32
        %dma_start3A_15 = tpu.memref_slice %arg2[%add3A_14, %dma_start3A] : memref<160000x96xf32, #tpu.memory_space<hbm>> -> memref<40x96xf32, #tpu.memory_space<hbm>>
        %dma_start3A_16 = arith.constant 0 : i32
        %dma_start3A_17 = tpu.memref_slice %arg2[%add3A_14, %dma_start3A_16] : memref<160000x96xf32, #tpu.memory_space<hbm>> -> memref<40x96xf32, #tpu.memory_space<hbm>>
        tpu.enqueue_dma source(%dma_start3A_17 : memref<40x96xf32, #tpu.memory_space<hbm>>) target(%arg7 : memref<40x96xf32, #tpu.memory_space<vmem>>) target_semaphore(%run_scoped3A : memref<!tpu.dma_semaphore, #tpu.memory_space<semaphore_mem>>)
        %dma_wait3A = arith.constant 0 : i32
        %dma_wait3A_18 = tpu.memref_slice %arg2[%add3A_14, %dma_wait3A] : memref<160000x96xf32, #tpu.memory_space<hbm>> -> memref<40x96xf32, #tpu.memory_space<hbm>>
        %dma_wait3A_19 = arith.constant 0 : i32
        %dma_wait3A_20 = tpu.memref_slice %arg2[%add3A_14, %dma_wait3A_19] : memref<160000x96xf32, #tpu.memory_space<hbm>> -> memref<40x96xf32, #tpu.memory_space<hbm>>
        tpu.wait_dma2 semaphore(%run_scoped3A : memref<!tpu.dma_semaphore, #tpu.memory_space<semaphore_mem>>) src(%dma_wait3A_20 : memref<40x96xf32, #tpu.memory_space<hbm>>) dst(%arg7 : memref<40x96xf32, #tpu.memory_space<vmem>>)
        tpu.yield
      }) : () -> ()
      "tpu.region"() ({
        %run_scoped3A = tpu.sem_alloc : memref<!tpu.dma_semaphore, #tpu.memory_space<semaphore_mem>>
        %dma_start3A = arith.constant 0 : i32
        %dma_start3A_15 = tpu.memref_slice %arg6[%scan3A_9, %dma_start3A] : memref<128x40xi32, #tpu.memory_space<vmem>> -> memref<1x40xi32, #tpu.memory_space<vmem>>
        %dma_start3A_16 = tpu.memref_squeeze %dma_start3A_15 : memref<1x40xi32, #tpu.memory_space<vmem>> -> memref<40xi32, #tpu.memory_space<vmem>>
        %dma_start3A_17 = arith.constant 0 : i32
        %dma_start3A_18 = arith.constant 0 : i32
        %dma_start3A_19 = tpu.memref_slice %arg8[%dma_start3A_17, %dma_start3A_18] : memref<10240x96xf32, #tpu.memory_space<vmem_shared>> -> memref<10240x96xf32, #tpu.memory_space<vmem_shared>>
        tpu.enqueue_indirect_dma source(%arg7 : memref<40x96xf32, #tpu.memory_space<vmem>>) target(%dma_start3A_19 : memref<10240x96xf32, #tpu.memory_space<vmem_shared>>) offsets(%dma_start3A_16 : memref<40xi32, #tpu.memory_space<vmem>>) semaphore(%run_scoped3A : memref<!tpu.dma_semaphore, #tpu.memory_space<semaphore_mem>>) {add = true}
        %dma_wait3A = arith.constant 0 : i32
        %dma_wait3A_20 = tpu.memref_slice %arg6[%scan3A_9, %dma_wait3A] : memref<128x40xi32, #tpu.memory_space<vmem>> -> memref<1x40xi32, #tpu.memory_space<vmem>>
        %dma_wait3A_21 = tpu.memref_squeeze %dma_wait3A_20 : memref<1x40xi32, #tpu.memory_space<vmem>> -> memref<40xi32, #tpu.memory_space<vmem>>
        %dma_wait3A_22 = arith.constant 0 : i32
        %dma_wait3A_23 = arith.constant 0 : i32
        %dma_wait3A_24 = tpu.memref_slice %arg8[%dma_wait3A_22, %dma_wait3A_23] : memref<10240x96xf32, #tpu.memory_space<vmem_shared>> -> memref<10240x96xf32, #tpu.memory_space<vmem_shared>>
        tpu.wait_indirect_dma semaphore(%run_scoped3A : memref<!tpu.dma_semaphore, #tpu.memory_space<semaphore_mem>>) src(%arg7 : memref<40x96xf32, #tpu.memory_space<vmem>>) dst(%dma_wait3A_24 : memref<10240x96xf32, #tpu.memory_space<vmem_shared>>)
        tpu.yield
      }) : () -> ()
    }
    %scan3A_7 = arith.constant 125 : i32
    %barrier3A_8 = arith.constant 0 : index
    tpu.barrier barrier_id(%barrier3A_8)
    "tpu.region"() ({
      %run_scoped3A = tpu.sem_alloc : memref<!tpu.dma_semaphore, #tpu.memory_space<semaphore_mem>>
      %dma_start3A = arith.constant 0 : i32
      %dma_start3A_9 = tpu.memref_slice %arg5[%arg0, %mul3A_2, %dma_start3A] : memref<2x10240x96xf32, #tpu.memory_space<hbm>> -> memref<1x640x96xf32, #tpu.memory_space<hbm>>
      %dma_start3A_10 = tpu.memref_squeeze %dma_start3A_9 : memref<1x640x96xf32, #tpu.memory_space<hbm>> -> memref<640x96xf32, #tpu.memory_space<hbm>>
      %dma_start3A_11 = arith.constant 0 : i32
      %dma_start3A_12 = tpu.memref_slice %arg8[%mul3A_2, %dma_start3A_11] : memref<10240x96xf32, #tpu.memory_space<vmem_shared>> -> memref<640x96xf32, #tpu.memory_space<vmem_shared>>
      tpu.enqueue_dma source(%dma_start3A_12 : memref<640x96xf32, #tpu.memory_space<vmem_shared>>) target(%dma_start3A_10 : memref<640x96xf32, #tpu.memory_space<hbm>>) target_semaphore(%run_scoped3A : memref<!tpu.dma_semaphore, #tpu.memory_space<semaphore_mem>>)
      %dma_wait3A = arith.constant 0 : i32
      %dma_wait3A_13 = tpu.memref_slice %arg5[%arg0, %mul3A_2, %dma_wait3A] : memref<2x10240x96xf32, #tpu.memory_space<hbm>> -> memref<1x640x96xf32, #tpu.memory_space<hbm>>
      %dma_wait3A_14 = tpu.memref_squeeze %dma_wait3A_13 : memref<1x640x96xf32, #tpu.memory_space<hbm>> -> memref<640x96xf32, #tpu.memory_space<hbm>>
      %dma_wait3A_15 = arith.constant 0 : i32
      %dma_wait3A_16 = tpu.memref_slice %arg8[%mul3A_2, %dma_wait3A_15] : memref<10240x96xf32, #tpu.memory_space<vmem_shared>> -> memref<640x96xf32, #tpu.memory_space<vmem_shared>>
      tpu.wait_dma2 semaphore(%run_scoped3A : memref<!tpu.dma_semaphore, #tpu.memory_space<semaphore_mem>>) src(%dma_wait3A_16 : memref<640x96xf32, #tpu.memory_space<vmem_shared>>) dst(%dma_wait3A_14 : memref<640x96xf32, #tpu.memory_space<hbm>>)
      tpu.yield
    }) : () -> ()
    return
  }
}

#map = affine_map<(d0, d1) -> (0, 0)>
#map1 = affine_map<(d0, d1) -> (0, 0, 0)>
module attributes {stable_mosaic.version = 14 : i64} {
  func.func @gk(%arg0: i32, %arg1: i32, %arg2: memref<10000x32xf32, #tpu.memory_space<hbm>>, %arg3: memref<32x128x40xi32, #tpu.memory_space<hbm>>, %arg4: memref<10000x32xf32, #tpu.memory_space<hbm>>, %arg5: memref<32x128x40xi32, #tpu.memory_space<hbm>>, %arg6: memref<160000x32xf32, #tpu.memory_space<hbm>>, %arg7: memref<160000x32xf32, #tpu.memory_space<hbm>>, %arg8: memref<128x40xi32, #tpu.memory_space<vmem>>, %arg9: memref<128x40xi32, #tpu.memory_space<vmem>>, %arg10: memref<40x32xf32, #tpu.memory_space<vmem>>, %arg11: memref<40x32xf32, #tpu.memory_space<vmem>>, %arg12: memref<!tpu.dma_semaphore, #tpu.memory_space<semaphore_mem>>, %arg13: memref<!tpu.dma_semaphore, #tpu.memory_space<semaphore_mem>>) attributes {dimension_semantics = [#tpu.dimension_semantics<core_parallel>, #tpu.dimension_semantics<subcore_parallel>], iteration_bounds = array<i64: 2, 16>, scalar_prefetch = 0 : i64, scratch_operands = 6 : i64, tpu.core_type = #tpu.core_type<sc_vector_subcore>, window_params = [{transform_indices = #map}, {transform_indices = #map1}, {transform_indices = #map}, {transform_indices = #map1}, {transform_indices = #map}, {transform_indices = #map}]} {
    %mul3A = arith.constant 16 : i32
    %mul3A_0 = arith.muli %arg0, %mul3A : i32
    %add3A = arith.addi %mul3A_0, %arg1 : i32
    "tpu.region"() ({
      %run_scoped3A = tpu.sem_alloc : memref<!tpu.dma_semaphore, #tpu.memory_space<semaphore_mem>>
      %dma_start3A = arith.constant 0 : i32
      %dma_start3A_6 = arith.constant 0 : i32
      %dma_start3A_7 = tpu.memref_slice %arg3[%add3A, %dma_start3A, %dma_start3A_6] : memref<32x128x40xi32, #tpu.memory_space<hbm>> -> memref<1x128x40xi32, #tpu.memory_space<hbm>>
      %dma_start3A_8 = tpu.memref_squeeze %dma_start3A_7 : memref<1x128x40xi32, #tpu.memory_space<hbm>> -> memref<128x40xi32, #tpu.memory_space<hbm>>
      %dma_start3A_9 = arith.constant 0 : i32
      %dma_start3A_10 = arith.constant 0 : i32
      %dma_start3A_11 = tpu.memref_slice %arg3[%add3A, %dma_start3A_9, %dma_start3A_10] : memref<32x128x40xi32, #tpu.memory_space<hbm>> -> memref<1x128x40xi32, #tpu.memory_space<hbm>>
      %dma_start3A_12 = tpu.memref_squeeze %dma_start3A_11 : memref<1x128x40xi32, #tpu.memory_space<hbm>> -> memref<128x40xi32, #tpu.memory_space<hbm>>
      tpu.enqueue_dma source(%dma_start3A_12 : memref<128x40xi32, #tpu.memory_space<hbm>>) target(%arg8 : memref<128x40xi32, #tpu.memory_space<vmem>>) target_semaphore(%run_scoped3A : memref<!tpu.dma_semaphore, #tpu.memory_space<semaphore_mem>>)
      %dma_wait3A = arith.constant 0 : i32
      %dma_wait3A_13 = arith.constant 0 : i32
      %dma_wait3A_14 = tpu.memref_slice %arg3[%add3A, %dma_wait3A, %dma_wait3A_13] : memref<32x128x40xi32, #tpu.memory_space<hbm>> -> memref<1x128x40xi32, #tpu.memory_space<hbm>>
      %dma_wait3A_15 = tpu.memref_squeeze %dma_wait3A_14 : memref<1x128x40xi32, #tpu.memory_space<hbm>> -> memref<128x40xi32, #tpu.memory_space<hbm>>
      %dma_wait3A_16 = arith.constant 0 : i32
      %dma_wait3A_17 = arith.constant 0 : i32
      %dma_wait3A_18 = tpu.memref_slice %arg3[%add3A, %dma_wait3A_16, %dma_wait3A_17] : memref<32x128x40xi32, #tpu.memory_space<hbm>> -> memref<1x128x40xi32, #tpu.memory_space<hbm>>
      %dma_wait3A_19 = tpu.memref_squeeze %dma_wait3A_18 : memref<1x128x40xi32, #tpu.memory_space<hbm>> -> memref<128x40xi32, #tpu.memory_space<hbm>>
      tpu.wait_dma2 semaphore(%run_scoped3A : memref<!tpu.dma_semaphore, #tpu.memory_space<semaphore_mem>>) src(%dma_wait3A_19 : memref<128x40xi32, #tpu.memory_space<hbm>>) dst(%arg8 : memref<128x40xi32, #tpu.memory_space<vmem>>)
      tpu.yield
    }) : () -> ()
    "tpu.region"() ({
      %run_scoped3A = tpu.sem_alloc : memref<!tpu.dma_semaphore, #tpu.memory_space<semaphore_mem>>
      %dma_start3A = arith.constant 0 : i32
      %dma_start3A_6 = arith.constant 0 : i32
      %dma_start3A_7 = tpu.memref_slice %arg5[%add3A, %dma_start3A, %dma_start3A_6] : memref<32x128x40xi32, #tpu.memory_space<hbm>> -> memref<1x128x40xi32, #tpu.memory_space<hbm>>
      %dma_start3A_8 = tpu.memref_squeeze %dma_start3A_7 : memref<1x128x40xi32, #tpu.memory_space<hbm>> -> memref<128x40xi32, #tpu.memory_space<hbm>>
      %dma_start3A_9 = arith.constant 0 : i32
      %dma_start3A_10 = arith.constant 0 : i32
      %dma_start3A_11 = tpu.memref_slice %arg5[%add3A, %dma_start3A_9, %dma_start3A_10] : memref<32x128x40xi32, #tpu.memory_space<hbm>> -> memref<1x128x40xi32, #tpu.memory_space<hbm>>
      %dma_start3A_12 = tpu.memref_squeeze %dma_start3A_11 : memref<1x128x40xi32, #tpu.memory_space<hbm>> -> memref<128x40xi32, #tpu.memory_space<hbm>>
      tpu.enqueue_dma source(%dma_start3A_12 : memref<128x40xi32, #tpu.memory_space<hbm>>) target(%arg9 : memref<128x40xi32, #tpu.memory_space<vmem>>) target_semaphore(%run_scoped3A : memref<!tpu.dma_semaphore, #tpu.memory_space<semaphore_mem>>)
      %dma_wait3A = arith.constant 0 : i32
      %dma_wait3A_13 = arith.constant 0 : i32
      %dma_wait3A_14 = tpu.memref_slice %arg5[%add3A, %dma_wait3A, %dma_wait3A_13] : memref<32x128x40xi32, #tpu.memory_space<hbm>> -> memref<1x128x40xi32, #tpu.memory_space<hbm>>
      %dma_wait3A_15 = tpu.memref_squeeze %dma_wait3A_14 : memref<1x128x40xi32, #tpu.memory_space<hbm>> -> memref<128x40xi32, #tpu.memory_space<hbm>>
      %dma_wait3A_16 = arith.constant 0 : i32
      %dma_wait3A_17 = arith.constant 0 : i32
      %dma_wait3A_18 = tpu.memref_slice %arg5[%add3A, %dma_wait3A_16, %dma_wait3A_17] : memref<32x128x40xi32, #tpu.memory_space<hbm>> -> memref<1x128x40xi32, #tpu.memory_space<hbm>>
      %dma_wait3A_19 = tpu.memref_squeeze %dma_wait3A_18 : memref<1x128x40xi32, #tpu.memory_space<hbm>> -> memref<128x40xi32, #tpu.memory_space<hbm>>
      tpu.wait_dma2 semaphore(%run_scoped3A : memref<!tpu.dma_semaphore, #tpu.memory_space<semaphore_mem>>) src(%dma_wait3A_19 : memref<128x40xi32, #tpu.memory_space<hbm>>) dst(%arg9 : memref<128x40xi32, #tpu.memory_space<vmem>>)
      tpu.yield
    }) : () -> ()
    %scan3A = arith.constant 0 : i32
    %scan3A_1 = arith.constant 0 : i32
    %scan3A_2 = arith.constant 125 : i32
    %scan3A_3 = arith.addi %scan3A_1, %scan3A_2 : i32
    %scan3A_4 = arith.constant 1 : i32
    scf.for %scan3A_6 = %scan3A_1 to %scan3A_3 step %scan3A_4  : i32 {
      %mul3A_7 = arith.constant 5000 : i32
      %mul3A_8 = arith.muli %add3A, %mul3A_7 : i32
      %mul3A_9 = arith.constant 40 : i32
      %mul3A_10 = arith.muli %scan3A_6, %mul3A_9 : i32
      %add3A_11 = arith.addi %mul3A_8, %mul3A_10 : i32
      %dma_start3A = arith.constant 0 : i32
      %dma_start3A_12 = tpu.memref_slice %arg8[%scan3A_6, %dma_start3A] : memref<128x40xi32, #tpu.memory_space<vmem>> -> memref<1x40xi32, #tpu.memory_space<vmem>>
      %dma_start3A_13 = tpu.memref_squeeze %dma_start3A_12 : memref<1x40xi32, #tpu.memory_space<vmem>> -> memref<40xi32, #tpu.memory_space<vmem>>
      %dma_start3A_14 = arith.constant 0 : i32
      %dma_start3A_15 = arith.constant 0 : i32
      %dma_start3A_16 = tpu.memref_slice %arg2[%dma_start3A_14, %dma_start3A_15] : memref<10000x32xf32, #tpu.memory_space<hbm>> -> memref<10000x32xf32, #tpu.memory_space<hbm>>
      tpu.enqueue_indirect_dma source(%dma_start3A_16 : memref<10000x32xf32, #tpu.memory_space<hbm>>) target(%arg10 : memref<40x32xf32, #tpu.memory_space<vmem>>) offsets(%dma_start3A_13 : memref<40xi32, #tpu.memory_space<vmem>>) semaphore(%arg12 : memref<!tpu.dma_semaphore, #tpu.memory_space<semaphore_mem>>)
      %dma_start3A_17 = arith.constant 0 : i32
      %dma_start3A_18 = tpu.memref_slice %arg9[%scan3A_6, %dma_start3A_17] : memref<128x40xi32, #tpu.memory_space<vmem>> -> memref<1x40xi32, #tpu.memory_space<vmem>>
      %dma_start3A_19 = tpu.memref_squeeze %dma_start3A_18 : memref<1x40xi32, #tpu.memory_space<vmem>> -> memref<40xi32, #tpu.memory_space<vmem>>
      %dma_start3A_20 = arith.constant 0 : i32
      %dma_start3A_21 = arith.constant 0 : i32
      %dma_start3A_22 = tpu.memref_slice %arg4[%dma_start3A_20, %dma_start3A_21] : memref<10000x32xf32, #tpu.memory_space<hbm>> -> memref<10000x32xf32, #tpu.memory_space<hbm>>
      tpu.enqueue_indirect_dma source(%dma_start3A_22 : memref<10000x32xf32, #tpu.memory_space<hbm>>) target(%arg11 : memref<40x32xf32, #tpu.memory_space<vmem>>) offsets(%dma_start3A_19 : memref<40xi32, #tpu.memory_space<vmem>>) semaphore(%arg13 : memref<!tpu.dma_semaphore, #tpu.memory_space<semaphore_mem>>)
      %dma_wait3A = arith.constant 0 : i32
      %dma_wait3A_23 = tpu.memref_slice %arg8[%scan3A_6, %dma_wait3A] : memref<128x40xi32, #tpu.memory_space<vmem>> -> memref<1x40xi32, #tpu.memory_space<vmem>>
      %dma_wait3A_24 = tpu.memref_squeeze %dma_wait3A_23 : memref<1x40xi32, #tpu.memory_space<vmem>> -> memref<40xi32, #tpu.memory_space<vmem>>
      %dma_wait3A_25 = arith.constant 0 : i32
      %dma_wait3A_26 = arith.constant 0 : i32
      %dma_wait3A_27 = tpu.memref_slice %arg2[%dma_wait3A_25, %dma_wait3A_26] : memref<10000x32xf32, #tpu.memory_space<hbm>> -> memref<10000x32xf32, #tpu.memory_space<hbm>>
      tpu.wait_indirect_dma semaphore(%arg12 : memref<!tpu.dma_semaphore, #tpu.memory_space<semaphore_mem>>) src(%dma_wait3A_27 : memref<10000x32xf32, #tpu.memory_space<hbm>>) dst(%arg10 : memref<40x32xf32, #tpu.memory_space<vmem>>)
      "tpu.region"() ({
        %run_scoped3A = tpu.sem_alloc : memref<!tpu.dma_semaphore, #tpu.memory_space<semaphore_mem>>
        %dma_start3A_34 = arith.constant 0 : i32
        %dma_start3A_35 = tpu.memref_slice %arg6[%add3A_11, %dma_start3A_34] : memref<160000x32xf32, #tpu.memory_space<hbm>> -> memref<40x32xf32, #tpu.memory_space<hbm>>
        %dma_start3A_36 = arith.constant 0 : i32
        %dma_start3A_37 = tpu.memref_slice %arg6[%add3A_11, %dma_start3A_36] : memref<160000x32xf32, #tpu.memory_space<hbm>> -> memref<40x32xf32, #tpu.memory_space<hbm>>
        tpu.enqueue_dma source(%arg10 : memref<40x32xf32, #tpu.memory_space<vmem>>) target(%dma_start3A_37 : memref<40x32xf32, #tpu.memory_space<hbm>>) target_semaphore(%run_scoped3A : memref<!tpu.dma_semaphore, #tpu.memory_space<semaphore_mem>>)
        %dma_wait3A_38 = arith.constant 0 : i32
        %dma_wait3A_39 = tpu.memref_slice %arg6[%add3A_11, %dma_wait3A_38] : memref<160000x32xf32, #tpu.memory_space<hbm>> -> memref<40x32xf32, #tpu.memory_space<hbm>>
        %dma_wait3A_40 = arith.constant 0 : i32
        %dma_wait3A_41 = tpu.memref_slice %arg6[%add3A_11, %dma_wait3A_40] : memref<160000x32xf32, #tpu.memory_space<hbm>> -> memref<40x32xf32, #tpu.memory_space<hbm>>
        tpu.wait_dma2 semaphore(%run_scoped3A : memref<!tpu.dma_semaphore, #tpu.memory_space<semaphore_mem>>) src(%arg10 : memref<40x32xf32, #tpu.memory_space<vmem>>) dst(%dma_wait3A_41 : memref<40x32xf32, #tpu.memory_space<hbm>>)
        tpu.yield
      }) : () -> ()
      %dma_wait3A_28 = arith.constant 0 : i32
      %dma_wait3A_29 = tpu.memref_slice %arg9[%scan3A_6, %dma_wait3A_28] : memref<128x40xi32, #tpu.memory_space<vmem>> -> memref<1x40xi32, #tpu.memory_space<vmem>>
      %dma_wait3A_30 = tpu.memref_squeeze %dma_wait3A_29 : memref<1x40xi32, #tpu.memory_space<vmem>> -> memref<40xi32, #tpu.memory_space<vmem>>
      %dma_wait3A_31 = arith.constant 0 : i32
      %dma_wait3A_32 = arith.constant 0 : i32
      %dma_wait3A_33 = tpu.memref_slice %arg4[%dma_wait3A_31, %dma_wait3A_32] : memref<10000x32xf32, #tpu.memory_space<hbm>> -> memref<10000x32xf32, #tpu.memory_space<hbm>>
      tpu.wait_indirect_dma semaphore(%arg13 : memref<!tpu.dma_semaphore, #tpu.memory_space<semaphore_mem>>) src(%dma_wait3A_33 : memref<10000x32xf32, #tpu.memory_space<hbm>>) dst(%arg11 : memref<40x32xf32, #tpu.memory_space<vmem>>)
      "tpu.region"() ({
        %run_scoped3A = tpu.sem_alloc : memref<!tpu.dma_semaphore, #tpu.memory_space<semaphore_mem>>
        %dma_start3A_34 = arith.constant 0 : i32
        %dma_start3A_35 = tpu.memref_slice %arg7[%add3A_11, %dma_start3A_34] : memref<160000x32xf32, #tpu.memory_space<hbm>> -> memref<40x32xf32, #tpu.memory_space<hbm>>
        %dma_start3A_36 = arith.constant 0 : i32
        %dma_start3A_37 = tpu.memref_slice %arg7[%add3A_11, %dma_start3A_36] : memref<160000x32xf32, #tpu.memory_space<hbm>> -> memref<40x32xf32, #tpu.memory_space<hbm>>
        tpu.enqueue_dma source(%arg11 : memref<40x32xf32, #tpu.memory_space<vmem>>) target(%dma_start3A_37 : memref<40x32xf32, #tpu.memory_space<hbm>>) target_semaphore(%run_scoped3A : memref<!tpu.dma_semaphore, #tpu.memory_space<semaphore_mem>>)
        %dma_wait3A_38 = arith.constant 0 : i32
        %dma_wait3A_39 = tpu.memref_slice %arg7[%add3A_11, %dma_wait3A_38] : memref<160000x32xf32, #tpu.memory_space<hbm>> -> memref<40x32xf32, #tpu.memory_space<hbm>>
        %dma_wait3A_40 = arith.constant 0 : i32
        %dma_wait3A_41 = tpu.memref_slice %arg7[%add3A_11, %dma_wait3A_40] : memref<160000x32xf32, #tpu.memory_space<hbm>> -> memref<40x32xf32, #tpu.memory_space<hbm>>
        tpu.wait_dma2 semaphore(%run_scoped3A : memref<!tpu.dma_semaphore, #tpu.memory_space<semaphore_mem>>) src(%arg11 : memref<40x32xf32, #tpu.memory_space<vmem>>) dst(%dma_wait3A_41 : memref<40x32xf32, #tpu.memory_space<hbm>>)
        tpu.yield
      }) : () -> ()
    }
    %scan3A_5 = arith.constant 125 : i32
    return
  }
}

#map = affine_map<(d0, d1) -> (0, 0)>
#map1 = affine_map<(d0, d1) -> (0, 0, 0)>
module attributes {stable_mosaic.version = 14 : i64} {
  func.func @gk(%arg0: i32, %arg1: i32, %arg2: memref<10000x96xf32, #tpu.memory_space<hbm>>, %arg3: memref<32x128x40xi32, #tpu.memory_space<hbm>>, %arg4: memref<10000x32xf32, #tpu.memory_space<hbm>>, %arg5: memref<32x128x40xi32, #tpu.memory_space<hbm>>, %arg6: memref<160000x96xf32, #tpu.memory_space<hbm>>, %arg7: memref<160000x32xf32, #tpu.memory_space<hbm>>, %arg8: memref<128x40xi32, #tpu.memory_space<vmem>>, %arg9: memref<128x40xi32, #tpu.memory_space<vmem>>, %arg10: memref<40x96xf32, #tpu.memory_space<vmem>>, %arg11: memref<40x32xf32, #tpu.memory_space<vmem>>, %arg12: memref<!tpu.dma_semaphore, #tpu.memory_space<semaphore_mem>>, %arg13: memref<!tpu.dma_semaphore, #tpu.memory_space<semaphore_mem>>) attributes {dimension_semantics = [#tpu.dimension_semantics<core_parallel>, #tpu.dimension_semantics<subcore_parallel>], iteration_bounds = array<i64: 2, 16>, scalar_prefetch = 0 : i64, scratch_operands = 6 : i64, tpu.core_type = #tpu.core_type<sc_vector_subcore>, window_params = [{transform_indices = #map}, {transform_indices = #map1}, {transform_indices = #map}, {transform_indices = #map1}, {transform_indices = #map}, {transform_indices = #map}]} {
    %mul3A = arith.constant 16 : i32
    %mul3A_0 = arith.muli %arg0, %mul3A : i32
    %add3A = arith.addi %mul3A_0, %arg1 : i32
    "tpu.region"() ({
      %run_scoped3A = tpu.sem_alloc : memref<!tpu.dma_semaphore, #tpu.memory_space<semaphore_mem>>
      %dma_start3A = arith.constant 0 : i32
      %dma_start3A_6 = arith.constant 0 : i32
      %dma_start3A_7 = tpu.memref_slice %arg3[%add3A, %dma_start3A, %dma_start3A_6] : memref<32x128x40xi32, #tpu.memory_space<hbm>> -> memref<1x128x40xi32, #tpu.memory_space<hbm>>
      %dma_start3A_8 = tpu.memref_squeeze %dma_start3A_7 : memref<1x128x40xi32, #tpu.memory_space<hbm>> -> memref<128x40xi32, #tpu.memory_space<hbm>>
      %dma_start3A_9 = arith.constant 0 : i32
      %dma_start3A_10 = arith.constant 0 : i32
      %dma_start3A_11 = tpu.memref_slice %arg3[%add3A, %dma_start3A_9, %dma_start3A_10] : memref<32x128x40xi32, #tpu.memory_space<hbm>> -> memref<1x128x40xi32, #tpu.memory_space<hbm>>
      %dma_start3A_12 = tpu.memref_squeeze %dma_start3A_11 : memref<1x128x40xi32, #tpu.memory_space<hbm>> -> memref<128x40xi32, #tpu.memory_space<hbm>>
      tpu.enqueue_dma source(%dma_start3A_12 : memref<128x40xi32, #tpu.memory_space<hbm>>) target(%arg8 : memref<128x40xi32, #tpu.memory_space<vmem>>) target_semaphore(%run_scoped3A : memref<!tpu.dma_semaphore, #tpu.memory_space<semaphore_mem>>)
      %dma_wait3A = arith.constant 0 : i32
      %dma_wait3A_13 = arith.constant 0 : i32
      %dma_wait3A_14 = tpu.memref_slice %arg3[%add3A, %dma_wait3A, %dma_wait3A_13] : memref<32x128x40xi32, #tpu.memory_space<hbm>> -> memref<1x128x40xi32, #tpu.memory_space<hbm>>
      %dma_wait3A_15 = tpu.memref_squeeze %dma_wait3A_14 : memref<1x128x40xi32, #tpu.memory_space<hbm>> -> memref<128x40xi32, #tpu.memory_space<hbm>>
      %dma_wait3A_16 = arith.constant 0 : i32
      %dma_wait3A_17 = arith.constant 0 : i32
      %dma_wait3A_18 = tpu.memref_slice %arg3[%add3A, %dma_wait3A_16, %dma_wait3A_17] : memref<32x128x40xi32, #tpu.memory_space<hbm>> -> memref<1x128x40xi32, #tpu.memory_space<hbm>>
      %dma_wait3A_19 = tpu.memref_squeeze %dma_wait3A_18 : memref<1x128x40xi32, #tpu.memory_space<hbm>> -> memref<128x40xi32, #tpu.memory_space<hbm>>
      tpu.wait_dma2 semaphore(%run_scoped3A : memref<!tpu.dma_semaphore, #tpu.memory_space<semaphore_mem>>) src(%dma_wait3A_19 : memref<128x40xi32, #tpu.memory_space<hbm>>) dst(%arg8 : memref<128x40xi32, #tpu.memory_space<vmem>>)
      tpu.yield
    }) : () -> ()
    "tpu.region"() ({
      %run_scoped3A = tpu.sem_alloc : memref<!tpu.dma_semaphore, #tpu.memory_space<semaphore_mem>>
      %dma_start3A = arith.constant 0 : i32
      %dma_start3A_6 = arith.constant 0 : i32
      %dma_start3A_7 = tpu.memref_slice %arg5[%add3A, %dma_start3A, %dma_start3A_6] : memref<32x128x40xi32, #tpu.memory_space<hbm>> -> memref<1x128x40xi32, #tpu.memory_space<hbm>>
      %dma_start3A_8 = tpu.memref_squeeze %dma_start3A_7 : memref<1x128x40xi32, #tpu.memory_space<hbm>> -> memref<128x40xi32, #tpu.memory_space<hbm>>
      %dma_start3A_9 = arith.constant 0 : i32
      %dma_start3A_10 = arith.constant 0 : i32
      %dma_start3A_11 = tpu.memref_slice %arg5[%add3A, %dma_start3A_9, %dma_start3A_10] : memref<32x128x40xi32, #tpu.memory_space<hbm>> -> memref<1x128x40xi32, #tpu.memory_space<hbm>>
      %dma_start3A_12 = tpu.memref_squeeze %dma_start3A_11 : memref<1x128x40xi32, #tpu.memory_space<hbm>> -> memref<128x40xi32, #tpu.memory_space<hbm>>
      tpu.enqueue_dma source(%dma_start3A_12 : memref<128x40xi32, #tpu.memory_space<hbm>>) target(%arg9 : memref<128x40xi32, #tpu.memory_space<vmem>>) target_semaphore(%run_scoped3A : memref<!tpu.dma_semaphore, #tpu.memory_space<semaphore_mem>>)
      %dma_wait3A = arith.constant 0 : i32
      %dma_wait3A_13 = arith.constant 0 : i32
      %dma_wait3A_14 = tpu.memref_slice %arg5[%add3A, %dma_wait3A, %dma_wait3A_13] : memref<32x128x40xi32, #tpu.memory_space<hbm>> -> memref<1x128x40xi32, #tpu.memory_space<hbm>>
      %dma_wait3A_15 = tpu.memref_squeeze %dma_wait3A_14 : memref<1x128x40xi32, #tpu.memory_space<hbm>> -> memref<128x40xi32, #tpu.memory_space<hbm>>
      %dma_wait3A_16 = arith.constant 0 : i32
      %dma_wait3A_17 = arith.constant 0 : i32
      %dma_wait3A_18 = tpu.memref_slice %arg5[%add3A, %dma_wait3A_16, %dma_wait3A_17] : memref<32x128x40xi32, #tpu.memory_space<hbm>> -> memref<1x128x40xi32, #tpu.memory_space<hbm>>
      %dma_wait3A_19 = tpu.memref_squeeze %dma_wait3A_18 : memref<1x128x40xi32, #tpu.memory_space<hbm>> -> memref<128x40xi32, #tpu.memory_space<hbm>>
      tpu.wait_dma2 semaphore(%run_scoped3A : memref<!tpu.dma_semaphore, #tpu.memory_space<semaphore_mem>>) src(%dma_wait3A_19 : memref<128x40xi32, #tpu.memory_space<hbm>>) dst(%arg9 : memref<128x40xi32, #tpu.memory_space<vmem>>)
      tpu.yield
    }) : () -> ()
    %scan3A = arith.constant 0 : i32
    %scan3A_1 = arith.constant 0 : i32
    %scan3A_2 = arith.constant 125 : i32
    %scan3A_3 = arith.addi %scan3A_1, %scan3A_2 : i32
    %scan3A_4 = arith.constant 1 : i32
    scf.for %scan3A_6 = %scan3A_1 to %scan3A_3 step %scan3A_4  : i32 {
      %mul3A_7 = arith.constant 5000 : i32
      %mul3A_8 = arith.muli %add3A, %mul3A_7 : i32
      %mul3A_9 = arith.constant 40 : i32
      %mul3A_10 = arith.muli %scan3A_6, %mul3A_9 : i32
      %add3A_11 = arith.addi %mul3A_8, %mul3A_10 : i32
      %dma_start3A = arith.constant 0 : i32
      %dma_start3A_12 = tpu.memref_slice %arg8[%scan3A_6, %dma_start3A] : memref<128x40xi32, #tpu.memory_space<vmem>> -> memref<1x40xi32, #tpu.memory_space<vmem>>
      %dma_start3A_13 = tpu.memref_squeeze %dma_start3A_12 : memref<1x40xi32, #tpu.memory_space<vmem>> -> memref<40xi32, #tpu.memory_space<vmem>>
      %dma_start3A_14 = arith.constant 0 : i32
      %dma_start3A_15 = arith.constant 0 : i32
      %dma_start3A_16 = tpu.memref_slice %arg2[%dma_start3A_14, %dma_start3A_15] : memref<10000x96xf32, #tpu.memory_space<hbm>> -> memref<10000x96xf32, #tpu.memory_space<hbm>>
      tpu.enqueue_indirect_dma source(%dma_start3A_16 : memref<10000x96xf32, #tpu.memory_space<hbm>>) target(%arg10 : memref<40x96xf32, #tpu.memory_space<vmem>>) offsets(%dma_start3A_13 : memref<40xi32, #tpu.memory_space<vmem>>) semaphore(%arg12 : memref<!tpu.dma_semaphore, #tpu.memory_space<semaphore_mem>>)
      %dma_start3A_17 = arith.constant 0 : i32
      %dma_start3A_18 = tpu.memref_slice %arg9[%scan3A_6, %dma_start3A_17] : memref<128x40xi32, #tpu.memory_space<vmem>> -> memref<1x40xi32, #tpu.memory_space<vmem>>
      %dma_start3A_19 = tpu.memref_squeeze %dma_start3A_18 : memref<1x40xi32, #tpu.memory_space<vmem>> -> memref<40xi32, #tpu.memory_space<vmem>>
      %dma_start3A_20 = arith.constant 0 : i32
      %dma_start3A_21 = arith.constant 0 : i32
      %dma_start3A_22 = tpu.memref_slice %arg4[%dma_start3A_20, %dma_start3A_21] : memref<10000x32xf32, #tpu.memory_space<hbm>> -> memref<10000x32xf32, #tpu.memory_space<hbm>>
      tpu.enqueue_indirect_dma source(%dma_start3A_22 : memref<10000x32xf32, #tpu.memory_space<hbm>>) target(%arg11 : memref<40x32xf32, #tpu.memory_space<vmem>>) offsets(%dma_start3A_19 : memref<40xi32, #tpu.memory_space<vmem>>) semaphore(%arg13 : memref<!tpu.dma_semaphore, #tpu.memory_space<semaphore_mem>>)
      %dma_wait3A = arith.constant 0 : i32
      %dma_wait3A_23 = tpu.memref_slice %arg8[%scan3A_6, %dma_wait3A] : memref<128x40xi32, #tpu.memory_space<vmem>> -> memref<1x40xi32, #tpu.memory_space<vmem>>
      %dma_wait3A_24 = tpu.memref_squeeze %dma_wait3A_23 : memref<1x40xi32, #tpu.memory_space<vmem>> -> memref<40xi32, #tpu.memory_space<vmem>>
      %dma_wait3A_25 = arith.constant 0 : i32
      %dma_wait3A_26 = arith.constant 0 : i32
      %dma_wait3A_27 = tpu.memref_slice %arg2[%dma_wait3A_25, %dma_wait3A_26] : memref<10000x96xf32, #tpu.memory_space<hbm>> -> memref<10000x96xf32, #tpu.memory_space<hbm>>
      tpu.wait_indirect_dma semaphore(%arg12 : memref<!tpu.dma_semaphore, #tpu.memory_space<semaphore_mem>>) src(%dma_wait3A_27 : memref<10000x96xf32, #tpu.memory_space<hbm>>) dst(%arg10 : memref<40x96xf32, #tpu.memory_space<vmem>>)
      "tpu.region"() ({
        %run_scoped3A = tpu.sem_alloc : memref<!tpu.dma_semaphore, #tpu.memory_space<semaphore_mem>>
        %dma_start3A_34 = arith.constant 0 : i32
        %dma_start3A_35 = tpu.memref_slice %arg6[%add3A_11, %dma_start3A_34] : memref<160000x96xf32, #tpu.memory_space<hbm>> -> memref<40x96xf32, #tpu.memory_space<hbm>>
        %dma_start3A_36 = arith.constant 0 : i32
        %dma_start3A_37 = tpu.memref_slice %arg6[%add3A_11, %dma_start3A_36] : memref<160000x96xf32, #tpu.memory_space<hbm>> -> memref<40x96xf32, #tpu.memory_space<hbm>>
        tpu.enqueue_dma source(%arg10 : memref<40x96xf32, #tpu.memory_space<vmem>>) target(%dma_start3A_37 : memref<40x96xf32, #tpu.memory_space<hbm>>) target_semaphore(%run_scoped3A : memref<!tpu.dma_semaphore, #tpu.memory_space<semaphore_mem>>)
        %dma_wait3A_38 = arith.constant 0 : i32
        %dma_wait3A_39 = tpu.memref_slice %arg6[%add3A_11, %dma_wait3A_38] : memref<160000x96xf32, #tpu.memory_space<hbm>> -> memref<40x96xf32, #tpu.memory_space<hbm>>
        %dma_wait3A_40 = arith.constant 0 : i32
        %dma_wait3A_41 = tpu.memref_slice %arg6[%add3A_11, %dma_wait3A_40] : memref<160000x96xf32, #tpu.memory_space<hbm>> -> memref<40x96xf32, #tpu.memory_space<hbm>>
        tpu.wait_dma2 semaphore(%run_scoped3A : memref<!tpu.dma_semaphore, #tpu.memory_space<semaphore_mem>>) src(%arg10 : memref<40x96xf32, #tpu.memory_space<vmem>>) dst(%dma_wait3A_41 : memref<40x96xf32, #tpu.memory_space<hbm>>)
        tpu.yield
      }) : () -> ()
      %dma_wait3A_28 = arith.constant 0 : i32
      %dma_wait3A_29 = tpu.memref_slice %arg9[%scan3A_6, %dma_wait3A_28] : memref<128x40xi32, #tpu.memory_space<vmem>> -> memref<1x40xi32, #tpu.memory_space<vmem>>
      %dma_wait3A_30 = tpu.memref_squeeze %dma_wait3A_29 : memref<1x40xi32, #tpu.memory_space<vmem>> -> memref<40xi32, #tpu.memory_space<vmem>>
      %dma_wait3A_31 = arith.constant 0 : i32
      %dma_wait3A_32 = arith.constant 0 : i32
      %dma_wait3A_33 = tpu.memref_slice %arg4[%dma_wait3A_31, %dma_wait3A_32] : memref<10000x32xf32, #tpu.memory_space<hbm>> -> memref<10000x32xf32, #tpu.memory_space<hbm>>
      tpu.wait_indirect_dma semaphore(%arg13 : memref<!tpu.dma_semaphore, #tpu.memory_space<semaphore_mem>>) src(%dma_wait3A_33 : memref<10000x32xf32, #tpu.memory_space<hbm>>) dst(%arg11 : memref<40x32xf32, #tpu.memory_space<vmem>>)
      "tpu.region"() ({
        %run_scoped3A = tpu.sem_alloc : memref<!tpu.dma_semaphore, #tpu.memory_space<semaphore_mem>>
        %dma_start3A_34 = arith.constant 0 : i32
        %dma_start3A_35 = tpu.memref_slice %arg7[%add3A_11, %dma_start3A_34] : memref<160000x32xf32, #tpu.memory_space<hbm>> -> memref<40x32xf32, #tpu.memory_space<hbm>>
        %dma_start3A_36 = arith.constant 0 : i32
        %dma_start3A_37 = tpu.memref_slice %arg7[%add3A_11, %dma_start3A_36] : memref<160000x32xf32, #tpu.memory_space<hbm>> -> memref<40x32xf32, #tpu.memory_space<hbm>>
        tpu.enqueue_dma source(%arg11 : memref<40x32xf32, #tpu.memory_space<vmem>>) target(%dma_start3A_37 : memref<40x32xf32, #tpu.memory_space<hbm>>) target_semaphore(%run_scoped3A : memref<!tpu.dma_semaphore, #tpu.memory_space<semaphore_mem>>)
        %dma_wait3A_38 = arith.constant 0 : i32
        %dma_wait3A_39 = tpu.memref_slice %arg7[%add3A_11, %dma_wait3A_38] : memref<160000x32xf32, #tpu.memory_space<hbm>> -> memref<40x32xf32, #tpu.memory_space<hbm>>
        %dma_wait3A_40 = arith.constant 0 : i32
        %dma_wait3A_41 = tpu.memref_slice %arg7[%add3A_11, %dma_wait3A_40] : memref<160000x32xf32, #tpu.memory_space<hbm>> -> memref<40x32xf32, #tpu.memory_space<hbm>>
        tpu.wait_dma2 semaphore(%run_scoped3A : memref<!tpu.dma_semaphore, #tpu.memory_space<semaphore_mem>>) src(%arg11 : memref<40x32xf32, #tpu.memory_space<vmem>>) dst(%dma_wait3A_41 : memref<40x32xf32, #tpu.memory_space<hbm>>)
        tpu.yield
      }) : () -> ()
    }
    %scan3A_5 = arith.constant 125 : i32
    return
  }
}

#map = affine_map<(d0, d1) -> (0, 0)>
#map1 = affine_map<(d0, d1) -> (0, 0, 0)>
module attributes {stable_mosaic.version = 14 : i64} {
  func.func @sk(%arg0: i32, %arg1: i32, %arg2: memref<160000x160xf32, #tpu.memory_space<hbm>>, %arg3: memref<32x128x40xi32, #tpu.memory_space<hbm>>, %arg4: memref<10240x160xf32, #tpu.memory_space<hbm>>, %arg5: memref<2x10240x160xf32, #tpu.memory_space<hbm>>, %arg6: memref<128x40xi32, #tpu.memory_space<vmem>>, %arg7: memref<40x160xf32, #tpu.memory_space<vmem>>, %arg8: memref<10240x160xf32, #tpu.memory_space<vmem_shared>>) attributes {dimension_semantics = [#tpu.dimension_semantics<core_parallel>, #tpu.dimension_semantics<subcore_parallel>], iteration_bounds = array<i64: 2, 16>, scalar_prefetch = 0 : i64, scratch_operands = 3 : i64, tpu.core_type = #tpu.core_type<sc_vector_subcore>, window_params = [{transform_indices = #map}, {transform_indices = #map1}, {transform_indices = #map}, {transform_indices = #map1}]} {
    %mul3A = arith.constant 16 : i32
    %mul3A_0 = arith.muli %arg0, %mul3A : i32
    %add3A = arith.addi %mul3A_0, %arg1 : i32
    %mul3A_1 = arith.constant 640 : i32
    %mul3A_2 = arith.muli %arg1, %mul3A_1 : i32
    "tpu.region"() ({
      %run_scoped3A = tpu.sem_alloc : memref<!tpu.dma_semaphore, #tpu.memory_space<semaphore_mem>>
      %dma_start3A = arith.constant 0 : i32
      %dma_start3A_9 = tpu.memref_slice %arg8[%mul3A_2, %dma_start3A] : memref<10240x160xf32, #tpu.memory_space<vmem_shared>> -> memref<640x160xf32, #tpu.memory_space<vmem_shared>>
      %dma_start3A_10 = arith.constant 0 : i32
      %dma_start3A_11 = tpu.memref_slice %arg4[%mul3A_2, %dma_start3A_10] : memref<10240x160xf32, #tpu.memory_space<hbm>> -> memref<640x160xf32, #tpu.memory_space<hbm>>
      tpu.enqueue_dma source(%dma_start3A_11 : memref<640x160xf32, #tpu.memory_space<hbm>>) target(%dma_start3A_9 : memref<640x160xf32, #tpu.memory_space<vmem_shared>>) target_semaphore(%run_scoped3A : memref<!tpu.dma_semaphore, #tpu.memory_space<semaphore_mem>>)
      %dma_wait3A = arith.constant 0 : i32
      %dma_wait3A_12 = tpu.memref_slice %arg8[%mul3A_2, %dma_wait3A] : memref<10240x160xf32, #tpu.memory_space<vmem_shared>> -> memref<640x160xf32, #tpu.memory_space<vmem_shared>>
      %dma_wait3A_13 = arith.constant 0 : i32
      %dma_wait3A_14 = tpu.memref_slice %arg4[%mul3A_2, %dma_wait3A_13] : memref<10240x160xf32, #tpu.memory_space<hbm>> -> memref<640x160xf32, #tpu.memory_space<hbm>>
      tpu.wait_dma2 semaphore(%run_scoped3A : memref<!tpu.dma_semaphore, #tpu.memory_space<semaphore_mem>>) src(%dma_wait3A_14 : memref<640x160xf32, #tpu.memory_space<hbm>>) dst(%dma_wait3A_12 : memref<640x160xf32, #tpu.memory_space<vmem_shared>>)
      tpu.yield
    }) : () -> ()
    "tpu.region"() ({
      %run_scoped3A = tpu.sem_alloc : memref<!tpu.dma_semaphore, #tpu.memory_space<semaphore_mem>>
      %dma_start3A = arith.constant 0 : i32
      %dma_start3A_9 = arith.constant 0 : i32
      %dma_start3A_10 = tpu.memref_slice %arg3[%add3A, %dma_start3A, %dma_start3A_9] : memref<32x128x40xi32, #tpu.memory_space<hbm>> -> memref<1x128x40xi32, #tpu.memory_space<hbm>>
      %dma_start3A_11 = tpu.memref_squeeze %dma_start3A_10 : memref<1x128x40xi32, #tpu.memory_space<hbm>> -> memref<128x40xi32, #tpu.memory_space<hbm>>
      %dma_start3A_12 = arith.constant 0 : i32
      %dma_start3A_13 = arith.constant 0 : i32
      %dma_start3A_14 = tpu.memref_slice %arg3[%add3A, %dma_start3A_12, %dma_start3A_13] : memref<32x128x40xi32, #tpu.memory_space<hbm>> -> memref<1x128x40xi32, #tpu.memory_space<hbm>>
      %dma_start3A_15 = tpu.memref_squeeze %dma_start3A_14 : memref<1x128x40xi32, #tpu.memory_space<hbm>> -> memref<128x40xi32, #tpu.memory_space<hbm>>
      tpu.enqueue_dma source(%dma_start3A_15 : memref<128x40xi32, #tpu.memory_space<hbm>>) target(%arg6 : memref<128x40xi32, #tpu.memory_space<vmem>>) target_semaphore(%run_scoped3A : memref<!tpu.dma_semaphore, #tpu.memory_space<semaphore_mem>>)
      %dma_wait3A = arith.constant 0 : i32
      %dma_wait3A_16 = arith.constant 0 : i32
      %dma_wait3A_17 = tpu.memref_slice %arg3[%add3A, %dma_wait3A, %dma_wait3A_16] : memref<32x128x40xi32, #tpu.memory_space<hbm>> -> memref<1x128x40xi32, #tpu.memory_space<hbm>>
      %dma_wait3A_18 = tpu.memref_squeeze %dma_wait3A_17 : memref<1x128x40xi32, #tpu.memory_space<hbm>> -> memref<128x40xi32, #tpu.memory_space<hbm>>
      %dma_wait3A_19 = arith.constant 0 : i32
      %dma_wait3A_20 = arith.constant 0 : i32
      %dma_wait3A_21 = tpu.memref_slice %arg3[%add3A, %dma_wait3A_19, %dma_wait3A_20] : memref<32x128x40xi32, #tpu.memory_space<hbm>> -> memref<1x128x40xi32, #tpu.memory_space<hbm>>
      %dma_wait3A_22 = tpu.memref_squeeze %dma_wait3A_21 : memref<1x128x40xi32, #tpu.memory_space<hbm>> -> memref<128x40xi32, #tpu.memory_space<hbm>>
      tpu.wait_dma2 semaphore(%run_scoped3A : memref<!tpu.dma_semaphore, #tpu.memory_space<semaphore_mem>>) src(%dma_wait3A_22 : memref<128x40xi32, #tpu.memory_space<hbm>>) dst(%arg6 : memref<128x40xi32, #tpu.memory_space<vmem>>)
      tpu.yield
    }) : () -> ()
    %barrier3A = arith.constant 0 : index
    tpu.barrier barrier_id(%barrier3A)
    %scan3A = arith.constant 0 : i32
    %scan3A_3 = arith.constant 0 : i32
    %scan3A_4 = arith.constant 125 : i32
    %scan3A_5 = arith.addi %scan3A_3, %scan3A_4 : i32
    %scan3A_6 = arith.constant 1 : i32
    scf.for %scan3A_9 = %scan3A_3 to %scan3A_5 step %scan3A_6  : i32 {
      %mul3A_10 = arith.constant 5000 : i32
      %mul3A_11 = arith.muli %add3A, %mul3A_10 : i32
      %mul3A_12 = arith.constant 40 : i32
      %mul3A_13 = arith.muli %scan3A_9, %mul3A_12 : i32
      %add3A_14 = arith.addi %mul3A_11, %mul3A_13 : i32
      "tpu.region"() ({
        %run_scoped3A = tpu.sem_alloc : memref<!tpu.dma_semaphore, #tpu.memory_space<semaphore_mem>>
        %dma_start3A = arith.constant 0 : i32
        %dma_start3A_15 = tpu.memref_slice %arg2[%add3A_14, %dma_start3A] : memref<160000x160xf32, #tpu.memory_space<hbm>> -> memref<40x160xf32, #tpu.memory_space<hbm>>
        %dma_start3A_16 = arith.constant 0 : i32
        %dma_start3A_17 = tpu.memref_slice %arg2[%add3A_14, %dma_start3A_16] : memref<160000x160xf32, #tpu.memory_space<hbm>> -> memref<40x160xf32, #tpu.memory_space<hbm>>
        tpu.enqueue_dma source(%dma_start3A_17 : memref<40x160xf32, #tpu.memory_space<hbm>>) target(%arg7 : memref<40x160xf32, #tpu.memory_space<vmem>>) target_semaphore(%run_scoped3A : memref<!tpu.dma_semaphore, #tpu.memory_space<semaphore_mem>>)
        %dma_wait3A = arith.constant 0 : i32
        %dma_wait3A_18 = tpu.memref_slice %arg2[%add3A_14, %dma_wait3A] : memref<160000x160xf32, #tpu.memory_space<hbm>> -> memref<40x160xf32, #tpu.memory_space<hbm>>
        %dma_wait3A_19 = arith.constant 0 : i32
        %dma_wait3A_20 = tpu.memref_slice %arg2[%add3A_14, %dma_wait3A_19] : memref<160000x160xf32, #tpu.memory_space<hbm>> -> memref<40x160xf32, #tpu.memory_space<hbm>>
        tpu.wait_dma2 semaphore(%run_scoped3A : memref<!tpu.dma_semaphore, #tpu.memory_space<semaphore_mem>>) src(%dma_wait3A_20 : memref<40x160xf32, #tpu.memory_space<hbm>>) dst(%arg7 : memref<40x160xf32, #tpu.memory_space<vmem>>)
        tpu.yield
      }) : () -> ()
      "tpu.region"() ({
        %run_scoped3A = tpu.sem_alloc : memref<!tpu.dma_semaphore, #tpu.memory_space<semaphore_mem>>
        %dma_start3A = arith.constant 0 : i32
        %dma_start3A_15 = tpu.memref_slice %arg6[%scan3A_9, %dma_start3A] : memref<128x40xi32, #tpu.memory_space<vmem>> -> memref<1x40xi32, #tpu.memory_space<vmem>>
        %dma_start3A_16 = tpu.memref_squeeze %dma_start3A_15 : memref<1x40xi32, #tpu.memory_space<vmem>> -> memref<40xi32, #tpu.memory_space<vmem>>
        %dma_start3A_17 = arith.constant 0 : i32
        %dma_start3A_18 = arith.constant 0 : i32
        %dma_start3A_19 = tpu.memref_slice %arg8[%dma_start3A_17, %dma_start3A_18] : memref<10240x160xf32, #tpu.memory_space<vmem_shared>> -> memref<10240x160xf32, #tpu.memory_space<vmem_shared>>
        tpu.enqueue_indirect_dma source(%arg7 : memref<40x160xf32, #tpu.memory_space<vmem>>) target(%dma_start3A_19 : memref<10240x160xf32, #tpu.memory_space<vmem_shared>>) offsets(%dma_start3A_16 : memref<40xi32, #tpu.memory_space<vmem>>) semaphore(%run_scoped3A : memref<!tpu.dma_semaphore, #tpu.memory_space<semaphore_mem>>) {add = true}
        %dma_wait3A = arith.constant 0 : i32
        %dma_wait3A_20 = tpu.memref_slice %arg6[%scan3A_9, %dma_wait3A] : memref<128x40xi32, #tpu.memory_space<vmem>> -> memref<1x40xi32, #tpu.memory_space<vmem>>
        %dma_wait3A_21 = tpu.memref_squeeze %dma_wait3A_20 : memref<1x40xi32, #tpu.memory_space<vmem>> -> memref<40xi32, #tpu.memory_space<vmem>>
        %dma_wait3A_22 = arith.constant 0 : i32
        %dma_wait3A_23 = arith.constant 0 : i32
        %dma_wait3A_24 = tpu.memref_slice %arg8[%dma_wait3A_22, %dma_wait3A_23] : memref<10240x160xf32, #tpu.memory_space<vmem_shared>> -> memref<10240x160xf32, #tpu.memory_space<vmem_shared>>
        tpu.wait_indirect_dma semaphore(%run_scoped3A : memref<!tpu.dma_semaphore, #tpu.memory_space<semaphore_mem>>) src(%arg7 : memref<40x160xf32, #tpu.memory_space<vmem>>) dst(%dma_wait3A_24 : memref<10240x160xf32, #tpu.memory_space<vmem_shared>>)
        tpu.yield
      }) : () -> ()
    }
    %scan3A_7 = arith.constant 125 : i32
    %barrier3A_8 = arith.constant 0 : index
    tpu.barrier barrier_id(%barrier3A_8)
    "tpu.region"() ({
      %run_scoped3A = tpu.sem_alloc : memref<!tpu.dma_semaphore, #tpu.memory_space<semaphore_mem>>
      %dma_start3A = arith.constant 0 : i32
      %dma_start3A_9 = tpu.memref_slice %arg5[%arg0, %mul3A_2, %dma_start3A] : memref<2x10240x160xf32, #tpu.memory_space<hbm>> -> memref<1x640x160xf32, #tpu.memory_space<hbm>>
      %dma_start3A_10 = tpu.memref_squeeze %dma_start3A_9 : memref<1x640x160xf32, #tpu.memory_space<hbm>> -> memref<640x160xf32, #tpu.memory_space<hbm>>
      %dma_start3A_11 = arith.constant 0 : i32
      %dma_start3A_12 = tpu.memref_slice %arg8[%mul3A_2, %dma_start3A_11] : memref<10240x160xf32, #tpu.memory_space<vmem_shared>> -> memref<640x160xf32, #tpu.memory_space<vmem_shared>>
      tpu.enqueue_dma source(%dma_start3A_12 : memref<640x160xf32, #tpu.memory_space<vmem_shared>>) target(%dma_start3A_10 : memref<640x160xf32, #tpu.memory_space<hbm>>) target_semaphore(%run_scoped3A : memref<!tpu.dma_semaphore, #tpu.memory_space<semaphore_mem>>)
      %dma_wait3A = arith.constant 0 : i32
      %dma_wait3A_13 = tpu.memref_slice %arg5[%arg0, %mul3A_2, %dma_wait3A] : memref<2x10240x160xf32, #tpu.memory_space<hbm>> -> memref<1x640x160xf32, #tpu.memory_space<hbm>>
      %dma_wait3A_14 = tpu.memref_squeeze %dma_wait3A_13 : memref<1x640x160xf32, #tpu.memory_space<hbm>> -> memref<640x160xf32, #tpu.memory_space<hbm>>
      %dma_wait3A_15 = arith.constant 0 : i32
      %dma_wait3A_16 = tpu.memref_slice %arg8[%mul3A_2, %dma_wait3A_15] : memref<10240x160xf32, #tpu.memory_space<vmem_shared>> -> memref<640x160xf32, #tpu.memory_space<vmem_shared>>
      tpu.wait_dma2 semaphore(%run_scoped3A : memref<!tpu.dma_semaphore, #tpu.memory_space<semaphore_mem>>) src(%dma_wait3A_16 : memref<640x160xf32, #tpu.memory_space<vmem_shared>>) dst(%dma_wait3A_14 : memref<640x160xf32, #tpu.memory_space<hbm>>)
      tpu.yield
    }) : () -> ()
    return
  }
}

#map = affine_map<(d0, d1) -> (0, 0)>
#map1 = affine_map<(d0, d1) -> (0, 0, 0)>
module attributes {stable_mosaic.version = 14 : i64} {
  func.func @gk(%arg0: i32, %arg1: i32, %arg2: memref<10000x160xf32, #tpu.memory_space<hbm>>, %arg3: memref<32x128x40xi32, #tpu.memory_space<hbm>>, %arg4: memref<10000x32xf32, #tpu.memory_space<hbm>>, %arg5: memref<32x128x40xi32, #tpu.memory_space<hbm>>, %arg6: memref<160000x160xf32, #tpu.memory_space<hbm>>, %arg7: memref<160000x32xf32, #tpu.memory_space<hbm>>, %arg8: memref<128x40xi32, #tpu.memory_space<vmem>>, %arg9: memref<128x40xi32, #tpu.memory_space<vmem>>, %arg10: memref<40x160xf32, #tpu.memory_space<vmem>>, %arg11: memref<40x32xf32, #tpu.memory_space<vmem>>, %arg12: memref<!tpu.dma_semaphore, #tpu.memory_space<semaphore_mem>>, %arg13: memref<!tpu.dma_semaphore, #tpu.memory_space<semaphore_mem>>) attributes {dimension_semantics = [#tpu.dimension_semantics<core_parallel>, #tpu.dimension_semantics<subcore_parallel>], iteration_bounds = array<i64: 2, 16>, scalar_prefetch = 0 : i64, scratch_operands = 6 : i64, tpu.core_type = #tpu.core_type<sc_vector_subcore>, window_params = [{transform_indices = #map}, {transform_indices = #map1}, {transform_indices = #map}, {transform_indices = #map1}, {transform_indices = #map}, {transform_indices = #map}]} {
    %mul3A = arith.constant 16 : i32
    %mul3A_0 = arith.muli %arg0, %mul3A : i32
    %add3A = arith.addi %mul3A_0, %arg1 : i32
    "tpu.region"() ({
      %run_scoped3A = tpu.sem_alloc : memref<!tpu.dma_semaphore, #tpu.memory_space<semaphore_mem>>
      %dma_start3A = arith.constant 0 : i32
      %dma_start3A_6 = arith.constant 0 : i32
      %dma_start3A_7 = tpu.memref_slice %arg3[%add3A, %dma_start3A, %dma_start3A_6] : memref<32x128x40xi32, #tpu.memory_space<hbm>> -> memref<1x128x40xi32, #tpu.memory_space<hbm>>
      %dma_start3A_8 = tpu.memref_squeeze %dma_start3A_7 : memref<1x128x40xi32, #tpu.memory_space<hbm>> -> memref<128x40xi32, #tpu.memory_space<hbm>>
      %dma_start3A_9 = arith.constant 0 : i32
      %dma_start3A_10 = arith.constant 0 : i32
      %dma_start3A_11 = tpu.memref_slice %arg3[%add3A, %dma_start3A_9, %dma_start3A_10] : memref<32x128x40xi32, #tpu.memory_space<hbm>> -> memref<1x128x40xi32, #tpu.memory_space<hbm>>
      %dma_start3A_12 = tpu.memref_squeeze %dma_start3A_11 : memref<1x128x40xi32, #tpu.memory_space<hbm>> -> memref<128x40xi32, #tpu.memory_space<hbm>>
      tpu.enqueue_dma source(%dma_start3A_12 : memref<128x40xi32, #tpu.memory_space<hbm>>) target(%arg8 : memref<128x40xi32, #tpu.memory_space<vmem>>) target_semaphore(%run_scoped3A : memref<!tpu.dma_semaphore, #tpu.memory_space<semaphore_mem>>)
      %dma_wait3A = arith.constant 0 : i32
      %dma_wait3A_13 = arith.constant 0 : i32
      %dma_wait3A_14 = tpu.memref_slice %arg3[%add3A, %dma_wait3A, %dma_wait3A_13] : memref<32x128x40xi32, #tpu.memory_space<hbm>> -> memref<1x128x40xi32, #tpu.memory_space<hbm>>
      %dma_wait3A_15 = tpu.memref_squeeze %dma_wait3A_14 : memref<1x128x40xi32, #tpu.memory_space<hbm>> -> memref<128x40xi32, #tpu.memory_space<hbm>>
      %dma_wait3A_16 = arith.constant 0 : i32
      %dma_wait3A_17 = arith.constant 0 : i32
      %dma_wait3A_18 = tpu.memref_slice %arg3[%add3A, %dma_wait3A_16, %dma_wait3A_17] : memref<32x128x40xi32, #tpu.memory_space<hbm>> -> memref<1x128x40xi32, #tpu.memory_space<hbm>>
      %dma_wait3A_19 = tpu.memref_squeeze %dma_wait3A_18 : memref<1x128x40xi32, #tpu.memory_space<hbm>> -> memref<128x40xi32, #tpu.memory_space<hbm>>
      tpu.wait_dma2 semaphore(%run_scoped3A : memref<!tpu.dma_semaphore, #tpu.memory_space<semaphore_mem>>) src(%dma_wait3A_19 : memref<128x40xi32, #tpu.memory_space<hbm>>) dst(%arg8 : memref<128x40xi32, #tpu.memory_space<vmem>>)
      tpu.yield
    }) : () -> ()
    "tpu.region"() ({
      %run_scoped3A = tpu.sem_alloc : memref<!tpu.dma_semaphore, #tpu.memory_space<semaphore_mem>>
      %dma_start3A = arith.constant 0 : i32
      %dma_start3A_6 = arith.constant 0 : i32
      %dma_start3A_7 = tpu.memref_slice %arg5[%add3A, %dma_start3A, %dma_start3A_6] : memref<32x128x40xi32, #tpu.memory_space<hbm>> -> memref<1x128x40xi32, #tpu.memory_space<hbm>>
      %dma_start3A_8 = tpu.memref_squeeze %dma_start3A_7 : memref<1x128x40xi32, #tpu.memory_space<hbm>> -> memref<128x40xi32, #tpu.memory_space<hbm>>
      %dma_start3A_9 = arith.constant 0 : i32
      %dma_start3A_10 = arith.constant 0 : i32
      %dma_start3A_11 = tpu.memref_slice %arg5[%add3A, %dma_start3A_9, %dma_start3A_10] : memref<32x128x40xi32, #tpu.memory_space<hbm>> -> memref<1x128x40xi32, #tpu.memory_space<hbm>>
      %dma_start3A_12 = tpu.memref_squeeze %dma_start3A_11 : memref<1x128x40xi32, #tpu.memory_space<hbm>> -> memref<128x40xi32, #tpu.memory_space<hbm>>
      tpu.enqueue_dma source(%dma_start3A_12 : memref<128x40xi32, #tpu.memory_space<hbm>>) target(%arg9 : memref<128x40xi32, #tpu.memory_space<vmem>>) target_semaphore(%run_scoped3A : memref<!tpu.dma_semaphore, #tpu.memory_space<semaphore_mem>>)
      %dma_wait3A = arith.constant 0 : i32
      %dma_wait3A_13 = arith.constant 0 : i32
      %dma_wait3A_14 = tpu.memref_slice %arg5[%add3A, %dma_wait3A, %dma_wait3A_13] : memref<32x128x40xi32, #tpu.memory_space<hbm>> -> memref<1x128x40xi32, #tpu.memory_space<hbm>>
      %dma_wait3A_15 = tpu.memref_squeeze %dma_wait3A_14 : memref<1x128x40xi32, #tpu.memory_space<hbm>> -> memref<128x40xi32, #tpu.memory_space<hbm>>
      %dma_wait3A_16 = arith.constant 0 : i32
      %dma_wait3A_17 = arith.constant 0 : i32
      %dma_wait3A_18 = tpu.memref_slice %arg5[%add3A, %dma_wait3A_16, %dma_wait3A_17] : memref<32x128x40xi32, #tpu.memory_space<hbm>> -> memref<1x128x40xi32, #tpu.memory_space<hbm>>
      %dma_wait3A_19 = tpu.memref_squeeze %dma_wait3A_18 : memref<1x128x40xi32, #tpu.memory_space<hbm>> -> memref<128x40xi32, #tpu.memory_space<hbm>>
      tpu.wait_dma2 semaphore(%run_scoped3A : memref<!tpu.dma_semaphore, #tpu.memory_space<semaphore_mem>>) src(%dma_wait3A_19 : memref<128x40xi32, #tpu.memory_space<hbm>>) dst(%arg9 : memref<128x40xi32, #tpu.memory_space<vmem>>)
      tpu.yield
    }) : () -> ()
    %scan3A = arith.constant 0 : i32
    %scan3A_1 = arith.constant 0 : i32
    %scan3A_2 = arith.constant 125 : i32
    %scan3A_3 = arith.addi %scan3A_1, %scan3A_2 : i32
    %scan3A_4 = arith.constant 1 : i32
    scf.for %scan3A_6 = %scan3A_1 to %scan3A_3 step %scan3A_4  : i32 {
      %mul3A_7 = arith.constant 5000 : i32
      %mul3A_8 = arith.muli %add3A, %mul3A_7 : i32
      %mul3A_9 = arith.constant 40 : i32
      %mul3A_10 = arith.muli %scan3A_6, %mul3A_9 : i32
      %add3A_11 = arith.addi %mul3A_8, %mul3A_10 : i32
      %dma_start3A = arith.constant 0 : i32
      %dma_start3A_12 = tpu.memref_slice %arg8[%scan3A_6, %dma_start3A] : memref<128x40xi32, #tpu.memory_space<vmem>> -> memref<1x40xi32, #tpu.memory_space<vmem>>
      %dma_start3A_13 = tpu.memref_squeeze %dma_start3A_12 : memref<1x40xi32, #tpu.memory_space<vmem>> -> memref<40xi32, #tpu.memory_space<vmem>>
      %dma_start3A_14 = arith.constant 0 : i32
      %dma_start3A_15 = arith.constant 0 : i32
      %dma_start3A_16 = tpu.memref_slice %arg2[%dma_start3A_14, %dma_start3A_15] : memref<10000x160xf32, #tpu.memory_space<hbm>> -> memref<10000x160xf32, #tpu.memory_space<hbm>>
      tpu.enqueue_indirect_dma source(%dma_start3A_16 : memref<10000x160xf32, #tpu.memory_space<hbm>>) target(%arg10 : memref<40x160xf32, #tpu.memory_space<vmem>>) offsets(%dma_start3A_13 : memref<40xi32, #tpu.memory_space<vmem>>) semaphore(%arg12 : memref<!tpu.dma_semaphore, #tpu.memory_space<semaphore_mem>>)
      %dma_start3A_17 = arith.constant 0 : i32
      %dma_start3A_18 = tpu.memref_slice %arg9[%scan3A_6, %dma_start3A_17] : memref<128x40xi32, #tpu.memory_space<vmem>> -> memref<1x40xi32, #tpu.memory_space<vmem>>
      %dma_start3A_19 = tpu.memref_squeeze %dma_start3A_18 : memref<1x40xi32, #tpu.memory_space<vmem>> -> memref<40xi32, #tpu.memory_space<vmem>>
      %dma_start3A_20 = arith.constant 0 : i32
      %dma_start3A_21 = arith.constant 0 : i32
      %dma_start3A_22 = tpu.memref_slice %arg4[%dma_start3A_20, %dma_start3A_21] : memref<10000x32xf32, #tpu.memory_space<hbm>> -> memref<10000x32xf32, #tpu.memory_space<hbm>>
      tpu.enqueue_indirect_dma source(%dma_start3A_22 : memref<10000x32xf32, #tpu.memory_space<hbm>>) target(%arg11 : memref<40x32xf32, #tpu.memory_space<vmem>>) offsets(%dma_start3A_19 : memref<40xi32, #tpu.memory_space<vmem>>) semaphore(%arg13 : memref<!tpu.dma_semaphore, #tpu.memory_space<semaphore_mem>>)
      %dma_wait3A = arith.constant 0 : i32
      %dma_wait3A_23 = tpu.memref_slice %arg8[%scan3A_6, %dma_wait3A] : memref<128x40xi32, #tpu.memory_space<vmem>> -> memref<1x40xi32, #tpu.memory_space<vmem>>
      %dma_wait3A_24 = tpu.memref_squeeze %dma_wait3A_23 : memref<1x40xi32, #tpu.memory_space<vmem>> -> memref<40xi32, #tpu.memory_space<vmem>>
      %dma_wait3A_25 = arith.constant 0 : i32
      %dma_wait3A_26 = arith.constant 0 : i32
      %dma_wait3A_27 = tpu.memref_slice %arg2[%dma_wait3A_25, %dma_wait3A_26] : memref<10000x160xf32, #tpu.memory_space<hbm>> -> memref<10000x160xf32, #tpu.memory_space<hbm>>
      tpu.wait_indirect_dma semaphore(%arg12 : memref<!tpu.dma_semaphore, #tpu.memory_space<semaphore_mem>>) src(%dma_wait3A_27 : memref<10000x160xf32, #tpu.memory_space<hbm>>) dst(%arg10 : memref<40x160xf32, #tpu.memory_space<vmem>>)
      "tpu.region"() ({
        %run_scoped3A = tpu.sem_alloc : memref<!tpu.dma_semaphore, #tpu.memory_space<semaphore_mem>>
        %dma_start3A_34 = arith.constant 0 : i32
        %dma_start3A_35 = tpu.memref_slice %arg6[%add3A_11, %dma_start3A_34] : memref<160000x160xf32, #tpu.memory_space<hbm>> -> memref<40x160xf32, #tpu.memory_space<hbm>>
        %dma_start3A_36 = arith.constant 0 : i32
        %dma_start3A_37 = tpu.memref_slice %arg6[%add3A_11, %dma_start3A_36] : memref<160000x160xf32, #tpu.memory_space<hbm>> -> memref<40x160xf32, #tpu.memory_space<hbm>>
        tpu.enqueue_dma source(%arg10 : memref<40x160xf32, #tpu.memory_space<vmem>>) target(%dma_start3A_37 : memref<40x160xf32, #tpu.memory_space<hbm>>) target_semaphore(%run_scoped3A : memref<!tpu.dma_semaphore, #tpu.memory_space<semaphore_mem>>)
        %dma_wait3A_38 = arith.constant 0 : i32
        %dma_wait3A_39 = tpu.memref_slice %arg6[%add3A_11, %dma_wait3A_38] : memref<160000x160xf32, #tpu.memory_space<hbm>> -> memref<40x160xf32, #tpu.memory_space<hbm>>
        %dma_wait3A_40 = arith.constant 0 : i32
        %dma_wait3A_41 = tpu.memref_slice %arg6[%add3A_11, %dma_wait3A_40] : memref<160000x160xf32, #tpu.memory_space<hbm>> -> memref<40x160xf32, #tpu.memory_space<hbm>>
        tpu.wait_dma2 semaphore(%run_scoped3A : memref<!tpu.dma_semaphore, #tpu.memory_space<semaphore_mem>>) src(%arg10 : memref<40x160xf32, #tpu.memory_space<vmem>>) dst(%dma_wait3A_41 : memref<40x160xf32, #tpu.memory_space<hbm>>)
        tpu.yield
      }) : () -> ()
      %dma_wait3A_28 = arith.constant 0 : i32
      %dma_wait3A_29 = tpu.memref_slice %arg9[%scan3A_6, %dma_wait3A_28] : memref<128x40xi32, #tpu.memory_space<vmem>> -> memref<1x40xi32, #tpu.memory_space<vmem>>
      %dma_wait3A_30 = tpu.memref_squeeze %dma_wait3A_29 : memref<1x40xi32, #tpu.memory_space<vmem>> -> memref<40xi32, #tpu.memory_space<vmem>>
      %dma_wait3A_31 = arith.constant 0 : i32
      %dma_wait3A_32 = arith.constant 0 : i32
      %dma_wait3A_33 = tpu.memref_slice %arg4[%dma_wait3A_31, %dma_wait3A_32] : memref<10000x32xf32, #tpu.memory_space<hbm>> -> memref<10000x32xf32, #tpu.memory_space<hbm>>
      tpu.wait_indirect_dma semaphore(%arg13 : memref<!tpu.dma_semaphore, #tpu.memory_space<semaphore_mem>>) src(%dma_wait3A_33 : memref<10000x32xf32, #tpu.memory_space<hbm>>) dst(%arg11 : memref<40x32xf32, #tpu.memory_space<vmem>>)
      "tpu.region"() ({
        %run_scoped3A = tpu.sem_alloc : memref<!tpu.dma_semaphore, #tpu.memory_space<semaphore_mem>>
        %dma_start3A_34 = arith.constant 0 : i32
        %dma_start3A_35 = tpu.memref_slice %arg7[%add3A_11, %dma_start3A_34] : memref<160000x32xf32, #tpu.memory_space<hbm>> -> memref<40x32xf32, #tpu.memory_space<hbm>>
        %dma_start3A_36 = arith.constant 0 : i32
        %dma_start3A_37 = tpu.memref_slice %arg7[%add3A_11, %dma_start3A_36] : memref<160000x32xf32, #tpu.memory_space<hbm>> -> memref<40x32xf32, #tpu.memory_space<hbm>>
        tpu.enqueue_dma source(%arg11 : memref<40x32xf32, #tpu.memory_space<vmem>>) target(%dma_start3A_37 : memref<40x32xf32, #tpu.memory_space<hbm>>) target_semaphore(%run_scoped3A : memref<!tpu.dma_semaphore, #tpu.memory_space<semaphore_mem>>)
        %dma_wait3A_38 = arith.constant 0 : i32
        %dma_wait3A_39 = tpu.memref_slice %arg7[%add3A_11, %dma_wait3A_38] : memref<160000x32xf32, #tpu.memory_space<hbm>> -> memref<40x32xf32, #tpu.memory_space<hbm>>
        %dma_wait3A_40 = arith.constant 0 : i32
        %dma_wait3A_41 = tpu.memref_slice %arg7[%add3A_11, %dma_wait3A_40] : memref<160000x32xf32, #tpu.memory_space<hbm>> -> memref<40x32xf32, #tpu.memory_space<hbm>>
        tpu.wait_dma2 semaphore(%run_scoped3A : memref<!tpu.dma_semaphore, #tpu.memory_space<semaphore_mem>>) src(%arg11 : memref<40x32xf32, #tpu.memory_space<vmem>>) dst(%dma_wait3A_41 : memref<40x32xf32, #tpu.memory_space<hbm>>)
        tpu.yield
      }) : () -> ()
    }
    %scan3A_5 = arith.constant 125 : i32
    return
  }
}

#map = affine_map<(d0, d1) -> (0, 0)>
#map1 = affine_map<(d0, d1) -> (0, 0, 0)>
module attributes {stable_mosaic.version = 14 : i64} {
  func.func @sk(%arg0: i32, %arg1: i32, %arg2: memref<160000x192xf32, #tpu.memory_space<hbm>>, %arg3: memref<32x128x40xi32, #tpu.memory_space<hbm>>, %arg4: memref<10240x96xf32, #tpu.memory_space<hbm>>, %arg5: memref<2x10240x96xf32, #tpu.memory_space<hbm>>, %arg6: memref<128x40xi32, #tpu.memory_space<vmem>>, %arg7: memref<40x96xf32, #tpu.memory_space<vmem>>, %arg8: memref<10240x96xf32, #tpu.memory_space<vmem_shared>>) attributes {dimension_semantics = [#tpu.dimension_semantics<core_parallel>, #tpu.dimension_semantics<subcore_parallel>], iteration_bounds = array<i64: 2, 16>, scalar_prefetch = 0 : i64, scratch_operands = 3 : i64, tpu.core_type = #tpu.core_type<sc_vector_subcore>, window_params = [{transform_indices = #map}, {transform_indices = #map1}, {transform_indices = #map}, {transform_indices = #map1}]} {
    %mul3A = arith.constant 16 : i32
    %mul3A_0 = arith.muli %arg0, %mul3A : i32
    %add3A = arith.addi %mul3A_0, %arg1 : i32
    %mul3A_1 = arith.constant 640 : i32
    %mul3A_2 = arith.muli %arg1, %mul3A_1 : i32
    "tpu.region"() ({
      %run_scoped3A = tpu.sem_alloc : memref<!tpu.dma_semaphore, #tpu.memory_space<semaphore_mem>>
      %dma_start3A = arith.constant 0 : i32
      %dma_start3A_9 = tpu.memref_slice %arg8[%mul3A_2, %dma_start3A] : memref<10240x96xf32, #tpu.memory_space<vmem_shared>> -> memref<640x96xf32, #tpu.memory_space<vmem_shared>>
      %dma_start3A_10 = arith.constant 0 : i32
      %dma_start3A_11 = tpu.memref_slice %arg4[%mul3A_2, %dma_start3A_10] : memref<10240x96xf32, #tpu.memory_space<hbm>> -> memref<640x96xf32, #tpu.memory_space<hbm>>
      tpu.enqueue_dma source(%dma_start3A_11 : memref<640x96xf32, #tpu.memory_space<hbm>>) target(%dma_start3A_9 : memref<640x96xf32, #tpu.memory_space<vmem_shared>>) target_semaphore(%run_scoped3A : memref<!tpu.dma_semaphore, #tpu.memory_space<semaphore_mem>>)
      %dma_wait3A = arith.constant 0 : i32
      %dma_wait3A_12 = tpu.memref_slice %arg8[%mul3A_2, %dma_wait3A] : memref<10240x96xf32, #tpu.memory_space<vmem_shared>> -> memref<640x96xf32, #tpu.memory_space<vmem_shared>>
      %dma_wait3A_13 = arith.constant 0 : i32
      %dma_wait3A_14 = tpu.memref_slice %arg4[%mul3A_2, %dma_wait3A_13] : memref<10240x96xf32, #tpu.memory_space<hbm>> -> memref<640x96xf32, #tpu.memory_space<hbm>>
      tpu.wait_dma2 semaphore(%run_scoped3A : memref<!tpu.dma_semaphore, #tpu.memory_space<semaphore_mem>>) src(%dma_wait3A_14 : memref<640x96xf32, #tpu.memory_space<hbm>>) dst(%dma_wait3A_12 : memref<640x96xf32, #tpu.memory_space<vmem_shared>>)
      tpu.yield
    }) : () -> ()
    "tpu.region"() ({
      %run_scoped3A = tpu.sem_alloc : memref<!tpu.dma_semaphore, #tpu.memory_space<semaphore_mem>>
      %dma_start3A = arith.constant 0 : i32
      %dma_start3A_9 = arith.constant 0 : i32
      %dma_start3A_10 = tpu.memref_slice %arg3[%add3A, %dma_start3A, %dma_start3A_9] : memref<32x128x40xi32, #tpu.memory_space<hbm>> -> memref<1x128x40xi32, #tpu.memory_space<hbm>>
      %dma_start3A_11 = tpu.memref_squeeze %dma_start3A_10 : memref<1x128x40xi32, #tpu.memory_space<hbm>> -> memref<128x40xi32, #tpu.memory_space<hbm>>
      %dma_start3A_12 = arith.constant 0 : i32
      %dma_start3A_13 = arith.constant 0 : i32
      %dma_start3A_14 = tpu.memref_slice %arg3[%add3A, %dma_start3A_12, %dma_start3A_13] : memref<32x128x40xi32, #tpu.memory_space<hbm>> -> memref<1x128x40xi32, #tpu.memory_space<hbm>>
      %dma_start3A_15 = tpu.memref_squeeze %dma_start3A_14 : memref<1x128x40xi32, #tpu.memory_space<hbm>> -> memref<128x40xi32, #tpu.memory_space<hbm>>
      tpu.enqueue_dma source(%dma_start3A_15 : memref<128x40xi32, #tpu.memory_space<hbm>>) target(%arg6 : memref<128x40xi32, #tpu.memory_space<vmem>>) target_semaphore(%run_scoped3A : memref<!tpu.dma_semaphore, #tpu.memory_space<semaphore_mem>>)
      %dma_wait3A = arith.constant 0 : i32
      %dma_wait3A_16 = arith.constant 0 : i32
      %dma_wait3A_17 = tpu.memref_slice %arg3[%add3A, %dma_wait3A, %dma_wait3A_16] : memref<32x128x40xi32, #tpu.memory_space<hbm>> -> memref<1x128x40xi32, #tpu.memory_space<hbm>>
      %dma_wait3A_18 = tpu.memref_squeeze %dma_wait3A_17 : memref<1x128x40xi32, #tpu.memory_space<hbm>> -> memref<128x40xi32, #tpu.memory_space<hbm>>
      %dma_wait3A_19 = arith.constant 0 : i32
      %dma_wait3A_20 = arith.constant 0 : i32
      %dma_wait3A_21 = tpu.memref_slice %arg3[%add3A, %dma_wait3A_19, %dma_wait3A_20] : memref<32x128x40xi32, #tpu.memory_space<hbm>> -> memref<1x128x40xi32, #tpu.memory_space<hbm>>
      %dma_wait3A_22 = tpu.memref_squeeze %dma_wait3A_21 : memref<1x128x40xi32, #tpu.memory_space<hbm>> -> memref<128x40xi32, #tpu.memory_space<hbm>>
      tpu.wait_dma2 semaphore(%run_scoped3A : memref<!tpu.dma_semaphore, #tpu.memory_space<semaphore_mem>>) src(%dma_wait3A_22 : memref<128x40xi32, #tpu.memory_space<hbm>>) dst(%arg6 : memref<128x40xi32, #tpu.memory_space<vmem>>)
      tpu.yield
    }) : () -> ()
    %barrier3A = arith.constant 0 : index
    tpu.barrier barrier_id(%barrier3A)
    %scan3A = arith.constant 0 : i32
    %scan3A_3 = arith.constant 0 : i32
    %scan3A_4 = arith.constant 125 : i32
    %scan3A_5 = arith.addi %scan3A_3, %scan3A_4 : i32
    %scan3A_6 = arith.constant 1 : i32
    scf.for %scan3A_9 = %scan3A_3 to %scan3A_5 step %scan3A_6  : i32 {
      %mul3A_10 = arith.constant 5000 : i32
      %mul3A_11 = arith.muli %add3A, %mul3A_10 : i32
      %mul3A_12 = arith.constant 40 : i32
      %mul3A_13 = arith.muli %scan3A_9, %mul3A_12 : i32
      %add3A_14 = arith.addi %mul3A_11, %mul3A_13 : i32
      "tpu.region"() ({
        %run_scoped3A = tpu.sem_alloc : memref<!tpu.dma_semaphore, #tpu.memory_space<semaphore_mem>>
        %dma_start3A = arith.constant 0 : i32
        %dma_start3A_15 = tpu.memref_slice %arg2[%add3A_14, %dma_start3A] : memref<160000x192xf32, #tpu.memory_space<hbm>> -> memref<40x96xf32, #tpu.memory_space<hbm>>
        %dma_start3A_16 = arith.constant 0 : i32
        %dma_start3A_17 = tpu.memref_slice %arg2[%add3A_14, %dma_start3A_16] : memref<160000x192xf32, #tpu.memory_space<hbm>> -> memref<40x96xf32, #tpu.memory_space<hbm>>
        tpu.enqueue_dma source(%dma_start3A_17 : memref<40x96xf32, #tpu.memory_space<hbm>>) target(%arg7 : memref<40x96xf32, #tpu.memory_space<vmem>>) target_semaphore(%run_scoped3A : memref<!tpu.dma_semaphore, #tpu.memory_space<semaphore_mem>>)
        %dma_wait3A = arith.constant 0 : i32
        %dma_wait3A_18 = tpu.memref_slice %arg2[%add3A_14, %dma_wait3A] : memref<160000x192xf32, #tpu.memory_space<hbm>> -> memref<40x96xf32, #tpu.memory_space<hbm>>
        %dma_wait3A_19 = arith.constant 0 : i32
        %dma_wait3A_20 = tpu.memref_slice %arg2[%add3A_14, %dma_wait3A_19] : memref<160000x192xf32, #tpu.memory_space<hbm>> -> memref<40x96xf32, #tpu.memory_space<hbm>>
        tpu.wait_dma2 semaphore(%run_scoped3A : memref<!tpu.dma_semaphore, #tpu.memory_space<semaphore_mem>>) src(%dma_wait3A_20 : memref<40x96xf32, #tpu.memory_space<hbm>>) dst(%arg7 : memref<40x96xf32, #tpu.memory_space<vmem>>)
        tpu.yield
      }) : () -> ()
      "tpu.region"() ({
        %run_scoped3A = tpu.sem_alloc : memref<!tpu.dma_semaphore, #tpu.memory_space<semaphore_mem>>
        %dma_start3A = arith.constant 0 : i32
        %dma_start3A_15 = tpu.memref_slice %arg6[%scan3A_9, %dma_start3A] : memref<128x40xi32, #tpu.memory_space<vmem>> -> memref<1x40xi32, #tpu.memory_space<vmem>>
        %dma_start3A_16 = tpu.memref_squeeze %dma_start3A_15 : memref<1x40xi32, #tpu.memory_space<vmem>> -> memref<40xi32, #tpu.memory_space<vmem>>
        %dma_start3A_17 = arith.constant 0 : i32
        %dma_start3A_18 = arith.constant 0 : i32
        %dma_start3A_19 = tpu.memref_slice %arg8[%dma_start3A_17, %dma_start3A_18] : memref<10240x96xf32, #tpu.memory_space<vmem_shared>> -> memref<10240x96xf32, #tpu.memory_space<vmem_shared>>
        tpu.enqueue_indirect_dma source(%arg7 : memref<40x96xf32, #tpu.memory_space<vmem>>) target(%dma_start3A_19 : memref<10240x96xf32, #tpu.memory_space<vmem_shared>>) offsets(%dma_start3A_16 : memref<40xi32, #tpu.memory_space<vmem>>) semaphore(%run_scoped3A : memref<!tpu.dma_semaphore, #tpu.memory_space<semaphore_mem>>) {add = true}
        %dma_wait3A = arith.constant 0 : i32
        %dma_wait3A_20 = tpu.memref_slice %arg6[%scan3A_9, %dma_wait3A] : memref<128x40xi32, #tpu.memory_space<vmem>> -> memref<1x40xi32, #tpu.memory_space<vmem>>
        %dma_wait3A_21 = tpu.memref_squeeze %dma_wait3A_20 : memref<1x40xi32, #tpu.memory_space<vmem>> -> memref<40xi32, #tpu.memory_space<vmem>>
        %dma_wait3A_22 = arith.constant 0 : i32
        %dma_wait3A_23 = arith.constant 0 : i32
        %dma_wait3A_24 = tpu.memref_slice %arg8[%dma_wait3A_22, %dma_wait3A_23] : memref<10240x96xf32, #tpu.memory_space<vmem_shared>> -> memref<10240x96xf32, #tpu.memory_space<vmem_shared>>
        tpu.wait_indirect_dma semaphore(%run_scoped3A : memref<!tpu.dma_semaphore, #tpu.memory_space<semaphore_mem>>) src(%arg7 : memref<40x96xf32, #tpu.memory_space<vmem>>) dst(%dma_wait3A_24 : memref<10240x96xf32, #tpu.memory_space<vmem_shared>>)
        tpu.yield
      }) : () -> ()
    }
    %scan3A_7 = arith.constant 125 : i32
    %barrier3A_8 = arith.constant 0 : index
    tpu.barrier barrier_id(%barrier3A_8)
    "tpu.region"() ({
      %run_scoped3A = tpu.sem_alloc : memref<!tpu.dma_semaphore, #tpu.memory_space<semaphore_mem>>
      %dma_start3A = arith.constant 0 : i32
      %dma_start3A_9 = tpu.memref_slice %arg5[%arg0, %mul3A_2, %dma_start3A] : memref<2x10240x96xf32, #tpu.memory_space<hbm>> -> memref<1x640x96xf32, #tpu.memory_space<hbm>>
      %dma_start3A_10 = tpu.memref_squeeze %dma_start3A_9 : memref<1x640x96xf32, #tpu.memory_space<hbm>> -> memref<640x96xf32, #tpu.memory_space<hbm>>
      %dma_start3A_11 = arith.constant 0 : i32
      %dma_start3A_12 = tpu.memref_slice %arg8[%mul3A_2, %dma_start3A_11] : memref<10240x96xf32, #tpu.memory_space<vmem_shared>> -> memref<640x96xf32, #tpu.memory_space<vmem_shared>>
      tpu.enqueue_dma source(%dma_start3A_12 : memref<640x96xf32, #tpu.memory_space<vmem_shared>>) target(%dma_start3A_10 : memref<640x96xf32, #tpu.memory_space<hbm>>) target_semaphore(%run_scoped3A : memref<!tpu.dma_semaphore, #tpu.memory_space<semaphore_mem>>)
      %dma_wait3A = arith.constant 0 : i32
      %dma_wait3A_13 = tpu.memref_slice %arg5[%arg0, %mul3A_2, %dma_wait3A] : memref<2x10240x96xf32, #tpu.memory_space<hbm>> -> memref<1x640x96xf32, #tpu.memory_space<hbm>>
      %dma_wait3A_14 = tpu.memref_squeeze %dma_wait3A_13 : memref<1x640x96xf32, #tpu.memory_space<hbm>> -> memref<640x96xf32, #tpu.memory_space<hbm>>
      %dma_wait3A_15 = arith.constant 0 : i32
      %dma_wait3A_16 = tpu.memref_slice %arg8[%mul3A_2, %dma_wait3A_15] : memref<10240x96xf32, #tpu.memory_space<vmem_shared>> -> memref<640x96xf32, #tpu.memory_space<vmem_shared>>
      tpu.wait_dma2 semaphore(%run_scoped3A : memref<!tpu.dma_semaphore, #tpu.memory_space<semaphore_mem>>) src(%dma_wait3A_16 : memref<640x96xf32, #tpu.memory_space<vmem_shared>>) dst(%dma_wait3A_14 : memref<640x96xf32, #tpu.memory_space<hbm>>)
      tpu.yield
    }) : () -> ()
    return
  }
}

#map = affine_map<(d0, d1) -> (0, 0)>
#map1 = affine_map<(d0, d1) -> (0, 0, 0)>
module attributes {stable_mosaic.version = 14 : i64} {
  func.func @gk(%arg0: i32, %arg1: i32, %arg2: memref<10000x192xf32, #tpu.memory_space<hbm>>, %arg3: memref<32x128x40xi32, #tpu.memory_space<hbm>>, %arg4: memref<10000x32xf32, #tpu.memory_space<hbm>>, %arg5: memref<32x128x40xi32, #tpu.memory_space<hbm>>, %arg6: memref<160000x192xf32, #tpu.memory_space<hbm>>, %arg7: memref<160000x32xf32, #tpu.memory_space<hbm>>, %arg8: memref<128x40xi32, #tpu.memory_space<vmem>>, %arg9: memref<128x40xi32, #tpu.memory_space<vmem>>, %arg10: memref<40x192xf32, #tpu.memory_space<vmem>>, %arg11: memref<40x32xf32, #tpu.memory_space<vmem>>, %arg12: memref<!tpu.dma_semaphore, #tpu.memory_space<semaphore_mem>>, %arg13: memref<!tpu.dma_semaphore, #tpu.memory_space<semaphore_mem>>) attributes {dimension_semantics = [#tpu.dimension_semantics<core_parallel>, #tpu.dimension_semantics<subcore_parallel>], iteration_bounds = array<i64: 2, 16>, scalar_prefetch = 0 : i64, scratch_operands = 6 : i64, tpu.core_type = #tpu.core_type<sc_vector_subcore>, window_params = [{transform_indices = #map}, {transform_indices = #map1}, {transform_indices = #map}, {transform_indices = #map1}, {transform_indices = #map}, {transform_indices = #map}]} {
    %mul3A = arith.constant 16 : i32
    %mul3A_0 = arith.muli %arg0, %mul3A : i32
    %add3A = arith.addi %mul3A_0, %arg1 : i32
    "tpu.region"() ({
      %run_scoped3A = tpu.sem_alloc : memref<!tpu.dma_semaphore, #tpu.memory_space<semaphore_mem>>
      %dma_start3A = arith.constant 0 : i32
      %dma_start3A_6 = arith.constant 0 : i32
      %dma_start3A_7 = tpu.memref_slice %arg3[%add3A, %dma_start3A, %dma_start3A_6] : memref<32x128x40xi32, #tpu.memory_space<hbm>> -> memref<1x128x40xi32, #tpu.memory_space<hbm>>
      %dma_start3A_8 = tpu.memref_squeeze %dma_start3A_7 : memref<1x128x40xi32, #tpu.memory_space<hbm>> -> memref<128x40xi32, #tpu.memory_space<hbm>>
      %dma_start3A_9 = arith.constant 0 : i32
      %dma_start3A_10 = arith.constant 0 : i32
      %dma_start3A_11 = tpu.memref_slice %arg3[%add3A, %dma_start3A_9, %dma_start3A_10] : memref<32x128x40xi32, #tpu.memory_space<hbm>> -> memref<1x128x40xi32, #tpu.memory_space<hbm>>
      %dma_start3A_12 = tpu.memref_squeeze %dma_start3A_11 : memref<1x128x40xi32, #tpu.memory_space<hbm>> -> memref<128x40xi32, #tpu.memory_space<hbm>>
      tpu.enqueue_dma source(%dma_start3A_12 : memref<128x40xi32, #tpu.memory_space<hbm>>) target(%arg8 : memref<128x40xi32, #tpu.memory_space<vmem>>) target_semaphore(%run_scoped3A : memref<!tpu.dma_semaphore, #tpu.memory_space<semaphore_mem>>)
      %dma_wait3A = arith.constant 0 : i32
      %dma_wait3A_13 = arith.constant 0 : i32
      %dma_wait3A_14 = tpu.memref_slice %arg3[%add3A, %dma_wait3A, %dma_wait3A_13] : memref<32x128x40xi32, #tpu.memory_space<hbm>> -> memref<1x128x40xi32, #tpu.memory_space<hbm>>
      %dma_wait3A_15 = tpu.memref_squeeze %dma_wait3A_14 : memref<1x128x40xi32, #tpu.memory_space<hbm>> -> memref<128x40xi32, #tpu.memory_space<hbm>>
      %dma_wait3A_16 = arith.constant 0 : i32
      %dma_wait3A_17 = arith.constant 0 : i32
      %dma_wait3A_18 = tpu.memref_slice %arg3[%add3A, %dma_wait3A_16, %dma_wait3A_17] : memref<32x128x40xi32, #tpu.memory_space<hbm>> -> memref<1x128x40xi32, #tpu.memory_space<hbm>>
      %dma_wait3A_19 = tpu.memref_squeeze %dma_wait3A_18 : memref<1x128x40xi32, #tpu.memory_space<hbm>> -> memref<128x40xi32, #tpu.memory_space<hbm>>
      tpu.wait_dma2 semaphore(%run_scoped3A : memref<!tpu.dma_semaphore, #tpu.memory_space<semaphore_mem>>) src(%dma_wait3A_19 : memref<128x40xi32, #tpu.memory_space<hbm>>) dst(%arg8 : memref<128x40xi32, #tpu.memory_space<vmem>>)
      tpu.yield
    }) : () -> ()
    "tpu.region"() ({
      %run_scoped3A = tpu.sem_alloc : memref<!tpu.dma_semaphore, #tpu.memory_space<semaphore_mem>>
      %dma_start3A = arith.constant 0 : i32
      %dma_start3A_6 = arith.constant 0 : i32
      %dma_start3A_7 = tpu.memref_slice %arg5[%add3A, %dma_start3A, %dma_start3A_6] : memref<32x128x40xi32, #tpu.memory_space<hbm>> -> memref<1x128x40xi32, #tpu.memory_space<hbm>>
      %dma_start3A_8 = tpu.memref_squeeze %dma_start3A_7 : memref<1x128x40xi32, #tpu.memory_space<hbm>> -> memref<128x40xi32, #tpu.memory_space<hbm>>
      %dma_start3A_9 = arith.constant 0 : i32
      %dma_start3A_10 = arith.constant 0 : i32
      %dma_start3A_11 = tpu.memref_slice %arg5[%add3A, %dma_start3A_9, %dma_start3A_10] : memref<32x128x40xi32, #tpu.memory_space<hbm>> -> memref<1x128x40xi32, #tpu.memory_space<hbm>>
      %dma_start3A_12 = tpu.memref_squeeze %dma_start3A_11 : memref<1x128x40xi32, #tpu.memory_space<hbm>> -> memref<128x40xi32, #tpu.memory_space<hbm>>
      tpu.enqueue_dma source(%dma_start3A_12 : memref<128x40xi32, #tpu.memory_space<hbm>>) target(%arg9 : memref<128x40xi32, #tpu.memory_space<vmem>>) target_semaphore(%run_scoped3A : memref<!tpu.dma_semaphore, #tpu.memory_space<semaphore_mem>>)
      %dma_wait3A = arith.constant 0 : i32
      %dma_wait3A_13 = arith.constant 0 : i32
      %dma_wait3A_14 = tpu.memref_slice %arg5[%add3A, %dma_wait3A, %dma_wait3A_13] : memref<32x128x40xi32, #tpu.memory_space<hbm>> -> memref<1x128x40xi32, #tpu.memory_space<hbm>>
      %dma_wait3A_15 = tpu.memref_squeeze %dma_wait3A_14 : memref<1x128x40xi32, #tpu.memory_space<hbm>> -> memref<128x40xi32, #tpu.memory_space<hbm>>
      %dma_wait3A_16 = arith.constant 0 : i32
      %dma_wait3A_17 = arith.constant 0 : i32
      %dma_wait3A_18 = tpu.memref_slice %arg5[%add3A, %dma_wait3A_16, %dma_wait3A_17] : memref<32x128x40xi32, #tpu.memory_space<hbm>> -> memref<1x128x40xi32, #tpu.memory_space<hbm>>
      %dma_wait3A_19 = tpu.memref_squeeze %dma_wait3A_18 : memref<1x128x40xi32, #tpu.memory_space<hbm>> -> memref<128x40xi32, #tpu.memory_space<hbm>>
      tpu.wait_dma2 semaphore(%run_scoped3A : memref<!tpu.dma_semaphore, #tpu.memory_space<semaphore_mem>>) src(%dma_wait3A_19 : memref<128x40xi32, #tpu.memory_space<hbm>>) dst(%arg9 : memref<128x40xi32, #tpu.memory_space<vmem>>)
      tpu.yield
    }) : () -> ()
    %scan3A = arith.constant 0 : i32
    %scan3A_1 = arith.constant 0 : i32
    %scan3A_2 = arith.constant 125 : i32
    %scan3A_3 = arith.addi %scan3A_1, %scan3A_2 : i32
    %scan3A_4 = arith.constant 1 : i32
    scf.for %scan3A_6 = %scan3A_1 to %scan3A_3 step %scan3A_4  : i32 {
      %mul3A_7 = arith.constant 5000 : i32
      %mul3A_8 = arith.muli %add3A, %mul3A_7 : i32
      %mul3A_9 = arith.constant 40 : i32
      %mul3A_10 = arith.muli %scan3A_6, %mul3A_9 : i32
      %add3A_11 = arith.addi %mul3A_8, %mul3A_10 : i32
      %dma_start3A = arith.constant 0 : i32
      %dma_start3A_12 = tpu.memref_slice %arg8[%scan3A_6, %dma_start3A] : memref<128x40xi32, #tpu.memory_space<vmem>> -> memref<1x40xi32, #tpu.memory_space<vmem>>
      %dma_start3A_13 = tpu.memref_squeeze %dma_start3A_12 : memref<1x40xi32, #tpu.memory_space<vmem>> -> memref<40xi32, #tpu.memory_space<vmem>>
      %dma_start3A_14 = arith.constant 0 : i32
      %dma_start3A_15 = arith.constant 0 : i32
      %dma_start3A_16 = tpu.memref_slice %arg2[%dma_start3A_14, %dma_start3A_15] : memref<10000x192xf32, #tpu.memory_space<hbm>> -> memref<10000x192xf32, #tpu.memory_space<hbm>>
      tpu.enqueue_indirect_dma source(%dma_start3A_16 : memref<10000x192xf32, #tpu.memory_space<hbm>>) target(%arg10 : memref<40x192xf32, #tpu.memory_space<vmem>>) offsets(%dma_start3A_13 : memref<40xi32, #tpu.memory_space<vmem>>) semaphore(%arg12 : memref<!tpu.dma_semaphore, #tpu.memory_space<semaphore_mem>>)
      %dma_start3A_17 = arith.constant 0 : i32
      %dma_start3A_18 = tpu.memref_slice %arg9[%scan3A_6, %dma_start3A_17] : memref<128x40xi32, #tpu.memory_space<vmem>> -> memref<1x40xi32, #tpu.memory_space<vmem>>
      %dma_start3A_19 = tpu.memref_squeeze %dma_start3A_18 : memref<1x40xi32, #tpu.memory_space<vmem>> -> memref<40xi32, #tpu.memory_space<vmem>>
      %dma_start3A_20 = arith.constant 0 : i32
      %dma_start3A_21 = arith.constant 0 : i32
      %dma_start3A_22 = tpu.memref_slice %arg4[%dma_start3A_20, %dma_start3A_21] : memref<10000x32xf32, #tpu.memory_space<hbm>> -> memref<10000x32xf32, #tpu.memory_space<hbm>>
      tpu.enqueue_indirect_dma source(%dma_start3A_22 : memref<10000x32xf32, #tpu.memory_space<hbm>>) target(%arg11 : memref<40x32xf32, #tpu.memory_space<vmem>>) offsets(%dma_start3A_19 : memref<40xi32, #tpu.memory_space<vmem>>) semaphore(%arg13 : memref<!tpu.dma_semaphore, #tpu.memory_space<semaphore_mem>>)
      %dma_wait3A = arith.constant 0 : i32
      %dma_wait3A_23 = tpu.memref_slice %arg8[%scan3A_6, %dma_wait3A] : memref<128x40xi32, #tpu.memory_space<vmem>> -> memref<1x40xi32, #tpu.memory_space<vmem>>
      %dma_wait3A_24 = tpu.memref_squeeze %dma_wait3A_23 : memref<1x40xi32, #tpu.memory_space<vmem>> -> memref<40xi32, #tpu.memory_space<vmem>>
      %dma_wait3A_25 = arith.constant 0 : i32
      %dma_wait3A_26 = arith.constant 0 : i32
      %dma_wait3A_27 = tpu.memref_slice %arg2[%dma_wait3A_25, %dma_wait3A_26] : memref<10000x192xf32, #tpu.memory_space<hbm>> -> memref<10000x192xf32, #tpu.memory_space<hbm>>
      tpu.wait_indirect_dma semaphore(%arg12 : memref<!tpu.dma_semaphore, #tpu.memory_space<semaphore_mem>>) src(%dma_wait3A_27 : memref<10000x192xf32, #tpu.memory_space<hbm>>) dst(%arg10 : memref<40x192xf32, #tpu.memory_space<vmem>>)
      "tpu.region"() ({
        %run_scoped3A = tpu.sem_alloc : memref<!tpu.dma_semaphore, #tpu.memory_space<semaphore_mem>>
        %dma_start3A_34 = arith.constant 0 : i32
        %dma_start3A_35 = tpu.memref_slice %arg6[%add3A_11, %dma_start3A_34] : memref<160000x192xf32, #tpu.memory_space<hbm>> -> memref<40x192xf32, #tpu.memory_space<hbm>>
        %dma_start3A_36 = arith.constant 0 : i32
        %dma_start3A_37 = tpu.memref_slice %arg6[%add3A_11, %dma_start3A_36] : memref<160000x192xf32, #tpu.memory_space<hbm>> -> memref<40x192xf32, #tpu.memory_space<hbm>>
        tpu.enqueue_dma source(%arg10 : memref<40x192xf32, #tpu.memory_space<vmem>>) target(%dma_start3A_37 : memref<40x192xf32, #tpu.memory_space<hbm>>) target_semaphore(%run_scoped3A : memref<!tpu.dma_semaphore, #tpu.memory_space<semaphore_mem>>)
        %dma_wait3A_38 = arith.constant 0 : i32
        %dma_wait3A_39 = tpu.memref_slice %arg6[%add3A_11, %dma_wait3A_38] : memref<160000x192xf32, #tpu.memory_space<hbm>> -> memref<40x192xf32, #tpu.memory_space<hbm>>
        %dma_wait3A_40 = arith.constant 0 : i32
        %dma_wait3A_41 = tpu.memref_slice %arg6[%add3A_11, %dma_wait3A_40] : memref<160000x192xf32, #tpu.memory_space<hbm>> -> memref<40x192xf32, #tpu.memory_space<hbm>>
        tpu.wait_dma2 semaphore(%run_scoped3A : memref<!tpu.dma_semaphore, #tpu.memory_space<semaphore_mem>>) src(%arg10 : memref<40x192xf32, #tpu.memory_space<vmem>>) dst(%dma_wait3A_41 : memref<40x192xf32, #tpu.memory_space<hbm>>)
        tpu.yield
      }) : () -> ()
      %dma_wait3A_28 = arith.constant 0 : i32
      %dma_wait3A_29 = tpu.memref_slice %arg9[%scan3A_6, %dma_wait3A_28] : memref<128x40xi32, #tpu.memory_space<vmem>> -> memref<1x40xi32, #tpu.memory_space<vmem>>
      %dma_wait3A_30 = tpu.memref_squeeze %dma_wait3A_29 : memref<1x40xi32, #tpu.memory_space<vmem>> -> memref<40xi32, #tpu.memory_space<vmem>>
      %dma_wait3A_31 = arith.constant 0 : i32
      %dma_wait3A_32 = arith.constant 0 : i32
      %dma_wait3A_33 = tpu.memref_slice %arg4[%dma_wait3A_31, %dma_wait3A_32] : memref<10000x32xf32, #tpu.memory_space<hbm>> -> memref<10000x32xf32, #tpu.memory_space<hbm>>
      tpu.wait_indirect_dma semaphore(%arg13 : memref<!tpu.dma_semaphore, #tpu.memory_space<semaphore_mem>>) src(%dma_wait3A_33 : memref<10000x32xf32, #tpu.memory_space<hbm>>) dst(%arg11 : memref<40x32xf32, #tpu.memory_space<vmem>>)
      "tpu.region"() ({
        %run_scoped3A = tpu.sem_alloc : memref<!tpu.dma_semaphore, #tpu.memory_space<semaphore_mem>>
        %dma_start3A_34 = arith.constant 0 : i32
        %dma_start3A_35 = tpu.memref_slice %arg7[%add3A_11, %dma_start3A_34] : memref<160000x32xf32, #tpu.memory_space<hbm>> -> memref<40x32xf32, #tpu.memory_space<hbm>>
        %dma_start3A_36 = arith.constant 0 : i32
        %dma_start3A_37 = tpu.memref_slice %arg7[%add3A_11, %dma_start3A_36] : memref<160000x32xf32, #tpu.memory_space<hbm>> -> memref<40x32xf32, #tpu.memory_space<hbm>>
        tpu.enqueue_dma source(%arg11 : memref<40x32xf32, #tpu.memory_space<vmem>>) target(%dma_start3A_37 : memref<40x32xf32, #tpu.memory_space<hbm>>) target_semaphore(%run_scoped3A : memref<!tpu.dma_semaphore, #tpu.memory_space<semaphore_mem>>)
        %dma_wait3A_38 = arith.constant 0 : i32
        %dma_wait3A_39 = tpu.memref_slice %arg7[%add3A_11, %dma_wait3A_38] : memref<160000x32xf32, #tpu.memory_space<hbm>> -> memref<40x32xf32, #tpu.memory_space<hbm>>
        %dma_wait3A_40 = arith.constant 0 : i32
        %dma_wait3A_41 = tpu.memref_slice %arg7[%add3A_11, %dma_wait3A_40] : memref<160000x32xf32, #tpu.memory_space<hbm>> -> memref<40x32xf32, #tpu.memory_space<hbm>>
        tpu.wait_dma2 semaphore(%run_scoped3A : memref<!tpu.dma_semaphore, #tpu.memory_space<semaphore_mem>>) src(%arg11 : memref<40x32xf32, #tpu.memory_space<vmem>>) dst(%dma_wait3A_41 : memref<40x32xf32, #tpu.memory_space<hbm>>)
        tpu.yield
      }) : () -> ()
    }
    %scan3A_5 = arith.constant 125 : i32
    return
  }
}

#map = affine_map<(d0, d1) -> (0, 0)>
#map1 = affine_map<(d0, d1) -> (0, 0, 0)>
module attributes {stable_mosaic.version = 14 : i64} {
  func.func @sk(%arg0: i32, %arg1: i32, %arg2: memref<160000x192xf32, #tpu.memory_space<hbm>>, %arg3: memref<32x128x40xi32, #tpu.memory_space<hbm>>, %arg4: memref<10240x96xf32, #tpu.memory_space<hbm>>, %arg5: memref<2x10240x96xf32, #tpu.memory_space<hbm>>, %arg6: memref<128x40xi32, #tpu.memory_space<vmem>>, %arg7: memref<40x96xf32, #tpu.memory_space<vmem>>, %arg8: memref<10240x96xf32, #tpu.memory_space<vmem_shared>>) attributes {dimension_semantics = [#tpu.dimension_semantics<core_parallel>, #tpu.dimension_semantics<subcore_parallel>], iteration_bounds = array<i64: 2, 16>, scalar_prefetch = 0 : i64, scratch_operands = 3 : i64, tpu.core_type = #tpu.core_type<sc_vector_subcore>, window_params = [{transform_indices = #map}, {transform_indices = #map1}, {transform_indices = #map}, {transform_indices = #map1}]} {
    %mul3A = arith.constant 16 : i32
    %mul3A_0 = arith.muli %arg0, %mul3A : i32
    %add3A = arith.addi %mul3A_0, %arg1 : i32
    %mul3A_1 = arith.constant 640 : i32
    %mul3A_2 = arith.muli %arg1, %mul3A_1 : i32
    "tpu.region"() ({
      %run_scoped3A = tpu.sem_alloc : memref<!tpu.dma_semaphore, #tpu.memory_space<semaphore_mem>>
      %dma_start3A = arith.constant 0 : i32
      %dma_start3A_9 = tpu.memref_slice %arg8[%mul3A_2, %dma_start3A] : memref<10240x96xf32, #tpu.memory_space<vmem_shared>> -> memref<640x96xf32, #tpu.memory_space<vmem_shared>>
      %dma_start3A_10 = arith.constant 0 : i32
      %dma_start3A_11 = tpu.memref_slice %arg4[%mul3A_2, %dma_start3A_10] : memref<10240x96xf32, #tpu.memory_space<hbm>> -> memref<640x96xf32, #tpu.memory_space<hbm>>
      tpu.enqueue_dma source(%dma_start3A_11 : memref<640x96xf32, #tpu.memory_space<hbm>>) target(%dma_start3A_9 : memref<640x96xf32, #tpu.memory_space<vmem_shared>>) target_semaphore(%run_scoped3A : memref<!tpu.dma_semaphore, #tpu.memory_space<semaphore_mem>>)
      %dma_wait3A = arith.constant 0 : i32
      %dma_wait3A_12 = tpu.memref_slice %arg8[%mul3A_2, %dma_wait3A] : memref<10240x96xf32, #tpu.memory_space<vmem_shared>> -> memref<640x96xf32, #tpu.memory_space<vmem_shared>>
      %dma_wait3A_13 = arith.constant 0 : i32
      %dma_wait3A_14 = tpu.memref_slice %arg4[%mul3A_2, %dma_wait3A_13] : memref<10240x96xf32, #tpu.memory_space<hbm>> -> memref<640x96xf32, #tpu.memory_space<hbm>>
      tpu.wait_dma2 semaphore(%run_scoped3A : memref<!tpu.dma_semaphore, #tpu.memory_space<semaphore_mem>>) src(%dma_wait3A_14 : memref<640x96xf32, #tpu.memory_space<hbm>>) dst(%dma_wait3A_12 : memref<640x96xf32, #tpu.memory_space<vmem_shared>>)
      tpu.yield
    }) : () -> ()
    "tpu.region"() ({
      %run_scoped3A = tpu.sem_alloc : memref<!tpu.dma_semaphore, #tpu.memory_space<semaphore_mem>>
      %dma_start3A = arith.constant 0 : i32
      %dma_start3A_9 = arith.constant 0 : i32
      %dma_start3A_10 = tpu.memref_slice %arg3[%add3A, %dma_start3A, %dma_start3A_9] : memref<32x128x40xi32, #tpu.memory_space<hbm>> -> memref<1x128x40xi32, #tpu.memory_space<hbm>>
      %dma_start3A_11 = tpu.memref_squeeze %dma_start3A_10 : memref<1x128x40xi32, #tpu.memory_space<hbm>> -> memref<128x40xi32, #tpu.memory_space<hbm>>
      %dma_start3A_12 = arith.constant 0 : i32
      %dma_start3A_13 = arith.constant 0 : i32
      %dma_start3A_14 = tpu.memref_slice %arg3[%add3A, %dma_start3A_12, %dma_start3A_13] : memref<32x128x40xi32, #tpu.memory_space<hbm>> -> memref<1x128x40xi32, #tpu.memory_space<hbm>>
      %dma_start3A_15 = tpu.memref_squeeze %dma_start3A_14 : memref<1x128x40xi32, #tpu.memory_space<hbm>> -> memref<128x40xi32, #tpu.memory_space<hbm>>
      tpu.enqueue_dma source(%dma_start3A_15 : memref<128x40xi32, #tpu.memory_space<hbm>>) target(%arg6 : memref<128x40xi32, #tpu.memory_space<vmem>>) target_semaphore(%run_scoped3A : memref<!tpu.dma_semaphore, #tpu.memory_space<semaphore_mem>>)
      %dma_wait3A = arith.constant 0 : i32
      %dma_wait3A_16 = arith.constant 0 : i32
      %dma_wait3A_17 = tpu.memref_slice %arg3[%add3A, %dma_wait3A, %dma_wait3A_16] : memref<32x128x40xi32, #tpu.memory_space<hbm>> -> memref<1x128x40xi32, #tpu.memory_space<hbm>>
      %dma_wait3A_18 = tpu.memref_squeeze %dma_wait3A_17 : memref<1x128x40xi32, #tpu.memory_space<hbm>> -> memref<128x40xi32, #tpu.memory_space<hbm>>
      %dma_wait3A_19 = arith.constant 0 : i32
      %dma_wait3A_20 = arith.constant 0 : i32
      %dma_wait3A_21 = tpu.memref_slice %arg3[%add3A, %dma_wait3A_19, %dma_wait3A_20] : memref<32x128x40xi32, #tpu.memory_space<hbm>> -> memref<1x128x40xi32, #tpu.memory_space<hbm>>
      %dma_wait3A_22 = tpu.memref_squeeze %dma_wait3A_21 : memref<1x128x40xi32, #tpu.memory_space<hbm>> -> memref<128x40xi32, #tpu.memory_space<hbm>>
      tpu.wait_dma2 semaphore(%run_scoped3A : memref<!tpu.dma_semaphore, #tpu.memory_space<semaphore_mem>>) src(%dma_wait3A_22 : memref<128x40xi32, #tpu.memory_space<hbm>>) dst(%arg6 : memref<128x40xi32, #tpu.memory_space<vmem>>)
      tpu.yield
    }) : () -> ()
    %barrier3A = arith.constant 0 : index
    tpu.barrier barrier_id(%barrier3A)
    %scan3A = arith.constant 0 : i32
    %scan3A_3 = arith.constant 0 : i32
    %scan3A_4 = arith.constant 125 : i32
    %scan3A_5 = arith.addi %scan3A_3, %scan3A_4 : i32
    %scan3A_6 = arith.constant 1 : i32
    scf.for %scan3A_9 = %scan3A_3 to %scan3A_5 step %scan3A_6  : i32 {
      %mul3A_10 = arith.constant 5000 : i32
      %mul3A_11 = arith.muli %add3A, %mul3A_10 : i32
      %mul3A_12 = arith.constant 40 : i32
      %mul3A_13 = arith.muli %scan3A_9, %mul3A_12 : i32
      %add3A_14 = arith.addi %mul3A_11, %mul3A_13 : i32
      "tpu.region"() ({
        %run_scoped3A = tpu.sem_alloc : memref<!tpu.dma_semaphore, #tpu.memory_space<semaphore_mem>>
        %dma_start3A = arith.constant 0 : i32
        %dma_start3A_15 = tpu.memref_slice %arg2[%add3A_14, %dma_start3A] : memref<160000x192xf32, #tpu.memory_space<hbm>> -> memref<40x96xf32, #tpu.memory_space<hbm>>
        %dma_start3A_16 = arith.constant 0 : i32
        %dma_start3A_17 = tpu.memref_slice %arg2[%add3A_14, %dma_start3A_16] : memref<160000x192xf32, #tpu.memory_space<hbm>> -> memref<40x96xf32, #tpu.memory_space<hbm>>
        tpu.enqueue_dma source(%dma_start3A_17 : memref<40x96xf32, #tpu.memory_space<hbm>>) target(%arg7 : memref<40x96xf32, #tpu.memory_space<vmem>>) target_semaphore(%run_scoped3A : memref<!tpu.dma_semaphore, #tpu.memory_space<semaphore_mem>>)
        %dma_wait3A = arith.constant 0 : i32
        %dma_wait3A_18 = tpu.memref_slice %arg2[%add3A_14, %dma_wait3A] : memref<160000x192xf32, #tpu.memory_space<hbm>> -> memref<40x96xf32, #tpu.memory_space<hbm>>
        %dma_wait3A_19 = arith.constant 0 : i32
        %dma_wait3A_20 = tpu.memref_slice %arg2[%add3A_14, %dma_wait3A_19] : memref<160000x192xf32, #tpu.memory_space<hbm>> -> memref<40x96xf32, #tpu.memory_space<hbm>>
        tpu.wait_dma2 semaphore(%run_scoped3A : memref<!tpu.dma_semaphore, #tpu.memory_space<semaphore_mem>>) src(%dma_wait3A_20 : memref<40x96xf32, #tpu.memory_space<hbm>>) dst(%arg7 : memref<40x96xf32, #tpu.memory_space<vmem>>)
        tpu.yield
      }) : () -> ()
      "tpu.region"() ({
        %run_scoped3A = tpu.sem_alloc : memref<!tpu.dma_semaphore, #tpu.memory_space<semaphore_mem>>
        %dma_start3A = arith.constant 0 : i32
        %dma_start3A_15 = tpu.memref_slice %arg6[%scan3A_9, %dma_start3A] : memref<128x40xi32, #tpu.memory_space<vmem>> -> memref<1x40xi32, #tpu.memory_space<vmem>>
        %dma_start3A_16 = tpu.memref_squeeze %dma_start3A_15 : memref<1x40xi32, #tpu.memory_space<vmem>> -> memref<40xi32, #tpu.memory_space<vmem>>
        %dma_start3A_17 = arith.constant 0 : i32
        %dma_start3A_18 = arith.constant 0 : i32
        %dma_start3A_19 = tpu.memref_slice %arg8[%dma_start3A_17, %dma_start3A_18] : memref<10240x96xf32, #tpu.memory_space<vmem_shared>> -> memref<10240x96xf32, #tpu.memory_space<vmem_shared>>
        tpu.enqueue_indirect_dma source(%arg7 : memref<40x96xf32, #tpu.memory_space<vmem>>) target(%dma_start3A_19 : memref<10240x96xf32, #tpu.memory_space<vmem_shared>>) offsets(%dma_start3A_16 : memref<40xi32, #tpu.memory_space<vmem>>) semaphore(%run_scoped3A : memref<!tpu.dma_semaphore, #tpu.memory_space<semaphore_mem>>) {add = true}
        %dma_wait3A = arith.constant 0 : i32
        %dma_wait3A_20 = tpu.memref_slice %arg6[%scan3A_9, %dma_wait3A] : memref<128x40xi32, #tpu.memory_space<vmem>> -> memref<1x40xi32, #tpu.memory_space<vmem>>
        %dma_wait3A_21 = tpu.memref_squeeze %dma_wait3A_20 : memref<1x40xi32, #tpu.memory_space<vmem>> -> memref<40xi32, #tpu.memory_space<vmem>>
        %dma_wait3A_22 = arith.constant 0 : i32
        %dma_wait3A_23 = arith.constant 0 : i32
        %dma_wait3A_24 = tpu.memref_slice %arg8[%dma_wait3A_22, %dma_wait3A_23] : memref<10240x96xf32, #tpu.memory_space<vmem_shared>> -> memref<10240x96xf32, #tpu.memory_space<vmem_shared>>
        tpu.wait_indirect_dma semaphore(%run_scoped3A : memref<!tpu.dma_semaphore, #tpu.memory_space<semaphore_mem>>) src(%arg7 : memref<40x96xf32, #tpu.memory_space<vmem>>) dst(%dma_wait3A_24 : memref<10240x96xf32, #tpu.memory_space<vmem_shared>>)
        tpu.yield
      }) : () -> ()
    }
    %scan3A_7 = arith.constant 125 : i32
    %barrier3A_8 = arith.constant 0 : index
    tpu.barrier barrier_id(%barrier3A_8)
    "tpu.region"() ({
      %run_scoped3A = tpu.sem_alloc : memref<!tpu.dma_semaphore, #tpu.memory_space<semaphore_mem>>
      %dma_start3A = arith.constant 0 : i32
      %dma_start3A_9 = tpu.memref_slice %arg5[%arg0, %mul3A_2, %dma_start3A] : memref<2x10240x96xf32, #tpu.memory_space<hbm>> -> memref<1x640x96xf32, #tpu.memory_space<hbm>>
      %dma_start3A_10 = tpu.memref_squeeze %dma_start3A_9 : memref<1x640x96xf32, #tpu.memory_space<hbm>> -> memref<640x96xf32, #tpu.memory_space<hbm>>
      %dma_start3A_11 = arith.constant 0 : i32
      %dma_start3A_12 = tpu.memref_slice %arg8[%mul3A_2, %dma_start3A_11] : memref<10240x96xf32, #tpu.memory_space<vmem_shared>> -> memref<640x96xf32, #tpu.memory_space<vmem_shared>>
      tpu.enqueue_dma source(%dma_start3A_12 : memref<640x96xf32, #tpu.memory_space<vmem_shared>>) target(%dma_start3A_10 : memref<640x96xf32, #tpu.memory_space<hbm>>) target_semaphore(%run_scoped3A : memref<!tpu.dma_semaphore, #tpu.memory_space<semaphore_mem>>)
      %dma_wait3A = arith.constant 0 : i32
      %dma_wait3A_13 = tpu.memref_slice %arg5[%arg0, %mul3A_2, %dma_wait3A] : memref<2x10240x96xf32, #tpu.memory_space<hbm>> -> memref<1x640x96xf32, #tpu.memory_space<hbm>>
      %dma_wait3A_14 = tpu.memref_squeeze %dma_wait3A_13 : memref<1x640x96xf32, #tpu.memory_space<hbm>> -> memref<640x96xf32, #tpu.memory_space<hbm>>
      %dma_wait3A_15 = arith.constant 0 : i32
      %dma_wait3A_16 = tpu.memref_slice %arg8[%mul3A_2, %dma_wait3A_15] : memref<10240x96xf32, #tpu.memory_space<vmem_shared>> -> memref<640x96xf32, #tpu.memory_space<vmem_shared>>
      tpu.wait_dma2 semaphore(%run_scoped3A : memref<!tpu.dma_semaphore, #tpu.memory_space<semaphore_mem>>) src(%dma_wait3A_16 : memref<640x96xf32, #tpu.memory_space<vmem_shared>>) dst(%dma_wait3A_14 : memref<640x96xf32, #tpu.memory_space<hbm>>)
      tpu.yield
    }) : () -> ()
    return
  }
}

#map = affine_map<(d0, d1) -> (0, 0)>
#map1 = affine_map<(d0, d1) -> (0, 0, 0)>
module attributes {stable_mosaic.version = 14 : i64} {
  func.func @sk(%arg0: i32, %arg1: i32, %arg2: memref<160000x192xf32, #tpu.memory_space<hbm>>, %arg3: memref<32x128x40xi32, #tpu.memory_space<hbm>>, %arg4: memref<10240x96xf32, #tpu.memory_space<hbm>>, %arg5: memref<2x10240x96xf32, #tpu.memory_space<hbm>>, %arg6: memref<128x40xi32, #tpu.memory_space<vmem>>, %arg7: memref<40x96xf32, #tpu.memory_space<vmem>>, %arg8: memref<10240x96xf32, #tpu.memory_space<vmem_shared>>) attributes {dimension_semantics = [#tpu.dimension_semantics<core_parallel>, #tpu.dimension_semantics<subcore_parallel>], iteration_bounds = array<i64: 2, 16>, scalar_prefetch = 0 : i64, scratch_operands = 3 : i64, tpu.core_type = #tpu.core_type<sc_vector_subcore>, window_params = [{transform_indices = #map}, {transform_indices = #map1}, {transform_indices = #map}, {transform_indices = #map1}]} {
    %mul3A = arith.constant 16 : i32
    %mul3A_0 = arith.muli %arg0, %mul3A : i32
    %add3A = arith.addi %mul3A_0, %arg1 : i32
    %mul3A_1 = arith.constant 640 : i32
    %mul3A_2 = arith.muli %arg1, %mul3A_1 : i32
    "tpu.region"() ({
      %run_scoped3A = tpu.sem_alloc : memref<!tpu.dma_semaphore, #tpu.memory_space<semaphore_mem>>
      %dma_start3A = arith.constant 0 : i32
      %dma_start3A_9 = tpu.memref_slice %arg8[%mul3A_2, %dma_start3A] : memref<10240x96xf32, #tpu.memory_space<vmem_shared>> -> memref<640x96xf32, #tpu.memory_space<vmem_shared>>
      %dma_start3A_10 = arith.constant 0 : i32
      %dma_start3A_11 = tpu.memref_slice %arg4[%mul3A_2, %dma_start3A_10] : memref<10240x96xf32, #tpu.memory_space<hbm>> -> memref<640x96xf32, #tpu.memory_space<hbm>>
      tpu.enqueue_dma source(%dma_start3A_11 : memref<640x96xf32, #tpu.memory_space<hbm>>) target(%dma_start3A_9 : memref<640x96xf32, #tpu.memory_space<vmem_shared>>) target_semaphore(%run_scoped3A : memref<!tpu.dma_semaphore, #tpu.memory_space<semaphore_mem>>)
      %dma_wait3A = arith.constant 0 : i32
      %dma_wait3A_12 = tpu.memref_slice %arg8[%mul3A_2, %dma_wait3A] : memref<10240x96xf32, #tpu.memory_space<vmem_shared>> -> memref<640x96xf32, #tpu.memory_space<vmem_shared>>
      %dma_wait3A_13 = arith.constant 0 : i32
      %dma_wait3A_14 = tpu.memref_slice %arg4[%mul3A_2, %dma_wait3A_13] : memref<10240x96xf32, #tpu.memory_space<hbm>> -> memref<640x96xf32, #tpu.memory_space<hbm>>
      tpu.wait_dma2 semaphore(%run_scoped3A : memref<!tpu.dma_semaphore, #tpu.memory_space<semaphore_mem>>) src(%dma_wait3A_14 : memref<640x96xf32, #tpu.memory_space<hbm>>) dst(%dma_wait3A_12 : memref<640x96xf32, #tpu.memory_space<vmem_shared>>)
      tpu.yield
    }) : () -> ()
    "tpu.region"() ({
      %run_scoped3A = tpu.sem_alloc : memref<!tpu.dma_semaphore, #tpu.memory_space<semaphore_mem>>
      %dma_start3A = arith.constant 0 : i32
      %dma_start3A_9 = arith.constant 0 : i32
      %dma_start3A_10 = tpu.memref_slice %arg3[%add3A, %dma_start3A, %dma_start3A_9] : memref<32x128x40xi32, #tpu.memory_space<hbm>> -> memref<1x128x40xi32, #tpu.memory_space<hbm>>
      %dma_start3A_11 = tpu.memref_squeeze %dma_start3A_10 : memref<1x128x40xi32, #tpu.memory_space<hbm>> -> memref<128x40xi32, #tpu.memory_space<hbm>>
      %dma_start3A_12 = arith.constant 0 : i32
      %dma_start3A_13 = arith.constant 0 : i32
      %dma_start3A_14 = tpu.memref_slice %arg3[%add3A, %dma_start3A_12, %dma_start3A_13] : memref<32x128x40xi32, #tpu.memory_space<hbm>> -> memref<1x128x40xi32, #tpu.memory_space<hbm>>
      %dma_start3A_15 = tpu.memref_squeeze %dma_start3A_14 : memref<1x128x40xi32, #tpu.memory_space<hbm>> -> memref<128x40xi32, #tpu.memory_space<hbm>>
      tpu.enqueue_dma source(%dma_start3A_15 : memref<128x40xi32, #tpu.memory_space<hbm>>) target(%arg6 : memref<128x40xi32, #tpu.memory_space<vmem>>) target_semaphore(%run_scoped3A : memref<!tpu.dma_semaphore, #tpu.memory_space<semaphore_mem>>)
      %dma_wait3A = arith.constant 0 : i32
      %dma_wait3A_16 = arith.constant 0 : i32
      %dma_wait3A_17 = tpu.memref_slice %arg3[%add3A, %dma_wait3A, %dma_wait3A_16] : memref<32x128x40xi32, #tpu.memory_space<hbm>> -> memref<1x128x40xi32, #tpu.memory_space<hbm>>
      %dma_wait3A_18 = tpu.memref_squeeze %dma_wait3A_17 : memref<1x128x40xi32, #tpu.memory_space<hbm>> -> memref<128x40xi32, #tpu.memory_space<hbm>>
      %dma_wait3A_19 = arith.constant 0 : i32
      %dma_wait3A_20 = arith.constant 0 : i32
      %dma_wait3A_21 = tpu.memref_slice %arg3[%add3A, %dma_wait3A_19, %dma_wait3A_20] : memref<32x128x40xi32, #tpu.memory_space<hbm>> -> memref<1x128x40xi32, #tpu.memory_space<hbm>>
      %dma_wait3A_22 = tpu.memref_squeeze %dma_wait3A_21 : memref<1x128x40xi32, #tpu.memory_space<hbm>> -> memref<128x40xi32, #tpu.memory_space<hbm>>
      tpu.wait_dma2 semaphore(%run_scoped3A : memref<!tpu.dma_semaphore, #tpu.memory_space<semaphore_mem>>) src(%dma_wait3A_22 : memref<128x40xi32, #tpu.memory_space<hbm>>) dst(%arg6 : memref<128x40xi32, #tpu.memory_space<vmem>>)
      tpu.yield
    }) : () -> ()
    %barrier3A = arith.constant 0 : index
    tpu.barrier barrier_id(%barrier3A)
    %scan3A = arith.constant 0 : i32
    %scan3A_3 = arith.constant 0 : i32
    %scan3A_4 = arith.constant 125 : i32
    %scan3A_5 = arith.addi %scan3A_3, %scan3A_4 : i32
    %scan3A_6 = arith.constant 1 : i32
    scf.for %scan3A_9 = %scan3A_3 to %scan3A_5 step %scan3A_6  : i32 {
      %mul3A_10 = arith.constant 5000 : i32
      %mul3A_11 = arith.muli %add3A, %mul3A_10 : i32
      %mul3A_12 = arith.constant 40 : i32
      %mul3A_13 = arith.muli %scan3A_9, %mul3A_12 : i32
      %add3A_14 = arith.addi %mul3A_11, %mul3A_13 : i32
      "tpu.region"() ({
        %run_scoped3A = tpu.sem_alloc : memref<!tpu.dma_semaphore, #tpu.memory_space<semaphore_mem>>
        %dma_start3A = arith.constant 96 : i32
        %dma_start3A_15 = tpu.memref_slice %arg2[%add3A_14, %dma_start3A] : memref<160000x192xf32, #tpu.memory_space<hbm>> -> memref<40x96xf32, #tpu.memory_space<hbm>>
        %dma_start3A_16 = arith.constant 96 : i32
        %dma_start3A_17 = tpu.memref_slice %arg2[%add3A_14, %dma_start3A_16] : memref<160000x192xf32, #tpu.memory_space<hbm>> -> memref<40x96xf32, #tpu.memory_space<hbm>>
        tpu.enqueue_dma source(%dma_start3A_17 : memref<40x96xf32, #tpu.memory_space<hbm>>) target(%arg7 : memref<40x96xf32, #tpu.memory_space<vmem>>) target_semaphore(%run_scoped3A : memref<!tpu.dma_semaphore, #tpu.memory_space<semaphore_mem>>)
        %dma_wait3A = arith.constant 96 : i32
        %dma_wait3A_18 = tpu.memref_slice %arg2[%add3A_14, %dma_wait3A] : memref<160000x192xf32, #tpu.memory_space<hbm>> -> memref<40x96xf32, #tpu.memory_space<hbm>>
        %dma_wait3A_19 = arith.constant 96 : i32
        %dma_wait3A_20 = tpu.memref_slice %arg2[%add3A_14, %dma_wait3A_19] : memref<160000x192xf32, #tpu.memory_space<hbm>> -> memref<40x96xf32, #tpu.memory_space<hbm>>
        tpu.wait_dma2 semaphore(%run_scoped3A : memref<!tpu.dma_semaphore, #tpu.memory_space<semaphore_mem>>) src(%dma_wait3A_20 : memref<40x96xf32, #tpu.memory_space<hbm>>) dst(%arg7 : memref<40x96xf32, #tpu.memory_space<vmem>>)
        tpu.yield
      }) : () -> ()
      "tpu.region"() ({
        %run_scoped3A = tpu.sem_alloc : memref<!tpu.dma_semaphore, #tpu.memory_space<semaphore_mem>>
        %dma_start3A = arith.constant 0 : i32
        %dma_start3A_15 = tpu.memref_slice %arg6[%scan3A_9, %dma_start3A] : memref<128x40xi32, #tpu.memory_space<vmem>> -> memref<1x40xi32, #tpu.memory_space<vmem>>
        %dma_start3A_16 = tpu.memref_squeeze %dma_start3A_15 : memref<1x40xi32, #tpu.memory_space<vmem>> -> memref<40xi32, #tpu.memory_space<vmem>>
        %dma_start3A_17 = arith.constant 0 : i32
        %dma_start3A_18 = arith.constant 0 : i32
        %dma_start3A_19 = tpu.memref_slice %arg8[%dma_start3A_17, %dma_start3A_18] : memref<10240x96xf32, #tpu.memory_space<vmem_shared>> -> memref<10240x96xf32, #tpu.memory_space<vmem_shared>>
        tpu.enqueue_indirect_dma source(%arg7 : memref<40x96xf32, #tpu.memory_space<vmem>>) target(%dma_start3A_19 : memref<10240x96xf32, #tpu.memory_space<vmem_shared>>) offsets(%dma_start3A_16 : memref<40xi32, #tpu.memory_space<vmem>>) semaphore(%run_scoped3A : memref<!tpu.dma_semaphore, #tpu.memory_space<semaphore_mem>>) {add = true}
        %dma_wait3A = arith.constant 0 : i32
        %dma_wait3A_20 = tpu.memref_slice %arg6[%scan3A_9, %dma_wait3A] : memref<128x40xi32, #tpu.memory_space<vmem>> -> memref<1x40xi32, #tpu.memory_space<vmem>>
        %dma_wait3A_21 = tpu.memref_squeeze %dma_wait3A_20 : memref<1x40xi32, #tpu.memory_space<vmem>> -> memref<40xi32, #tpu.memory_space<vmem>>
        %dma_wait3A_22 = arith.constant 0 : i32
        %dma_wait3A_23 = arith.constant 0 : i32
        %dma_wait3A_24 = tpu.memref_slice %arg8[%dma_wait3A_22, %dma_wait3A_23] : memref<10240x96xf32, #tpu.memory_space<vmem_shared>> -> memref<10240x96xf32, #tpu.memory_space<vmem_shared>>
        tpu.wait_indirect_dma semaphore(%run_scoped3A : memref<!tpu.dma_semaphore, #tpu.memory_space<semaphore_mem>>) src(%arg7 : memref<40x96xf32, #tpu.memory_space<vmem>>) dst(%dma_wait3A_24 : memref<10240x96xf32, #tpu.memory_space<vmem_shared>>)
        tpu.yield
      }) : () -> ()
    }
    %scan3A_7 = arith.constant 125 : i32
    %barrier3A_8 = arith.constant 0 : index
    tpu.barrier barrier_id(%barrier3A_8)
    "tpu.region"() ({
      %run_scoped3A = tpu.sem_alloc : memref<!tpu.dma_semaphore, #tpu.memory_space<semaphore_mem>>
      %dma_start3A = arith.constant 0 : i32
      %dma_start3A_9 = tpu.memref_slice %arg5[%arg0, %mul3A_2, %dma_start3A] : memref<2x10240x96xf32, #tpu.memory_space<hbm>> -> memref<1x640x96xf32, #tpu.memory_space<hbm>>
      %dma_start3A_10 = tpu.memref_squeeze %dma_start3A_9 : memref<1x640x96xf32, #tpu.memory_space<hbm>> -> memref<640x96xf32, #tpu.memory_space<hbm>>
      %dma_start3A_11 = arith.constant 0 : i32
      %dma_start3A_12 = tpu.memref_slice %arg8[%mul3A_2, %dma_start3A_11] : memref<10240x96xf32, #tpu.memory_space<vmem_shared>> -> memref<640x96xf32, #tpu.memory_space<vmem_shared>>
      tpu.enqueue_dma source(%dma_start3A_12 : memref<640x96xf32, #tpu.memory_space<vmem_shared>>) target(%dma_start3A_10 : memref<640x96xf32, #tpu.memory_space<hbm>>) target_semaphore(%run_scoped3A : memref<!tpu.dma_semaphore, #tpu.memory_space<semaphore_mem>>)
      %dma_wait3A = arith.constant 0 : i32
      %dma_wait3A_13 = tpu.memref_slice %arg5[%arg0, %mul3A_2, %dma_wait3A] : memref<2x10240x96xf32, #tpu.memory_space<hbm>> -> memref<1x640x96xf32, #tpu.memory_space<hbm>>
      %dma_wait3A_14 = tpu.memref_squeeze %dma_wait3A_13 : memref<1x640x96xf32, #tpu.memory_space<hbm>> -> memref<640x96xf32, #tpu.memory_space<hbm>>
      %dma_wait3A_15 = arith.constant 0 : i32
      %dma_wait3A_16 = tpu.memref_slice %arg8[%mul3A_2, %dma_wait3A_15] : memref<10240x96xf32, #tpu.memory_space<vmem_shared>> -> memref<640x96xf32, #tpu.memory_space<vmem_shared>>
      tpu.wait_dma2 semaphore(%run_scoped3A : memref<!tpu.dma_semaphore, #tpu.memory_space<semaphore_mem>>) src(%dma_wait3A_16 : memref<640x96xf32, #tpu.memory_space<vmem_shared>>) dst(%dma_wait3A_14 : memref<640x96xf32, #tpu.memory_space<hbm>>)
      tpu.yield
    }) : () -> ()
    return
  }
}

#map = affine_map<(d0, d1) -> (0, 0)>
#map1 = affine_map<(d0, d1) -> (0, 0, 0)>
module attributes {stable_mosaic.version = 14 : i64} {
  func.func @sk(%arg0: i32, %arg1: i32, %arg2: memref<160000x192xf32, #tpu.memory_space<hbm>>, %arg3: memref<32x128x40xi32, #tpu.memory_space<hbm>>, %arg4: memref<10240x96xf32, #tpu.memory_space<hbm>>, %arg5: memref<2x10240x96xf32, #tpu.memory_space<hbm>>, %arg6: memref<128x40xi32, #tpu.memory_space<vmem>>, %arg7: memref<40x96xf32, #tpu.memory_space<vmem>>, %arg8: memref<10240x96xf32, #tpu.memory_space<vmem_shared>>) attributes {dimension_semantics = [#tpu.dimension_semantics<core_parallel>, #tpu.dimension_semantics<subcore_parallel>], iteration_bounds = array<i64: 2, 16>, scalar_prefetch = 0 : i64, scratch_operands = 3 : i64, tpu.core_type = #tpu.core_type<sc_vector_subcore>, window_params = [{transform_indices = #map}, {transform_indices = #map1}, {transform_indices = #map}, {transform_indices = #map1}]} {
    %mul3A = arith.constant 16 : i32
    %mul3A_0 = arith.muli %arg0, %mul3A : i32
    %add3A = arith.addi %mul3A_0, %arg1 : i32
    %mul3A_1 = arith.constant 640 : i32
    %mul3A_2 = arith.muli %arg1, %mul3A_1 : i32
    "tpu.region"() ({
      %run_scoped3A = tpu.sem_alloc : memref<!tpu.dma_semaphore, #tpu.memory_space<semaphore_mem>>
      %dma_start3A = arith.constant 0 : i32
      %dma_start3A_9 = tpu.memref_slice %arg8[%mul3A_2, %dma_start3A] : memref<10240x96xf32, #tpu.memory_space<vmem_shared>> -> memref<640x96xf32, #tpu.memory_space<vmem_shared>>
      %dma_start3A_10 = arith.constant 0 : i32
      %dma_start3A_11 = tpu.memref_slice %arg4[%mul3A_2, %dma_start3A_10] : memref<10240x96xf32, #tpu.memory_space<hbm>> -> memref<640x96xf32, #tpu.memory_space<hbm>>
      tpu.enqueue_dma source(%dma_start3A_11 : memref<640x96xf32, #tpu.memory_space<hbm>>) target(%dma_start3A_9 : memref<640x96xf32, #tpu.memory_space<vmem_shared>>) target_semaphore(%run_scoped3A : memref<!tpu.dma_semaphore, #tpu.memory_space<semaphore_mem>>)
      %dma_wait3A = arith.constant 0 : i32
      %dma_wait3A_12 = tpu.memref_slice %arg8[%mul3A_2, %dma_wait3A] : memref<10240x96xf32, #tpu.memory_space<vmem_shared>> -> memref<640x96xf32, #tpu.memory_space<vmem_shared>>
      %dma_wait3A_13 = arith.constant 0 : i32
      %dma_wait3A_14 = tpu.memref_slice %arg4[%mul3A_2, %dma_wait3A_13] : memref<10240x96xf32, #tpu.memory_space<hbm>> -> memref<640x96xf32, #tpu.memory_space<hbm>>
      tpu.wait_dma2 semaphore(%run_scoped3A : memref<!tpu.dma_semaphore, #tpu.memory_space<semaphore_mem>>) src(%dma_wait3A_14 : memref<640x96xf32, #tpu.memory_space<hbm>>) dst(%dma_wait3A_12 : memref<640x96xf32, #tpu.memory_space<vmem_shared>>)
      tpu.yield
    }) : () -> ()
    "tpu.region"() ({
      %run_scoped3A = tpu.sem_alloc : memref<!tpu.dma_semaphore, #tpu.memory_space<semaphore_mem>>
      %dma_start3A = arith.constant 0 : i32
      %dma_start3A_9 = arith.constant 0 : i32
      %dma_start3A_10 = tpu.memref_slice %arg3[%add3A, %dma_start3A, %dma_start3A_9] : memref<32x128x40xi32, #tpu.memory_space<hbm>> -> memref<1x128x40xi32, #tpu.memory_space<hbm>>
      %dma_start3A_11 = tpu.memref_squeeze %dma_start3A_10 : memref<1x128x40xi32, #tpu.memory_space<hbm>> -> memref<128x40xi32, #tpu.memory_space<hbm>>
      %dma_start3A_12 = arith.constant 0 : i32
      %dma_start3A_13 = arith.constant 0 : i32
      %dma_start3A_14 = tpu.memref_slice %arg3[%add3A, %dma_start3A_12, %dma_start3A_13] : memref<32x128x40xi32, #tpu.memory_space<hbm>> -> memref<1x128x40xi32, #tpu.memory_space<hbm>>
      %dma_start3A_15 = tpu.memref_squeeze %dma_start3A_14 : memref<1x128x40xi32, #tpu.memory_space<hbm>> -> memref<128x40xi32, #tpu.memory_space<hbm>>
      tpu.enqueue_dma source(%dma_start3A_15 : memref<128x40xi32, #tpu.memory_space<hbm>>) target(%arg6 : memref<128x40xi32, #tpu.memory_space<vmem>>) target_semaphore(%run_scoped3A : memref<!tpu.dma_semaphore, #tpu.memory_space<semaphore_mem>>)
      %dma_wait3A = arith.constant 0 : i32
      %dma_wait3A_16 = arith.constant 0 : i32
      %dma_wait3A_17 = tpu.memref_slice %arg3[%add3A, %dma_wait3A, %dma_wait3A_16] : memref<32x128x40xi32, #tpu.memory_space<hbm>> -> memref<1x128x40xi32, #tpu.memory_space<hbm>>
      %dma_wait3A_18 = tpu.memref_squeeze %dma_wait3A_17 : memref<1x128x40xi32, #tpu.memory_space<hbm>> -> memref<128x40xi32, #tpu.memory_space<hbm>>
      %dma_wait3A_19 = arith.constant 0 : i32
      %dma_wait3A_20 = arith.constant 0 : i32
      %dma_wait3A_21 = tpu.memref_slice %arg3[%add3A, %dma_wait3A_19, %dma_wait3A_20] : memref<32x128x40xi32, #tpu.memory_space<hbm>> -> memref<1x128x40xi32, #tpu.memory_space<hbm>>
      %dma_wait3A_22 = tpu.memref_squeeze %dma_wait3A_21 : memref<1x128x40xi32, #tpu.memory_space<hbm>> -> memref<128x40xi32, #tpu.memory_space<hbm>>
      tpu.wait_dma2 semaphore(%run_scoped3A : memref<!tpu.dma_semaphore, #tpu.memory_space<semaphore_mem>>) src(%dma_wait3A_22 : memref<128x40xi32, #tpu.memory_space<hbm>>) dst(%arg6 : memref<128x40xi32, #tpu.memory_space<vmem>>)
      tpu.yield
    }) : () -> ()
    %barrier3A = arith.constant 0 : index
    tpu.barrier barrier_id(%barrier3A)
    %scan3A = arith.constant 0 : i32
    %scan3A_3 = arith.constant 0 : i32
    %scan3A_4 = arith.constant 125 : i32
    %scan3A_5 = arith.addi %scan3A_3, %scan3A_4 : i32
    %scan3A_6 = arith.constant 1 : i32
    scf.for %scan3A_9 = %scan3A_3 to %scan3A_5 step %scan3A_6  : i32 {
      %mul3A_10 = arith.constant 5000 : i32
      %mul3A_11 = arith.muli %add3A, %mul3A_10 : i32
      %mul3A_12 = arith.constant 40 : i32
      %mul3A_13 = arith.muli %scan3A_9, %mul3A_12 : i32
      %add3A_14 = arith.addi %mul3A_11, %mul3A_13 : i32
      "tpu.region"() ({
        %run_scoped3A = tpu.sem_alloc : memref<!tpu.dma_semaphore, #tpu.memory_space<semaphore_mem>>
        %dma_start3A = arith.constant 96 : i32
        %dma_start3A_15 = tpu.memref_slice %arg2[%add3A_14, %dma_start3A] : memref<160000x192xf32, #tpu.memory_space<hbm>> -> memref<40x96xf32, #tpu.memory_space<hbm>>
        %dma_start3A_16 = arith.constant 96 : i32
        %dma_start3A_17 = tpu.memref_slice %arg2[%add3A_14, %dma_start3A_16] : memref<160000x192xf32, #tpu.memory_space<hbm>> -> memref<40x96xf32, #tpu.memory_space<hbm>>
        tpu.enqueue_dma source(%dma_start3A_17 : memref<40x96xf32, #tpu.memory_space<hbm>>) target(%arg7 : memref<40x96xf32, #tpu.memory_space<vmem>>) target_semaphore(%run_scoped3A : memref<!tpu.dma_semaphore, #tpu.memory_space<semaphore_mem>>)
        %dma_wait3A = arith.constant 96 : i32
        %dma_wait3A_18 = tpu.memref_slice %arg2[%add3A_14, %dma_wait3A] : memref<160000x192xf32, #tpu.memory_space<hbm>> -> memref<40x96xf32, #tpu.memory_space<hbm>>
        %dma_wait3A_19 = arith.constant 96 : i32
        %dma_wait3A_20 = tpu.memref_slice %arg2[%add3A_14, %dma_wait3A_19] : memref<160000x192xf32, #tpu.memory_space<hbm>> -> memref<40x96xf32, #tpu.memory_space<hbm>>
        tpu.wait_dma2 semaphore(%run_scoped3A : memref<!tpu.dma_semaphore, #tpu.memory_space<semaphore_mem>>) src(%dma_wait3A_20 : memref<40x96xf32, #tpu.memory_space<hbm>>) dst(%arg7 : memref<40x96xf32, #tpu.memory_space<vmem>>)
        tpu.yield
      }) : () -> ()
      "tpu.region"() ({
        %run_scoped3A = tpu.sem_alloc : memref<!tpu.dma_semaphore, #tpu.memory_space<semaphore_mem>>
        %dma_start3A = arith.constant 0 : i32
        %dma_start3A_15 = tpu.memref_slice %arg6[%scan3A_9, %dma_start3A] : memref<128x40xi32, #tpu.memory_space<vmem>> -> memref<1x40xi32, #tpu.memory_space<vmem>>
        %dma_start3A_16 = tpu.memref_squeeze %dma_start3A_15 : memref<1x40xi32, #tpu.memory_space<vmem>> -> memref<40xi32, #tpu.memory_space<vmem>>
        %dma_start3A_17 = arith.constant 0 : i32
        %dma_start3A_18 = arith.constant 0 : i32
        %dma_start3A_19 = tpu.memref_slice %arg8[%dma_start3A_17, %dma_start3A_18] : memref<10240x96xf32, #tpu.memory_space<vmem_shared>> -> memref<10240x96xf32, #tpu.memory_space<vmem_shared>>
        tpu.enqueue_indirect_dma source(%arg7 : memref<40x96xf32, #tpu.memory_space<vmem>>) target(%dma_start3A_19 : memref<10240x96xf32, #tpu.memory_space<vmem_shared>>) offsets(%dma_start3A_16 : memref<40xi32, #tpu.memory_space<vmem>>) semaphore(%run_scoped3A : memref<!tpu.dma_semaphore, #tpu.memory_space<semaphore_mem>>) {add = true}
        %dma_wait3A = arith.constant 0 : i32
        %dma_wait3A_20 = tpu.memref_slice %arg6[%scan3A_9, %dma_wait3A] : memref<128x40xi32, #tpu.memory_space<vmem>> -> memref<1x40xi32, #tpu.memory_space<vmem>>
        %dma_wait3A_21 = tpu.memref_squeeze %dma_wait3A_20 : memref<1x40xi32, #tpu.memory_space<vmem>> -> memref<40xi32, #tpu.memory_space<vmem>>
        %dma_wait3A_22 = arith.constant 0 : i32
        %dma_wait3A_23 = arith.constant 0 : i32
        %dma_wait3A_24 = tpu.memref_slice %arg8[%dma_wait3A_22, %dma_wait3A_23] : memref<10240x96xf32, #tpu.memory_space<vmem_shared>> -> memref<10240x96xf32, #tpu.memory_space<vmem_shared>>
        tpu.wait_indirect_dma semaphore(%run_scoped3A : memref<!tpu.dma_semaphore, #tpu.memory_space<semaphore_mem>>) src(%arg7 : memref<40x96xf32, #tpu.memory_space<vmem>>) dst(%dma_wait3A_24 : memref<10240x96xf32, #tpu.memory_space<vmem_shared>>)
        tpu.yield
      }) : () -> ()
    }
    %scan3A_7 = arith.constant 125 : i32
    %barrier3A_8 = arith.constant 0 : index
    tpu.barrier barrier_id(%barrier3A_8)
    "tpu.region"() ({
      %run_scoped3A = tpu.sem_alloc : memref<!tpu.dma_semaphore, #tpu.memory_space<semaphore_mem>>
      %dma_start3A = arith.constant 0 : i32
      %dma_start3A_9 = tpu.memref_slice %arg5[%arg0, %mul3A_2, %dma_start3A] : memref<2x10240x96xf32, #tpu.memory_space<hbm>> -> memref<1x640x96xf32, #tpu.memory_space<hbm>>
      %dma_start3A_10 = tpu.memref_squeeze %dma_start3A_9 : memref<1x640x96xf32, #tpu.memory_space<hbm>> -> memref<640x96xf32, #tpu.memory_space<hbm>>
      %dma_start3A_11 = arith.constant 0 : i32
      %dma_start3A_12 = tpu.memref_slice %arg8[%mul3A_2, %dma_start3A_11] : memref<10240x96xf32, #tpu.memory_space<vmem_shared>> -> memref<640x96xf32, #tpu.memory_space<vmem_shared>>
      tpu.enqueue_dma source(%dma_start3A_12 : memref<640x96xf32, #tpu.memory_space<vmem_shared>>) target(%dma_start3A_10 : memref<640x96xf32, #tpu.memory_space<hbm>>) target_semaphore(%run_scoped3A : memref<!tpu.dma_semaphore, #tpu.memory_space<semaphore_mem>>)
      %dma_wait3A = arith.constant 0 : i32
      %dma_wait3A_13 = tpu.memref_slice %arg5[%arg0, %mul3A_2, %dma_wait3A] : memref<2x10240x96xf32, #tpu.memory_space<hbm>> -> memref<1x640x96xf32, #tpu.memory_space<hbm>>
      %dma_wait3A_14 = tpu.memref_squeeze %dma_wait3A_13 : memref<1x640x96xf32, #tpu.memory_space<hbm>> -> memref<640x96xf32, #tpu.memory_space<hbm>>
      %dma_wait3A_15 = arith.constant 0 : i32
      %dma_wait3A_16 = tpu.memref_slice %arg8[%mul3A_2, %dma_wait3A_15] : memref<10240x96xf32, #tpu.memory_space<vmem_shared>> -> memref<640x96xf32, #tpu.memory_space<vmem_shared>>
      tpu.wait_dma2 semaphore(%run_scoped3A : memref<!tpu.dma_semaphore, #tpu.memory_space<semaphore_mem>>) src(%dma_wait3A_16 : memref<640x96xf32, #tpu.memory_space<vmem_shared>>) dst(%dma_wait3A_14 : memref<640x96xf32, #tpu.memory_space<hbm>>)
      tpu.yield
    }) : () -> ()
    return
  }
}

module attributes {stable_mosaic.version = 14 : i64} {
  func.func @_node_body(%arg0: i32, %arg1: memref<2000x1xf32, #tpu.memory_space<vmem>>, %arg2: memref<2000x74xf32, #tpu.memory_space<vmem>>, %arg3: memref<2000x8xf32, #tpu.memory_space<vmem>>, %arg4: memref<1x16xf32, #tpu.memory_space<vmem>>, %arg5: memref<74x32xf32, #tpu.memory_space<vmem>>, %arg6: memref<32x32xf32, #tpu.memory_space<vmem>>, %arg7: memref<1x32xf32, #tpu.memory_space<vmem>>, %arg8: memref<32x32xf32, #tpu.memory_space<vmem>>, %arg9: memref<1x32xf32, #tpu.memory_space<vmem>>, %arg10: memref<2000x40xf32, #tpu.memory_space<vmem>>, %arg11: memref<2000x32xf32, #tpu.memory_space<vmem>>) attributes {dimension_semantics = [#tpu.dimension_semantics<arbitrary>], iteration_bounds = array<i64: 5>, scalar_prefetch = 0 : i64, scratch_operands = 0 : i64, tpu.core_type = #tpu.core_type<tc>, window_params = [{transform_indices = @transform_0, window_bounds = array<i64: 2000, 1>}, {transform_indices = @transform_1, window_bounds = array<i64: 2000, 74>}, {transform_indices = @transform_2, window_bounds = array<i64: 2000, 8>}, {pipeline_mode = #tpu.pipeline_mode<synchronous>, transform_indices = @transform_3, window_bounds = array<i64: 1, 16>}, {pipeline_mode = #tpu.pipeline_mode<synchronous>, transform_indices = @transform_4, window_bounds = array<i64: 74, 32>}, {pipeline_mode = #tpu.pipeline_mode<synchronous>, transform_indices = @transform_5, window_bounds = array<i64: 32, 32>}, {pipeline_mode = #tpu.pipeline_mode<synchronous>, transform_indices = @transform_6, window_bounds = array<i64: 1, 32>}, {pipeline_mode = #tpu.pipeline_mode<synchronous>, transform_indices = @transform_7, window_bounds = array<i64: 32, 32>}, {pipeline_mode = #tpu.pipeline_mode<synchronous>, transform_indices = @transform_8, window_bounds = array<i64: 1, 32>}, {transform_indices = @transform_9, window_bounds = array<i64: 2000, 40>}, {transform_indices = @transform_10, window_bounds = array<i64: 2000, 32>}]} {
    %get3A = arith.constant 0 : index
    %get3A_0 = arith.constant 0 : index
    %get3A_1 = vector.load %arg1[%get3A, %get3A_0] : memref<2000x1xf32, #tpu.memory_space<vmem>>, vector<2000x1xf32>
    %mul3A = arith.constant 31.8309879 : f32
    %mul3A_2 = vector.broadcast %mul3A : f32 to vector<2000x1xf32>
    %mul3A_3 = arith.mulf %get3A_1, %mul3A_2 : vector<2000x1xf32>
    %log3A = math.log %mul3A_3 : vector<2000x1xf32>
    %mul3A_4 = arith.constant 2171.47241 : f32
    %mul3A_5 = vector.broadcast %mul3A_4 : f32 to vector<2000x1xf32>
    %mul3A_6 = arith.mulf %log3A, %mul3A_5 : vector<2000x1xf32>
    %get3A_7 = arith.constant 0 : index
    %get3A_8 = arith.constant 0 : index
    %get3A_9 = vector.load %arg4[%get3A_7, %get3A_8] : memref<1x16xf32, #tpu.memory_space<vmem>>, vector<1x16xf32>
    %mul3A_10 = vector.broadcast %mul3A_6 : vector<2000x1xf32> to vector<2000x16xf32>
    %mul3A_11 = vector.broadcast %get3A_9 : vector<1x16xf32> to vector<2000x16xf32>
    %mul3A_12 = arith.mulf %mul3A_10, %mul3A_11 : vector<2000x16xf32>
    %sin3A = math.sin %mul3A_12 : vector<2000x16xf32>
    %cos3A = math.cos %mul3A_12 : vector<2000x16xf32>
    %concatenate3A = tpu.concatenate %sin3A, %cos3A in 1 : vector<2000x16xf32>, vector<2000x16xf32> -> vector<2000x32xf32>
    %get3A_13 = arith.constant 0 : index
    %get3A_14 = arith.constant 0 : index
    %get3A_15 = vector.load %arg2[%get3A_13, %get3A_14] : memref<2000x74xf32, #tpu.memory_space<vmem>>, vector<2000x74xf32>
    %get3A_16 = arith.constant 0 : index
    %get3A_17 = arith.constant 0 : index
    %get3A_18 = vector.load %arg5[%get3A_16, %get3A_17] : memref<74x32xf32, #tpu.memory_space<vmem>>, vector<74x32xf32>
    %dot_general3A = arith.constant dense<0.000000e+00> : vector<2000x32xf32>
    %dot_general3A_19 = tpu.matmul %get3A_15, %get3A_18, %dot_general3A {dimension_numbers = #tpu.dot_dimension_numbers<[1], [0], [0], [1], [0, 0, 1, 1], [], []>, transpose_lhs_hint = false} : vector<2000x74xf32>, vector<74x32xf32>, vector<2000x32xf32> -> vector<2000x32xf32>
    %get3A_20 = arith.constant 0 : index
    %get3A_21 = arith.constant 0 : index
    %get3A_22 = vector.load %arg6[%get3A_20, %get3A_21] : memref<32x32xf32, #tpu.memory_space<vmem>>, vector<32x32xf32>
    %dot_general3A_23 = arith.constant dense<0.000000e+00> : vector<2000x32xf32>
    %dot_general3A_24 = tpu.matmul %concatenate3A, %get3A_22, %dot_general3A_23 {dimension_numbers = #tpu.dot_dimension_numbers<[1], [0], [0], [1], [0, 0, 1, 1], [], []>, transpose_lhs_hint = false} : vector<2000x32xf32>, vector<32x32xf32>, vector<2000x32xf32> -> vector<2000x32xf32>
    %add3A = arith.addf %dot_general3A_19, %dot_general3A_24 : vector<2000x32xf32>
    %get3A_25 = arith.constant 0 : index
    %get3A_26 = arith.constant 0 : index
    %get3A_27 = vector.load %arg7[%get3A_25, %get3A_26] : memref<1x32xf32, #tpu.memory_space<vmem>>, vector<1x32xf32>
    %add3A_28 = vector.broadcast %get3A_27 : vector<1x32xf32> to vector<2000x32xf32>
    %add3A_29 = arith.addf %add3A, %add3A_28 : vector<2000x32xf32>
    %max3A = arith.constant 0.000000e+00 : f32
    %max3A_30 = vector.broadcast %max3A : f32 to vector<2000x32xf32>
    %max3A_31 = arith.maximumf %add3A_29, %max3A_30 : vector<2000x32xf32>
    %get3A_32 = arith.constant 0 : index
    %get3A_33 = arith.constant 0 : index
    %get3A_34 = vector.load %arg8[%get3A_32, %get3A_33] : memref<32x32xf32, #tpu.memory_space<vmem>>, vector<32x32xf32>
    %dot_general3A_35 = arith.constant dense<0.000000e+00> : vector<2000x32xf32>
    %dot_general3A_36 = tpu.matmul %max3A_31, %get3A_34, %dot_general3A_35 {dimension_numbers = #tpu.dot_dimension_numbers<[1], [0], [0], [1], [0, 0, 1, 1], [], []>, transpose_lhs_hint = false} : vector<2000x32xf32>, vector<32x32xf32>, vector<2000x32xf32> -> vector<2000x32xf32>
    %get3A_37 = arith.constant 0 : index
    %get3A_38 = arith.constant 0 : index
    %get3A_39 = vector.load %arg9[%get3A_37, %get3A_38] : memref<1x32xf32, #tpu.memory_space<vmem>>, vector<1x32xf32>
    %add3A_40 = vector.broadcast %get3A_39 : vector<1x32xf32> to vector<2000x32xf32>
    %add3A_41 = arith.addf %dot_general3A_36, %add3A_40 : vector<2000x32xf32>
    %get3A_42 = arith.constant 0 : index
    %get3A_43 = arith.constant 0 : index
    %get3A_44 = vector.load %arg3[%get3A_42, %get3A_43] : memref<2000x8xf32, #tpu.memory_space<vmem>>, vector<2000x8xf32>
    %concatenate3A_45 = tpu.concatenate %concatenate3A, %get3A_44 in 1 : vector<2000x32xf32>, vector<2000x8xf32> -> vector<2000x40xf32>
    %swap3A = arith.constant 0 : index
    %swap3A_46 = arith.constant 0 : index
    %swap3A_47 = vector.load %arg10[%swap3A, %swap3A_46] : memref<2000x40xf32, #tpu.memory_space<vmem>>, vector<2000x40xf32>
    tpu.vector_store %arg10[%swap3A, %swap3A_46], %concatenate3A_45 {strides = array<i32>} : memref<2000x40xf32, #tpu.memory_space<vmem>>, vector<2000x40xf32>,
    %swap3A_48 = arith.constant 0 : index
    %swap3A_49 = arith.constant 0 : index
    %swap3A_50 = vector.load %arg11[%swap3A_48, %swap3A_49] : memref<2000x32xf32, #tpu.memory_space<vmem>>, vector<2000x32xf32>
    tpu.vector_store %arg11[%swap3A_48, %swap3A_49], %add3A_41 {strides = array<i32>} : memref<2000x32xf32, #tpu.memory_space<vmem>>, vector<2000x32xf32>,
    return
  }
  func.func @transform_0(%arg0: i32) -> (i32, i32) {
    %c0_i32 = arith.constant 0 : i32
    %c0_i32_0 = arith.constant 0 : i32
    return %arg0, %c0_i32 : i32, i32
  }
  func.func @transform_1(%arg0: i32) -> (i32, i32) {
    %c0_i32 = arith.constant 0 : i32
    %c0_i32_0 = arith.constant 0 : i32
    return %arg0, %c0_i32 : i32, i32
  }
  func.func @transform_2(%arg0: i32) -> (i32, i32) {
    %c0_i32 = arith.constant 0 : i32
    %c0_i32_0 = arith.constant 0 : i32
    return %arg0, %c0_i32 : i32, i32
  }
  func.func @transform_3(%arg0: i32) -> (i32, i32) {
    %c0_i32 = arith.constant 0 : i32
    %c0_i32_0 = arith.constant 0 : i32
    %c0_i32_1 = arith.constant 0 : i32
    return %c0_i32, %c0_i32_0 : i32, i32
  }
  func.func @transform_4(%arg0: i32) -> (i32, i32) {
    %c0_i32 = arith.constant 0 : i32
    %c0_i32_0 = arith.constant 0 : i32
    %c0_i32_1 = arith.constant 0 : i32
    return %c0_i32, %c0_i32_0 : i32, i32
  }
  func.func @transform_5(%arg0: i32) -> (i32, i32) {
    %c0_i32 = arith.constant 0 : i32
    %c0_i32_0 = arith.constant 0 : i32
    %c0_i32_1 = arith.constant 0 : i32
    return %c0_i32, %c0_i32_0 : i32, i32
  }
  func.func @transform_6(%arg0: i32) -> (i32, i32) {
    %c0_i32 = arith.constant 0 : i32
    %c0_i32_0 = arith.constant 0 : i32
    %c0_i32_1 = arith.constant 0 : i32
    return %c0_i32, %c0_i32_0 : i32, i32
  }
  func.func @transform_7(%arg0: i32) -> (i32, i32) {
    %c0_i32 = arith.constant 0 : i32
    %c0_i32_0 = arith.constant 0 : i32
    %c0_i32_1 = arith.constant 0 : i32
    return %c0_i32, %c0_i32_0 : i32, i32
  }
  func.func @transform_8(%arg0: i32) -> (i32, i32) {
    %c0_i32 = arith.constant 0 : i32
    %c0_i32_0 = arith.constant 0 : i32
    %c0_i32_1 = arith.constant 0 : i32
    return %c0_i32, %c0_i32_0 : i32, i32
  }
  func.func @transform_9(%arg0: i32) -> (i32, i32) {
    %c0_i32 = arith.constant 0 : i32
    %c0_i32_0 = arith.constant 0 : i32
    return %arg0, %c0_i32 : i32, i32
  }
  func.func @transform_10(%arg0: i32) -> (i32, i32) {
    %c0_i32 = arith.constant 0 : i32
    %c0_i32_0 = arith.constant 0 : i32
    return %arg0, %c0_i32 : i32, i32
  }
}

module attributes {stable_mosaic.version = 14 : i64} {
  func.func @_edge_body(%arg0: i32, %arg1: memref<2000x4xf32, #tpu.memory_space<vmem>>, %arg2: memref<2000x40xf32, #tpu.memory_space<vmem>>, %arg3: memref<2000x8xf32, #tpu.memory_space<vmem>>, %arg4: memref<4x8xf32, #tpu.memory_space<vmem>>, %arg5: memref<32x8xf32, #tpu.memory_space<vmem>>, %arg6: memref<50x8xf32, #tpu.memory_space<vmem>>, %arg7: memref<1x8xf32, #tpu.memory_space<vmem>>, %arg8: memref<8x8xf32, #tpu.memory_space<vmem>>, %arg9: memref<1x8xf32, #tpu.memory_space<vmem>>, %arg10: memref<1x50xf32, #tpu.memory_space<vmem>>, %arg11: memref<2000x24xf32, #tpu.memory_space<vmem>>) attributes {dimension_semantics = [#tpu.dimension_semantics<arbitrary>], iteration_bounds = array<i64: 80>, scalar_prefetch = 0 : i64, scratch_operands = 0 : i64, tpu.core_type = #tpu.core_type<tc>, window_params = [{transform_indices = @transform_0, window_bounds = array<i64: 2000, 4>}, {transform_indices = @transform_1, window_bounds = array<i64: 2000, 40>}, {transform_indices = @transform_2, window_bounds = array<i64: 2000, 8>}, {pipeline_mode = #tpu.pipeline_mode<synchronous>, transform_indices = @transform_3, window_bounds = array<i64: 4, 8>}, {pipeline_mode = #tpu.pipeline_mode<synchronous>, transform_indices = @transform_4, window_bounds = array<i64: 32, 8>}, {pipeline_mode = #tpu.pipeline_mode<synchronous>, transform_indices = @transform_5, window_bounds = array<i64: 50, 8>}, {pipeline_mode = #tpu.pipeline_mode<synchronous>, transform_indices = @transform_6, window_bounds = array<i64: 1, 8>}, {pipeline_mode = #tpu.pipeline_mode<synchronous>, transform_indices = @transform_7, window_bounds = array<i64: 8, 8>}, {pipeline_mode = #tpu.pipeline_mode<synchronous>, transform_indices = @transform_8, window_bounds = array<i64: 1, 8>}, {pipeline_mode = #tpu.pipeline_mode<synchronous>, transform_indices = @transform_9, window_bounds = array<i64: 1, 50>}, {transform_indices = @transform_10, window_bounds = array<i64: 2000, 24>}]} {
    %get3A = arith.constant 0 : index
    %get3A_0 = arith.constant 0 : index
    %get3A_1 = vector.load %arg2[%get3A, %get3A_0] : memref<2000x40xf32, #tpu.memory_space<vmem>>, vector<2000x40xf32>
    %slice3A = vector.extract_strided_slice %get3A_1 {offsets = [0, 0], sizes = [2000, 32], strides = [1, 1]} : vector<2000x40xf32> to vector<2000x32xf32>
    %slice3A_2 = vector.extract_strided_slice %get3A_1 {offsets = [0, 32], sizes = [2000, 3], strides = [1, 1]} : vector<2000x40xf32> to vector<2000x3xf32>
    %get3A_3 = arith.constant 0 : index
    %get3A_4 = arith.constant 0 : index
    %get3A_5 = vector.load %arg3[%get3A_3, %get3A_4] : memref<2000x8xf32, #tpu.memory_space<vmem>>, vector<2000x3xf32>
    %sub3A = arith.subf %get3A_5, %slice3A_2 : vector<2000x3xf32>
    %mul3A = arith.mulf %sub3A, %sub3A : vector<2000x3xf32>
    %reduce_sum3A = arith.constant dense<0.000000e+00> : vector<2000xf32>
    %reduce_sum3A_6 = vector.multi_reduction <add>, %mul3A, %reduce_sum3A [1] : vector<2000x3xf32> to vector<2000xf32>
    %broadcast_in_dim3A = vector.shape_cast %reduce_sum3A_6 : vector<2000xf32> to vector<2000x1xf32>
    %sqrt3A = math.sqrt %broadcast_in_dim3A : vector<2000x1xf32>
    %get3A_7 = arith.constant 0 : index
    %get3A_8 = arith.constant 0 : index
    %get3A_9 = vector.load %arg10[%get3A_7, %get3A_8] : memref<1x50xf32, #tpu.memory_space<vmem>>, vector<1x50xf32>
    %sub3A_10 = vector.broadcast %sqrt3A : vector<2000x1xf32> to vector<2000x50xf32>
    %sub3A_11 = vector.broadcast %get3A_9 : vector<1x50xf32> to vector<2000x50xf32>
    %sub3A_12 = arith.subf %sub3A_10, %sub3A_11 : vector<2000x50xf32>
    %mul3A_13 = arith.constant -4.802000e+01 : f32
    %mul3A_14 = vector.broadcast %mul3A_13 : f32 to vector<2000x50xf32>
    %mul3A_15 = arith.mulf %mul3A_14, %sub3A_12 : vector<2000x50xf32>
    %mul3A_16 = arith.mulf %mul3A_15, %sub3A_12 : vector<2000x50xf32>
    %exp3A = math.exp %mul3A_16 : vector<2000x50xf32>
    %add3A = arith.constant 9.99999971E-10 : f32
    %add3A_17 = vector.broadcast %add3A : f32 to vector<2000x1xf32>
    %add3A_18 = arith.addf %sqrt3A, %add3A_17 : vector<2000x1xf32>
    %div3A = vector.broadcast %add3A_18 : vector<2000x1xf32> to vector<2000x3xf32>
    %div3A_19 = arith.divf %sub3A, %div3A : vector<2000x3xf32>
    %slice3A_20 = vector.extract_strided_slice %div3A_19 {offsets = [0, 0], sizes = [2000, 1], strides = [1, 1]} : vector<2000x3xf32> to vector<2000x1xf32>
    %slice3A_21 = vector.extract_strided_slice %div3A_19 {offsets = [0, 1], sizes = [2000, 1], strides = [1, 1]} : vector<2000x3xf32> to vector<2000x1xf32>
    %slice3A_22 = vector.extract_strided_slice %div3A_19 {offsets = [0, 2], sizes = [2000, 1], strides = [1, 1]} : vector<2000x3xf32> to vector<2000x1xf32>
    %broadcast_in_dim3A_23 = arith.constant 1.000000e+00 : f32
    %broadcast_in_dim3A_24 = vector.broadcast %broadcast_in_dim3A_23 : f32 to vector<2000x1xf32>
    %mul3A_25 = arith.constant 1.73205078 : f32
    %mul3A_26 = vector.broadcast %mul3A_25 : f32 to vector<2000x1xf32>
    %mul3A_27 = arith.mulf %mul3A_26, %slice3A_21 : vector<2000x1xf32>
    %mul3A_28 = arith.constant 1.73205078 : f32
    %mul3A_29 = vector.broadcast %mul3A_28 : f32 to vector<2000x1xf32>
    %mul3A_30 = arith.mulf %mul3A_29, %slice3A_22 : vector<2000x1xf32>
    %mul3A_31 = arith.constant 1.73205078 : f32
    %mul3A_32 = vector.broadcast %mul3A_31 : f32 to vector<2000x1xf32>
    %mul3A_33 = arith.mulf %mul3A_32, %slice3A_20 : vector<2000x1xf32>
    %mul3A_34 = arith.constant 3.87298346 : f32
    %mul3A_35 = vector.broadcast %mul3A_34 : f32 to vector<2000x1xf32>
    %mul3A_36 = arith.mulf %mul3A_35, %slice3A_20 : vector<2000x1xf32>
    %mul3A_37 = arith.mulf %mul3A_36, %slice3A_21 : vector<2000x1xf32>
    %mul3A_38 = arith.constant 3.87298346 : f32
    %mul3A_39 = vector.broadcast %mul3A_38 : f32 to vector<2000x1xf32>
    %mul3A_40 = arith.mulf %mul3A_39, %slice3A_21 : vector<2000x1xf32>
    %mul3A_41 = arith.mulf %mul3A_40, %slice3A_22 : vector<2000x1xf32>
    %mul3A_42 = arith.constant 3.000000e+00 : f32
    %mul3A_43 = vector.broadcast %mul3A_42 : f32 to vector<2000x1xf32>
    %mul3A_44 = arith.mulf %mul3A_43, %slice3A_22 : vector<2000x1xf32>
    %mul3A_45 = arith.mulf %mul3A_44, %slice3A_22 : vector<2000x1xf32>
    %sub3A_46 = arith.constant 1.000000e+00 : f32
    %sub3A_47 = vector.broadcast %sub3A_46 : f32 to vector<2000x1xf32>
    %sub3A_48 = arith.subf %mul3A_45, %sub3A_47 : vector<2000x1xf32>
    %mul3A_49 = arith.constant 1.11803401 : f32
    %mul3A_50 = vector.broadcast %mul3A_49 : f32 to vector<2000x1xf32>
    %mul3A_51 = arith.mulf %mul3A_50, %sub3A_48 : vector<2000x1xf32>
    %mul3A_52 = arith.constant 3.87298346 : f32
    %mul3A_53 = vector.broadcast %mul3A_52 : f32 to vector<2000x1xf32>
    %mul3A_54 = arith.mulf %mul3A_53, %slice3A_20 : vector<2000x1xf32>
    %mul3A_55 = arith.mulf %mul3A_54, %slice3A_22 : vector<2000x1xf32>
    %mul3A_56 = arith.mulf %slice3A_20, %slice3A_20 : vector<2000x1xf32>
    %mul3A_57 = arith.mulf %slice3A_21, %slice3A_21 : vector<2000x1xf32>
    %sub3A_58 = arith.subf %mul3A_56, %mul3A_57 : vector<2000x1xf32>
    %mul3A_59 = arith.constant 1.93649173 : f32
    %mul3A_60 = vector.broadcast %mul3A_59 : f32 to vector<2000x1xf32>
    %mul3A_61 = arith.mulf %mul3A_60, %sub3A_58 : vector<2000x1xf32>
    %concatenate3A = tpu.concatenate %broadcast_in_dim3A_24, %mul3A_27, %mul3A_30, %mul3A_33, %mul3A_37, %mul3A_41, %mul3A_51, %mul3A_55, %mul3A_61 in 1 : vector<2000x1xf32>, vector<2000x1xf32>, vector<2000x1xf32>, vector<2000x1xf32>, vector<2000x1xf32>, vector<2000x1xf32>, vector<2000x1xf32>, vector<2000x1xf32>, vector<2000x1xf32> -> vector<2000x9xf32>
    %get3A_62 = arith.constant 0 : index
    %get3A_63 = arith.constant 0 : index
    %get3A_64 = vector.load %arg1[%get3A_62, %get3A_63] : memref<2000x4xf32, #tpu.memory_space<vmem>>, vector<2000x4xf32>
    %get3A_65 = arith.constant 0 : index
    %get3A_66 = arith.constant 0 : index
    %get3A_67 = vector.load %arg4[%get3A_65, %get3A_66] : memref<4x8xf32, #tpu.memory_space<vmem>>, vector<4x8xf32>
    %dot_general3A = arith.constant dense<0.000000e+00> : vector<2000x8xf32>
    %dot_general3A_68 = tpu.matmul %get3A_64, %get3A_67, %dot_general3A {dimension_numbers = #tpu.dot_dimension_numbers<[1], [0], [0], [1], [0, 0, 1, 1], [], []>, transpose_lhs_hint = false} : vector<2000x4xf32>, vector<4x8xf32>, vector<2000x8xf32> -> vector<2000x8xf32>
    %get3A_69 = arith.constant 0 : index
    %get3A_70 = arith.constant 0 : index
    %get3A_71 = vector.load %arg5[%get3A_69, %get3A_70] : memref<32x8xf32, #tpu.memory_space<vmem>>, vector<32x8xf32>
    %dot_general3A_72 = arith.constant dense<0.000000e+00> : vector<2000x8xf32>
    %dot_general3A_73 = tpu.matmul %slice3A, %get3A_71, %dot_general3A_72 {dimension_numbers = #tpu.dot_dimension_numbers<[1], [0], [0], [1], [0, 0, 1, 1], [], []>, transpose_lhs_hint = false} : vector<2000x32xf32>, vector<32x8xf32>, vector<2000x8xf32> -> vector<2000x8xf32>
    %add3A_74 = arith.addf %dot_general3A_68, %dot_general3A_73 : vector<2000x8xf32>
    %get3A_75 = arith.constant 0 : index
    %get3A_76 = arith.constant 0 : index
    %get3A_77 = vector.load %arg6[%get3A_75, %get3A_76] : memref<50x8xf32, #tpu.memory_space<vmem>>, vector<50x8xf32>
    %dot_general3A_78 = arith.constant dense<0.000000e+00> : vector<2000x8xf32>
    %dot_general3A_79 = tpu.matmul %exp3A, %get3A_77, %dot_general3A_78 {dimension_numbers = #tpu.dot_dimension_numbers<[1], [0], [0], [1], [0, 0, 1, 1], [], []>, transpose_lhs_hint = false} : vector<2000x50xf32>, vector<50x8xf32>, vector<2000x8xf32> -> vector<2000x8xf32>
    %add3A_80 = arith.addf %add3A_74, %dot_general3A_79 : vector<2000x8xf32>
    %get3A_81 = arith.constant 0 : index
    %get3A_82 = arith.constant 0 : index
    %get3A_83 = vector.load %arg7[%get3A_81, %get3A_82] : memref<1x8xf32, #tpu.memory_space<vmem>>, vector<1x8xf32>
    %add3A_84 = vector.broadcast %get3A_83 : vector<1x8xf32> to vector<2000x8xf32>
    %add3A_85 = arith.addf %add3A_80, %add3A_84 : vector<2000x8xf32>
    %max3A = arith.constant 0.000000e+00 : f32
    %max3A_86 = vector.broadcast %max3A : f32 to vector<2000x8xf32>
    %max3A_87 = arith.maximumf %add3A_85, %max3A_86 : vector<2000x8xf32>
    %get3A_88 = arith.constant 0 : index
    %get3A_89 = arith.constant 0 : index
    %get3A_90 = vector.load %arg8[%get3A_88, %get3A_89] : memref<8x8xf32, #tpu.memory_space<vmem>>, vector<8x8xf32>
    %dot_general3A_91 = arith.constant dense<0.000000e+00> : vector<2000x8xf32>
    %dot_general3A_92 = tpu.matmul %max3A_87, %get3A_90, %dot_general3A_91 {dimension_numbers = #tpu.dot_dimension_numbers<[1], [0], [0], [1], [0, 0, 1, 1], [], []>, transpose_lhs_hint = false} : vector<2000x8xf32>, vector<8x8xf32>, vector<2000x8xf32> -> vector<2000x8xf32>
    %get3A_93 = arith.constant 0 : index
    %get3A_94 = arith.constant 0 : index
    %get3A_95 = vector.load %arg9[%get3A_93, %get3A_94] : memref<1x8xf32, #tpu.memory_space<vmem>>, vector<1x8xf32>
    %add3A_96 = vector.broadcast %get3A_95 : vector<1x8xf32> to vector<2000x8xf32>
    %add3A_97 = arith.addf %dot_general3A_92, %add3A_96 : vector<2000x8xf32>
    %broadcast_in_dim3A_98 = arith.constant 0.000000e+00 : f32
    %broadcast_in_dim3A_99 = vector.broadcast %broadcast_in_dim3A_98 : f32 to vector<2000x7xf32>
    %concatenate3A_100 = tpu.concatenate %add3A_97, %concatenate3A, %broadcast_in_dim3A_99 in 1 : vector<2000x8xf32>, vector<2000x9xf32>, vector<2000x7xf32> -> vector<2000x24xf32>
    %swap3A = arith.constant 0 : index
    %swap3A_101 = arith.constant 0 : index
    %swap3A_102 = vector.load %arg11[%swap3A, %swap3A_101] : memref<2000x24xf32, #tpu.memory_space<vmem>>, vector<2000x24xf32>
    tpu.vector_store %arg11[%swap3A, %swap3A_101], %concatenate3A_100 {strides = array<i32>} : memref<2000x24xf32, #tpu.memory_space<vmem>>, vector<2000x24xf32>,
    return
  }
  func.func @transform_0(%arg0: i32) -> (i32, i32) {
    %c0_i32 = arith.constant 0 : i32
    %c0_i32_0 = arith.constant 0 : i32
    return %arg0, %c0_i32 : i32, i32
  }
  func.func @transform_1(%arg0: i32) -> (i32, i32) {
    %c0_i32 = arith.constant 0 : i32
    %c0_i32_0 = arith.constant 0 : i32
    return %arg0, %c0_i32 : i32, i32
  }
  func.func @transform_2(%arg0: i32) -> (i32, i32) {
    %c0_i32 = arith.constant 0 : i32
    %c0_i32_0 = arith.constant 0 : i32
    return %arg0, %c0_i32 : i32, i32
  }
  func.func @transform_3(%arg0: i32) -> (i32, i32) {
    %c0_i32 = arith.constant 0 : i32
    %c0_i32_0 = arith.constant 0 : i32
    %c0_i32_1 = arith.constant 0 : i32
    return %c0_i32, %c0_i32_0 : i32, i32
  }
  func.func @transform_4(%arg0: i32) -> (i32, i32) {
    %c0_i32 = arith.constant 0 : i32
    %c0_i32_0 = arith.constant 0 : i32
    %c0_i32_1 = arith.constant 0 : i32
    return %c0_i32, %c0_i32_0 : i32, i32
  }
  func.func @transform_5(%arg0: i32) -> (i32, i32) {
    %c0_i32 = arith.constant 0 : i32
    %c0_i32_0 = arith.constant 0 : i32
    %c0_i32_1 = arith.constant 0 : i32
    return %c0_i32, %c0_i32_0 : i32, i32
  }
  func.func @transform_6(%arg0: i32) -> (i32, i32) {
    %c0_i32 = arith.constant 0 : i32
    %c0_i32_0 = arith.constant 0 : i32
    %c0_i32_1 = arith.constant 0 : i32
    return %c0_i32, %c0_i32_0 : i32, i32
  }
  func.func @transform_7(%arg0: i32) -> (i32, i32) {
    %c0_i32 = arith.constant 0 : i32
    %c0_i32_0 = arith.constant 0 : i32
    %c0_i32_1 = arith.constant 0 : i32
    return %c0_i32, %c0_i32_0 : i32, i32
  }
  func.func @transform_8(%arg0: i32) -> (i32, i32) {
    %c0_i32 = arith.constant 0 : i32
    %c0_i32_0 = arith.constant 0 : i32
    %c0_i32_1 = arith.constant 0 : i32
    return %c0_i32, %c0_i32_0 : i32, i32
  }
  func.func @transform_9(%arg0: i32) -> (i32, i32) {
    %c0_i32 = arith.constant 0 : i32
    %c0_i32_0 = arith.constant 0 : i32
    %c0_i32_1 = arith.constant 0 : i32
    return %c0_i32, %c0_i32_0 : i32, i32
  }
  func.func @transform_10(%arg0: i32) -> (i32, i32) {
    %c0_i32 = arith.constant 0 : i32
    %c0_i32_0 = arith.constant 0 : i32
    return %arg0, %c0_i32 : i32, i32
  }
}

module attributes {stable_mosaic.version = 14 : i64} {
  func.func @_dense_body(%arg0: i32, %arg1: memref<2000x24xf32, #tpu.memory_space<vmem>>, %arg2: memref<2000x32xf32, #tpu.memory_space<vmem>>, %arg3: memref<2000x32xf32, #tpu.memory_space<vmem>>, %arg4: memref<8x72xf32, #tpu.memory_space<vmem>>, %arg5: memref<32x72xf32, #tpu.memory_space<vmem>>, %arg6: memref<32x72xf32, #tpu.memory_space<vmem>>, %arg7: memref<1x72xf32, #tpu.memory_space<vmem>>, %arg8: memref<72x96xf32, #tpu.memory_space<vmem>>, %arg9: memref<1x96xf32, #tpu.memory_space<vmem>>, %arg10: memref<32x96xf32, #tpu.memory_space<vmem>>, %arg11: memref<9x96xf32, #tpu.memory_space<vmem>>, %arg12: memref<2000x96xf32, #tpu.memory_space<vmem>>) attributes {dimension_semantics = [#tpu.dimension_semantics<arbitrary>], iteration_bounds = array<i64: 80>, scalar_prefetch = 0 : i64, scratch_operands = 0 : i64, tpu.core_type = #tpu.core_type<tc>, window_params = [{transform_indices = @transform_0, window_bounds = array<i64: 2000, 24>}, {transform_indices = @transform_1, window_bounds = array<i64: 2000, 32>}, {transform_indices = @transform_2, window_bounds = array<i64: 2000, 32>}, {pipeline_mode = #tpu.pipeline_mode<synchronous>, transform_indices = @transform_3, window_bounds = array<i64: 8, 72>}, {pipeline_mode = #tpu.pipeline_mode<synchronous>, transform_indices = @transform_4, window_bounds = array<i64: 32, 72>}, {pipeline_mode = #tpu.pipeline_mode<synchronous>, transform_indices = @transform_5, window_bounds = array<i64: 32, 72>}, {pipeline_mode = #tpu.pipeline_mode<synchronous>, transform_indices = @transform_6, window_bounds = array<i64: 1, 72>}, {pipeline_mode = #tpu.pipeline_mode<synchronous>, transform_indices = @transform_7, window_bounds = array<i64: 72, 96>}, {pipeline_mode = #tpu.pipeline_mode<synchronous>, transform_indices = @transform_8, window_bounds = array<i64: 1, 96>}, {pipeline_mode = #tpu.pipeline_mode<synchronous>, transform_indices = @transform_9, window_bounds = array<i64: 32, 96>}, {pipeline_mode = #tpu.pipeline_mode<synchronous>, transform_indices = @transform_10, window_bounds = array<i64: 9, 96>}, {transform_indices = @transform_11, window_bounds = array<i64: 2000, 96>}]} {
    %get3A = arith.constant 0 : index
    %get3A_0 = arith.constant 0 : index
    %get3A_1 = vector.load %arg1[%get3A, %get3A_0] : memref<2000x24xf32, #tpu.memory_space<vmem>>, vector<2000x24xf32>
    %slice3A = vector.extract_strided_slice %get3A_1 {offsets = [0, 0], sizes = [2000, 8], strides = [1, 1]} : vector<2000x24xf32> to vector<2000x8xf32>
    %slice3A_2 = vector.extract_strided_slice %get3A_1 {offsets = [0, 8], sizes = [2000, 9], strides = [1, 1]} : vector<2000x24xf32> to vector<2000x9xf32>
    %get3A_3 = arith.constant 0 : index
    %get3A_4 = arith.constant 0 : index
    %get3A_5 = vector.load %arg2[%get3A_3, %get3A_4] : memref<2000x32xf32, #tpu.memory_space<vmem>>, vector<2000x32xf32>
    %get3A_6 = arith.constant 0 : index
    %get3A_7 = arith.constant 0 : index
    %get3A_8 = vector.load %arg3[%get3A_6, %get3A_7] : memref<2000x32xf32, #tpu.memory_space<vmem>>, vector<2000x32xf32>
    %get3A_9 = arith.constant 0 : index
    %get3A_10 = arith.constant 0 : index
    %get3A_11 = vector.load %arg4[%get3A_9, %get3A_10] : memref<8x72xf32, #tpu.memory_space<vmem>>, vector<8x72xf32>
    %dot_general3A = arith.constant dense<0.000000e+00> : vector<2000x72xf32>
    %dot_general3A_12 = tpu.matmul %slice3A, %get3A_11, %dot_general3A {dimension_numbers = #tpu.dot_dimension_numbers<[1], [0], [0], [1], [0, 0, 1, 1], [], []>, transpose_lhs_hint = false} : vector<2000x8xf32>, vector<8x72xf32>, vector<2000x72xf32> -> vector<2000x72xf32>
    %get3A_13 = arith.constant 0 : index
    %get3A_14 = arith.constant 0 : index
    %get3A_15 = vector.load %arg5[%get3A_13, %get3A_14] : memref<32x72xf32, #tpu.memory_space<vmem>>, vector<32x72xf32>
    %dot_general3A_16 = arith.constant dense<0.000000e+00> : vector<2000x72xf32>
    %dot_general3A_17 = tpu.matmul %get3A_5, %get3A_15, %dot_general3A_16 {dimension_numbers = #tpu.dot_dimension_numbers<[1], [0], [0], [1], [0, 0, 1, 1], [], []>, transpose_lhs_hint = false} : vector<2000x32xf32>, vector<32x72xf32>, vector<2000x72xf32> -> vector<2000x72xf32>
    %add3A = arith.addf %dot_general3A_12, %dot_general3A_17 : vector<2000x72xf32>
    %get3A_18 = arith.constant 0 : index
    %get3A_19 = arith.constant 0 : index
    %get3A_20 = vector.load %arg6[%get3A_18, %get3A_19] : memref<32x72xf32, #tpu.memory_space<vmem>>, vector<32x72xf32>
    %dot_general3A_21 = arith.constant dense<0.000000e+00> : vector<2000x72xf32>
    %dot_general3A_22 = tpu.matmul %get3A_8, %get3A_20, %dot_general3A_21 {dimension_numbers = #tpu.dot_dimension_numbers<[1], [0], [0], [1], [0, 0, 1, 1], [], []>, transpose_lhs_hint = false} : vector<2000x32xf32>, vector<32x72xf32>, vector<2000x72xf32> -> vector<2000x72xf32>
    %add3A_23 = arith.addf %add3A, %dot_general3A_22 : vector<2000x72xf32>
    %get3A_24 = arith.constant 0 : index
    %get3A_25 = arith.constant 0 : index
    %get3A_26 = vector.load %arg7[%get3A_24, %get3A_25] : memref<1x72xf32, #tpu.memory_space<vmem>>, vector<1x72xf32>
    %add3A_27 = vector.broadcast %get3A_26 : vector<1x72xf32> to vector<2000x72xf32>
    %add3A_28 = arith.addf %add3A_23, %add3A_27 : vector<2000x72xf32>
    %max3A = arith.constant 0.000000e+00 : f32
    %max3A_29 = vector.broadcast %max3A : f32 to vector<2000x72xf32>
    %max3A_30 = arith.maximumf %add3A_28, %max3A_29 : vector<2000x72xf32>
    %get3A_31 = arith.constant 0 : index
    %get3A_32 = arith.constant 0 : index
    %get3A_33 = vector.load %arg8[%get3A_31, %get3A_32] : memref<72x96xf32, #tpu.memory_space<vmem>>, vector<72x96xf32>
    %dot_general3A_34 = arith.constant dense<0.000000e+00> : vector<2000x96xf32>
    %dot_general3A_35 = tpu.matmul %max3A_30, %get3A_33, %dot_general3A_34 {dimension_numbers = #tpu.dot_dimension_numbers<[1], [0], [0], [1], [0, 0, 1, 1], [], []>, transpose_lhs_hint = false} : vector<2000x72xf32>, vector<72x96xf32>, vector<2000x96xf32> -> vector<2000x96xf32>
    %get3A_36 = arith.constant 0 : index
    %get3A_37 = arith.constant 0 : index
    %get3A_38 = vector.load %arg9[%get3A_36, %get3A_37] : memref<1x96xf32, #tpu.memory_space<vmem>>, vector<1x96xf32>
    %add3A_39 = vector.broadcast %get3A_38 : vector<1x96xf32> to vector<2000x96xf32>
    %add3A_40 = arith.addf %dot_general3A_35, %add3A_39 : vector<2000x96xf32>
    %get3A_41 = arith.constant 0 : index
    %get3A_42 = arith.constant 0 : index
    %get3A_43 = vector.load %arg10[%get3A_41, %get3A_42] : memref<32x96xf32, #tpu.memory_space<vmem>>, vector<32x96xf32>
    %dot_general3A_44 = arith.constant dense<0.000000e+00> : vector<2000x96xf32>
    %dot_general3A_45 = tpu.matmul %get3A_5, %get3A_43, %dot_general3A_44 {dimension_numbers = #tpu.dot_dimension_numbers<[1], [0], [0], [1], [0, 0, 1, 1], [], []>, transpose_lhs_hint = false} : vector<2000x32xf32>, vector<32x96xf32>, vector<2000x96xf32> -> vector<2000x96xf32>
    %get3A_46 = arith.constant 0 : index
    %get3A_47 = arith.constant 0 : index
    %get3A_48 = vector.load %arg11[%get3A_46, %get3A_47] : memref<9x96xf32, #tpu.memory_space<vmem>>, vector<9x96xf32>
    %dot_general3A_49 = arith.constant dense<0.000000e+00> : vector<2000x96xf32>
    %dot_general3A_50 = tpu.matmul %slice3A_2, %get3A_48, %dot_general3A_49 {dimension_numbers = #tpu.dot_dimension_numbers<[1], [0], [0], [1], [0, 0, 1, 1], [], []>, transpose_lhs_hint = false} : vector<2000x9xf32>, vector<9x96xf32>, vector<2000x96xf32> -> vector<2000x96xf32>
    %mul3A = arith.mulf %dot_general3A_45, %add3A_40 : vector<2000x96xf32>
    %mul3A_51 = arith.mulf %mul3A, %dot_general3A_50 : vector<2000x96xf32>
    %swap3A = arith.constant 0 : index
    %swap3A_52 = arith.constant 0 : index
    %swap3A_53 = vector.load %arg12[%swap3A, %swap3A_52] : memref<2000x96xf32, #tpu.memory_space<vmem>>, vector<2000x96xf32>
    tpu.vector_store %arg12[%swap3A, %swap3A_52], %mul3A_51 {strides = array<i32>} : memref<2000x96xf32, #tpu.memory_space<vmem>>, vector<2000x96xf32>,
    return
  }
  func.func @transform_0(%arg0: i32) -> (i32, i32) {
    %c0_i32 = arith.constant 0 : i32
    %c0_i32_0 = arith.constant 0 : i32
    return %arg0, %c0_i32 : i32, i32
  }
  func.func @transform_1(%arg0: i32) -> (i32, i32) {
    %c0_i32 = arith.constant 0 : i32
    %c0_i32_0 = arith.constant 0 : i32
    return %arg0, %c0_i32 : i32, i32
  }
  func.func @transform_2(%arg0: i32) -> (i32, i32) {
    %c0_i32 = arith.constant 0 : i32
    %c0_i32_0 = arith.constant 0 : i32
    return %arg0, %c0_i32 : i32, i32
  }
  func.func @transform_3(%arg0: i32) -> (i32, i32) {
    %c0_i32 = arith.constant 0 : i32
    %c0_i32_0 = arith.constant 0 : i32
    %c0_i32_1 = arith.constant 0 : i32
    return %c0_i32, %c0_i32_0 : i32, i32
  }
  func.func @transform_4(%arg0: i32) -> (i32, i32) {
    %c0_i32 = arith.constant 0 : i32
    %c0_i32_0 = arith.constant 0 : i32
    %c0_i32_1 = arith.constant 0 : i32
    return %c0_i32, %c0_i32_0 : i32, i32
  }
  func.func @transform_5(%arg0: i32) -> (i32, i32) {
    %c0_i32 = arith.constant 0 : i32
    %c0_i32_0 = arith.constant 0 : i32
    %c0_i32_1 = arith.constant 0 : i32
    return %c0_i32, %c0_i32_0 : i32, i32
  }
  func.func @transform_6(%arg0: i32) -> (i32, i32) {
    %c0_i32 = arith.constant 0 : i32
    %c0_i32_0 = arith.constant 0 : i32
    %c0_i32_1 = arith.constant 0 : i32
    return %c0_i32, %c0_i32_0 : i32, i32
  }
  func.func @transform_7(%arg0: i32) -> (i32, i32) {
    %c0_i32 = arith.constant 0 : i32
    %c0_i32_0 = arith.constant 0 : i32
    %c0_i32_1 = arith.constant 0 : i32
    return %c0_i32, %c0_i32_0 : i32, i32
  }
  func.func @transform_8(%arg0: i32) -> (i32, i32) {
    %c0_i32 = arith.constant 0 : i32
    %c0_i32_0 = arith.constant 0 : i32
    %c0_i32_1 = arith.constant 0 : i32
    return %c0_i32, %c0_i32_0 : i32, i32
  }
  func.func @transform_9(%arg0: i32) -> (i32, i32) {
    %c0_i32 = arith.constant 0 : i32
    %c0_i32_0 = arith.constant 0 : i32
    %c0_i32_1 = arith.constant 0 : i32
    return %c0_i32, %c0_i32_0 : i32, i32
  }
  func.func @transform_10(%arg0: i32) -> (i32, i32) {
    %c0_i32 = arith.constant 0 : i32
    %c0_i32_0 = arith.constant 0 : i32
    %c0_i32_1 = arith.constant 0 : i32
    return %c0_i32, %c0_i32_0 : i32, i32
  }
  func.func @transform_11(%arg0: i32) -> (i32, i32) {
    %c0_i32 = arith.constant 0 : i32
    %c0_i32_0 = arith.constant 0 : i32
    return %arg0, %c0_i32 : i32, i32
  }
}

module attributes {stable_mosaic.version = 14 : i64} {
  func.func @_bn_stats_body(%arg0: i32, %arg1: memref<2x2000x96xf32, #tpu.memory_space<vmem>>, %arg2: memref<2x2000x8xf32, #tpu.memory_space<vmem>>, %arg3: memref<2000x32xf32, #tpu.memory_space<vmem>>, %arg4: memref<2000x96xf32, #tpu.memory_space<vmem>>, %arg5: memref<8x96xf32, #tpu.memory_space<vmem>>, %arg6: memref<8x96xf32, #tpu.memory_space<vmem>>) attributes {dimension_semantics = [#tpu.dimension_semantics<arbitrary>], iteration_bounds = array<i64: 5>, scalar_prefetch = 0 : i64, scratch_operands = 1 : i64, tpu.core_type = #tpu.core_type<tc>, window_params = [{transform_indices = @transform_0, window_bounds = array<i64: 2, 2000, 96>}, {transform_indices = @transform_1, window_bounds = array<i64: 2, 2000, 8>}, {transform_indices = @transform_2, window_bounds = array<i64: 2000, 32>}, {transform_indices = @transform_3, window_bounds = array<i64: 2000, 96>}, {pipeline_mode = #tpu.pipeline_mode<synchronous>, transform_indices = @transform_4, window_bounds = array<i64: 8, 96>}]} {
    %eq3A = arith.constant 0 : i32
    %eq3A_0 = arith.cmpi eq, %arg0, %eq3A : i32
    %convert_element_type3A = arith.extui %eq3A_0 : i1 to i32
    %cond3A = arith.constant 0 : i32
    %cond3A_1 = arith.cmpi ne, %convert_element_type3A, %cond3A : i32
    scf.if %cond3A_1 {
      %broadcast_in_dim3A_60 = arith.constant 0.000000e+00 : f32
      %broadcast_in_dim3A_61 = vector.broadcast %broadcast_in_dim3A_60 : f32 to vector<8x96xf32>
      %swap3A_62 = arith.constant 0 : index
      %swap3A_63 = arith.constant 0 : index
      %swap3A_64 = vector.load %arg6[%swap3A_62, %swap3A_63] : memref<8x96xf32, #tpu.memory_space<vmem>>, vector<8x96xf32>
      tpu.vector_store %arg6[%swap3A_62, %swap3A_63], %broadcast_in_dim3A_61 {strides = array<i32>} : memref<8x96xf32, #tpu.memory_space<vmem>>, vector<8x96xf32>,
    } else {
    }
    %get3A = arith.constant 0 : index
    %get3A_2 = arith.constant 0 : index
    %get3A_3 = arith.constant 0 : index
    %get3A_4 = vector.load %arg1[%get3A, %get3A_2, %get3A_3] : memref<2x2000x96xf32, #tpu.memory_space<vmem>>, vector<1x2000x96xf32>
    %get3A_5 = vector.shape_cast %get3A_4 : vector<1x2000x96xf32> to vector<2000x96xf32>
    %get3A_6 = arith.constant 1 : index
    %get3A_7 = arith.constant 0 : index
    %get3A_8 = arith.constant 0 : index
    %get3A_9 = vector.load %arg1[%get3A_6, %get3A_7, %get3A_8] : memref<2x2000x96xf32, #tpu.memory_space<vmem>>, vector<1x2000x96xf32>
    %get3A_10 = vector.shape_cast %get3A_9 : vector<1x2000x96xf32> to vector<2000x96xf32>
    %add3A = arith.addf %get3A_5, %get3A_10 : vector<2000x96xf32>
    %get3A_11 = arith.constant 0 : index
    %get3A_12 = arith.constant 0 : index
    %get3A_13 = arith.constant 0 : index
    %get3A_14 = vector.load %arg2[%get3A_11, %get3A_12, %get3A_13] : memref<2x2000x8xf32, #tpu.memory_space<vmem>>, vector<1x2000x8xf32>
    %get3A_15 = vector.shape_cast %get3A_14 : vector<1x2000x8xf32> to vector<2000x8xf32>
    %slice3A = vector.extract_strided_slice %get3A_15 {offsets = [0, 0], sizes = [2000, 1], strides = [1, 1]} : vector<2000x8xf32> to vector<2000x1xf32>
    %get3A_16 = arith.constant 1 : index
    %get3A_17 = arith.constant 0 : index
    %get3A_18 = arith.constant 0 : index
    %get3A_19 = vector.load %arg2[%get3A_16, %get3A_17, %get3A_18] : memref<2x2000x8xf32, #tpu.memory_space<vmem>>, vector<1x2000x8xf32>
    %get3A_20 = vector.shape_cast %get3A_19 : vector<1x2000x8xf32> to vector<2000x8xf32>
    %slice3A_21 = vector.extract_strided_slice %get3A_20 {offsets = [0, 0], sizes = [2000, 1], strides = [1, 1]} : vector<2000x8xf32> to vector<2000x1xf32>
    %add3A_22 = arith.addf %slice3A, %slice3A_21 : vector<2000x1xf32>
    %max3A = arith.constant 1.000000e+00 : f32
    %max3A_23 = vector.broadcast %max3A : f32 to vector<2000x1xf32>
    %max3A_24 = arith.maximumf %add3A_22, %max3A_23 : vector<2000x1xf32>
    %div3A = arith.constant 1.000000e+00 : f32
    %div3A_25 = vector.broadcast %div3A : f32 to vector<2000x1xf32>
    %div3A_26 = arith.divf %div3A_25, %max3A_24 : vector<2000x1xf32>
    %get3A_27 = arith.constant 0 : index
    %get3A_28 = arith.constant 0 : index
    %get3A_29 = vector.load %arg3[%get3A_27, %get3A_28] : memref<2000x32xf32, #tpu.memory_space<vmem>>, vector<2000x32xf32>
    %broadcast_in_dim3A = arith.constant 0.000000e+00 : f32
    %broadcast_in_dim3A_30 = vector.broadcast %broadcast_in_dim3A : f32 to vector<2000x64xf32>
    %concatenate3A = tpu.concatenate %get3A_29, %broadcast_in_dim3A_30 in 1 : vector<2000x32xf32>, vector<2000x64xf32> -> vector<2000x96xf32>
    %mul3A = vector.broadcast %div3A_26 : vector<2000x1xf32> to vector<2000x96xf32>
    %mul3A_31 = arith.mulf %add3A, %mul3A : vector<2000x96xf32>
    %add3A_32 = arith.addf %mul3A_31, %concatenate3A : vector<2000x96xf32>
    %swap3A = arith.constant 0 : index
    %swap3A_33 = arith.constant 0 : index
    %swap3A_34 = vector.load %arg4[%swap3A, %swap3A_33] : memref<2000x96xf32, #tpu.memory_space<vmem>>, vector<2000x96xf32>
    tpu.vector_store %arg4[%swap3A, %swap3A_33], %add3A_32 {strides = array<i32>} : memref<2000x96xf32, #tpu.memory_space<vmem>>, vector<2000x96xf32>,
    %get3A_35 = arith.constant 0 : index
    %get3A_36 = arith.constant 0 : index
    %get3A_37 = vector.load %arg6[%get3A_35, %get3A_36] : memref<8x96xf32, #tpu.memory_space<vmem>>, vector<1x96xf32>
    %reduce_sum3A = arith.constant dense<0.000000e+00> : vector<96xf32>
    %reduce_sum3A_38 = vector.multi_reduction <add>, %add3A_32, %reduce_sum3A [0] : vector<2000x96xf32> to vector<96xf32>
    %broadcast_in_dim3A_39 = vector.shape_cast %reduce_sum3A_38 : vector<96xf32> to vector<1x96xf32>
    %add3A_40 = arith.addf %get3A_37, %broadcast_in_dim3A_39 : vector<1x96xf32>
    %swap3A_41 = arith.constant 0 : index
    %swap3A_42 = arith.constant 0 : index
    %swap3A_43 = vector.load %arg6[%swap3A_41, %swap3A_42] : memref<8x96xf32, #tpu.memory_space<vmem>>, vector<1x96xf32>
    tpu.vector_store %arg6[%swap3A_41, %swap3A_42], %add3A_40 {strides = array<i32>} : memref<8x96xf32, #tpu.memory_space<vmem>>, vector<1x96xf32>,
    %get3A_44 = arith.constant 1 : index
    %get3A_45 = arith.constant 0 : index
    %get3A_46 = vector.load %arg6[%get3A_44, %get3A_45] : memref<8x96xf32, #tpu.memory_space<vmem>>, vector<1x96xf32>
    %mul3A_47 = arith.mulf %add3A_32, %add3A_32 : vector<2000x96xf32>
    %reduce_sum3A_48 = arith.constant dense<0.000000e+00> : vector<96xf32>
    %reduce_sum3A_49 = vector.multi_reduction <add>, %mul3A_47, %reduce_sum3A_48 [0] : vector<2000x96xf32> to vector<96xf32>
    %broadcast_in_dim3A_50 = vector.shape_cast %reduce_sum3A_49 : vector<96xf32> to vector<1x96xf32>
    %add3A_51 = arith.addf %get3A_46, %broadcast_in_dim3A_50 : vector<1x96xf32>
    %swap3A_52 = arith.constant 1 : index
    %swap3A_53 = arith.constant 0 : index
    %swap3A_54 = vector.load %arg6[%swap3A_52, %swap3A_53] : memref<8x96xf32, #tpu.memory_space<vmem>>, vector<1x96xf32>
    tpu.vector_store %arg6[%swap3A_52, %swap3A_53], %add3A_51 {strides = array<i32>} : memref<8x96xf32, #tpu.memory_space<vmem>>, vector<1x96xf32>,
    %eq3A_55 = arith.constant 4 : i32
    %eq3A_56 = arith.cmpi eq, %arg0, %eq3A_55 : i32
    %convert_element_type3A_57 = arith.extui %eq3A_56 : i1 to i32
    %cond3A_58 = arith.constant 0 : i32
    %cond3A_59 = arith.cmpi ne, %convert_element_type3A_57, %cond3A_58 : i32
    scf.if %cond3A_59 {
      %get3A_60 = arith.constant 0 : index
      %get3A_61 = arith.constant 0 : index
      %get3A_62 = vector.load %arg6[%get3A_60, %get3A_61] : memref<8x96xf32, #tpu.memory_space<vmem>>, vector<1x96xf32>
      %mul3A_63 = arith.constant 9.99999974E-5 : f32
      %mul3A_64 = vector.broadcast %mul3A_63 : f32 to vector<1x96xf32>
      %mul3A_65 = arith.mulf %get3A_62, %mul3A_64 : vector<1x96xf32>
      %get3A_66 = arith.constant 1 : index
      %get3A_67 = arith.constant 0 : index
      %get3A_68 = vector.load %arg6[%get3A_66, %get3A_67] : memref<8x96xf32, #tpu.memory_space<vmem>>, vector<1x96xf32>
      %mul3A_69 = arith.constant 9.99999974E-5 : f32
      %mul3A_70 = vector.broadcast %mul3A_69 : f32 to vector<1x96xf32>
      %mul3A_71 = arith.mulf %get3A_68, %mul3A_70 : vector<1x96xf32>
      %mul3A_72 = arith.mulf %mul3A_65, %mul3A_65 : vector<1x96xf32>
      %sub3A = arith.subf %mul3A_71, %mul3A_72 : vector<1x96xf32>
      %swap3A_73 = arith.constant 0 : index
      %swap3A_74 = arith.constant 0 : index
      %swap3A_75 = vector.load %arg5[%swap3A_73, %swap3A_74] : memref<8x96xf32, #tpu.memory_space<vmem>>, vector<1x96xf32>
      tpu.vector_store %arg5[%swap3A_73, %swap3A_74], %mul3A_65 {strides = array<i32>} : memref<8x96xf32, #tpu.memory_space<vmem>>, vector<1x96xf32>,
      %add3A_76 = arith.constant 9.99999974E-6 : f32
      %add3A_77 = vector.broadcast %add3A_76 : f32 to vector<1x96xf32>
      %add3A_78 = arith.addf %sub3A, %add3A_77 : vector<1x96xf32>
      %rsqrt3A = math.rsqrt %add3A_78 : vector<1x96xf32>
      %swap3A_79 = arith.constant 1 : index
      %swap3A_80 = arith.constant 0 : index
      %swap3A_81 = vector.load %arg5[%swap3A_79, %swap3A_80] : memref<8x96xf32, #tpu.memory_space<vmem>>, vector<1x96xf32>
      tpu.vector_store %arg5[%swap3A_79, %swap3A_80], %rsqrt3A {strides = array<i32>} : memref<8x96xf32, #tpu.memory_space<vmem>>, vector<1x96xf32>,
    } else {
    }
    return
  }
  func.func @transform_0(%arg0: i32) -> (i32, i32, i32) {
    %c0_i32 = arith.constant 0 : i32
    %c0_i32_0 = arith.constant 0 : i32
    %c0_i32_1 = arith.constant 0 : i32
    return %c0_i32, %arg0, %c0_i32_0 : i32, i32, i32
  }
  func.func @transform_1(%arg0: i32) -> (i32, i32, i32) {
    %c0_i32 = arith.constant 0 : i32
    %c0_i32_0 = arith.constant 0 : i32
    %c0_i32_1 = arith.constant 0 : i32
    return %c0_i32, %arg0, %c0_i32_0 : i32, i32, i32
  }
  func.func @transform_2(%arg0: i32) -> (i32, i32) {
    %c0_i32 = arith.constant 0 : i32
    %c0_i32_0 = arith.constant 0 : i32
    return %arg0, %c0_i32 : i32, i32
  }
  func.func @transform_3(%arg0: i32) -> (i32, i32) {
    %c0_i32 = arith.constant 0 : i32
    %c0_i32_0 = arith.constant 0 : i32
    return %arg0, %c0_i32 : i32, i32
  }
  func.func @transform_4(%arg0: i32) -> (i32, i32) {
    %c0_i32 = arith.constant 0 : i32
    %c0_i32_0 = arith.constant 0 : i32
    %c0_i32_1 = arith.constant 0 : i32
    return %c0_i32, %c0_i32_0 : i32, i32
  }
}

module attributes {stable_mosaic.version = 14 : i64} {
  func.func @_bn_apply_body(%arg0: i32, %arg1: memref<2000x96xf32, #tpu.memory_space<vmem>>, %arg2: memref<8x96xf32, #tpu.memory_space<vmem>>, %arg3: memref<1x96xf32, #tpu.memory_space<vmem>>, %arg4: memref<1x96xf32, #tpu.memory_space<vmem>>, %arg5: memref<2000x96xf32, #tpu.memory_space<vmem>>, %arg6: memref<2000x32xf32, #tpu.memory_space<vmem>>) attributes {dimension_semantics = [#tpu.dimension_semantics<arbitrary>], iteration_bounds = array<i64: 5>, scalar_prefetch = 0 : i64, scratch_operands = 0 : i64, tpu.core_type = #tpu.core_type<tc>, window_params = [{transform_indices = @transform_0, window_bounds = array<i64: 2000, 96>}, {pipeline_mode = #tpu.pipeline_mode<synchronous>, transform_indices = @transform_1, window_bounds = array<i64: 8, 96>}, {pipeline_mode = #tpu.pipeline_mode<synchronous>, transform_indices = @transform_2, window_bounds = array<i64: 1, 96>}, {pipeline_mode = #tpu.pipeline_mode<synchronous>, transform_indices = @transform_3, window_bounds = array<i64: 1, 96>}, {transform_indices = @transform_4, window_bounds = array<i64: 2000, 96>}, {transform_indices = @transform_5, window_bounds = array<i64: 2000, 32>}]} {
    %get3A = arith.constant 0 : index
    %get3A_0 = arith.constant 0 : index
    %get3A_1 = vector.load %arg2[%get3A, %get3A_0] : memref<8x96xf32, #tpu.memory_space<vmem>>, vector<1x96xf32>
    %get3A_2 = arith.constant 1 : index
    %get3A_3 = arith.constant 0 : index
    %get3A_4 = vector.load %arg2[%get3A_2, %get3A_3] : memref<8x96xf32, #tpu.memory_space<vmem>>, vector<1x96xf32>
    %get3A_5 = arith.constant 0 : index
    %get3A_6 = arith.constant 0 : index
    %get3A_7 = vector.load %arg1[%get3A_5, %get3A_6] : memref<2000x96xf32, #tpu.memory_space<vmem>>, vector<2000x96xf32>
    %sub3A = vector.broadcast %get3A_1 : vector<1x96xf32> to vector<2000x96xf32>
    %sub3A_8 = arith.subf %get3A_7, %sub3A : vector<2000x96xf32>
    %mul3A = vector.broadcast %get3A_4 : vector<1x96xf32> to vector<2000x96xf32>
    %mul3A_9 = arith.mulf %sub3A_8, %mul3A : vector<2000x96xf32>
    %get3A_10 = arith.constant 0 : index
    %get3A_11 = arith.constant 0 : index
    %get3A_12 = vector.load %arg3[%get3A_10, %get3A_11] : memref<1x96xf32, #tpu.memory_space<vmem>>, vector<1x96xf32>
    %mul3A_13 = vector.broadcast %get3A_12 : vector<1x96xf32> to vector<2000x96xf32>
    %mul3A_14 = arith.mulf %mul3A_9, %mul3A_13 : vector<2000x96xf32>
    %get3A_15 = arith.constant 0 : index
    %get3A_16 = arith.constant 0 : index
    %get3A_17 = vector.load %arg4[%get3A_15, %get3A_16] : memref<1x96xf32, #tpu.memory_space<vmem>>, vector<1x96xf32>
    %add3A = vector.broadcast %get3A_17 : vector<1x96xf32> to vector<2000x96xf32>
    %add3A_18 = arith.addf %mul3A_14, %add3A : vector<2000x96xf32>
    %swap3A = arith.constant 0 : index
    %swap3A_19 = arith.constant 0 : index
    %swap3A_20 = vector.load %arg5[%swap3A, %swap3A_19] : memref<2000x96xf32, #tpu.memory_space<vmem>>, vector<2000x96xf32>
    tpu.vector_store %arg5[%swap3A, %swap3A_19], %add3A_18 {strides = array<i32>} : memref<2000x96xf32, #tpu.memory_space<vmem>>, vector<2000x96xf32>,
    %slice3A = vector.extract_strided_slice %add3A_18 {offsets = [0, 0], sizes = [2000, 32], strides = [1, 1]} : vector<2000x96xf32> to vector<2000x32xf32>
    %swap3A_21 = arith.constant 0 : index
    %swap3A_22 = arith.constant 0 : index
    %swap3A_23 = vector.load %arg6[%swap3A_21, %swap3A_22] : memref<2000x32xf32, #tpu.memory_space<vmem>>, vector<2000x32xf32>
    tpu.vector_store %arg6[%swap3A_21, %swap3A_22], %slice3A {strides = array<i32>} : memref<2000x32xf32, #tpu.memory_space<vmem>>, vector<2000x32xf32>,
    return
  }
  func.func @transform_0(%arg0: i32) -> (i32, i32) {
    %c0_i32 = arith.constant 0 : i32
    %c0_i32_0 = arith.constant 0 : i32
    return %arg0, %c0_i32 : i32, i32
  }
  func.func @transform_1(%arg0: i32) -> (i32, i32) {
    %c0_i32 = arith.constant 0 : i32
    %c0_i32_0 = arith.constant 0 : i32
    %c0_i32_1 = arith.constant 0 : i32
    return %c0_i32, %c0_i32_0 : i32, i32
  }
  func.func @transform_2(%arg0: i32) -> (i32, i32) {
    %c0_i32 = arith.constant 0 : i32
    %c0_i32_0 = arith.constant 0 : i32
    %c0_i32_1 = arith.constant 0 : i32
    return %c0_i32, %c0_i32_0 : i32, i32
  }
  func.func @transform_3(%arg0: i32) -> (i32, i32) {
    %c0_i32 = arith.constant 0 : i32
    %c0_i32_0 = arith.constant 0 : i32
    %c0_i32_1 = arith.constant 0 : i32
    return %c0_i32, %c0_i32_0 : i32, i32
  }
  func.func @transform_4(%arg0: i32) -> (i32, i32) {
    %c0_i32 = arith.constant 0 : i32
    %c0_i32_0 = arith.constant 0 : i32
    return %arg0, %c0_i32 : i32, i32
  }
  func.func @transform_5(%arg0: i32) -> (i32, i32) {
    %c0_i32 = arith.constant 0 : i32
    %c0_i32_0 = arith.constant 0 : i32
    return %arg0, %c0_i32 : i32, i32
  }
}

module attributes {stable_mosaic.version = 14 : i64} {
  func.func @_dense_body(%arg0: i32, %arg1: memref<2000x24xf32, #tpu.memory_space<vmem>>, %arg2: memref<2000x96xf32, #tpu.memory_space<vmem>>, %arg3: memref<2000x32xf32, #tpu.memory_space<vmem>>, %arg4: memref<8x72xf32, #tpu.memory_space<vmem>>, %arg5: memref<32x72xf32, #tpu.memory_space<vmem>>, %arg6: memref<32x72xf32, #tpu.memory_space<vmem>>, %arg7: memref<1x72xf32, #tpu.memory_space<vmem>>, %arg8: memref<72x160xf32, #tpu.memory_space<vmem>>, %arg9: memref<1x160xf32, #tpu.memory_space<vmem>>, %arg10: memref<96x160xf32, #tpu.memory_space<vmem>>, %arg11: memref<9x160xf32, #tpu.memory_space<vmem>>, %arg12: memref<2000x160xf32, #tpu.memory_space<vmem>>) attributes {dimension_semantics = [#tpu.dimension_semantics<arbitrary>], iteration_bounds = array<i64: 80>, scalar_prefetch = 0 : i64, scratch_operands = 0 : i64, tpu.core_type = #tpu.core_type<tc>, window_params = [{transform_indices = @transform_0, window_bounds = array<i64: 2000, 24>}, {transform_indices = @transform_1, window_bounds = array<i64: 2000, 96>}, {transform_indices = @transform_2, window_bounds = array<i64: 2000, 32>}, {pipeline_mode = #tpu.pipeline_mode<synchronous>, transform_indices = @transform_3, window_bounds = array<i64: 8, 72>}, {pipeline_mode = #tpu.pipeline_mode<synchronous>, transform_indices = @transform_4, window_bounds = array<i64: 32, 72>}, {pipeline_mode = #tpu.pipeline_mode<synchronous>, transform_indices = @transform_5, window_bounds = array<i64: 32, 72>}, {pipeline_mode = #tpu.pipeline_mode<synchronous>, transform_indices = @transform_6, window_bounds = array<i64: 1, 72>}, {pipeline_mode = #tpu.pipeline_mode<synchronous>, transform_indices = @transform_7, window_bounds = array<i64: 72, 160>}, {pipeline_mode = #tpu.pipeline_mode<synchronous>, transform_indices = @transform_8, window_bounds = array<i64: 1, 160>}, {pipeline_mode = #tpu.pipeline_mode<synchronous>, transform_indices = @transform_9, window_bounds = array<i64: 96, 160>}, {pipeline_mode = #tpu.pipeline_mode<synchronous>, transform_indices = @transform_10, window_bounds = array<i64: 9, 160>}, {transform_indices = @transform_11, window_bounds = array<i64: 2000, 160>}]} {
    %get3A = arith.constant 0 : index
    %get3A_0 = arith.constant 0 : index
    %get3A_1 = vector.load %arg1[%get3A, %get3A_0] : memref<2000x24xf32, #tpu.memory_space<vmem>>, vector<2000x24xf32>
    %slice3A = vector.extract_strided_slice %get3A_1 {offsets = [0, 0], sizes = [2000, 8], strides = [1, 1]} : vector<2000x24xf32> to vector<2000x8xf32>
    %slice3A_2 = vector.extract_strided_slice %get3A_1 {offsets = [0, 8], sizes = [2000, 9], strides = [1, 1]} : vector<2000x24xf32> to vector<2000x9xf32>
    %get3A_3 = arith.constant 0 : index
    %get3A_4 = arith.constant 0 : index
    %get3A_5 = vector.load %arg2[%get3A_3, %get3A_4] : memref<2000x96xf32, #tpu.memory_space<vmem>>, vector<2000x96xf32>
    %slice3A_6 = vector.extract_strided_slice %get3A_5 {offsets = [0, 0], sizes = [2000, 32], strides = [1, 1]} : vector<2000x96xf32> to vector<2000x32xf32>
    %get3A_7 = arith.constant 0 : index
    %get3A_8 = arith.constant 0 : index
    %get3A_9 = vector.load %arg3[%get3A_7, %get3A_8] : memref<2000x32xf32, #tpu.memory_space<vmem>>, vector<2000x32xf32>
    %get3A_10 = arith.constant 0 : index
    %get3A_11 = arith.constant 0 : index
    %get3A_12 = vector.load %arg4[%get3A_10, %get3A_11] : memref<8x72xf32, #tpu.memory_space<vmem>>, vector<8x72xf32>
    %dot_general3A = arith.constant dense<0.000000e+00> : vector<2000x72xf32>
    %dot_general3A_13 = tpu.matmul %slice3A, %get3A_12, %dot_general3A {dimension_numbers = #tpu.dot_dimension_numbers<[1], [0], [0], [1], [0, 0, 1, 1], [], []>, transpose_lhs_hint = false} : vector<2000x8xf32>, vector<8x72xf32>, vector<2000x72xf32> -> vector<2000x72xf32>
    %get3A_14 = arith.constant 0 : index
    %get3A_15 = arith.constant 0 : index
    %get3A_16 = vector.load %arg5[%get3A_14, %get3A_15] : memref<32x72xf32, #tpu.memory_space<vmem>>, vector<32x72xf32>
    %dot_general3A_17 = arith.constant dense<0.000000e+00> : vector<2000x72xf32>
    %dot_general3A_18 = tpu.matmul %slice3A_6, %get3A_16, %dot_general3A_17 {dimension_numbers = #tpu.dot_dimension_numbers<[1], [0], [0], [1], [0, 0, 1, 1], [], []>, transpose_lhs_hint = false} : vector<2000x32xf32>, vector<32x72xf32>, vector<2000x72xf32> -> vector<2000x72xf32>
    %add3A = arith.addf %dot_general3A_13, %dot_general3A_18 : vector<2000x72xf32>
    %get3A_19 = arith.constant 0 : index
    %get3A_20 = arith.constant 0 : index
    %get3A_21 = vector.load %arg6[%get3A_19, %get3A_20] : memref<32x72xf32, #tpu.memory_space<vmem>>, vector<32x72xf32>
    %dot_general3A_22 = arith.constant dense<0.000000e+00> : vector<2000x72xf32>
    %dot_general3A_23 = tpu.matmul %get3A_9, %get3A_21, %dot_general3A_22 {dimension_numbers = #tpu.dot_dimension_numbers<[1], [0], [0], [1], [0, 0, 1, 1], [], []>, transpose_lhs_hint = false} : vector<2000x32xf32>, vector<32x72xf32>, vector<2000x72xf32> -> vector<2000x72xf32>
    %add3A_24 = arith.addf %add3A, %dot_general3A_23 : vector<2000x72xf32>
    %get3A_25 = arith.constant 0 : index
    %get3A_26 = arith.constant 0 : index
    %get3A_27 = vector.load %arg7[%get3A_25, %get3A_26] : memref<1x72xf32, #tpu.memory_space<vmem>>, vector<1x72xf32>
    %add3A_28 = vector.broadcast %get3A_27 : vector<1x72xf32> to vector<2000x72xf32>
    %add3A_29 = arith.addf %add3A_24, %add3A_28 : vector<2000x72xf32>
    %max3A = arith.constant 0.000000e+00 : f32
    %max3A_30 = vector.broadcast %max3A : f32 to vector<2000x72xf32>
    %max3A_31 = arith.maximumf %add3A_29, %max3A_30 : vector<2000x72xf32>
    %get3A_32 = arith.constant 0 : index
    %get3A_33 = arith.constant 0 : index
    %get3A_34 = vector.load %arg8[%get3A_32, %get3A_33] : memref<72x160xf32, #tpu.memory_space<vmem>>, vector<72x160xf32>
    %dot_general3A_35 = arith.constant dense<0.000000e+00> : vector<2000x160xf32>
    %dot_general3A_36 = tpu.matmul %max3A_31, %get3A_34, %dot_general3A_35 {dimension_numbers = #tpu.dot_dimension_numbers<[1], [0], [0], [1], [0, 0, 1, 1], [], []>, transpose_lhs_hint = false} : vector<2000x72xf32>, vector<72x160xf32>, vector<2000x160xf32> -> vector<2000x160xf32>
    %get3A_37 = arith.constant 0 : index
    %get3A_38 = arith.constant 0 : index
    %get3A_39 = vector.load %arg9[%get3A_37, %get3A_38] : memref<1x160xf32, #tpu.memory_space<vmem>>, vector<1x160xf32>
    %add3A_40 = vector.broadcast %get3A_39 : vector<1x160xf32> to vector<2000x160xf32>
    %add3A_41 = arith.addf %dot_general3A_36, %add3A_40 : vector<2000x160xf32>
    %get3A_42 = arith.constant 0 : index
    %get3A_43 = arith.constant 0 : index
    %get3A_44 = vector.load %arg10[%get3A_42, %get3A_43] : memref<96x160xf32, #tpu.memory_space<vmem>>, vector<96x160xf32>
    %dot_general3A_45 = arith.constant dense<0.000000e+00> : vector<2000x160xf32>
    %dot_general3A_46 = tpu.matmul %get3A_5, %get3A_44, %dot_general3A_45 {dimension_numbers = #tpu.dot_dimension_numbers<[1], [0], [0], [1], [0, 0, 1, 1], [], []>, transpose_lhs_hint = false} : vector<2000x96xf32>, vector<96x160xf32>, vector<2000x160xf32> -> vector<2000x160xf32>
    %get3A_47 = arith.constant 0 : index
    %get3A_48 = arith.constant 0 : index
    %get3A_49 = vector.load %arg11[%get3A_47, %get3A_48] : memref<9x160xf32, #tpu.memory_space<vmem>>, vector<9x160xf32>
    %dot_general3A_50 = arith.constant dense<0.000000e+00> : vector<2000x160xf32>
    %dot_general3A_51 = tpu.matmul %slice3A_2, %get3A_49, %dot_general3A_50 {dimension_numbers = #tpu.dot_dimension_numbers<[1], [0], [0], [1], [0, 0, 1, 1], [], []>, transpose_lhs_hint = false} : vector<2000x9xf32>, vector<9x160xf32>, vector<2000x160xf32> -> vector<2000x160xf32>
    %mul3A = arith.mulf %dot_general3A_46, %add3A_41 : vector<2000x160xf32>
    %mul3A_52 = arith.mulf %mul3A, %dot_general3A_51 : vector<2000x160xf32>
    %swap3A = arith.constant 0 : index
    %swap3A_53 = arith.constant 0 : index
    %swap3A_54 = vector.load %arg12[%swap3A, %swap3A_53] : memref<2000x160xf32, #tpu.memory_space<vmem>>, vector<2000x160xf32>
    tpu.vector_store %arg12[%swap3A, %swap3A_53], %mul3A_52 {strides = array<i32>} : memref<2000x160xf32, #tpu.memory_space<vmem>>, vector<2000x160xf32>,
    return
  }
  func.func @transform_0(%arg0: i32) -> (i32, i32) {
    %c0_i32 = arith.constant 0 : i32
    %c0_i32_0 = arith.constant 0 : i32
    return %arg0, %c0_i32 : i32, i32
  }
  func.func @transform_1(%arg0: i32) -> (i32, i32) {
    %c0_i32 = arith.constant 0 : i32
    %c0_i32_0 = arith.constant 0 : i32
    return %arg0, %c0_i32 : i32, i32
  }
  func.func @transform_2(%arg0: i32) -> (i32, i32) {
    %c0_i32 = arith.constant 0 : i32
    %c0_i32_0 = arith.constant 0 : i32
    return %arg0, %c0_i32 : i32, i32
  }
  func.func @transform_3(%arg0: i32) -> (i32, i32) {
    %c0_i32 = arith.constant 0 : i32
    %c0_i32_0 = arith.constant 0 : i32
    %c0_i32_1 = arith.constant 0 : i32
    return %c0_i32, %c0_i32_0 : i32, i32
  }
  func.func @transform_4(%arg0: i32) -> (i32, i32) {
    %c0_i32 = arith.constant 0 : i32
    %c0_i32_0 = arith.constant 0 : i32
    %c0_i32_1 = arith.constant 0 : i32
    return %c0_i32, %c0_i32_0 : i32, i32
  }
  func.func @transform_5(%arg0: i32) -> (i32, i32) {
    %c0_i32 = arith.constant 0 : i32
    %c0_i32_0 = arith.constant 0 : i32
    %c0_i32_1 = arith.constant 0 : i32
    return %c0_i32, %c0_i32_0 : i32, i32
  }
  func.func @transform_6(%arg0: i32) -> (i32, i32) {
    %c0_i32 = arith.constant 0 : i32
    %c0_i32_0 = arith.constant 0 : i32
    %c0_i32_1 = arith.constant 0 : i32
    return %c0_i32, %c0_i32_0 : i32, i32
  }
  func.func @transform_7(%arg0: i32) -> (i32, i32) {
    %c0_i32 = arith.constant 0 : i32
    %c0_i32_0 = arith.constant 0 : i32
    %c0_i32_1 = arith.constant 0 : i32
    return %c0_i32, %c0_i32_0 : i32, i32
  }
  func.func @transform_8(%arg0: i32) -> (i32, i32) {
    %c0_i32 = arith.constant 0 : i32
    %c0_i32_0 = arith.constant 0 : i32
    %c0_i32_1 = arith.constant 0 : i32
    return %c0_i32, %c0_i32_0 : i32, i32
  }
  func.func @transform_9(%arg0: i32) -> (i32, i32) {
    %c0_i32 = arith.constant 0 : i32
    %c0_i32_0 = arith.constant 0 : i32
    %c0_i32_1 = arith.constant 0 : i32
    return %c0_i32, %c0_i32_0 : i32, i32
  }
  func.func @transform_10(%arg0: i32) -> (i32, i32) {
    %c0_i32 = arith.constant 0 : i32
    %c0_i32_0 = arith.constant 0 : i32
    %c0_i32_1 = arith.constant 0 : i32
    return %c0_i32, %c0_i32_0 : i32, i32
  }
  func.func @transform_11(%arg0: i32) -> (i32, i32) {
    %c0_i32 = arith.constant 0 : i32
    %c0_i32_0 = arith.constant 0 : i32
    return %arg0, %c0_i32 : i32, i32
  }
}

module attributes {stable_mosaic.version = 14 : i64} {
  func.func @_bn_stats_body(%arg0: i32, %arg1: memref<2x2000x160xf32, #tpu.memory_space<vmem>>, %arg2: memref<2x2000x8xf32, #tpu.memory_space<vmem>>, %arg3: memref<2000x96xf32, #tpu.memory_space<vmem>>, %arg4: memref<2000x160xf32, #tpu.memory_space<vmem>>, %arg5: memref<8x160xf32, #tpu.memory_space<vmem>>, %arg6: memref<8x160xf32, #tpu.memory_space<vmem>>) attributes {dimension_semantics = [#tpu.dimension_semantics<arbitrary>], iteration_bounds = array<i64: 5>, scalar_prefetch = 0 : i64, scratch_operands = 1 : i64, tpu.core_type = #tpu.core_type<tc>, window_params = [{transform_indices = @transform_0, window_bounds = array<i64: 2, 2000, 160>}, {transform_indices = @transform_1, window_bounds = array<i64: 2, 2000, 8>}, {transform_indices = @transform_2, window_bounds = array<i64: 2000, 96>}, {transform_indices = @transform_3, window_bounds = array<i64: 2000, 160>}, {pipeline_mode = #tpu.pipeline_mode<synchronous>, transform_indices = @transform_4, window_bounds = array<i64: 8, 160>}]} {
    %eq3A = arith.constant 0 : i32
    %eq3A_0 = arith.cmpi eq, %arg0, %eq3A : i32
    %convert_element_type3A = arith.extui %eq3A_0 : i1 to i32
    %cond3A = arith.constant 0 : i32
    %cond3A_1 = arith.cmpi ne, %convert_element_type3A, %cond3A : i32
    scf.if %cond3A_1 {
      %broadcast_in_dim3A_60 = arith.constant 0.000000e+00 : f32
      %broadcast_in_dim3A_61 = vector.broadcast %broadcast_in_dim3A_60 : f32 to vector<8x160xf32>
      %swap3A_62 = arith.constant 0 : index
      %swap3A_63 = arith.constant 0 : index
      %swap3A_64 = vector.load %arg6[%swap3A_62, %swap3A_63] : memref<8x160xf32, #tpu.memory_space<vmem>>, vector<8x160xf32>
      tpu.vector_store %arg6[%swap3A_62, %swap3A_63], %broadcast_in_dim3A_61 {strides = array<i32>} : memref<8x160xf32, #tpu.memory_space<vmem>>, vector<8x160xf32>,
    } else {
    }
    %get3A = arith.constant 0 : index
    %get3A_2 = arith.constant 0 : index
    %get3A_3 = arith.constant 0 : index
    %get3A_4 = vector.load %arg1[%get3A, %get3A_2, %get3A_3] : memref<2x2000x160xf32, #tpu.memory_space<vmem>>, vector<1x2000x160xf32>
    %get3A_5 = vector.shape_cast %get3A_4 : vector<1x2000x160xf32> to vector<2000x160xf32>
    %get3A_6 = arith.constant 1 : index
    %get3A_7 = arith.constant 0 : index
    %get3A_8 = arith.constant 0 : index
    %get3A_9 = vector.load %arg1[%get3A_6, %get3A_7, %get3A_8] : memref<2x2000x160xf32, #tpu.memory_space<vmem>>, vector<1x2000x160xf32>
    %get3A_10 = vector.shape_cast %get3A_9 : vector<1x2000x160xf32> to vector<2000x160xf32>
    %add3A = arith.addf %get3A_5, %get3A_10 : vector<2000x160xf32>
    %get3A_11 = arith.constant 0 : index
    %get3A_12 = arith.constant 0 : index
    %get3A_13 = arith.constant 0 : index
    %get3A_14 = vector.load %arg2[%get3A_11, %get3A_12, %get3A_13] : memref<2x2000x8xf32, #tpu.memory_space<vmem>>, vector<1x2000x8xf32>
    %get3A_15 = vector.shape_cast %get3A_14 : vector<1x2000x8xf32> to vector<2000x8xf32>
    %slice3A = vector.extract_strided_slice %get3A_15 {offsets = [0, 0], sizes = [2000, 1], strides = [1, 1]} : vector<2000x8xf32> to vector<2000x1xf32>
    %get3A_16 = arith.constant 1 : index
    %get3A_17 = arith.constant 0 : index
    %get3A_18 = arith.constant 0 : index
    %get3A_19 = vector.load %arg2[%get3A_16, %get3A_17, %get3A_18] : memref<2x2000x8xf32, #tpu.memory_space<vmem>>, vector<1x2000x8xf32>
    %get3A_20 = vector.shape_cast %get3A_19 : vector<1x2000x8xf32> to vector<2000x8xf32>
    %slice3A_21 = vector.extract_strided_slice %get3A_20 {offsets = [0, 0], sizes = [2000, 1], strides = [1, 1]} : vector<2000x8xf32> to vector<2000x1xf32>
    %add3A_22 = arith.addf %slice3A, %slice3A_21 : vector<2000x1xf32>
    %max3A = arith.constant 1.000000e+00 : f32
    %max3A_23 = vector.broadcast %max3A : f32 to vector<2000x1xf32>
    %max3A_24 = arith.maximumf %add3A_22, %max3A_23 : vector<2000x1xf32>
    %div3A = arith.constant 1.000000e+00 : f32
    %div3A_25 = vector.broadcast %div3A : f32 to vector<2000x1xf32>
    %div3A_26 = arith.divf %div3A_25, %max3A_24 : vector<2000x1xf32>
    %get3A_27 = arith.constant 0 : index
    %get3A_28 = arith.constant 0 : index
    %get3A_29 = vector.load %arg3[%get3A_27, %get3A_28] : memref<2000x96xf32, #tpu.memory_space<vmem>>, vector<2000x96xf32>
    %broadcast_in_dim3A = arith.constant 0.000000e+00 : f32
    %broadcast_in_dim3A_30 = vector.broadcast %broadcast_in_dim3A : f32 to vector<2000x64xf32>
    %concatenate3A = tpu.concatenate %get3A_29, %broadcast_in_dim3A_30 in 1 : vector<2000x96xf32>, vector<2000x64xf32> -> vector<2000x160xf32>
    %mul3A = vector.broadcast %div3A_26 : vector<2000x1xf32> to vector<2000x160xf32>
    %mul3A_31 = arith.mulf %add3A, %mul3A : vector<2000x160xf32>
    %add3A_32 = arith.addf %mul3A_31, %concatenate3A : vector<2000x160xf32>
    %swap3A = arith.constant 0 : index
    %swap3A_33 = arith.constant 0 : index
    %swap3A_34 = vector.load %arg4[%swap3A, %swap3A_33] : memref<2000x160xf32, #tpu.memory_space<vmem>>, vector<2000x160xf32>
    tpu.vector_store %arg4[%swap3A, %swap3A_33], %add3A_32 {strides = array<i32>} : memref<2000x160xf32, #tpu.memory_space<vmem>>, vector<2000x160xf32>,
    %get3A_35 = arith.constant 0 : index
    %get3A_36 = arith.constant 0 : index
    %get3A_37 = vector.load %arg6[%get3A_35, %get3A_36] : memref<8x160xf32, #tpu.memory_space<vmem>>, vector<1x160xf32>
    %reduce_sum3A = arith.constant dense<0.000000e+00> : vector<160xf32>
    %reduce_sum3A_38 = vector.multi_reduction <add>, %add3A_32, %reduce_sum3A [0] : vector<2000x160xf32> to vector<160xf32>
    %broadcast_in_dim3A_39 = vector.shape_cast %reduce_sum3A_38 : vector<160xf32> to vector<1x160xf32>
    %add3A_40 = arith.addf %get3A_37, %broadcast_in_dim3A_39 : vector<1x160xf32>
    %swap3A_41 = arith.constant 0 : index
    %swap3A_42 = arith.constant 0 : index
    %swap3A_43 = vector.load %arg6[%swap3A_41, %swap3A_42] : memref<8x160xf32, #tpu.memory_space<vmem>>, vector<1x160xf32>
    tpu.vector_store %arg6[%swap3A_41, %swap3A_42], %add3A_40 {strides = array<i32>} : memref<8x160xf32, #tpu.memory_space<vmem>>, vector<1x160xf32>,
    %get3A_44 = arith.constant 1 : index
    %get3A_45 = arith.constant 0 : index
    %get3A_46 = vector.load %arg6[%get3A_44, %get3A_45] : memref<8x160xf32, #tpu.memory_space<vmem>>, vector<1x160xf32>
    %mul3A_47 = arith.mulf %add3A_32, %add3A_32 : vector<2000x160xf32>
    %reduce_sum3A_48 = arith.constant dense<0.000000e+00> : vector<160xf32>
    %reduce_sum3A_49 = vector.multi_reduction <add>, %mul3A_47, %reduce_sum3A_48 [0] : vector<2000x160xf32> to vector<160xf32>
    %broadcast_in_dim3A_50 = vector.shape_cast %reduce_sum3A_49 : vector<160xf32> to vector<1x160xf32>
    %add3A_51 = arith.addf %get3A_46, %broadcast_in_dim3A_50 : vector<1x160xf32>
    %swap3A_52 = arith.constant 1 : index
    %swap3A_53 = arith.constant 0 : index
    %swap3A_54 = vector.load %arg6[%swap3A_52, %swap3A_53] : memref<8x160xf32, #tpu.memory_space<vmem>>, vector<1x160xf32>
    tpu.vector_store %arg6[%swap3A_52, %swap3A_53], %add3A_51 {strides = array<i32>} : memref<8x160xf32, #tpu.memory_space<vmem>>, vector<1x160xf32>,
    %eq3A_55 = arith.constant 4 : i32
    %eq3A_56 = arith.cmpi eq, %arg0, %eq3A_55 : i32
    %convert_element_type3A_57 = arith.extui %eq3A_56 : i1 to i32
    %cond3A_58 = arith.constant 0 : i32
    %cond3A_59 = arith.cmpi ne, %convert_element_type3A_57, %cond3A_58 : i32
    scf.if %cond3A_59 {
      %get3A_60 = arith.constant 0 : index
      %get3A_61 = arith.constant 0 : index
      %get3A_62 = vector.load %arg6[%get3A_60, %get3A_61] : memref<8x160xf32, #tpu.memory_space<vmem>>, vector<1x160xf32>
      %mul3A_63 = arith.constant 9.99999974E-5 : f32
      %mul3A_64 = vector.broadcast %mul3A_63 : f32 to vector<1x160xf32>
      %mul3A_65 = arith.mulf %get3A_62, %mul3A_64 : vector<1x160xf32>
      %get3A_66 = arith.constant 1 : index
      %get3A_67 = arith.constant 0 : index
      %get3A_68 = vector.load %arg6[%get3A_66, %get3A_67] : memref<8x160xf32, #tpu.memory_space<vmem>>, vector<1x160xf32>
      %mul3A_69 = arith.constant 9.99999974E-5 : f32
      %mul3A_70 = vector.broadcast %mul3A_69 : f32 to vector<1x160xf32>
      %mul3A_71 = arith.mulf %get3A_68, %mul3A_70 : vector<1x160xf32>
      %mul3A_72 = arith.mulf %mul3A_65, %mul3A_65 : vector<1x160xf32>
      %sub3A = arith.subf %mul3A_71, %mul3A_72 : vector<1x160xf32>
      %swap3A_73 = arith.constant 0 : index
      %swap3A_74 = arith.constant 0 : index
      %swap3A_75 = vector.load %arg5[%swap3A_73, %swap3A_74] : memref<8x160xf32, #tpu.memory_space<vmem>>, vector<1x160xf32>
      tpu.vector_store %arg5[%swap3A_73, %swap3A_74], %mul3A_65 {strides = array<i32>} : memref<8x160xf32, #tpu.memory_space<vmem>>, vector<1x160xf32>,
      %add3A_76 = arith.constant 9.99999974E-6 : f32
      %add3A_77 = vector.broadcast %add3A_76 : f32 to vector<1x160xf32>
      %add3A_78 = arith.addf %sub3A, %add3A_77 : vector<1x160xf32>
      %rsqrt3A = math.rsqrt %add3A_78 : vector<1x160xf32>
      %swap3A_79 = arith.constant 1 : index
      %swap3A_80 = arith.constant 0 : index
      %swap3A_81 = vector.load %arg5[%swap3A_79, %swap3A_80] : memref<8x160xf32, #tpu.memory_space<vmem>>, vector<1x160xf32>
      tpu.vector_store %arg5[%swap3A_79, %swap3A_80], %rsqrt3A {strides = array<i32>} : memref<8x160xf32, #tpu.memory_space<vmem>>, vector<1x160xf32>,
    } else {
    }
    return
  }
  func.func @transform_0(%arg0: i32) -> (i32, i32, i32) {
    %c0_i32 = arith.constant 0 : i32
    %c0_i32_0 = arith.constant 0 : i32
    %c0_i32_1 = arith.constant 0 : i32
    return %c0_i32, %arg0, %c0_i32_0 : i32, i32, i32
  }
  func.func @transform_1(%arg0: i32) -> (i32, i32, i32) {
    %c0_i32 = arith.constant 0 : i32
    %c0_i32_0 = arith.constant 0 : i32
    %c0_i32_1 = arith.constant 0 : i32
    return %c0_i32, %arg0, %c0_i32_0 : i32, i32, i32
  }
  func.func @transform_2(%arg0: i32) -> (i32, i32) {
    %c0_i32 = arith.constant 0 : i32
    %c0_i32_0 = arith.constant 0 : i32
    return %arg0, %c0_i32 : i32, i32
  }
  func.func @transform_3(%arg0: i32) -> (i32, i32) {
    %c0_i32 = arith.constant 0 : i32
    %c0_i32_0 = arith.constant 0 : i32
    return %arg0, %c0_i32 : i32, i32
  }
  func.func @transform_4(%arg0: i32) -> (i32, i32) {
    %c0_i32 = arith.constant 0 : i32
    %c0_i32_0 = arith.constant 0 : i32
    %c0_i32_1 = arith.constant 0 : i32
    return %c0_i32, %c0_i32_0 : i32, i32
  }
}

module attributes {stable_mosaic.version = 14 : i64} {
  func.func @_bn_apply_body(%arg0: i32, %arg1: memref<2000x160xf32, #tpu.memory_space<vmem>>, %arg2: memref<8x160xf32, #tpu.memory_space<vmem>>, %arg3: memref<1x160xf32, #tpu.memory_space<vmem>>, %arg4: memref<1x160xf32, #tpu.memory_space<vmem>>, %arg5: memref<2000x160xf32, #tpu.memory_space<vmem>>, %arg6: memref<2000x32xf32, #tpu.memory_space<vmem>>) attributes {dimension_semantics = [#tpu.dimension_semantics<arbitrary>], iteration_bounds = array<i64: 5>, scalar_prefetch = 0 : i64, scratch_operands = 0 : i64, tpu.core_type = #tpu.core_type<tc>, window_params = [{transform_indices = @transform_0, window_bounds = array<i64: 2000, 160>}, {pipeline_mode = #tpu.pipeline_mode<synchronous>, transform_indices = @transform_1, window_bounds = array<i64: 8, 160>}, {pipeline_mode = #tpu.pipeline_mode<synchronous>, transform_indices = @transform_2, window_bounds = array<i64: 1, 160>}, {pipeline_mode = #tpu.pipeline_mode<synchronous>, transform_indices = @transform_3, window_bounds = array<i64: 1, 160>}, {transform_indices = @transform_4, window_bounds = array<i64: 2000, 160>}, {transform_indices = @transform_5, window_bounds = array<i64: 2000, 32>}]} {
    %get3A = arith.constant 0 : index
    %get3A_0 = arith.constant 0 : index
    %get3A_1 = vector.load %arg2[%get3A, %get3A_0] : memref<8x160xf32, #tpu.memory_space<vmem>>, vector<1x160xf32>
    %get3A_2 = arith.constant 1 : index
    %get3A_3 = arith.constant 0 : index
    %get3A_4 = vector.load %arg2[%get3A_2, %get3A_3] : memref<8x160xf32, #tpu.memory_space<vmem>>, vector<1x160xf32>
    %get3A_5 = arith.constant 0 : index
    %get3A_6 = arith.constant 0 : index
    %get3A_7 = vector.load %arg1[%get3A_5, %get3A_6] : memref<2000x160xf32, #tpu.memory_space<vmem>>, vector<2000x160xf32>
    %sub3A = vector.broadcast %get3A_1 : vector<1x160xf32> to vector<2000x160xf32>
    %sub3A_8 = arith.subf %get3A_7, %sub3A : vector<2000x160xf32>
    %mul3A = vector.broadcast %get3A_4 : vector<1x160xf32> to vector<2000x160xf32>
    %mul3A_9 = arith.mulf %sub3A_8, %mul3A : vector<2000x160xf32>
    %get3A_10 = arith.constant 0 : index
    %get3A_11 = arith.constant 0 : index
    %get3A_12 = vector.load %arg3[%get3A_10, %get3A_11] : memref<1x160xf32, #tpu.memory_space<vmem>>, vector<1x160xf32>
    %mul3A_13 = vector.broadcast %get3A_12 : vector<1x160xf32> to vector<2000x160xf32>
    %mul3A_14 = arith.mulf %mul3A_9, %mul3A_13 : vector<2000x160xf32>
    %get3A_15 = arith.constant 0 : index
    %get3A_16 = arith.constant 0 : index
    %get3A_17 = vector.load %arg4[%get3A_15, %get3A_16] : memref<1x160xf32, #tpu.memory_space<vmem>>, vector<1x160xf32>
    %add3A = vector.broadcast %get3A_17 : vector<1x160xf32> to vector<2000x160xf32>
    %add3A_18 = arith.addf %mul3A_14, %add3A : vector<2000x160xf32>
    %swap3A = arith.constant 0 : index
    %swap3A_19 = arith.constant 0 : index
    %swap3A_20 = vector.load %arg5[%swap3A, %swap3A_19] : memref<2000x160xf32, #tpu.memory_space<vmem>>, vector<2000x160xf32>
    tpu.vector_store %arg5[%swap3A, %swap3A_19], %add3A_18 {strides = array<i32>} : memref<2000x160xf32, #tpu.memory_space<vmem>>, vector<2000x160xf32>,
    %slice3A = vector.extract_strided_slice %add3A_18 {offsets = [0, 0], sizes = [2000, 32], strides = [1, 1]} : vector<2000x160xf32> to vector<2000x32xf32>
    %swap3A_21 = arith.constant 0 : index
    %swap3A_22 = arith.constant 0 : index
    %swap3A_23 = vector.load %arg6[%swap3A_21, %swap3A_22] : memref<2000x32xf32, #tpu.memory_space<vmem>>, vector<2000x32xf32>
    tpu.vector_store %arg6[%swap3A_21, %swap3A_22], %slice3A {strides = array<i32>} : memref<2000x32xf32, #tpu.memory_space<vmem>>, vector<2000x32xf32>,
    return
  }
  func.func @transform_0(%arg0: i32) -> (i32, i32) {
    %c0_i32 = arith.constant 0 : i32
    %c0_i32_0 = arith.constant 0 : i32
    return %arg0, %c0_i32 : i32, i32
  }
  func.func @transform_1(%arg0: i32) -> (i32, i32) {
    %c0_i32 = arith.constant 0 : i32
    %c0_i32_0 = arith.constant 0 : i32
    %c0_i32_1 = arith.constant 0 : i32
    return %c0_i32, %c0_i32_0 : i32, i32
  }
  func.func @transform_2(%arg0: i32) -> (i32, i32) {
    %c0_i32 = arith.constant 0 : i32
    %c0_i32_0 = arith.constant 0 : i32
    %c0_i32_1 = arith.constant 0 : i32
    return %c0_i32, %c0_i32_0 : i32, i32
  }
  func.func @transform_3(%arg0: i32) -> (i32, i32) {
    %c0_i32 = arith.constant 0 : i32
    %c0_i32_0 = arith.constant 0 : i32
    %c0_i32_1 = arith.constant 0 : i32
    return %c0_i32, %c0_i32_0 : i32, i32
  }
  func.func @transform_4(%arg0: i32) -> (i32, i32) {
    %c0_i32 = arith.constant 0 : i32
    %c0_i32_0 = arith.constant 0 : i32
    return %arg0, %c0_i32 : i32, i32
  }
  func.func @transform_5(%arg0: i32) -> (i32, i32) {
    %c0_i32 = arith.constant 0 : i32
    %c0_i32_0 = arith.constant 0 : i32
    return %arg0, %c0_i32 : i32, i32
  }
}

module attributes {stable_mosaic.version = 14 : i64} {
  func.func @_dense_body(%arg0: i32, %arg1: memref<2000x24xf32, #tpu.memory_space<vmem>>, %arg2: memref<2000x160xf32, #tpu.memory_space<vmem>>, %arg3: memref<2000x32xf32, #tpu.memory_space<vmem>>, %arg4: memref<8x72xf32, #tpu.memory_space<vmem>>, %arg5: memref<32x72xf32, #tpu.memory_space<vmem>>, %arg6: memref<32x72xf32, #tpu.memory_space<vmem>>, %arg7: memref<1x72xf32, #tpu.memory_space<vmem>>, %arg8: memref<72x192xf32, #tpu.memory_space<vmem>>, %arg9: memref<1x192xf32, #tpu.memory_space<vmem>>, %arg10: memref<160x192xf32, #tpu.memory_space<vmem>>, %arg11: memref<9x192xf32, #tpu.memory_space<vmem>>, %arg12: memref<2000x192xf32, #tpu.memory_space<vmem>>) attributes {dimension_semantics = [#tpu.dimension_semantics<arbitrary>], iteration_bounds = array<i64: 80>, scalar_prefetch = 0 : i64, scratch_operands = 0 : i64, tpu.core_type = #tpu.core_type<tc>, window_params = [{transform_indices = @transform_0, window_bounds = array<i64: 2000, 24>}, {transform_indices = @transform_1, window_bounds = array<i64: 2000, 160>}, {transform_indices = @transform_2, window_bounds = array<i64: 2000, 32>}, {pipeline_mode = #tpu.pipeline_mode<synchronous>, transform_indices = @transform_3, window_bounds = array<i64: 8, 72>}, {pipeline_mode = #tpu.pipeline_mode<synchronous>, transform_indices = @transform_4, window_bounds = array<i64: 32, 72>}, {pipeline_mode = #tpu.pipeline_mode<synchronous>, transform_indices = @transform_5, window_bounds = array<i64: 32, 72>}, {pipeline_mode = #tpu.pipeline_mode<synchronous>, transform_indices = @transform_6, window_bounds = array<i64: 1, 72>}, {pipeline_mode = #tpu.pipeline_mode<synchronous>, transform_indices = @transform_7, window_bounds = array<i64: 72, 192>}, {pipeline_mode = #tpu.pipeline_mode<synchronous>, transform_indices = @transform_8, window_bounds = array<i64: 1, 192>}, {pipeline_mode = #tpu.pipeline_mode<synchronous>, transform_indices = @transform_9, window_bounds = array<i64: 160, 192>}, {pipeline_mode = #tpu.pipeline_mode<synchronous>, transform_indices = @transform_10, window_bounds = array<i64: 9, 192>}, {transform_indices = @transform_11, window_bounds = array<i64: 2000, 192>}]} {
    %get3A = arith.constant 0 : index
    %get3A_0 = arith.constant 0 : index
    %get3A_1 = vector.load %arg1[%get3A, %get3A_0] : memref<2000x24xf32, #tpu.memory_space<vmem>>, vector<2000x24xf32>
    %slice3A = vector.extract_strided_slice %get3A_1 {offsets = [0, 0], sizes = [2000, 8], strides = [1, 1]} : vector<2000x24xf32> to vector<2000x8xf32>
    %slice3A_2 = vector.extract_strided_slice %get3A_1 {offsets = [0, 8], sizes = [2000, 9], strides = [1, 1]} : vector<2000x24xf32> to vector<2000x9xf32>
    %get3A_3 = arith.constant 0 : index
    %get3A_4 = arith.constant 0 : index
    %get3A_5 = vector.load %arg2[%get3A_3, %get3A_4] : memref<2000x160xf32, #tpu.memory_space<vmem>>, vector<2000x160xf32>
    %slice3A_6 = vector.extract_strided_slice %get3A_5 {offsets = [0, 0], sizes = [2000, 32], strides = [1, 1]} : vector<2000x160xf32> to vector<2000x32xf32>
    %get3A_7 = arith.constant 0 : index
    %get3A_8 = arith.constant 0 : index
    %get3A_9 = vector.load %arg3[%get3A_7, %get3A_8] : memref<2000x32xf32, #tpu.memory_space<vmem>>, vector<2000x32xf32>
    %get3A_10 = arith.constant 0 : index
    %get3A_11 = arith.constant 0 : index
    %get3A_12 = vector.load %arg4[%get3A_10, %get3A_11] : memref<8x72xf32, #tpu.memory_space<vmem>>, vector<8x72xf32>
    %dot_general3A = arith.constant dense<0.000000e+00> : vector<2000x72xf32>
    %dot_general3A_13 = tpu.matmul %slice3A, %get3A_12, %dot_general3A {dimension_numbers = #tpu.dot_dimension_numbers<[1], [0], [0], [1], [0, 0, 1, 1], [], []>, transpose_lhs_hint = false} : vector<2000x8xf32>, vector<8x72xf32>, vector<2000x72xf32> -> vector<2000x72xf32>
    %get3A_14 = arith.constant 0 : index
    %get3A_15 = arith.constant 0 : index
    %get3A_16 = vector.load %arg5[%get3A_14, %get3A_15] : memref<32x72xf32, #tpu.memory_space<vmem>>, vector<32x72xf32>
    %dot_general3A_17 = arith.constant dense<0.000000e+00> : vector<2000x72xf32>
    %dot_general3A_18 = tpu.matmul %slice3A_6, %get3A_16, %dot_general3A_17 {dimension_numbers = #tpu.dot_dimension_numbers<[1], [0], [0], [1], [0, 0, 1, 1], [], []>, transpose_lhs_hint = false} : vector<2000x32xf32>, vector<32x72xf32>, vector<2000x72xf32> -> vector<2000x72xf32>
    %add3A = arith.addf %dot_general3A_13, %dot_general3A_18 : vector<2000x72xf32>
    %get3A_19 = arith.constant 0 : index
    %get3A_20 = arith.constant 0 : index
    %get3A_21 = vector.load %arg6[%get3A_19, %get3A_20] : memref<32x72xf32, #tpu.memory_space<vmem>>, vector<32x72xf32>
    %dot_general3A_22 = arith.constant dense<0.000000e+00> : vector<2000x72xf32>
    %dot_general3A_23 = tpu.matmul %get3A_9, %get3A_21, %dot_general3A_22 {dimension_numbers = #tpu.dot_dimension_numbers<[1], [0], [0], [1], [0, 0, 1, 1], [], []>, transpose_lhs_hint = false} : vector<2000x32xf32>, vector<32x72xf32>, vector<2000x72xf32> -> vector<2000x72xf32>
    %add3A_24 = arith.addf %add3A, %dot_general3A_23 : vector<2000x72xf32>
    %get3A_25 = arith.constant 0 : index
    %get3A_26 = arith.constant 0 : index
    %get3A_27 = vector.load %arg7[%get3A_25, %get3A_26] : memref<1x72xf32, #tpu.memory_space<vmem>>, vector<1x72xf32>
    %add3A_28 = vector.broadcast %get3A_27 : vector<1x72xf32> to vector<2000x72xf32>
    %add3A_29 = arith.addf %add3A_24, %add3A_28 : vector<2000x72xf32>
    %max3A = arith.constant 0.000000e+00 : f32
    %max3A_30 = vector.broadcast %max3A : f32 to vector<2000x72xf32>
    %max3A_31 = arith.maximumf %add3A_29, %max3A_30 : vector<2000x72xf32>
    %get3A_32 = arith.constant 0 : index
    %get3A_33 = arith.constant 0 : index
    %get3A_34 = vector.load %arg8[%get3A_32, %get3A_33] : memref<72x192xf32, #tpu.memory_space<vmem>>, vector<72x192xf32>
    %dot_general3A_35 = arith.constant dense<0.000000e+00> : vector<2000x192xf32>
    %dot_general3A_36 = tpu.matmul %max3A_31, %get3A_34, %dot_general3A_35 {dimension_numbers = #tpu.dot_dimension_numbers<[1], [0], [0], [1], [0, 0, 1, 1], [], []>, transpose_lhs_hint = false} : vector<2000x72xf32>, vector<72x192xf32>, vector<2000x192xf32> -> vector<2000x192xf32>
    %get3A_37 = arith.constant 0 : index
    %get3A_38 = arith.constant 0 : index
    %get3A_39 = vector.load %arg9[%get3A_37, %get3A_38] : memref<1x192xf32, #tpu.memory_space<vmem>>, vector<1x192xf32>
    %add3A_40 = vector.broadcast %get3A_39 : vector<1x192xf32> to vector<2000x192xf32>
    %add3A_41 = arith.addf %dot_general3A_36, %add3A_40 : vector<2000x192xf32>
    %get3A_42 = arith.constant 0 : index
    %get3A_43 = arith.constant 0 : index
    %get3A_44 = vector.load %arg10[%get3A_42, %get3A_43] : memref<160x192xf32, #tpu.memory_space<vmem>>, vector<160x192xf32>
    %dot_general3A_45 = arith.constant dense<0.000000e+00> : vector<2000x192xf32>
    %dot_general3A_46 = tpu.matmul %get3A_5, %get3A_44, %dot_general3A_45 {dimension_numbers = #tpu.dot_dimension_numbers<[1], [0], [0], [1], [0, 0, 1, 1], [], []>, transpose_lhs_hint = false} : vector<2000x160xf32>, vector<160x192xf32>, vector<2000x192xf32> -> vector<2000x192xf32>
    %get3A_47 = arith.constant 0 : index
    %get3A_48 = arith.constant 0 : index
    %get3A_49 = vector.load %arg11[%get3A_47, %get3A_48] : memref<9x192xf32, #tpu.memory_space<vmem>>, vector<9x192xf32>
    %dot_general3A_50 = arith.constant dense<0.000000e+00> : vector<2000x192xf32>
    %dot_general3A_51 = tpu.matmul %slice3A_2, %get3A_49, %dot_general3A_50 {dimension_numbers = #tpu.dot_dimension_numbers<[1], [0], [0], [1], [0, 0, 1, 1], [], []>, transpose_lhs_hint = false} : vector<2000x9xf32>, vector<9x192xf32>, vector<2000x192xf32> -> vector<2000x192xf32>
    %mul3A = arith.mulf %dot_general3A_46, %add3A_41 : vector<2000x192xf32>
    %mul3A_52 = arith.mulf %mul3A, %dot_general3A_51 : vector<2000x192xf32>
    %swap3A = arith.constant 0 : index
    %swap3A_53 = arith.constant 0 : index
    %swap3A_54 = vector.load %arg12[%swap3A, %swap3A_53] : memref<2000x192xf32, #tpu.memory_space<vmem>>, vector<2000x192xf32>
    tpu.vector_store %arg12[%swap3A, %swap3A_53], %mul3A_52 {strides = array<i32>} : memref<2000x192xf32, #tpu.memory_space<vmem>>, vector<2000x192xf32>,
    return
  }
  func.func @transform_0(%arg0: i32) -> (i32, i32) {
    %c0_i32 = arith.constant 0 : i32
    %c0_i32_0 = arith.constant 0 : i32
    return %arg0, %c0_i32 : i32, i32
  }
  func.func @transform_1(%arg0: i32) -> (i32, i32) {
    %c0_i32 = arith.constant 0 : i32
    %c0_i32_0 = arith.constant 0 : i32
    return %arg0, %c0_i32 : i32, i32
  }
  func.func @transform_2(%arg0: i32) -> (i32, i32) {
    %c0_i32 = arith.constant 0 : i32
    %c0_i32_0 = arith.constant 0 : i32
    return %arg0, %c0_i32 : i32, i32
  }
  func.func @transform_3(%arg0: i32) -> (i32, i32) {
    %c0_i32 = arith.constant 0 : i32
    %c0_i32_0 = arith.constant 0 : i32
    %c0_i32_1 = arith.constant 0 : i32
    return %c0_i32, %c0_i32_0 : i32, i32
  }
  func.func @transform_4(%arg0: i32) -> (i32, i32) {
    %c0_i32 = arith.constant 0 : i32
    %c0_i32_0 = arith.constant 0 : i32
    %c0_i32_1 = arith.constant 0 : i32
    return %c0_i32, %c0_i32_0 : i32, i32
  }
  func.func @transform_5(%arg0: i32) -> (i32, i32) {
    %c0_i32 = arith.constant 0 : i32
    %c0_i32_0 = arith.constant 0 : i32
    %c0_i32_1 = arith.constant 0 : i32
    return %c0_i32, %c0_i32_0 : i32, i32
  }
  func.func @transform_6(%arg0: i32) -> (i32, i32) {
    %c0_i32 = arith.constant 0 : i32
    %c0_i32_0 = arith.constant 0 : i32
    %c0_i32_1 = arith.constant 0 : i32
    return %c0_i32, %c0_i32_0 : i32, i32
  }
  func.func @transform_7(%arg0: i32) -> (i32, i32) {
    %c0_i32 = arith.constant 0 : i32
    %c0_i32_0 = arith.constant 0 : i32
    %c0_i32_1 = arith.constant 0 : i32
    return %c0_i32, %c0_i32_0 : i32, i32
  }
  func.func @transform_8(%arg0: i32) -> (i32, i32) {
    %c0_i32 = arith.constant 0 : i32
    %c0_i32_0 = arith.constant 0 : i32
    %c0_i32_1 = arith.constant 0 : i32
    return %c0_i32, %c0_i32_0 : i32, i32
  }
  func.func @transform_9(%arg0: i32) -> (i32, i32) {
    %c0_i32 = arith.constant 0 : i32
    %c0_i32_0 = arith.constant 0 : i32
    %c0_i32_1 = arith.constant 0 : i32
    return %c0_i32, %c0_i32_0 : i32, i32
  }
  func.func @transform_10(%arg0: i32) -> (i32, i32) {
    %c0_i32 = arith.constant 0 : i32
    %c0_i32_0 = arith.constant 0 : i32
    %c0_i32_1 = arith.constant 0 : i32
    return %c0_i32, %c0_i32_0 : i32, i32
  }
  func.func @transform_11(%arg0: i32) -> (i32, i32) {
    %c0_i32 = arith.constant 0 : i32
    %c0_i32_0 = arith.constant 0 : i32
    return %arg0, %c0_i32 : i32, i32
  }
}

module attributes {stable_mosaic.version = 14 : i64} {
  func.func @_bn_stats_body(%arg0: i32, %arg1: memref<2x2000x192xf32, #tpu.memory_space<vmem>>, %arg2: memref<2x2000x8xf32, #tpu.memory_space<vmem>>, %arg3: memref<2000x160xf32, #tpu.memory_space<vmem>>, %arg4: memref<2000x192xf32, #tpu.memory_space<vmem>>, %arg5: memref<8x192xf32, #tpu.memory_space<vmem>>, %arg6: memref<8x192xf32, #tpu.memory_space<vmem>>) attributes {dimension_semantics = [#tpu.dimension_semantics<arbitrary>], iteration_bounds = array<i64: 5>, scalar_prefetch = 0 : i64, scratch_operands = 1 : i64, tpu.core_type = #tpu.core_type<tc>, window_params = [{transform_indices = @transform_0, window_bounds = array<i64: 2, 2000, 192>}, {transform_indices = @transform_1, window_bounds = array<i64: 2, 2000, 8>}, {transform_indices = @transform_2, window_bounds = array<i64: 2000, 160>}, {transform_indices = @transform_3, window_bounds = array<i64: 2000, 192>}, {pipeline_mode = #tpu.pipeline_mode<synchronous>, transform_indices = @transform_4, window_bounds = array<i64: 8, 192>}]} {
    %eq3A = arith.constant 0 : i32
    %eq3A_0 = arith.cmpi eq, %arg0, %eq3A : i32
    %convert_element_type3A = arith.extui %eq3A_0 : i1 to i32
    %cond3A = arith.constant 0 : i32
    %cond3A_1 = arith.cmpi ne, %convert_element_type3A, %cond3A : i32
    scf.if %cond3A_1 {
      %broadcast_in_dim3A_60 = arith.constant 0.000000e+00 : f32
      %broadcast_in_dim3A_61 = vector.broadcast %broadcast_in_dim3A_60 : f32 to vector<8x192xf32>
      %swap3A_62 = arith.constant 0 : index
      %swap3A_63 = arith.constant 0 : index
      %swap3A_64 = vector.load %arg6[%swap3A_62, %swap3A_63] : memref<8x192xf32, #tpu.memory_space<vmem>>, vector<8x192xf32>
      tpu.vector_store %arg6[%swap3A_62, %swap3A_63], %broadcast_in_dim3A_61 {strides = array<i32>} : memref<8x192xf32, #tpu.memory_space<vmem>>, vector<8x192xf32>,
    } else {
    }
    %get3A = arith.constant 0 : index
    %get3A_2 = arith.constant 0 : index
    %get3A_3 = arith.constant 0 : index
    %get3A_4 = vector.load %arg1[%get3A, %get3A_2, %get3A_3] : memref<2x2000x192xf32, #tpu.memory_space<vmem>>, vector<1x2000x192xf32>
    %get3A_5 = vector.shape_cast %get3A_4 : vector<1x2000x192xf32> to vector<2000x192xf32>
    %get3A_6 = arith.constant 1 : index
    %get3A_7 = arith.constant 0 : index
    %get3A_8 = arith.constant 0 : index
    %get3A_9 = vector.load %arg1[%get3A_6, %get3A_7, %get3A_8] : memref<2x2000x192xf32, #tpu.memory_space<vmem>>, vector<1x2000x192xf32>
    %get3A_10 = vector.shape_cast %get3A_9 : vector<1x2000x192xf32> to vector<2000x192xf32>
    %add3A = arith.addf %get3A_5, %get3A_10 : vector<2000x192xf32>
    %get3A_11 = arith.constant 0 : index
    %get3A_12 = arith.constant 0 : index
    %get3A_13 = arith.constant 0 : index
    %get3A_14 = vector.load %arg2[%get3A_11, %get3A_12, %get3A_13] : memref<2x2000x8xf32, #tpu.memory_space<vmem>>, vector<1x2000x8xf32>
    %get3A_15 = vector.shape_cast %get3A_14 : vector<1x2000x8xf32> to vector<2000x8xf32>
    %slice3A = vector.extract_strided_slice %get3A_15 {offsets = [0, 0], sizes = [2000, 1], strides = [1, 1]} : vector<2000x8xf32> to vector<2000x1xf32>
    %get3A_16 = arith.constant 1 : index
    %get3A_17 = arith.constant 0 : index
    %get3A_18 = arith.constant 0 : index
    %get3A_19 = vector.load %arg2[%get3A_16, %get3A_17, %get3A_18] : memref<2x2000x8xf32, #tpu.memory_space<vmem>>, vector<1x2000x8xf32>
    %get3A_20 = vector.shape_cast %get3A_19 : vector<1x2000x8xf32> to vector<2000x8xf32>
    %slice3A_21 = vector.extract_strided_slice %get3A_20 {offsets = [0, 0], sizes = [2000, 1], strides = [1, 1]} : vector<2000x8xf32> to vector<2000x1xf32>
    %add3A_22 = arith.addf %slice3A, %slice3A_21 : vector<2000x1xf32>
    %max3A = arith.constant 1.000000e+00 : f32
    %max3A_23 = vector.broadcast %max3A : f32 to vector<2000x1xf32>
    %max3A_24 = arith.maximumf %add3A_22, %max3A_23 : vector<2000x1xf32>
    %div3A = arith.constant 1.000000e+00 : f32
    %div3A_25 = vector.broadcast %div3A : f32 to vector<2000x1xf32>
    %div3A_26 = arith.divf %div3A_25, %max3A_24 : vector<2000x1xf32>
    %get3A_27 = arith.constant 0 : index
    %get3A_28 = arith.constant 0 : index
    %get3A_29 = vector.load %arg3[%get3A_27, %get3A_28] : memref<2000x160xf32, #tpu.memory_space<vmem>>, vector<2000x160xf32>
    %broadcast_in_dim3A = arith.constant 0.000000e+00 : f32
    %broadcast_in_dim3A_30 = vector.broadcast %broadcast_in_dim3A : f32 to vector<2000x32xf32>
    %concatenate3A = tpu.concatenate %get3A_29, %broadcast_in_dim3A_30 in 1 : vector<2000x160xf32>, vector<2000x32xf32> -> vector<2000x192xf32>
    %mul3A = vector.broadcast %div3A_26 : vector<2000x1xf32> to vector<2000x192xf32>
    %mul3A_31 = arith.mulf %add3A, %mul3A : vector<2000x192xf32>
    %add3A_32 = arith.addf %mul3A_31, %concatenate3A : vector<2000x192xf32>
    %swap3A = arith.constant 0 : index
    %swap3A_33 = arith.constant 0 : index
    %swap3A_34 = vector.load %arg4[%swap3A, %swap3A_33] : memref<2000x192xf32, #tpu.memory_space<vmem>>, vector<2000x192xf32>
    tpu.vector_store %arg4[%swap3A, %swap3A_33], %add3A_32 {strides = array<i32>} : memref<2000x192xf32, #tpu.memory_space<vmem>>, vector<2000x192xf32>,
    %get3A_35 = arith.constant 0 : index
    %get3A_36 = arith.constant 0 : index
    %get3A_37 = vector.load %arg6[%get3A_35, %get3A_36] : memref<8x192xf32, #tpu.memory_space<vmem>>, vector<1x192xf32>
    %reduce_sum3A = arith.constant dense<0.000000e+00> : vector<192xf32>
    %reduce_sum3A_38 = vector.multi_reduction <add>, %add3A_32, %reduce_sum3A [0] : vector<2000x192xf32> to vector<192xf32>
    %broadcast_in_dim3A_39 = vector.shape_cast %reduce_sum3A_38 : vector<192xf32> to vector<1x192xf32>
    %add3A_40 = arith.addf %get3A_37, %broadcast_in_dim3A_39 : vector<1x192xf32>
    %swap3A_41 = arith.constant 0 : index
    %swap3A_42 = arith.constant 0 : index
    %swap3A_43 = vector.load %arg6[%swap3A_41, %swap3A_42] : memref<8x192xf32, #tpu.memory_space<vmem>>, vector<1x192xf32>
    tpu.vector_store %arg6[%swap3A_41, %swap3A_42], %add3A_40 {strides = array<i32>} : memref<8x192xf32, #tpu.memory_space<vmem>>, vector<1x192xf32>,
    %get3A_44 = arith.constant 1 : index
    %get3A_45 = arith.constant 0 : index
    %get3A_46 = vector.load %arg6[%get3A_44, %get3A_45] : memref<8x192xf32, #tpu.memory_space<vmem>>, vector<1x192xf32>
    %mul3A_47 = arith.mulf %add3A_32, %add3A_32 : vector<2000x192xf32>
    %reduce_sum3A_48 = arith.constant dense<0.000000e+00> : vector<192xf32>
    %reduce_sum3A_49 = vector.multi_reduction <add>, %mul3A_47, %reduce_sum3A_48 [0] : vector<2000x192xf32> to vector<192xf32>
    %broadcast_in_dim3A_50 = vector.shape_cast %reduce_sum3A_49 : vector<192xf32> to vector<1x192xf32>
    %add3A_51 = arith.addf %get3A_46, %broadcast_in_dim3A_50 : vector<1x192xf32>
    %swap3A_52 = arith.constant 1 : index
    %swap3A_53 = arith.constant 0 : index
    %swap3A_54 = vector.load %arg6[%swap3A_52, %swap3A_53] : memref<8x192xf32, #tpu.memory_space<vmem>>, vector<1x192xf32>
    tpu.vector_store %arg6[%swap3A_52, %swap3A_53], %add3A_51 {strides = array<i32>} : memref<8x192xf32, #tpu.memory_space<vmem>>, vector<1x192xf32>,
    %eq3A_55 = arith.constant 4 : i32
    %eq3A_56 = arith.cmpi eq, %arg0, %eq3A_55 : i32
    %convert_element_type3A_57 = arith.extui %eq3A_56 : i1 to i32
    %cond3A_58 = arith.constant 0 : i32
    %cond3A_59 = arith.cmpi ne, %convert_element_type3A_57, %cond3A_58 : i32
    scf.if %cond3A_59 {
      %get3A_60 = arith.constant 0 : index
      %get3A_61 = arith.constant 0 : index
      %get3A_62 = vector.load %arg6[%get3A_60, %get3A_61] : memref<8x192xf32, #tpu.memory_space<vmem>>, vector<1x192xf32>
      %mul3A_63 = arith.constant 9.99999974E-5 : f32
      %mul3A_64 = vector.broadcast %mul3A_63 : f32 to vector<1x192xf32>
      %mul3A_65 = arith.mulf %get3A_62, %mul3A_64 : vector<1x192xf32>
      %get3A_66 = arith.constant 1 : index
      %get3A_67 = arith.constant 0 : index
      %get3A_68 = vector.load %arg6[%get3A_66, %get3A_67] : memref<8x192xf32, #tpu.memory_space<vmem>>, vector<1x192xf32>
      %mul3A_69 = arith.constant 9.99999974E-5 : f32
      %mul3A_70 = vector.broadcast %mul3A_69 : f32 to vector<1x192xf32>
      %mul3A_71 = arith.mulf %get3A_68, %mul3A_70 : vector<1x192xf32>
      %mul3A_72 = arith.mulf %mul3A_65, %mul3A_65 : vector<1x192xf32>
      %sub3A = arith.subf %mul3A_71, %mul3A_72 : vector<1x192xf32>
      %swap3A_73 = arith.constant 0 : index
      %swap3A_74 = arith.constant 0 : index
      %swap3A_75 = vector.load %arg5[%swap3A_73, %swap3A_74] : memref<8x192xf32, #tpu.memory_space<vmem>>, vector<1x192xf32>
      tpu.vector_store %arg5[%swap3A_73, %swap3A_74], %mul3A_65 {strides = array<i32>} : memref<8x192xf32, #tpu.memory_space<vmem>>, vector<1x192xf32>,
      %add3A_76 = arith.constant 9.99999974E-6 : f32
      %add3A_77 = vector.broadcast %add3A_76 : f32 to vector<1x192xf32>
      %add3A_78 = arith.addf %sub3A, %add3A_77 : vector<1x192xf32>
      %rsqrt3A = math.rsqrt %add3A_78 : vector<1x192xf32>
      %swap3A_79 = arith.constant 1 : index
      %swap3A_80 = arith.constant 0 : index
      %swap3A_81 = vector.load %arg5[%swap3A_79, %swap3A_80] : memref<8x192xf32, #tpu.memory_space<vmem>>, vector<1x192xf32>
      tpu.vector_store %arg5[%swap3A_79, %swap3A_80], %rsqrt3A {strides = array<i32>} : memref<8x192xf32, #tpu.memory_space<vmem>>, vector<1x192xf32>,
    } else {
    }
    return
  }
  func.func @transform_0(%arg0: i32) -> (i32, i32, i32) {
    %c0_i32 = arith.constant 0 : i32
    %c0_i32_0 = arith.constant 0 : i32
    %c0_i32_1 = arith.constant 0 : i32
    return %c0_i32, %arg0, %c0_i32_0 : i32, i32, i32
  }
  func.func @transform_1(%arg0: i32) -> (i32, i32, i32) {
    %c0_i32 = arith.constant 0 : i32
    %c0_i32_0 = arith.constant 0 : i32
    %c0_i32_1 = arith.constant 0 : i32
    return %c0_i32, %arg0, %c0_i32_0 : i32, i32, i32
  }
  func.func @transform_2(%arg0: i32) -> (i32, i32) {
    %c0_i32 = arith.constant 0 : i32
    %c0_i32_0 = arith.constant 0 : i32
    return %arg0, %c0_i32 : i32, i32
  }
  func.func @transform_3(%arg0: i32) -> (i32, i32) {
    %c0_i32 = arith.constant 0 : i32
    %c0_i32_0 = arith.constant 0 : i32
    return %arg0, %c0_i32 : i32, i32
  }
  func.func @transform_4(%arg0: i32) -> (i32, i32) {
    %c0_i32 = arith.constant 0 : i32
    %c0_i32_0 = arith.constant 0 : i32
    %c0_i32_1 = arith.constant 0 : i32
    return %c0_i32, %c0_i32_0 : i32, i32
  }
}

module attributes {stable_mosaic.version = 14 : i64} {
  func.func @_bn_apply_body(%arg0: i32, %arg1: memref<2000x192xf32, #tpu.memory_space<vmem>>, %arg2: memref<8x192xf32, #tpu.memory_space<vmem>>, %arg3: memref<1x192xf32, #tpu.memory_space<vmem>>, %arg4: memref<1x192xf32, #tpu.memory_space<vmem>>, %arg5: memref<2000x192xf32, #tpu.memory_space<vmem>>, %arg6: memref<2000x32xf32, #tpu.memory_space<vmem>>) attributes {dimension_semantics = [#tpu.dimension_semantics<arbitrary>], iteration_bounds = array<i64: 5>, scalar_prefetch = 0 : i64, scratch_operands = 0 : i64, tpu.core_type = #tpu.core_type<tc>, window_params = [{transform_indices = @transform_0, window_bounds = array<i64: 2000, 192>}, {pipeline_mode = #tpu.pipeline_mode<synchronous>, transform_indices = @transform_1, window_bounds = array<i64: 8, 192>}, {pipeline_mode = #tpu.pipeline_mode<synchronous>, transform_indices = @transform_2, window_bounds = array<i64: 1, 192>}, {pipeline_mode = #tpu.pipeline_mode<synchronous>, transform_indices = @transform_3, window_bounds = array<i64: 1, 192>}, {transform_indices = @transform_4, window_bounds = array<i64: 2000, 192>}, {transform_indices = @transform_5, window_bounds = array<i64: 2000, 32>}]} {
    %get3A = arith.constant 0 : index
    %get3A_0 = arith.constant 0 : index
    %get3A_1 = vector.load %arg2[%get3A, %get3A_0] : memref<8x192xf32, #tpu.memory_space<vmem>>, vector<1x192xf32>
    %get3A_2 = arith.constant 1 : index
    %get3A_3 = arith.constant 0 : index
    %get3A_4 = vector.load %arg2[%get3A_2, %get3A_3] : memref<8x192xf32, #tpu.memory_space<vmem>>, vector<1x192xf32>
    %get3A_5 = arith.constant 0 : index
    %get3A_6 = arith.constant 0 : index
    %get3A_7 = vector.load %arg1[%get3A_5, %get3A_6] : memref<2000x192xf32, #tpu.memory_space<vmem>>, vector<2000x192xf32>
    %sub3A = vector.broadcast %get3A_1 : vector<1x192xf32> to vector<2000x192xf32>
    %sub3A_8 = arith.subf %get3A_7, %sub3A : vector<2000x192xf32>
    %mul3A = vector.broadcast %get3A_4 : vector<1x192xf32> to vector<2000x192xf32>
    %mul3A_9 = arith.mulf %sub3A_8, %mul3A : vector<2000x192xf32>
    %get3A_10 = arith.constant 0 : index
    %get3A_11 = arith.constant 0 : index
    %get3A_12 = vector.load %arg3[%get3A_10, %get3A_11] : memref<1x192xf32, #tpu.memory_space<vmem>>, vector<1x192xf32>
    %mul3A_13 = vector.broadcast %get3A_12 : vector<1x192xf32> to vector<2000x192xf32>
    %mul3A_14 = arith.mulf %mul3A_9, %mul3A_13 : vector<2000x192xf32>
    %get3A_15 = arith.constant 0 : index
    %get3A_16 = arith.constant 0 : index
    %get3A_17 = vector.load %arg4[%get3A_15, %get3A_16] : memref<1x192xf32, #tpu.memory_space<vmem>>, vector<1x192xf32>
    %add3A = vector.broadcast %get3A_17 : vector<1x192xf32> to vector<2000x192xf32>
    %add3A_18 = arith.addf %mul3A_14, %add3A : vector<2000x192xf32>
    %swap3A = arith.constant 0 : index
    %swap3A_19 = arith.constant 0 : index
    %swap3A_20 = vector.load %arg5[%swap3A, %swap3A_19] : memref<2000x192xf32, #tpu.memory_space<vmem>>, vector<2000x192xf32>
    tpu.vector_store %arg5[%swap3A, %swap3A_19], %add3A_18 {strides = array<i32>} : memref<2000x192xf32, #tpu.memory_space<vmem>>, vector<2000x192xf32>,
    %slice3A = vector.extract_strided_slice %add3A_18 {offsets = [0, 0], sizes = [2000, 32], strides = [1, 1]} : vector<2000x192xf32> to vector<2000x32xf32>
    %swap3A_21 = arith.constant 0 : index
    %swap3A_22 = arith.constant 0 : index
    %swap3A_23 = vector.load %arg6[%swap3A_21, %swap3A_22] : memref<2000x32xf32, #tpu.memory_space<vmem>>, vector<2000x32xf32>
    tpu.vector_store %arg6[%swap3A_21, %swap3A_22], %slice3A {strides = array<i32>} : memref<2000x32xf32, #tpu.memory_space<vmem>>, vector<2000x32xf32>,
    return
  }
  func.func @transform_0(%arg0: i32) -> (i32, i32) {
    %c0_i32 = arith.constant 0 : i32
    %c0_i32_0 = arith.constant 0 : i32
    return %arg0, %c0_i32 : i32, i32
  }
  func.func @transform_1(%arg0: i32) -> (i32, i32) {
    %c0_i32 = arith.constant 0 : i32
    %c0_i32_0 = arith.constant 0 : i32
    %c0_i32_1 = arith.constant 0 : i32
    return %c0_i32, %c0_i32_0 : i32, i32
  }
  func.func @transform_2(%arg0: i32) -> (i32, i32) {
    %c0_i32 = arith.constant 0 : i32
    %c0_i32_0 = arith.constant 0 : i32
    %c0_i32_1 = arith.constant 0 : i32
    return %c0_i32, %c0_i32_0 : i32, i32
  }
  func.func @transform_3(%arg0: i32) -> (i32, i32) {
    %c0_i32 = arith.constant 0 : i32
    %c0_i32_0 = arith.constant 0 : i32
    %c0_i32_1 = arith.constant 0 : i32
    return %c0_i32, %c0_i32_0 : i32, i32
  }
  func.func @transform_4(%arg0: i32) -> (i32, i32) {
    %c0_i32 = arith.constant 0 : i32
    %c0_i32_0 = arith.constant 0 : i32
    return %arg0, %c0_i32 : i32, i32
  }
  func.func @transform_5(%arg0: i32) -> (i32, i32) {
    %c0_i32 = arith.constant 0 : i32
    %c0_i32_0 = arith.constant 0 : i32
    return %arg0, %c0_i32 : i32, i32
  }
}

module attributes {stable_mosaic.version = 14 : i64} {
  func.func @_dense_body(%arg0: i32, %arg1: memref<2000x24xf32, #tpu.memory_space<vmem>>, %arg2: memref<2000x192xf32, #tpu.memory_space<vmem>>, %arg3: memref<2000x32xf32, #tpu.memory_space<vmem>>, %arg4: memref<8x72xf32, #tpu.memory_space<vmem>>, %arg5: memref<32x72xf32, #tpu.memory_space<vmem>>, %arg6: memref<32x72xf32, #tpu.memory_space<vmem>>, %arg7: memref<1x72xf32, #tpu.memory_space<vmem>>, %arg8: memref<72x192xf32, #tpu.memory_space<vmem>>, %arg9: memref<1x192xf32, #tpu.memory_space<vmem>>, %arg10: memref<192x192xf32, #tpu.memory_space<vmem>>, %arg11: memref<9x192xf32, #tpu.memory_space<vmem>>, %arg12: memref<2000x192xf32, #tpu.memory_space<vmem>>) attributes {dimension_semantics = [#tpu.dimension_semantics<arbitrary>], iteration_bounds = array<i64: 80>, scalar_prefetch = 0 : i64, scratch_operands = 0 : i64, tpu.core_type = #tpu.core_type<tc>, window_params = [{transform_indices = @transform_0, window_bounds = array<i64: 2000, 24>}, {transform_indices = @transform_1, window_bounds = array<i64: 2000, 192>}, {transform_indices = @transform_2, window_bounds = array<i64: 2000, 32>}, {pipeline_mode = #tpu.pipeline_mode<synchronous>, transform_indices = @transform_3, window_bounds = array<i64: 8, 72>}, {pipeline_mode = #tpu.pipeline_mode<synchronous>, transform_indices = @transform_4, window_bounds = array<i64: 32, 72>}, {pipeline_mode = #tpu.pipeline_mode<synchronous>, transform_indices = @transform_5, window_bounds = array<i64: 32, 72>}, {pipeline_mode = #tpu.pipeline_mode<synchronous>, transform_indices = @transform_6, window_bounds = array<i64: 1, 72>}, {pipeline_mode = #tpu.pipeline_mode<synchronous>, transform_indices = @transform_7, window_bounds = array<i64: 72, 192>}, {pipeline_mode = #tpu.pipeline_mode<synchronous>, transform_indices = @transform_8, window_bounds = array<i64: 1, 192>}, {pipeline_mode = #tpu.pipeline_mode<synchronous>, transform_indices = @transform_9, window_bounds = array<i64: 192, 192>}, {pipeline_mode = #tpu.pipeline_mode<synchronous>, transform_indices = @transform_10, window_bounds = array<i64: 9, 192>}, {transform_indices = @transform_11, window_bounds = array<i64: 2000, 192>}]} {
    %get3A = arith.constant 0 : index
    %get3A_0 = arith.constant 0 : index
    %get3A_1 = vector.load %arg1[%get3A, %get3A_0] : memref<2000x24xf32, #tpu.memory_space<vmem>>, vector<2000x24xf32>
    %slice3A = vector.extract_strided_slice %get3A_1 {offsets = [0, 0], sizes = [2000, 8], strides = [1, 1]} : vector<2000x24xf32> to vector<2000x8xf32>
    %slice3A_2 = vector.extract_strided_slice %get3A_1 {offsets = [0, 8], sizes = [2000, 9], strides = [1, 1]} : vector<2000x24xf32> to vector<2000x9xf32>
    %get3A_3 = arith.constant 0 : index
    %get3A_4 = arith.constant 0 : index
    %get3A_5 = vector.load %arg2[%get3A_3, %get3A_4] : memref<2000x192xf32, #tpu.memory_space<vmem>>, vector<2000x192xf32>
    %slice3A_6 = vector.extract_strided_slice %get3A_5 {offsets = [0, 0], sizes = [2000, 32], strides = [1, 1]} : vector<2000x192xf32> to vector<2000x32xf32>
    %get3A_7 = arith.constant 0 : index
    %get3A_8 = arith.constant 0 : index
    %get3A_9 = vector.load %arg3[%get3A_7, %get3A_8] : memref<2000x32xf32, #tpu.memory_space<vmem>>, vector<2000x32xf32>
    %get3A_10 = arith.constant 0 : index
    %get3A_11 = arith.constant 0 : index
    %get3A_12 = vector.load %arg4[%get3A_10, %get3A_11] : memref<8x72xf32, #tpu.memory_space<vmem>>, vector<8x72xf32>
    %dot_general3A = arith.constant dense<0.000000e+00> : vector<2000x72xf32>
    %dot_general3A_13 = tpu.matmul %slice3A, %get3A_12, %dot_general3A {dimension_numbers = #tpu.dot_dimension_numbers<[1], [0], [0], [1], [0, 0, 1, 1], [], []>, transpose_lhs_hint = false} : vector<2000x8xf32>, vector<8x72xf32>, vector<2000x72xf32> -> vector<2000x72xf32>
    %get3A_14 = arith.constant 0 : index
    %get3A_15 = arith.constant 0 : index
    %get3A_16 = vector.load %arg5[%get3A_14, %get3A_15] : memref<32x72xf32, #tpu.memory_space<vmem>>, vector<32x72xf32>
    %dot_general3A_17 = arith.constant dense<0.000000e+00> : vector<2000x72xf32>
    %dot_general3A_18 = tpu.matmul %slice3A_6, %get3A_16, %dot_general3A_17 {dimension_numbers = #tpu.dot_dimension_numbers<[1], [0], [0], [1], [0, 0, 1, 1], [], []>, transpose_lhs_hint = false} : vector<2000x32xf32>, vector<32x72xf32>, vector<2000x72xf32> -> vector<2000x72xf32>
    %add3A = arith.addf %dot_general3A_13, %dot_general3A_18 : vector<2000x72xf32>
    %get3A_19 = arith.constant 0 : index
    %get3A_20 = arith.constant 0 : index
    %get3A_21 = vector.load %arg6[%get3A_19, %get3A_20] : memref<32x72xf32, #tpu.memory_space<vmem>>, vector<32x72xf32>
    %dot_general3A_22 = arith.constant dense<0.000000e+00> : vector<2000x72xf32>
    %dot_general3A_23 = tpu.matmul %get3A_9, %get3A_21, %dot_general3A_22 {dimension_numbers = #tpu.dot_dimension_numbers<[1], [0], [0], [1], [0, 0, 1, 1], [], []>, transpose_lhs_hint = false} : vector<2000x32xf32>, vector<32x72xf32>, vector<2000x72xf32> -> vector<2000x72xf32>
    %add3A_24 = arith.addf %add3A, %dot_general3A_23 : vector<2000x72xf32>
    %get3A_25 = arith.constant 0 : index
    %get3A_26 = arith.constant 0 : index
    %get3A_27 = vector.load %arg7[%get3A_25, %get3A_26] : memref<1x72xf32, #tpu.memory_space<vmem>>, vector<1x72xf32>
    %add3A_28 = vector.broadcast %get3A_27 : vector<1x72xf32> to vector<2000x72xf32>
    %add3A_29 = arith.addf %add3A_24, %add3A_28 : vector<2000x72xf32>
    %max3A = arith.constant 0.000000e+00 : f32
    %max3A_30 = vector.broadcast %max3A : f32 to vector<2000x72xf32>
    %max3A_31 = arith.maximumf %add3A_29, %max3A_30 : vector<2000x72xf32>
    %get3A_32 = arith.constant 0 : index
    %get3A_33 = arith.constant 0 : index
    %get3A_34 = vector.load %arg8[%get3A_32, %get3A_33] : memref<72x192xf32, #tpu.memory_space<vmem>>, vector<72x192xf32>
    %dot_general3A_35 = arith.constant dense<0.000000e+00> : vector<2000x192xf32>
    %dot_general3A_36 = tpu.matmul %max3A_31, %get3A_34, %dot_general3A_35 {dimension_numbers = #tpu.dot_dimension_numbers<[1], [0], [0], [1], [0, 0, 1, 1], [], []>, transpose_lhs_hint = false} : vector<2000x72xf32>, vector<72x192xf32>, vector<2000x192xf32> -> vector<2000x192xf32>
    %get3A_37 = arith.constant 0 : index
    %get3A_38 = arith.constant 0 : index
    %get3A_39 = vector.load %arg9[%get3A_37, %get3A_38] : memref<1x192xf32, #tpu.memory_space<vmem>>, vector<1x192xf32>
    %add3A_40 = vector.broadcast %get3A_39 : vector<1x192xf32> to vector<2000x192xf32>
    %add3A_41 = arith.addf %dot_general3A_36, %add3A_40 : vector<2000x192xf32>
    %get3A_42 = arith.constant 0 : index
    %get3A_43 = arith.constant 0 : index
    %get3A_44 = vector.load %arg10[%get3A_42, %get3A_43] : memref<192x192xf32, #tpu.memory_space<vmem>>, vector<192x192xf32>
    %dot_general3A_45 = arith.constant dense<0.000000e+00> : vector<2000x192xf32>
    %dot_general3A_46 = tpu.matmul %get3A_5, %get3A_44, %dot_general3A_45 {dimension_numbers = #tpu.dot_dimension_numbers<[1], [0], [0], [1], [0, 0, 1, 1], [], []>, transpose_lhs_hint = false} : vector<2000x192xf32>, vector<192x192xf32>, vector<2000x192xf32> -> vector<2000x192xf32>
    %get3A_47 = arith.constant 0 : index
    %get3A_48 = arith.constant 0 : index
    %get3A_49 = vector.load %arg11[%get3A_47, %get3A_48] : memref<9x192xf32, #tpu.memory_space<vmem>>, vector<9x192xf32>
    %dot_general3A_50 = arith.constant dense<0.000000e+00> : vector<2000x192xf32>
    %dot_general3A_51 = tpu.matmul %slice3A_2, %get3A_49, %dot_general3A_50 {dimension_numbers = #tpu.dot_dimension_numbers<[1], [0], [0], [1], [0, 0, 1, 1], [], []>, transpose_lhs_hint = false} : vector<2000x9xf32>, vector<9x192xf32>, vector<2000x192xf32> -> vector<2000x192xf32>
    %mul3A = arith.mulf %dot_general3A_46, %add3A_41 : vector<2000x192xf32>
    %mul3A_52 = arith.mulf %mul3A, %dot_general3A_51 : vector<2000x192xf32>
    %swap3A = arith.constant 0 : index
    %swap3A_53 = arith.constant 0 : index
    %swap3A_54 = vector.load %arg12[%swap3A, %swap3A_53] : memref<2000x192xf32, #tpu.memory_space<vmem>>, vector<2000x192xf32>
    tpu.vector_store %arg12[%swap3A, %swap3A_53], %mul3A_52 {strides = array<i32>} : memref<2000x192xf32, #tpu.memory_space<vmem>>, vector<2000x192xf32>,
    return
  }
  func.func @transform_0(%arg0: i32) -> (i32, i32) {
    %c0_i32 = arith.constant 0 : i32
    %c0_i32_0 = arith.constant 0 : i32
    return %arg0, %c0_i32 : i32, i32
  }
  func.func @transform_1(%arg0: i32) -> (i32, i32) {
    %c0_i32 = arith.constant 0 : i32
    %c0_i32_0 = arith.constant 0 : i32
    return %arg0, %c0_i32 : i32, i32
  }
  func.func @transform_2(%arg0: i32) -> (i32, i32) {
    %c0_i32 = arith.constant 0 : i32
    %c0_i32_0 = arith.constant 0 : i32
    return %arg0, %c0_i32 : i32, i32
  }
  func.func @transform_3(%arg0: i32) -> (i32, i32) {
    %c0_i32 = arith.constant 0 : i32
    %c0_i32_0 = arith.constant 0 : i32
    %c0_i32_1 = arith.constant 0 : i32
    return %c0_i32, %c0_i32_0 : i32, i32
  }
  func.func @transform_4(%arg0: i32) -> (i32, i32) {
    %c0_i32 = arith.constant 0 : i32
    %c0_i32_0 = arith.constant 0 : i32
    %c0_i32_1 = arith.constant 0 : i32
    return %c0_i32, %c0_i32_0 : i32, i32
  }
  func.func @transform_5(%arg0: i32) -> (i32, i32) {
    %c0_i32 = arith.constant 0 : i32
    %c0_i32_0 = arith.constant 0 : i32
    %c0_i32_1 = arith.constant 0 : i32
    return %c0_i32, %c0_i32_0 : i32, i32
  }
  func.func @transform_6(%arg0: i32) -> (i32, i32) {
    %c0_i32 = arith.constant 0 : i32
    %c0_i32_0 = arith.constant 0 : i32
    %c0_i32_1 = arith.constant 0 : i32
    return %c0_i32, %c0_i32_0 : i32, i32
  }
  func.func @transform_7(%arg0: i32) -> (i32, i32) {
    %c0_i32 = arith.constant 0 : i32
    %c0_i32_0 = arith.constant 0 : i32
    %c0_i32_1 = arith.constant 0 : i32
    return %c0_i32, %c0_i32_0 : i32, i32
  }
  func.func @transform_8(%arg0: i32) -> (i32, i32) {
    %c0_i32 = arith.constant 0 : i32
    %c0_i32_0 = arith.constant 0 : i32
    %c0_i32_1 = arith.constant 0 : i32
    return %c0_i32, %c0_i32_0 : i32, i32
  }
  func.func @transform_9(%arg0: i32) -> (i32, i32) {
    %c0_i32 = arith.constant 0 : i32
    %c0_i32_0 = arith.constant 0 : i32
    %c0_i32_1 = arith.constant 0 : i32
    return %c0_i32, %c0_i32_0 : i32, i32
  }
  func.func @transform_10(%arg0: i32) -> (i32, i32) {
    %c0_i32 = arith.constant 0 : i32
    %c0_i32_0 = arith.constant 0 : i32
    %c0_i32_1 = arith.constant 0 : i32
    return %c0_i32, %c0_i32_0 : i32, i32
  }
  func.func @transform_11(%arg0: i32) -> (i32, i32) {
    %c0_i32 = arith.constant 0 : i32
    %c0_i32_0 = arith.constant 0 : i32
    return %arg0, %c0_i32 : i32, i32
  }
}

module attributes {stable_mosaic.version = 14 : i64} {
  func.func @_bn_stats_body(%arg0: i32, %arg1: memref<2x2000x192xf32, #tpu.memory_space<vmem>>, %arg2: memref<2x2000x8xf32, #tpu.memory_space<vmem>>, %arg3: memref<2000x192xf32, #tpu.memory_space<vmem>>, %arg4: memref<2000x192xf32, #tpu.memory_space<vmem>>, %arg5: memref<8x192xf32, #tpu.memory_space<vmem>>, %arg6: memref<8x192xf32, #tpu.memory_space<vmem>>) attributes {dimension_semantics = [#tpu.dimension_semantics<arbitrary>], iteration_bounds = array<i64: 5>, scalar_prefetch = 0 : i64, scratch_operands = 1 : i64, tpu.core_type = #tpu.core_type<tc>, window_params = [{transform_indices = @transform_0, window_bounds = array<i64: 2, 2000, 192>}, {transform_indices = @transform_1, window_bounds = array<i64: 2, 2000, 8>}, {transform_indices = @transform_2, window_bounds = array<i64: 2000, 192>}, {transform_indices = @transform_3, window_bounds = array<i64: 2000, 192>}, {pipeline_mode = #tpu.pipeline_mode<synchronous>, transform_indices = @transform_4, window_bounds = array<i64: 8, 192>}]} {
    %eq3A = arith.constant 0 : i32
    %eq3A_0 = arith.cmpi eq, %arg0, %eq3A : i32
    %convert_element_type3A = arith.extui %eq3A_0 : i1 to i32
    %cond3A = arith.constant 0 : i32
    %cond3A_1 = arith.cmpi ne, %convert_element_type3A, %cond3A : i32
    scf.if %cond3A_1 {
      %broadcast_in_dim3A_58 = arith.constant 0.000000e+00 : f32
      %broadcast_in_dim3A_59 = vector.broadcast %broadcast_in_dim3A_58 : f32 to vector<8x192xf32>
      %swap3A_60 = arith.constant 0 : index
      %swap3A_61 = arith.constant 0 : index
      %swap3A_62 = vector.load %arg6[%swap3A_60, %swap3A_61] : memref<8x192xf32, #tpu.memory_space<vmem>>, vector<8x192xf32>
      tpu.vector_store %arg6[%swap3A_60, %swap3A_61], %broadcast_in_dim3A_59 {strides = array<i32>} : memref<8x192xf32, #tpu.memory_space<vmem>>, vector<8x192xf32>,
    } else {
    }
    %get3A = arith.constant 0 : index
    %get3A_2 = arith.constant 0 : index
    %get3A_3 = arith.constant 0 : index
    %get3A_4 = vector.load %arg1[%get3A, %get3A_2, %get3A_3] : memref<2x2000x192xf32, #tpu.memory_space<vmem>>, vector<1x2000x192xf32>
    %get3A_5 = vector.shape_cast %get3A_4 : vector<1x2000x192xf32> to vector<2000x192xf32>
    %get3A_6 = arith.constant 1 : index
    %get3A_7 = arith.constant 0 : index
    %get3A_8 = arith.constant 0 : index
    %get3A_9 = vector.load %arg1[%get3A_6, %get3A_7, %get3A_8] : memref<2x2000x192xf32, #tpu.memory_space<vmem>>, vector<1x2000x192xf32>
    %get3A_10 = vector.shape_cast %get3A_9 : vector<1x2000x192xf32> to vector<2000x192xf32>
    %add3A = arith.addf %get3A_5, %get3A_10 : vector<2000x192xf32>
    %get3A_11 = arith.constant 0 : index
    %get3A_12 = arith.constant 0 : index
    %get3A_13 = arith.constant 0 : index
    %get3A_14 = vector.load %arg2[%get3A_11, %get3A_12, %get3A_13] : memref<2x2000x8xf32, #tpu.memory_space<vmem>>, vector<1x2000x8xf32>
    %get3A_15 = vector.shape_cast %get3A_14 : vector<1x2000x8xf32> to vector<2000x8xf32>
    %slice3A = vector.extract_strided_slice %get3A_15 {offsets = [0, 0], sizes = [2000, 1], strides = [1, 1]} : vector<2000x8xf32> to vector<2000x1xf32>
    %get3A_16 = arith.constant 1 : index
    %get3A_17 = arith.constant 0 : index
    %get3A_18 = arith.constant 0 : index
    %get3A_19 = vector.load %arg2[%get3A_16, %get3A_17, %get3A_18] : memref<2x2000x8xf32, #tpu.memory_space<vmem>>, vector<1x2000x8xf32>
    %get3A_20 = vector.shape_cast %get3A_19 : vector<1x2000x8xf32> to vector<2000x8xf32>
    %slice3A_21 = vector.extract_strided_slice %get3A_20 {offsets = [0, 0], sizes = [2000, 1], strides = [1, 1]} : vector<2000x8xf32> to vector<2000x1xf32>
    %add3A_22 = arith.addf %slice3A, %slice3A_21 : vector<2000x1xf32>
    %max3A = arith.constant 1.000000e+00 : f32
    %max3A_23 = vector.broadcast %max3A : f32 to vector<2000x1xf32>
    %max3A_24 = arith.maximumf %add3A_22, %max3A_23 : vector<2000x1xf32>
    %div3A = arith.constant 1.000000e+00 : f32
    %div3A_25 = vector.broadcast %div3A : f32 to vector<2000x1xf32>
    %div3A_26 = arith.divf %div3A_25, %max3A_24 : vector<2000x1xf32>
    %get3A_27 = arith.constant 0 : index
    %get3A_28 = arith.constant 0 : index
    %get3A_29 = vector.load %arg3[%get3A_27, %get3A_28] : memref<2000x192xf32, #tpu.memory_space<vmem>>, vector<2000x192xf32>
    %mul3A = vector.broadcast %div3A_26 : vector<2000x1xf32> to vector<2000x192xf32>
    %mul3A_30 = arith.mulf %add3A, %mul3A : vector<2000x192xf32>
    %add3A_31 = arith.addf %mul3A_30, %get3A_29 : vector<2000x192xf32>
    %swap3A = arith.constant 0 : index
    %swap3A_32 = arith.constant 0 : index
    %swap3A_33 = vector.load %arg4[%swap3A, %swap3A_32] : memref<2000x192xf32, #tpu.memory_space<vmem>>, vector<2000x192xf32>
    tpu.vector_store %arg4[%swap3A, %swap3A_32], %add3A_31 {strides = array<i32>} : memref<2000x192xf32, #tpu.memory_space<vmem>>, vector<2000x192xf32>,
    %get3A_34 = arith.constant 0 : index
    %get3A_35 = arith.constant 0 : index
    %get3A_36 = vector.load %arg6[%get3A_34, %get3A_35] : memref<8x192xf32, #tpu.memory_space<vmem>>, vector<1x192xf32>
    %reduce_sum3A = arith.constant dense<0.000000e+00> : vector<192xf32>
    %reduce_sum3A_37 = vector.multi_reduction <add>, %add3A_31, %reduce_sum3A [0] : vector<2000x192xf32> to vector<192xf32>
    %broadcast_in_dim3A = vector.shape_cast %reduce_sum3A_37 : vector<192xf32> to vector<1x192xf32>
    %add3A_38 = arith.addf %get3A_36, %broadcast_in_dim3A : vector<1x192xf32>
    %swap3A_39 = arith.constant 0 : index
    %swap3A_40 = arith.constant 0 : index
    %swap3A_41 = vector.load %arg6[%swap3A_39, %swap3A_40] : memref<8x192xf32, #tpu.memory_space<vmem>>, vector<1x192xf32>
    tpu.vector_store %arg6[%swap3A_39, %swap3A_40], %add3A_38 {strides = array<i32>} : memref<8x192xf32, #tpu.memory_space<vmem>>, vector<1x192xf32>,
    %get3A_42 = arith.constant 1 : index
    %get3A_43 = arith.constant 0 : index
    %get3A_44 = vector.load %arg6[%get3A_42, %get3A_43] : memref<8x192xf32, #tpu.memory_space<vmem>>, vector<1x192xf32>
    %mul3A_45 = arith.mulf %add3A_31, %add3A_31 : vector<2000x192xf32>
    %reduce_sum3A_46 = arith.constant dense<0.000000e+00> : vector<192xf32>
    %reduce_sum3A_47 = vector.multi_reduction <add>, %mul3A_45, %reduce_sum3A_46 [0] : vector<2000x192xf32> to vector<192xf32>
    %broadcast_in_dim3A_48 = vector.shape_cast %reduce_sum3A_47 : vector<192xf32> to vector<1x192xf32>
    %add3A_49 = arith.addf %get3A_44, %broadcast_in_dim3A_48 : vector<1x192xf32>
    %swap3A_50 = arith.constant 1 : index
    %swap3A_51 = arith.constant 0 : index
    %swap3A_52 = vector.load %arg6[%swap3A_50, %swap3A_51] : memref<8x192xf32, #tpu.memory_space<vmem>>, vector<1x192xf32>
    tpu.vector_store %arg6[%swap3A_50, %swap3A_51], %add3A_49 {strides = array<i32>} : memref<8x192xf32, #tpu.memory_space<vmem>>, vector<1x192xf32>,
    %eq3A_53 = arith.constant 4 : i32
    %eq3A_54 = arith.cmpi eq, %arg0, %eq3A_53 : i32
    %convert_element_type3A_55 = arith.extui %eq3A_54 : i1 to i32
    %cond3A_56 = arith.constant 0 : i32
    %cond3A_57 = arith.cmpi ne, %convert_element_type3A_55, %cond3A_56 : i32
    scf.if %cond3A_57 {
      %get3A_58 = arith.constant 0 : index
      %get3A_59 = arith.constant 0 : index
      %get3A_60 = vector.load %arg6[%get3A_58, %get3A_59] : memref<8x192xf32, #tpu.memory_space<vmem>>, vector<1x192xf32>
      %mul3A_61 = arith.constant 9.99999974E-5 : f32
      %mul3A_62 = vector.broadcast %mul3A_61 : f32 to vector<1x192xf32>
      %mul3A_63 = arith.mulf %get3A_60, %mul3A_62 : vector<1x192xf32>
      %get3A_64 = arith.constant 1 : index
      %get3A_65 = arith.constant 0 : index
      %get3A_66 = vector.load %arg6[%get3A_64, %get3A_65] : memref<8x192xf32, #tpu.memory_space<vmem>>, vector<1x192xf32>
      %mul3A_67 = arith.constant 9.99999974E-5 : f32
      %mul3A_68 = vector.broadcast %mul3A_67 : f32 to vector<1x192xf32>
      %mul3A_69 = arith.mulf %get3A_66, %mul3A_68 : vector<1x192xf32>
      %mul3A_70 = arith.mulf %mul3A_63, %mul3A_63 : vector<1x192xf32>
      %sub3A = arith.subf %mul3A_69, %mul3A_70 : vector<1x192xf32>
      %swap3A_71 = arith.constant 0 : index
      %swap3A_72 = arith.constant 0 : index
      %swap3A_73 = vector.load %arg5[%swap3A_71, %swap3A_72] : memref<8x192xf32, #tpu.memory_space<vmem>>, vector<1x192xf32>
      tpu.vector_store %arg5[%swap3A_71, %swap3A_72], %mul3A_63 {strides = array<i32>} : memref<8x192xf32, #tpu.memory_space<vmem>>, vector<1x192xf32>,
      %add3A_74 = arith.constant 9.99999974E-6 : f32
      %add3A_75 = vector.broadcast %add3A_74 : f32 to vector<1x192xf32>
      %add3A_76 = arith.addf %sub3A, %add3A_75 : vector<1x192xf32>
      %rsqrt3A = math.rsqrt %add3A_76 : vector<1x192xf32>
      %swap3A_77 = arith.constant 1 : index
      %swap3A_78 = arith.constant 0 : index
      %swap3A_79 = vector.load %arg5[%swap3A_77, %swap3A_78] : memref<8x192xf32, #tpu.memory_space<vmem>>, vector<1x192xf32>
      tpu.vector_store %arg5[%swap3A_77, %swap3A_78], %rsqrt3A {strides = array<i32>} : memref<8x192xf32, #tpu.memory_space<vmem>>, vector<1x192xf32>,
    } else {
    }
    return
  }
  func.func @transform_0(%arg0: i32) -> (i32, i32, i32) {
    %c0_i32 = arith.constant 0 : i32
    %c0_i32_0 = arith.constant 0 : i32
    %c0_i32_1 = arith.constant 0 : i32
    return %c0_i32, %arg0, %c0_i32_0 : i32, i32, i32
  }
  func.func @transform_1(%arg0: i32) -> (i32, i32, i32) {
    %c0_i32 = arith.constant 0 : i32
    %c0_i32_0 = arith.constant 0 : i32
    %c0_i32_1 = arith.constant 0 : i32
    return %c0_i32, %arg0, %c0_i32_0 : i32, i32, i32
  }
  func.func @transform_2(%arg0: i32) -> (i32, i32) {
    %c0_i32 = arith.constant 0 : i32
    %c0_i32_0 = arith.constant 0 : i32
    return %arg0, %c0_i32 : i32, i32
  }
  func.func @transform_3(%arg0: i32) -> (i32, i32) {
    %c0_i32 = arith.constant 0 : i32
    %c0_i32_0 = arith.constant 0 : i32
    return %arg0, %c0_i32 : i32, i32
  }
  func.func @transform_4(%arg0: i32) -> (i32, i32) {
    %c0_i32 = arith.constant 0 : i32
    %c0_i32_0 = arith.constant 0 : i32
    %c0_i32_1 = arith.constant 0 : i32
    return %c0_i32, %c0_i32_0 : i32, i32
  }
}

module attributes {stable_mosaic.version = 14 : i64} {
  func.func @_bn_apply_body(%arg0: i32, %arg1: memref<2000x192xf32, #tpu.memory_space<vmem>>, %arg2: memref<8x192xf32, #tpu.memory_space<vmem>>, %arg3: memref<1x192xf32, #tpu.memory_space<vmem>>, %arg4: memref<1x192xf32, #tpu.memory_space<vmem>>, %arg5: memref<2000x192xf32, #tpu.memory_space<vmem>>, %arg6: memref<2000x32xf32, #tpu.memory_space<vmem>>) attributes {dimension_semantics = [#tpu.dimension_semantics<arbitrary>], iteration_bounds = array<i64: 5>, scalar_prefetch = 0 : i64, scratch_operands = 0 : i64, tpu.core_type = #tpu.core_type<tc>, window_params = [{transform_indices = @transform_0, window_bounds = array<i64: 2000, 192>}, {pipeline_mode = #tpu.pipeline_mode<synchronous>, transform_indices = @transform_1, window_bounds = array<i64: 8, 192>}, {pipeline_mode = #tpu.pipeline_mode<synchronous>, transform_indices = @transform_2, window_bounds = array<i64: 1, 192>}, {pipeline_mode = #tpu.pipeline_mode<synchronous>, transform_indices = @transform_3, window_bounds = array<i64: 1, 192>}, {transform_indices = @transform_4, window_bounds = array<i64: 2000, 192>}, {transform_indices = @transform_5, window_bounds = array<i64: 2000, 32>}]} {
    %get3A = arith.constant 0 : index
    %get3A_0 = arith.constant 0 : index
    %get3A_1 = vector.load %arg2[%get3A, %get3A_0] : memref<8x192xf32, #tpu.memory_space<vmem>>, vector<1x192xf32>
    %get3A_2 = arith.constant 1 : index
    %get3A_3 = arith.constant 0 : index
    %get3A_4 = vector.load %arg2[%get3A_2, %get3A_3] : memref<8x192xf32, #tpu.memory_space<vmem>>, vector<1x192xf32>
    %get3A_5 = arith.constant 0 : index
    %get3A_6 = arith.constant 0 : index
    %get3A_7 = vector.load %arg1[%get3A_5, %get3A_6] : memref<2000x192xf32, #tpu.memory_space<vmem>>, vector<2000x192xf32>
    %sub3A = vector.broadcast %get3A_1 : vector<1x192xf32> to vector<2000x192xf32>
    %sub3A_8 = arith.subf %get3A_7, %sub3A : vector<2000x192xf32>
    %mul3A = vector.broadcast %get3A_4 : vector<1x192xf32> to vector<2000x192xf32>
    %mul3A_9 = arith.mulf %sub3A_8, %mul3A : vector<2000x192xf32>
    %get3A_10 = arith.constant 0 : index
    %get3A_11 = arith.constant 0 : index
    %get3A_12 = vector.load %arg3[%get3A_10, %get3A_11] : memref<1x192xf32, #tpu.memory_space<vmem>>, vector<1x192xf32>
    %mul3A_13 = vector.broadcast %get3A_12 : vector<1x192xf32> to vector<2000x192xf32>
    %mul3A_14 = arith.mulf %mul3A_9, %mul3A_13 : vector<2000x192xf32>
    %get3A_15 = arith.constant 0 : index
    %get3A_16 = arith.constant 0 : index
    %get3A_17 = vector.load %arg4[%get3A_15, %get3A_16] : memref<1x192xf32, #tpu.memory_space<vmem>>, vector<1x192xf32>
    %add3A = vector.broadcast %get3A_17 : vector<1x192xf32> to vector<2000x192xf32>
    %add3A_18 = arith.addf %mul3A_14, %add3A : vector<2000x192xf32>
    %swap3A = arith.constant 0 : index
    %swap3A_19 = arith.constant 0 : index
    %swap3A_20 = vector.load %arg5[%swap3A, %swap3A_19] : memref<2000x192xf32, #tpu.memory_space<vmem>>, vector<2000x192xf32>
    tpu.vector_store %arg5[%swap3A, %swap3A_19], %add3A_18 {strides = array<i32>} : memref<2000x192xf32, #tpu.memory_space<vmem>>, vector<2000x192xf32>,
    %slice3A = vector.extract_strided_slice %add3A_18 {offsets = [0, 0], sizes = [2000, 32], strides = [1, 1]} : vector<2000x192xf32> to vector<2000x32xf32>
    %swap3A_21 = arith.constant 0 : index
    %swap3A_22 = arith.constant 0 : index
    %swap3A_23 = vector.load %arg6[%swap3A_21, %swap3A_22] : memref<2000x32xf32, #tpu.memory_space<vmem>>, vector<2000x32xf32>
    tpu.vector_store %arg6[%swap3A_21, %swap3A_22], %slice3A {strides = array<i32>} : memref<2000x32xf32, #tpu.memory_space<vmem>>, vector<2000x32xf32>,
    return
  }
  func.func @transform_0(%arg0: i32) -> (i32, i32) {
    %c0_i32 = arith.constant 0 : i32
    %c0_i32_0 = arith.constant 0 : i32
    return %arg0, %c0_i32 : i32, i32
  }
  func.func @transform_1(%arg0: i32) -> (i32, i32) {
    %c0_i32 = arith.constant 0 : i32
    %c0_i32_0 = arith.constant 0 : i32
    %c0_i32_1 = arith.constant 0 : i32
    return %c0_i32, %c0_i32_0 : i32, i32
  }
  func.func @transform_2(%arg0: i32) -> (i32, i32) {
    %c0_i32 = arith.constant 0 : i32
    %c0_i32_0 = arith.constant 0 : i32
    %c0_i32_1 = arith.constant 0 : i32
    return %c0_i32, %c0_i32_0 : i32, i32
  }
  func.func @transform_3(%arg0: i32) -> (i32, i32) {
    %c0_i32 = arith.constant 0 : i32
    %c0_i32_0 = arith.constant 0 : i32
    %c0_i32_1 = arith.constant 0 : i32
    return %c0_i32, %c0_i32_0 : i32, i32
  }
  func.func @transform_4(%arg0: i32) -> (i32, i32) {
    %c0_i32 = arith.constant 0 : i32
    %c0_i32_0 = arith.constant 0 : i32
    return %arg0, %c0_i32 : i32, i32
  }
  func.func @transform_5(%arg0: i32) -> (i32, i32) {
    %c0_i32 = arith.constant 0 : i32
    %c0_i32_0 = arith.constant 0 : i32
    return %arg0, %c0_i32 : i32, i32
  }
}

</mosaic_0001>

<sc_bundles>
// kernel: kernel.28.cloned.1.call-start
scs
__scs_entry_jumppad:
0x0: {  	(pc) =	sbr.rel $0x88, $3  }
0x1: {  	(tag) =	ssettag $0x0;
	lr =	simm.s32 $0x1  }
0x2: {  	[smem:$0x3F74] =	sst lr;
	_ =	strace $0xD0000000  }
0x3: {  	_ = 	snop  }
0x4: {  	_ = 	snop  }
0x5: {  	_ = 	snop  }
0x6: {  	_ = 	snop  }
0x7: {  	_ = 	snop  }
__scs_overlays_trampoline_lowered:
0x8: {  	[smem:$0x3F83] =	sst s0  }
0x9: {  	[smem:$0x3F84] =	sst s1  }
0xa: {  	[smem:$0x3F85] =	sst s2  }
0xb: {  	[smem:$0x3F86] =	sst s3  }
0xc: {  	[smem:$0x3F87] =	sst s4  }
0xd: {  	[smem:$0x3F88] =	sst s5  }
0xe: {  	[smem:$0x3F89] =	sst s6  }
0xf: {  	[smem:$0x3F8A] =	sst s7  }
0x10: {  	[smem:$0x3F8B] =	sst s8  }
0x11: {  	[smem:$0x3F8C] =	sst s9;
	s0 =	simm.s32 @!p0 $0x0  }
0x12: {  	s1 =	sld [smem:$0x3F72];
	s0 =	simm.s32 @p0 $0x1  }
0x13: {  	[smem:$0x3F8D] =	sst s0;
	s0 =	simm.s32 @!p1 $0x0  }
0x14: {  	s2 =	sld [smem:$0x3F71];
	s0 =	simm.s32 @p1 $0x1  }
0x15: {  	[smem:$0x3F8E] =	sst s0;
	s0 =	simm.s32 @!p2 $0x0  }
0x16: {  	s3 =	sld [smem:$0x3FDB];
	s0 =	simm.s32 @p2 $0x1  }
0x17: {  	s4 =	simm.s32 $0x1BF5;
	[smem:$0x3F90] =	sst s0  }
0x18: {  	s0 =	sld [smem:$0x3F73];
	_ =	swait.ge [sflag:s4], $0x0  }
0x19: {  	s7 =	sld [smem:$0x3F74]  }
0x1a: {  	s8 =	sadd.s32 $0xFFFFE003, lr  }
0x1b: {  	s9 =	sadd.s32 $0xFFFFFEF7, lr;
	s5 =	simm.s32 $0xFFFFFFFF;
	p2 =	slt.u32 s8, $0xFFFFF086  }
0x1c: {  	p1 =	slt.u32 s9, $0xF7A;
	s5 =	simm.s32 @!p2 $0x0  }
0x1d: {  	s5 =	simm.s32 @p1 $0x1;
	p0 =	seq.s32 s7, s2  }
0x1e: {  	s7 =	smul.u32 @!p0 $0xF7A, s2;
	p2 =	seq.s32 @!p0 s5, $0x0  }
0x1f: {  	s9 =	smul.u32 $0xF7A, s1;
	s8 =	simm.s32 @!p0 $0x1BF5;
	p2 =	por !p2, p0  }
0x20: {  	[sflag:s8] =	ssyncset.s32 @!p0 $0xFFFFF086;
	s6 =	sadd.s32 @!p0 s3, s7;
	s7 =	simm.s32 @!p0 $0x108  }
0x21: {  	s3 =	sadd.s32 s3, s9;
	s6 =	sadd.s32 @!p0 $0x88, s6;
	s7 =	simm.s32 @p2 $0x1082  }
0x22: {  	[simem:s7], [sflag:s8] =	dma.local @!p0 [hbm:s6], $0xF7A  }
0x23: {  	s9 =	sor.u32 $0xD0000000, s2;
	s6 =	simm.s32 $0x108;
	_ =	swait.ge @!p0 [sflag:s8], $0x0  }
0x24: {  	s3 =	sadd.s32 $0x88, s3;
	s6 =	simm.s32 @!p1 $0x1082;
	[sflag:s4] =	ssyncset.s32 $0xFFFFF086  }
0x25: {  	[simem:s6], [sflag:s4] =	dma.local [hbm:s3], $0xF7A  }
0x26: {  	[smem:$0x3F74] =	sst s1;
	(tag) =	ssettag s2;
	_ =	strace s9  }
0x27: {  	s1 =	sld [smem:$0x3F84]  }
0x28: {  	s2 =	sld [smem:$0x3F85]  }
0x29: {  	s4 =	sld [smem:$0x3F87]  }
0x2a: {  	p0 =	seq.s32 s5, $0x0;
	s5 =	sld [smem:$0x3F88]  }
0x2b: {  	s6 =	sld [smem:$0x3F89]  }
0x2c: {  	s7 =	sld [smem:$0x3F8A]  }
0x2d: {  	s3 =	simm.s32 $0x108;
	s8 =	sld [smem:$0x3F8B]  }
0x2e: {  	s3 =	simm.s32 @!p0 $0x1082;
	s9 =	sld [smem:$0x3F8C]  }
0x2f: {  	lr =	sadd.s32 s0, s3;
	s0 =	sld [smem:$0x3F83]  }
0x30: {  	s3 =	sld [smem:$0x3F86]  }
0x31: {  	[smem:$0x3F8F] =	sst s10  }
0x32: {  	s10 =	sld [smem:$0x3F8D];
	_ =	sdelay $0x3  }
0x33: {  	p0 =	seq.s32 s10, $0x1;
	s10 =	sld [smem:$0x3F8F];
	_ =	sdelay $0x3  }
0x34: {  	[smem:$0x3F8F] =	sst s10  }
0x35: {  	s10 =	sld [smem:$0x3F8E];
	_ =	sdelay $0x3  }
0x36: {  	p1 =	seq.s32 s10, $0x1;
	s10 =	sld [smem:$0x3F8F];
	_ =	sdelay $0x3  }
0x37: {  	[smem:$0x3F8F] =	sst s10  }
0x38: {  	s10 =	sld [smem:$0x3F90]  }
0x39: {  	_ = 	snop;
	(pc) =	sbr.ind lr, $3  }
0x3a: {  	_ = 	snop  }
0x3b: {  	_ = 	snop  }
0x3c: {  	p2 =	seq.s32 s10, $0x1;
	s10 =	sld [smem:$0x3F8F]  }
0x3d: {  	_ =	shalt  }
0x3e: {  	_ =	shalt  }
0x3f: {  	_ =	shalt  }
0x40: {  	_ =	shalt  }
0x41: {  	_ =	shalt  }
0x42: {  	_ =	shalt  }
0x43: {  	_ =	shalt  }
0x44: {  	_ =	shalt  }
0x45: {  	_ =	shalt  }
0x46: {  	_ =	shalt  }
0x47: {  	_ =	shalt  }
0x48: {  	_ =	shalt  }
0x49: {  	_ =	shalt  }
0x4a: {  	_ =	shalt  }
0x4b: {  	_ =	shalt  }
0x4c: {  	_ =	shalt  }
0x4d: {  	_ =	shalt  }
0x4e: {  	_ =	shalt  }
0x4f: {  	_ =	shalt  }
0x50: {  	_ =	shalt  }
0x51: {  	_ =	shalt  }
0x52: {  	_ =	shalt  }
0x53: {  	_ =	shalt  }
0x54: {  	_ =	shalt  }
0x55: {  	_ =	shalt  }
0x56: {  	_ =	shalt  }
0x57: {  	_ =	shalt  }
0x58: {  	_ =	shalt  }
0x59: {  	_ =	shalt  }
0x5a: {  	_ =	shalt  }
0x5b: {  	_ =	shalt  }
0x5c: {  	_ =	shalt  }
0x5d: {  	_ =	shalt  }
0x5e: {  	_ =	shalt  }
0x5f: {  	_ =	shalt  }
0x60: {  	_ =	shalt  }
0x61: {  	_ =	shalt  }
0x62: {  	_ =	shalt  }
0x63: {  	_ =	shalt  }
0x64: {  	_ =	shalt  }
0x65: {  	_ =	shalt  }
0x66: {  	_ =	shalt  }
0x67: {  	_ =	shalt  }
0x68: {  	_ =	shalt  }
0x69: {  	_ =	shalt  }
0x6a: {  	_ =	shalt  }
0x6b: {  	_ =	shalt  }
0x6c: {  	_ =	shalt  }
0x6d: {  	_ =	shalt  }
0x6e: {  	_ =	shalt  }
0x6f: {  	_ =	shalt  }
0x70: {  	_ =	shalt  }
0x71: {  	_ =	shalt  }
0x72: {  	_ =	shalt  }
0x73: {  	_ =	shalt  }
0x74: {  	_ =	shalt  }
0x75: {  	_ =	shalt  }
0x76: {  	_ =	shalt  }
0x77: {  	_ =	shalt  }
0x78: {  	_ =	shalt  }
0x79: {  	_ =	shalt  }
0x7a: {  	_ =	shalt  }
0x7b: {  	_ =	shalt  }
0x7c: {  	_ =	shalt  }
0x7d: {  	_ =	shalt  }
0x7e: {  	_ =	shalt  }
0x7f: {  	_ =	shalt  }
0x80: {  	_ =	shalt  }
0x81: {  	_ =	shalt  }
0x82: {  	_ =	shalt  }
0x83: {  	_ =	shalt  }
0x84: {  	_ =	shalt  }
0x85: {  	_ =	shalt  }
0x86: {  	_ =	shalt  }
0x87: {  	_ =	shalt  }
.Lfunc_end0:
.L_simem_size_0:
called_computation_lowered:
.L_overlay_start_0:
0x88: {  	s2 =	sld [smem:$0x3FD9]  }
0x89: {  	s3 =	sld [smem:$0x3FFE];
	_ =	sdelay $0x1  }
0x8a: {  	s1 =	srdreg.scid  }
0x8b: {  	s0 =	sand.u32 $0x1, s1  }
0x8c: {  	s14 =	sshll.u32 s0, $0xA;
	s2 =	sadd.s32 s3, s2  }
0x8d: {  	s2 =	sadd.s32 s2, s14  }
0x8e: {  	[smem:$0x3F9B] =	sst s2  }
0x8f: {  	_ = 	snop  }
0x90: {  	s2 =	sld [smem:$0x3FD0];
	_ =	sdelay $0x2  }
0x91: {  	s15 =	simm.s32 $0xC;
	s4 =	simm.s32 $0x10  }
0x92: {  	[smem:s4], [sflag:s15] =	dma.local [hbm:s2], $0x1  }
0x93: {  	_ =	swait.eq [sflag:s15], $0x1  }
0x94: {  	[sflag:s15] =	ssyncset.done $0x0  }
0x95: {  	[sflag:s15] =	ssyncadd.s32 $0xFFFFFFFF  }
0x96: {  	s16 =	sld [smem:$0x11];
	(tm) =	ssettm $0x1  }
0x97: {  	s17 =	sld [smem:$0x3FFB];
	_ =	sdelay $0x3  }
0x98: {  	_ =	strace s17  }
0x99: {  	s3 =	sld [smem:$0x3FFC];
	_ =	sdelay $0x3  }
0x9a: {  	_ =	strace s3  }
0x9b: {  	s3 =	sld [smem:$0x3FFD];
	_ =	sdelay $0x3  }
0x9c: {  	_ =	strace s3  }
0x9d: {  	_ =	strace $0x8FFFFFFF  }
0x9e: {  	s18 =	sld [smem:$0x3FDB];
	_ =	sdelay $0x1  }
0x9f: {  	s19 =	simm.s32 $_scs_section_size  }
0xa0: {  	s5 =	simm.s32 $_size__tile_overlayer_lowered;
	s6 =	simm.s32 $_tile_overlayer_lowered  }
0xa1: {  	s22 =	simm.s32 $0x1BFF;
	s21 =	sshll.u32 s6, $0x1;
	s3 =	sadd.s32 s19, s18  }
0xa2: {  	s7 =	simm.s32 $0x0;
	s20 =	sshll.u32 s5, $0x1;
	s5 =	sadd.s32 s21, s3  }
0xa3: {  	[timem:s7], [sflag:s22] =	dma.local [hbm:s5], s20  }
0xa4: {  	_ =	swait.ge [sflag:s22], s20  }
0xa5: {  	s4 =	ssub.s32 $0x0, s20;
	[sflag:s22] =	ssyncset.done $0x0  }
0xa6: {  	[sflag:s22] =	ssyncadd.s32 s4;
	_ =	sdelay $0x1  }
0xa7: {  	s23 =	simm.s32 $0x1B8B  }
0xa8: {  	_ =	swait.ge [sflag:s23], $0x1  }
0xa9: {  	[sflag:s23] =	ssyncset.done $0x0  }
0xaa: {  	s25 =	simm.s32 $0x1B8E;
	s24 =	sld [smem:$0x3FFE];
	[sflag:s23] =	ssyncadd.s32 $0xFFFFFFFF  }
0xab: {  	s26 =	simm.s32 $execute0_lowered;
	[smem:$0x3FD2] =	sst s25  }
0xac: {  	s5 =	sshll.u32 s26, $0x1;
	_ =	strace $0x80000046;
	[dreg:$0x1] =	wrdreg $0xFFFFFFFF  }
0xad: {  	s28 =	simm.s32 $_size_execute0_lowered;
	s3 =	sadd.s32 s3, s5;
	[dreg:$0x0] =	wrdreg $0x0  }
0xae: {  	s5 =	sshll.u32 s28, $0x1;
	[dreg:$0x2] =	wrdreg s3  }
0xaf: {  	[dreg:$0x3] =	wrdreg s5  }
0xb0: {  	[dreg:$0x4] =	wrdreg $0xC0  }
0xb1: {  	_ =	task [dreg:s7], $0x5FFFF  }
0xb2: {  	[dreg:$0x1] =	wrdreg $0xFFFFFFFF  }
0xb3: {  	[dreg:$0x0] =	wrdreg $0x60  }
0xb4: {  	[dreg:$0x2] =	wrdreg s24  }
0xb5: {  	[dreg:$0x3] =	wrdreg s16  }
0xb6: {  	[dreg:$0x4] =	wrdreg $0xA  }
0xb7: {  	_ =	task.clear_ibuf [dreg:s7], $0x5FFFF;
	_ =	strace $0x90000046  }
0xb8: {  	s29 =	simm.s32 $0xA;
	_ =	strace $0x80000048  }
0xb9: {  	_ =	swait.ge [sflag:s29], $0x1  }
0xba: {  	[sflag:s29] =	ssyncadd.s32 $0xFFFFFFFF  }
0xbb: {  	_ =	strace $0x90000048  }
0xbc: {  	_ =	sfence  }
0xbd: {  	s30 =	sld [smem:$0x0];
	_ =	sdelay $0x2  }
0xbe: {  	s31 =	sshll.u32 s1, $0xD;
	s1 =	sshrl.u32 s1, $0x2  }
0xbf: {  	s3 =	sand.u32 $0x4000, s31;
	s1 =	sadd.s32 s1, s30  }
0xc0: {  	s0 =	sor.u32 s3, s0;
	s1 =	sshll.u32 s1, $0x11  }
0xc1: {  	s0 =	sor.u32 s1, s0  }
0xc2: {  	s0 =	sadd.s32 $0x8F2B, s0  }
0xc3: {  	[sflag:s0] =	ssyncadd.remote.s32 $0x1  }
0xc4: {  	_ =	sfence.sel $0xFFFF  }
0xc5: {  	[dreg:$0x0] =	wrdreg $0xFFFFFFFF;
	(pc) =	sbr.abs _section_cstart, $3  }
0xc6: {  	[dreg:$0x1] =	wrdreg $0xFFFFFFFF  }
0xc7: {  	_ =	task.clear_ibuf [dreg:s7], $0x2FFFF;
	_ =	strace $0x9FFFFFFF  }
0xc8: {  	(tm) =	ssettm $0x7FFFFFFF  }
0xc9: {  	_ =	shalt  }
tec
execute0_lowered:
.L_overlay_start_1:
0x0: {  	(tag) =	ssettag $0x1  }
0x1: {  	s5 =	rddreg [dreg:$0x0]  }
0x2: {  	s6 =	rddreg [dreg:$0x1];
	s1 =	srdreg.scid  }
0x3: {  	s0 =	rddreg [dreg:$0x2];
	s2 =	simm.s32 $0x0;
	s14 =	simm.s32 $0x2E40  }
0x4: {  	s15 =	simm.s32 $0x1;
	s16 =	simm.s32 $0x2;
	s7 =	sand.u32 $0x1, s1  }
0x5: {  	s17 =	simm.s32 $0x0;
	s1 =	stileid.u32;
	s9 =	smul.u32 $0x61A80, s7  }
0x6: {  	[smem:$0x7FF] =	sst s2;
	s4 =	sadd.s32 $0x15200, s5;
	s11 =	smul.u32 $0x13880, s7  }
0x7: {  	s3 =	sshll.u32 s7, $0x4;
	_ =	strace $0x80000047;
	s13 =	smul.u32 $0x1388, s1  }
0x8: {  	s7 =	ssub.s32 $0x2, s7;
	s30 =	smul.u32 $0x61A8, s1;
	s3 =	sor.u32 s1, s3  }
0x9: {  	s12 =	sshrl.u32 s7, $0x1;
	s8 =	smul.u32 $0x280, s3;
	s3 =	sadd.s32 $0x3EC00, s5  }
0xa: {  	s9 =	sadd.s32 s9, s5;
	s11 =	sadd.s32 s11, s5;
	s7 =	ssub.s32 s7, s12  }
0xb: {  	s12 =	simm.s32 $0x28;
	s31 =	sadd.s32 s13, s11;
	s7 =	smax.u32 s7, $0x1  }
0xc: {  	s9 =	sadd.s32 s30, s9;
	s11 =	simm.s32 $0x1400;
	s13 =	simm.s32 $0x2800  }
0xd: {  	s10 =	sadd.s32 s8, s5;
	s5 =	sadd.s32 s6, s8;
	s8 =	sadd.s32 $0x4B000, s31  }
0xe: {  	s9 =	sadd.s32 $0x72200, s9;
	s6 =	sadd.s32 $0x10200, s10;
	s10 =	simm.s32 $0x3  }
.LBB2_1:
0xf: {  	[tilespmem:s2], [sflag:$0x3] =	stream.linear.gather [hbm4b:s5+s2], $0x1400, $0x38;
	[tilespmem:$0x2F80] =	vst v63  }
0x10: {  	_ =	swait.ge [sflag:s10], $0x1400  }
0x11: {  	[sflag:s10] =	ssyncset.done $0x0  }
0x12: {  	[sflag:s10] =	ssyncadd.s32 $0xFFFFEC00  }
0x13: {  	[tilespmem:s11], [sflag:$0x3] =	stream.linear.gather [hbm4b:s6+s2], $0x1400, $0x38;
	[tilespmem:$0x2F80] =	vst v63  }
0x14: {  	_ =	swait.ge [sflag:s10], $0x1400  }
0x15: {  	[sflag:s10] =	ssyncset.done $0x0  }
0x16: {  	s18 =	simm.s32 $0x0;
	[sflag:s10] =	ssyncadd.s32 $0xFFFFEC00  }
0x17: {  	[tilespmem:s13], [sflag:$0x1] =	stream.indirect.gather [hbm4b:s3+s12], $0x28, s18, s12, $0xb8;
	[tilespmem:$0x2F80] =	vst v63  }
0x18: {  	s31 =	simm.s32 $0x1400  }
0x19: {  	[tilespmem:s14], [sflag:$0x2] =	stream.indirect.gather [hbm4b:s4+s12], $0x8, s31, s12, $0xb8;
	[tilespmem:$0x2F80] =	vst v63  }
0x1a: {  	_ =	swait.ge [sflag:s15], $0x640  }
0x1b: {  	[sflag:s15] =	ssyncset.done $0x0  }
0x1c: {  	[sflag:s15] =	ssyncadd.s32 $0xFFFFF9C0  }
0x1d: {  	[hbm4b:s9+s2] =	stream.linear.scatter [tilespmem:s13], [sflag:$0x3], $0x640, $0x38;
	[tilespmem:$0x2F80] =	vst v63  }
0x1e: {  	_ =	swait.ge [sflag:s10], $0x640  }
0x1f: {  	[sflag:s10] =	ssyncset.done $0x0  }
0x20: {  	[sflag:s10] =	ssyncadd.s32 $0xFFFFF9C0  }
0x21: {  	_ =	swait.ge [sflag:s16], $0x140  }
0x22: {  	[sflag:s16] =	ssyncset.done $0x0  }
0x23: {  	[sflag:s16] =	ssyncadd.s32 $0xFFFFFEC0  }
0x24: {  	[hbm4b:s8+s2] =	stream.linear.scatter [tilespmem:s14], [sflag:$0x3], $0x140, $0x38;
	[tilespmem:$0x2F80] =	vst v63  }
0x25: {  	s20 =	simm.s32 $0xA0;
	s21 =	simm.s32 $0x140;
	_ =	swait.ge [sflag:s10], $0x140  }
0x26: {  	s19 =	sadd.s32 $0xC8, s9;
	s18 =	sadd.s32 $0x28, s8;
	[sflag:s10] =	ssyncset.done $0x0  }
.LBB2_2:
0x27: {  	s22 =	sshra.s32 s20, $0x2  }
0x28: {  	[sflag:s10] =	ssyncadd.s32 $0xFFFFFEC0;
	s20 =	smov.u32 s21;
	s23 =	sadd.s32 $0xA0, s21  }
0x29: {  	[tilespmem:s13], [sflag:$0x1] =	stream.indirect.gather [hbm4b:s3+s12], $0x28, s22, s12, $0xb8;
	[tilespmem:$0x2F80] =	vst v63  }
0x2a: {  	p0 =	sne.s32 s21, $0x4D80;
	s21 =	sadd.s32 $0x1400, s22  }
0x2b: {  	[tilespmem:s14], [sflag:$0x2] =	stream.indirect.gather [hbm4b:s4+s12], $0x8, s21, s12, $0xb8;
	[tilespmem:$0x2F80] =	vst v63  }
0x2c: {  	_ =	swait.ge [sflag:s15], $0x640  }
0x2d: {  	[sflag:s15] =	ssyncset.done $0x0  }
0x2e: {  	[sflag:s15] =	ssyncadd.s32 $0xFFFFF9C0  }
0x2f: {  	[hbm4b:s19+s2] =	stream.linear.scatter [tilespmem:s13], [sflag:$0x3], $0x640, $0x38;
	[tilespmem:$0x2F80] =	vst v63  }
0x30: {  	_ =	swait.ge [sflag:s10], $0x640  }
0x31: {  	[sflag:s10] =	ssyncset.done $0x0  }
0x32: {  	[sflag:s10] =	ssyncadd.s32 $0xFFFFF9C0  }
0x33: {  	_ =	swait.ge [sflag:s16], $0x140  }
.Ltmp0:
0x34: {  	[sflag:s16] =	ssyncset.done $0x0;
	(pc) =	sbr.rel @p0 .LBB2_2-.Ltmp0, $4  }
0x35: {  	[sflag:s16] =	ssyncadd.s32 $0xFFFFFEC0  }
0x36: {  	[hbm4b:s18+s2] =	stream.linear.scatter [tilespmem:s14], [sflag:$0x3], $0x140, $0x38;
	[tilespmem:$0x2F80] =	vst v63  }
0x37: {  	s21 =	smov.u32 s23;
	_ =	swait.ge [sflag:s10], $0x140  }
0x38: {  	s19 =	sadd.s32 $0xC8, s19;
	s18 =	sadd.s32 $0x28, s18;
	[sflag:s10] =	ssyncset.done $0x0  }
0x39: {  	s20 =	sshra.s32 s20, $0x2;
	[sflag:s10] =	ssyncadd.s32 $0xFFFFFEC0  }
0x3a: {  	[tilespmem:s13], [sflag:$0x1] =	stream.indirect.gather [hbm4b:s3+s12], $0x28, s20, s12, $0xb8;
	[tilespmem:$0x2F80] =	vst v63  }
0x3b: {  	s20 =	sadd.s32 $0x1400, s20  }
0x3c: {  	[tilespmem:s14], [sflag:$0x2] =	stream.indirect.gather [hbm4b:s4+s12], $0x8, s20, s12, $0xb8;
	[tilespmem:$0x2F80] =	vst v63  }
0x3d: {  	_ =	swait.ge [sflag:s15], $0x640  }
0x3e: {  	[sflag:s15] =	ssyncset.done $0x0  }
0x3f: {  	[sflag:s15] =	ssyncadd.s32 $0xFFFFF9C0  }
0x40: {  	[hbm4b:s19+s2] =	stream.linear.scatter [tilespmem:s13], [sflag:$0x3], $0x640, $0x38;
	[tilespmem:$0x2F80] =	vst v63  }
0x41: {  	_ =	swait.ge [sflag:s10], $0x640  }
0x42: {  	[sflag:s10] =	ssyncset.done $0x0  }
0x43: {  	[sflag:s10] =	ssyncadd.s32 $0xFFFFF9C0  }
0x44: {  	s17 =	sadd.s32 $0x1, s17;
	_ =	swait.ge [sflag:s16], $0x140  }
0x45: {  	p0 =	sne.s32 s17, s7;
	[sflag:s16] =	ssyncset.done $0x0  }
.Ltmp1:
0x46: {  	[sflag:s16] =	ssyncadd.s32 $0xFFFFFEC0;
	(pc) =	sbr.rel @p0 .LBB2_1-.Ltmp1, $4  }
0x47: {  	[hbm4b:s18+s2] =	stream.linear.scatter [tilespmem:s14], [sflag:$0x3], $0x140, $0x38;
	[tilespmem:$0x2F80] =	vst v63  }
0x48: {  	_ =	swait.ge [sflag:s10], $0x140  }
0x49: {  	[sflag:s10] =	ssyncset.done $0x0  }
0x4a: {  	[sflag:s10] =	ssyncadd.s32 $0xFFFFFEC0  }
0x4b: {  	_ =	sfence.sel $0x180000  }
0x4c: {  	[bflag:$0x0] =	sbarrier.arrive $0xFFFF  }
0x4d: {  	p0 =	sne.s32 s1, $0x0;
	_ =	strace $0x90000047  }
0x4e: {  	s0 =	sadd.s32 @!p0 $0x100000, s0;
	[bflag:$0x2] =	sbarrier.arrive $0xFFFF  }
0x4f: {  	[sflag:s0] =	ssyncadd.tile.s32 @!p0 $0x1;
	_ =	shalt  }
.Lfunc_end2:
_tile_overlayer_lowered:
.L_overlay_start_2:
0x50: {  	(tag) =	ssettag $0x2  }
0x51: {  	s0 =	rddreg [dreg:$0x0];
	s2 =	stileid.u32  }
0x52: {  	s1 =	rddreg [dreg:$0x1];
	p0 =	sne.s32 s2, $0x0  }
0x53: {  	s3 =	rddreg [dreg:$0x2];
	[bflag:$0x3] =	sbarrier.arrive $0xFFFF;
	s2 =	simm.s32 @!p0 $0x1C03  }
0x54: {  	[timem:s3], [sflag:s2] =	dma.local @!p0 [hbm:s0], s1  }
0x55: {  	s0 =	simm.s32 @!p0 $0x3  }
0x56: {  	_ =	swait.ge @!p0 [sflag:s0], s1  }
0x57: {  	s1 =	ssub.s32 @!p0 $0x0, s1;
	[sflag:s0] =	ssyncset.done @!p0 $0x0  }
0x58: {  	[sflag:s0] =	ssyncadd.s32 @!p0 s1  }
0x59: {  	[bflag:$0x3] =	sbarrier.arrive $0xFFFF  }
0x5a: {  	_ =	shalt  }

// kernel: kernel.31.cloned.1.call-start
scs
__scs_entry_jumppad:
0x0: {  	(pc) =	sbr.rel $0x88, $3  }
0x1: {  	(tag) =	ssettag $0x0;
	lr =	simm.s32 $0x1  }
0x2: {  	[smem:$0x3F74] =	sst lr;
	_ =	strace $0xD0000000  }
0x3: {  	_ = 	snop  }
0x4: {  	_ = 	snop  }
0x5: {  	_ = 	snop  }
0x6: {  	_ = 	snop  }
0x7: {  	_ = 	snop  }
__scs_overlays_trampoline_lowered:
0x8: {  	[smem:$0x3F83] =	sst s0  }
0x9: {  	[smem:$0x3F84] =	sst s1  }
0xa: {  	[smem:$0x3F85] =	sst s2  }
0xb: {  	[smem:$0x3F86] =	sst s3  }
0xc: {  	[smem:$0x3F87] =	sst s4  }
0xd: {  	[smem:$0x3F88] =	sst s5  }
0xe: {  	[smem:$0x3F89] =	sst s6  }
0xf: {  	[smem:$0x3F8A] =	sst s7  }
0x10: {  	[smem:$0x3F8B] =	sst s8  }
0x11: {  	[smem:$0x3F8C] =	sst s9;
	s0 =	simm.s32 @!p0 $0x0  }
0x12: {  	s1 =	sld [smem:$0x3F72];
	s0 =	simm.s32 @p0 $0x1  }
0x13: {  	[smem:$0x3F8D] =	sst s0;
	s0 =	simm.s32 @!p1 $0x0  }
0x14: {  	s2 =	sld [smem:$0x3F71];
	s0 =	simm.s32 @p1 $0x1  }
0x15: {  	[smem:$0x3F8E] =	sst s0;
	s0 =	simm.s32 @!p2 $0x0  }
0x16: {  	s3 =	sld [smem:$0x3FDB];
	s0 =	simm.s32 @p2 $0x1  }
0x17: {  	s4 =	simm.s32 $0x1BF5;
	[smem:$0x3F90] =	sst s0  }
0x18: {  	s0 =	sld [smem:$0x3F73];
	_ =	swait.ge [sflag:s4], $0x0  }
0x19: {  	s7 =	sld [smem:$0x3F74]  }
0x1a: {  	s8 =	sadd.s32 $0xFFFFE003, lr  }
0x1b: {  	s9 =	sadd.s32 $0xFFFFFEF7, lr;
	s5 =	simm.s32 $0xFFFFFFFF;
	p2 =	slt.u32 s8, $0xFFFFF086  }
0x1c: {  	p1 =	slt.u32 s9, $0xF7A;
	s5 =	simm.s32 @!p2 $0x0  }
0x1d: {  	s5 =	simm.s32 @p1 $0x1;
	p0 =	seq.s32 s7, s2  }
0x1e: {  	s7 =	smul.u32 @!p0 $0xF7A, s2;
	p2 =	seq.s32 @!p0 s5, $0x0  }
0x1f: {  	s9 =	smul.u32 $0xF7A, s1;
	s8 =	simm.s32 @!p0 $0x1BF5;
	p2 =	por !p2, p0  }
0x20: {  	[sflag:s8] =	ssyncset.s32 @!p0 $0xFFFFF086;
	s6 =	sadd.s32 @!p0 s3, s7;
	s7 =	simm.s32 @!p0 $0x108  }
0x21: {  	s3 =	sadd.s32 s3, s9;
	s6 =	sadd.s32 @!p0 $0x88, s6;
	s7 =	simm.s32 @p2 $0x1082  }
0x22: {  	[simem:s7], [sflag:s8] =	dma.local @!p0 [hbm:s6], $0xF7A  }
0x23: {  	s9 =	sor.u32 $0xD0000000, s2;
	s6 =	simm.s32 $0x108;
	_ =	swait.ge @!p0 [sflag:s8], $0x0  }
0x24: {  	s3 =	sadd.s32 $0x88, s3;
	s6 =	simm.s32 @!p1 $0x1082;
	[sflag:s4] =	ssyncset.s32 $0xFFFFF086  }
0x25: {  	[simem:s6], [sflag:s4] =	dma.local [hbm:s3], $0xF7A  }
0x26: {  	[smem:$0x3F74] =	sst s1;
	(tag) =	ssettag s2;
	_ =	strace s9  }
0x27: {  	s1 =	sld [smem:$0x3F84]  }
0x28: {  	s2 =	sld [smem:$0x3F85]  }
0x29: {  	s4 =	sld [smem:$0x3F87]  }
0x2a: {  	p0 =	seq.s32 s5, $0x0;
	s5 =	sld [smem:$0x3F88]  }
0x2b: {  	s6 =	sld [smem:$0x3F89]  }
0x2c: {  	s7 =	sld [smem:$0x3F8A]  }
0x2d: {  	s3 =	simm.s32 $0x108;
	s8 =	sld [smem:$0x3F8B]  }
0x2e: {  	s3 =	simm.s32 @!p0 $0x1082;
	s9 =	sld [smem:$0x3F8C]  }
0x2f: {  	lr =	sadd.s32 s0, s3;
	s0 =	sld [smem:$0x3F83]  }
0x30: {  	s3 =	sld [smem:$0x3F86]  }
0x31: {  	[smem:$0x3F8F] =	sst s10  }
0x32: {  	s10 =	sld [smem:$0x3F8D];
	_ =	sdelay $0x3  }
0x33: {  	p0 =	seq.s32 s10, $0x1;
	s10 =	sld [smem:$0x3F8F];
	_ =	sdelay $0x3  }
0x34: {  	[smem:$0x3F8F] =	sst s10  }
0x35: {  	s10 =	sld [smem:$0x3F8E];
	_ =	sdelay $0x3  }
0x36: {  	p1 =	seq.s32 s10, $0x1;
	s10 =	sld [smem:$0x3F8F];
	_ =	sdelay $0x3  }
0x37: {  	[smem:$0x3F8F] =	sst s10  }
0x38: {  	s10 =	sld [smem:$0x3F90]  }
0x39: {  	_ = 	snop;
	(pc) =	sbr.ind lr, $3  }
0x3a: {  	_ = 	snop  }
0x3b: {  	_ = 	snop  }
0x3c: {  	p2 =	seq.s32 s10, $0x1;
	s10 =	sld [smem:$0x3F8F]  }
0x3d: {  	_ =	shalt  }
0x3e: {  	_ =	shalt  }
0x3f: {  	_ =	shalt  }
0x40: {  	_ =	shalt  }
0x41: {  	_ =	shalt  }
0x42: {  	_ =	shalt  }
0x43: {  	_ =	shalt  }
0x44: {  	_ =	shalt  }
0x45: {  	_ =	shalt  }
0x46: {  	_ =	shalt  }
0x47: {  	_ =	shalt  }
0x48: {  	_ =	shalt  }
0x49: {  	_ =	shalt  }
0x4a: {  	_ =	shalt  }
0x4b: {  	_ =	shalt  }
0x4c: {  	_ =	shalt  }
0x4d: {  	_ =	shalt  }
0x4e: {  	_ =	shalt  }
0x4f: {  	_ =	shalt  }
0x50: {  	_ =	shalt  }
0x51: {  	_ =	shalt  }
0x52: {  	_ =	shalt  }
0x53: {  	_ =	shalt  }
0x54: {  	_ =	shalt  }
0x55: {  	_ =	shalt  }
0x56: {  	_ =	shalt  }
0x57: {  	_ =	shalt  }
0x58: {  	_ =	shalt  }
0x59: {  	_ =	shalt  }
0x5a: {  	_ =	shalt  }
0x5b: {  	_ =	shalt  }
0x5c: {  	_ =	shalt  }
0x5d: {  	_ =	shalt  }
0x5e: {  	_ =	shalt  }
0x5f: {  	_ =	shalt  }
0x60: {  	_ =	shalt  }
0x61: {  	_ =	shalt  }
0x62: {  	_ =	shalt  }
0x63: {  	_ =	shalt  }
0x64: {  	_ =	shalt  }
0x65: {  	_ =	shalt  }
0x66: {  	_ =	shalt  }
0x67: {  	_ =	shalt  }
0x68: {  	_ =	shalt  }
0x69: {  	_ =	shalt  }
0x6a: {  	_ =	shalt  }
0x6b: {  	_ =	shalt  }
0x6c: {  	_ =	shalt  }
0x6d: {  	_ =	shalt  }
0x6e: {  	_ =	shalt  }
0x6f: {  	_ =	shalt  }
0x70: {  	_ =	shalt  }
0x71: {  	_ =	shalt  }
0x72: {  	_ =	shalt  }
0x73: {  	_ =	shalt  }
0x74: {  	_ =	shalt  }
0x75: {  	_ =	shalt  }
0x76: {  	_ =	shalt  }
0x77: {  	_ =	shalt  }
0x78: {  	_ =	shalt  }
0x79: {  	_ =	shalt  }
0x7a: {  	_ =	shalt  }
0x7b: {  	_ =	shalt  }
0x7c: {  	_ =	shalt  }
0x7d: {  	_ =	shalt  }
0x7e: {  	_ =	shalt  }
0x7f: {  	_ =	shalt  }
0x80: {  	_ =	shalt  }
0x81: {  	_ =	shalt  }
0x82: {  	_ =	shalt  }
0x83: {  	_ =	shalt  }
0x84: {  	_ =	shalt  }
0x85: {  	_ =	shalt  }
0x86: {  	_ =	shalt  }
0x87: {  	_ =	shalt  }
.Lfunc_end0:
.L_simem_size_0:
called_computation.1_lowered:
.L_overlay_start_0:
0x88: {  	s2 =	sld [smem:$0x3FD9]  }
0x89: {  	s3 =	sld [smem:$0x3FFE];
	_ =	sdelay $0x1  }
0x8a: {  	s1 =	srdreg.scid  }
0x8b: {  	s0 =	sand.u32 $0x1, s1  }
0x8c: {  	s15 =	sshll.u32 s0, $0xA;
	s2 =	sadd.s32 s3, s2  }
0x8d: {  	s2 =	sadd.s32 s2, s15  }
0x8e: {  	[smem:$0x3F9B] =	sst s2  }
0x8f: {  	_ = 	snop  }
0x90: {  	s2 =	sld [smem:$0x3FD0];
	_ =	sdelay $0x2  }
0x91: {  	s16 =	simm.s32 $0xC;
	s4 =	simm.s32 $0x10  }
0x92: {  	[smem:s4], [sflag:s16] =	dma.local [hbm:s2], $0x1  }
0x93: {  	_ =	swait.eq [sflag:s16], $0x1  }
0x94: {  	[sflag:s16] =	ssyncset.done $0x0  }
0x95: {  	[sflag:s16] =	ssyncadd.s32 $0xFFFFFFFF  }
0x96: {  	s17 =	sld [smem:$0x10];
	(tm) =	ssettm $0x1  }
0x97: {  	s18 =	sld [smem:$0x3FFB];
	_ =	sdelay $0x3  }
0x98: {  	_ =	strace s18  }
0x99: {  	s2 =	sld [smem:$0x3FFC];
	_ =	sdelay $0x3  }
0x9a: {  	_ =	strace s2  }
0x9b: {  	s2 =	sld [smem:$0x3FFD];
	_ =	sdelay $0x3  }
0x9c: {  	_ =	strace s2  }
0x9d: {  	_ =	strace $0x8FFFFFFF  }
0x9e: {  	s19 =	sld [smem:$0x3FDB];
	_ =	sdelay $0x1  }
0x9f: {  	s20 =	simm.s32 $_scs_section_size  }
0xa0: {  	s5 =	simm.s32 $_size__tile_overlayer_lowered;
	s6 =	simm.s32 $_tile_overlayer_lowered  }
0xa1: {  	s7 =	simm.s32 $0x1BFF;
	s21 =	sshll.u32 s6, $0x1;
	s4 =	sadd.s32 s20, s19  }
0xa2: {  	s22 =	simm.s32 $0x0;
	s5 =	sshll.u32 s5, $0x1;
	s6 =	sadd.s32 s21, s4  }
0xa3: {  	[timem:s22], [sflag:s7] =	dma.local [hbm:s6], s5  }
0xa4: {  	_ =	swait.ge [sflag:s7], s5  }
0xa5: {  	s5 =	ssub.s32 $0x0, s5;
	[sflag:s7] =	ssyncset.done $0x0  }
0xa6: {  	[sflag:s7] =	ssyncadd.s32 s5;
	_ =	sdelay $0x1  }
0xa7: {  	s23 =	simm.s32 $0x1B8B  }
0xa8: {  	_ =	swait.ge [sflag:s23], $0x1  }
0xa9: {  	[sflag:s23] =	ssyncset.done $0x0  }
0xaa: {  	[sflag:s23] =	ssyncadd.s32 $0xFFFFFFFF  }
0xab: {  	s5 =	sld [smem:$0x0]  }
0xac: {  	s6 =	sand.u32 $0xFFFFFFFE, s1  }
0xad: {  	p0 =	sne.s32 s1, s6  }
0xae: {  	s6 =	sshll.u32 @p0 s6, $0xE  }
0xaf: {  	s6 =	sadd.s32 @p0 $0x11B8D, s6;
	s7 =	sshll.u32 @p0 s5, $0x11  }
0xb0: {  	s6 =	sor.u32 @p0 s7, s6  }
0xb1: {  	[sflag:s6] =	ssyncadd.remote.s32 @p0 $0x1;
	_ =	sdelay $0x1  }
0xb2: {  	s6 =	simm.s32 @p0 $0x1B8D  }
0xb3: {  	_ =	swait.eq @p0 [sflag:s6], $0x1  }
0xb4: {  	[sflag:s6] =	ssyncadd.s32 @p0 $0xFFFFFFFF  }
0xb5: {  	s7 =	sshll.u32 @!p0 s1, $0xE  }
0xb6: {  	s7 =	sor.u32 @!p0 $0x4000, s7;
	s6 =	simm.s32 @!p0 $0x1B8D  }
0xb7: {  	s5 =	sshll.u32 @!p0 s5, $0x11;
	s7 =	sadd.s32 @!p0 $0x11B8D, s7;
	_ =	swait.eq @!p0 [sflag:s6], $0x1  }
0xb8: {  	s5 =	sor.u32 @!p0 s5, s7;
	[sflag:s6] =	ssyncadd.s32 @!p0 $0xFFFFFFFF  }
0xb9: {  	s25 =	simm.s32 $0x1B8E;
	s24 =	sld [smem:$0x3FFE];
	[sflag:s5] =	ssyncadd.remote.s32 @!p0 $0x1  }
0xba: {  	s26 =	simm.s32 $execute0_lowered;
	[smem:$0x3FD2] =	sst s25  }
0xbb: {  	s6 =	sshll.u32 s26, $0x1;
	_ =	strace $0x8000004C;
	[dreg:$0x1] =	wrdreg $0xFFFFFFFF  }
0xbc: {  	s28 =	simm.s32 $_size_execute0_lowered;
	s4 =	sadd.s32 s4, s6;
	[dreg:$0x0] =	wrdreg $0x0  }
0xbd: {  	s6 =	sshll.u32 s28, $0x1;
	[dreg:$0x2] =	wrdreg s4  }
0xbe: {  	[dreg:$0x3] =	wrdreg s6  }
0xbf: {  	[dreg:$0x4] =	wrdreg $0xC0  }
0xc0: {  	_ =	task [dreg:s22], $0x5FFFF  }
0xc1: {  	[dreg:$0x1] =	wrdreg $0xFFFFFFFF  }
0xc2: {  	[dreg:$0x0] =	wrdreg $0x60  }
0xc3: {  	[dreg:$0x2] =	wrdreg s17  }
0xc4: {  	[dreg:$0x3] =	wrdreg s24  }
0xc5: {  	[dreg:$0x4] =	wrdreg $0x15400  }
0xc6: {  	[dreg:$0x5] =	wrdreg $0x9  }
0xc7: {  	_ =	task.clear_ibuf [dreg:s22], $0x6FFFF;
	_ =	strace $0x9000004C  }
0xc8: {  	s29 =	simm.s32 $0x9;
	_ =	strace $0x8000004E  }
0xc9: {  	_ =	swait.ge [sflag:s29], $0x1  }
0xca: {  	[sflag:s29] =	ssyncadd.s32 $0xFFFFFFFF  }
0xcb: {  	_ =	strace $0x9000004E  }
0xcc: {  	_ =	sfence  }
0xcd: {  	s30 =	sld [smem:$0x0];
	_ =	sdelay $0x2  }
0xce: {  	s31 =	sshll.u32 s1, $0xD;
	s1 =	sshrl.u32 s1, $0x2  }
0xcf: {  	s4 =	sand.u32 $0x4000, s31;
	s1 =	sadd.s32 s1, s30  }
0xd0: {  	s0 =	sor.u32 s4, s0;
	s1 =	sshll.u32 s1, $0x11  }
0xd1: {  	s0 =	sor.u32 s1, s0  }
0xd2: {  	s0 =	sadd.s32 $0x8F2B, s0  }
0xd3: {  	[sflag:s0] =	ssyncadd.remote.s32 $0x1  }
0xd4: {  	_ =	sfence.sel $0xFFFF  }
0xd5: {  	[dreg:$0x0] =	wrdreg $0xFFFFFFFF;
	(pc) =	sbr.abs _section_cstart, $3  }
0xd6: {  	[dreg:$0x1] =	wrdreg $0xFFFFFFFF  }
0xd7: {  	_ =	task.clear_ibuf [dreg:s22], $0x2FFFF;
	_ =	strace $0x9FFFFFFF  }
0xd8: {  	(tm) =	ssettm $0x7FFFFFFF  }
0xd9: {  	_ =	shalt  }
tec
execute0_lowered:
.L_overlay_start_1:
0x0: {  	(tag) =	ssettag $0x1  }
0x1: {  	s0 =	srdreg.scid;
	s9 =	rddreg [dreg:$0x0]  }
0x2: {  	s4 =	rddreg [dreg:$0x1];
	s5 =	sand.u32 $0x1, s0;
	s0 =	stileid.u32  }
0x3: {  	s2 =	rddreg [dreg:$0x2];
	s7 =	smul.u32 $0x1400, s0  }
0x4: {  	s3 =	simm.s32 $0x0;
	s14 =	simm.s32 $0x0;
	s8 =	smul.u32 $0x14000, s5  }
0x5: {  	[smem:$0x7FF] =	sst s3;
	s1 =	sshll.u32 s5, $0x4;
	s31 =	smul.u32 $0x13880, s5  }
0x6: {  	s11 =	ssub.s32 $0x2, s5;
	s30 =	sshll.u32 s0, $0x6;
	s13 =	smul.u32 $0x1388, s0  }
0x7: {  	s1 =	sor.u32 s0, s1;
	s12 =	sshrl.u32 s11, $0x1;
	s5 =	sor.u32 $0x1C01, s30  }
0x8: {  	s6 =	smul.u32 $0x280, s1;
	s1 =	rddreg [dreg:$0x3];
	_ =	strace $0x8000004D  }
0x9: {  	s10 =	sshrl.u32 s7, $0x3;
	s8 =	sadd.s32 s7, s8;
	s11 =	ssub.s32 s11, s12  }
0xa: {  	s29 =	sadd.s32 s7, s2;
	s9 =	sadd.s32 s31, s9;
	s12 =	simm.s32 $0x1400  }
0xb: {  	s10 =	sadd.s32 s10, s4;
	s8 =	sshrl.u32 s8, $0x3;
	s9 =	sadd.s32 s13, s9  }
0xc: {  	s13 =	simm.s32 $0x28;
	s6 =	sadd.s32 s6, s4;
	s8 =	sadd.s32 s8, s4  }
0xd: {  	s4 =	sadd.s32 $0x277E00, s10;
	s10 =	sshrl.u32 s29, $0x3;
	s6 =	sadd.s32 $0x10200, s6  }
0xe: {  	s7 =	sadd.s32 $0x27A600, s8;
	s8 =	smax.u32 s11, $0x1;
	s11 =	simm.s32 $0x1  }
.LBB2_1:
0xf: {  	[spmem:s10], [sflag:s5] =	dma.local [hbm:s4], $0x280  }
0x10: {  	_ =	swait.ge [sflag:s11], $0x280  }
0x11: {  	[sflag:s11] =	ssyncset.done $0x0  }
0x12: {  	[sflag:s11] =	ssyncadd.s32 $0xFFFFFD80  }
0x13: {  	[tilespmem:s3], [sflag:$0x1] =	stream.linear.gather [hbm4b:s6+s3], $0x1400, $0x38;
	[tilespmem:$0x2940] =	vst v63  }
0x14: {  	_ =	swait.ge [sflag:s11], $0x1400  }
0x15: {  	[sflag:s11] =	ssyncset.done $0x0  }
0x16: {  	[sflag:s11] =	ssyncadd.s32 $0xFFFFEC00  }
0x17: {  	s15 =	sadd.s32 $0x0, s9;
	[bflag:$0x0] =	sbarrier.arrive $0xFFFF  }
0x18: {  	[tilespmem:s12], [sflag:$0x1] =	stream.linear.gather [hbm4b:s15+s3], $0x140, $0x38;
	[tilespmem:$0x2940] =	vst v63  }
0x19: {  	_ =	swait.ge [sflag:s11], $0x140  }
0x1a: {  	[sflag:s11] =	ssyncset.done $0x0  }
0x1b: {  	[sflag:s11] =	ssyncadd.s32 $0xFFFFFEC0  }
0x1c: {  	[spmem:s2] =	stream.indirect.scatter.add.f32 [tilespmem:s12], [sflag:$0x1], $0x8, s3, s13, $0xb8;
	[tilespmem:$0x2940] =	vst v63  }
0x1d: {  	s16 =	simm.s32 $0x28;
	_ =	swait.ge [sflag:s11], $0x140  }
0x1e: {  	s17 =	simm.s32 $0x50;
	s15 =	simm.s32 $0x28;
	[sflag:s11] =	ssyncset.done $0x0  }
.LBB2_2:
0x1f: {  	s18 =	sadd.s32 s16, s9  }
0x20: {  	[sflag:s11] =	ssyncadd.s32 $0xFFFFFEC0;
	s16 =	smov.u32 s17;
	s19 =	sadd.s32 $0x28, s17  }
0x21: {  	[tilespmem:s12], [sflag:$0x1] =	stream.linear.gather [hbm4b:s18+s3], $0x140, $0x38;
	[tilespmem:$0x2940] =	vst v63  }
0x22: {  	p0 =	sne.s32 s17, $0x1360;
	_ =	swait.ge [sflag:s11], $0x140  }
.Ltmp0:
0x23: {  	[sflag:s11] =	ssyncset.done $0x0;
	(pc) =	sbr.rel @p0 .LBB2_2-.Ltmp0, $4  }
0x24: {  	[sflag:s11] =	ssyncadd.s32 $0xFFFFFEC0  }
0x25: {  	[spmem:s2] =	stream.indirect.scatter.add.f32 [tilespmem:s12], [sflag:$0x1], $0x8, s15, s13, $0xb8;
	[tilespmem:$0x2940] =	vst v63  }
0x26: {  	_ =	swait.ge [sflag:s11], $0x140  }
0x27: {  	s17 =	smov.u32 s19;
	s15 =	sadd.s32 $0x28, s15;
	[sflag:s11] =	ssyncset.done $0x0  }
0x28: {  	s16 =	sadd.s32 s16, s9;
	[sflag:s11] =	ssyncadd.s32 $0xFFFFFEC0  }
0x29: {  	[tilespmem:s12], [sflag:$0x1] =	stream.linear.gather [hbm4b:s16+s3], $0x140, $0x38;
	[tilespmem:$0x2940] =	vst v63  }
0x2a: {  	_ =	swait.ge [sflag:s11], $0x140  }
0x2b: {  	[sflag:s11] =	ssyncset.done $0x0  }
0x2c: {  	[sflag:s11] =	ssyncadd.s32 $0xFFFFFEC0  }
0x2d: {  	[spmem:s2] =	stream.indirect.scatter.add.f32 [tilespmem:s12], [sflag:$0x1], $0x8, s15, s13, $0xb8;
	[tilespmem:$0x2940] =	vst v63  }
0x2e: {  	_ =	swait.ge [sflag:s11], $0x140  }
0x2f: {  	s14 =	sadd.s32 $0x1, s14;
	[sflag:s11] =	ssyncset.done $0x0  }
0x30: {  	p0 =	sne.s32 s14, s8;
	[sflag:s11] =	ssyncadd.s32 $0xFFFFFEC0  }
.Ltmp1:
0x31: {  	[bflag:$0x0] =	sbarrier.arrive $0xFFFF;
	(pc) =	sbr.rel @p0 .LBB2_1-.Ltmp1, $4  }
0x32: {  	[hbm:s7], [sflag:s5] =	dma.local [spmem:s10], $0x280  }
0x33: {  	_ =	swait.ge [sflag:s11], $0x280  }
0x34: {  	[sflag:s11] =	ssyncset.done $0x0  }
0x35: {  	[sflag:s11] =	ssyncadd.s32 $0xFFFFFD80  }
0x36: {  	_ =	sfence.sel $0x180000  }
0x37: {  	[bflag:$0x0] =	sbarrier.arrive $0xFFFF  }
0x38: {  	p0 =	sne.s32 s0, $0x0;
	_ =	strace $0x9000004D  }
0x39: {  	s0 =	sadd.s32 @!p0 $0x100000, s1;
	[bflag:$0x2] =	sbarrier.arrive $0xFFFF  }
0x3a: {  	[sflag:s0] =	ssyncadd.tile.s32 @!p0 $0x1;
	_ =	shalt  }
.Lfunc_end2:
_tile_overlayer_lowered:
.L_overlay_start_2:
0x3b: {  	(tag) =	ssettag $0x2  }
0x3c: {  	s0 =	rddreg [dreg:$0x0];
	s2 =	stileid.u32  }
0x3d: {  	s1 =	rddreg [dreg:$0x1];
	p0 =	sne.s32 s2, $0x0  }
0x3e: {  	s3 =	rddreg [dreg:$0x2];
	[bflag:$0x3] =	sbarrier.arrive $0xFFFF;
	s2 =	simm.s32 @!p0 $0x1C01  }
0x3f: {  	[timem:s3], [sflag:s2] =	dma.local @!p0 [hbm:s0], s1  }
0x40: {  	s0 =	simm.s32 @!p0 $0x1  }
0x41: {  	_ =	swait.ge @!p0 [sflag:s0], s1  }
0x42: {  	s1 =	ssub.s32 @!p0 $0x0, s1;
	[sflag:s0] =	ssyncset.done @!p0 $0x0  }
0x43: {  	[sflag:s0] =	ssyncadd.s32 @!p0 s1  }
0x44: {  	[bflag:$0x3] =	sbarrier.arrive $0xFFFF  }
0x45: {  	_ =	shalt  }

// kernel: kernel.34.cloned.1.call-start
scs
__scs_entry_jumppad:
0x0: {  	(pc) =	sbr.rel $0x88, $3  }
0x1: {  	(tag) =	ssettag $0x0;
	lr =	simm.s32 $0x1  }
0x2: {  	[smem:$0x3F74] =	sst lr;
	_ =	strace $0xD0000000  }
0x3: {  	_ = 	snop  }
0x4: {  	_ = 	snop  }
0x5: {  	_ = 	snop  }
0x6: {  	_ = 	snop  }
0x7: {  	_ = 	snop  }
__scs_overlays_trampoline_lowered:
0x8: {  	[smem:$0x3F83] =	sst s0  }
0x9: {  	[smem:$0x3F84] =	sst s1  }
0xa: {  	[smem:$0x3F85] =	sst s2  }
0xb: {  	[smem:$0x3F86] =	sst s3  }
0xc: {  	[smem:$0x3F87] =	sst s4  }
0xd: {  	[smem:$0x3F88] =	sst s5  }
0xe: {  	[smem:$0x3F89] =	sst s6  }
0xf: {  	[smem:$0x3F8A] =	sst s7  }
0x10: {  	[smem:$0x3F8B] =	sst s8  }
0x11: {  	[smem:$0x3F8C] =	sst s9;
	s0 =	simm.s32 @!p0 $0x0  }
0x12: {  	s1 =	sld [smem:$0x3F72];
	s0 =	simm.s32 @p0 $0x1  }
0x13: {  	[smem:$0x3F8D] =	sst s0;
	s0 =	simm.s32 @!p1 $0x0  }
0x14: {  	s2 =	sld [smem:$0x3F71];
	s0 =	simm.s32 @p1 $0x1  }
0x15: {  	[smem:$0x3F8E] =	sst s0;
	s0 =	simm.s32 @!p2 $0x0  }
0x16: {  	s3 =	sld [smem:$0x3FDB];
	s0 =	simm.s32 @p2 $0x1  }
0x17: {  	s4 =	simm.s32 $0x1BF5;
	[smem:$0x3F90] =	sst s0  }
0x18: {  	s0 =	sld [smem:$0x3F73];
	_ =	swait.ge [sflag:s4], $0x0  }
0x19: {  	s7 =	sld [smem:$0x3F74]  }
0x1a: {  	s8 =	sadd.s32 $0xFFFFE003, lr  }
0x1b: {  	s9 =	sadd.s32 $0xFFFFFEF7, lr;
	s5 =	simm.s32 $0xFFFFFFFF;
	p2 =	slt.u32 s8, $0xFFFFF086  }
0x1c: {  	p1 =	slt.u32 s9, $0xF7A;
	s5 =	simm.s32 @!p2 $0x0  }
0x1d: {  	s5 =	simm.s32 @p1 $0x1;
	p0 =	seq.s32 s7, s2  }
0x1e: {  	s7 =	smul.u32 @!p0 $0xF7A, s2;
	p2 =	seq.s32 @!p0 s5, $0x0  }
0x1f: {  	s9 =	smul.u32 $0xF7A, s1;
	s8 =	simm.s32 @!p0 $0x1BF5;
	p2 =	por !p2, p0  }
0x20: {  	[sflag:s8] =	ssyncset.s32 @!p0 $0xFFFFF086;
	s6 =	sadd.s32 @!p0 s3, s7;
	s7 =	simm.s32 @!p0 $0x108  }
0x21: {  	s3 =	sadd.s32 s3, s9;
	s6 =	sadd.s32 @!p0 $0x88, s6;
	s7 =	simm.s32 @p2 $0x1082  }
0x22: {  	[simem:s7], [sflag:s8] =	dma.local @!p0 [hbm:s6], $0xF7A  }
0x23: {  	s9 =	sor.u32 $0xD0000000, s2;
	s6 =	simm.s32 $0x108;
	_ =	swait.ge @!p0 [sflag:s8], $0x0  }
0x24: {  	s3 =	sadd.s32 $0x88, s3;
	s6 =	simm.s32 @!p1 $0x1082;
	[sflag:s4] =	ssyncset.s32 $0xFFFFF086  }
0x25: {  	[simem:s6], [sflag:s4] =	dma.local [hbm:s3], $0xF7A  }
0x26: {  	[smem:$0x3F74] =	sst s1;
	(tag) =	ssettag s2;
	_ =	strace s9  }
0x27: {  	s1 =	sld [smem:$0x3F84]  }
0x28: {  	s2 =	sld [smem:$0x3F85]  }
0x29: {  	s4 =	sld [smem:$0x3F87]  }
0x2a: {  	p0 =	seq.s32 s5, $0x0;
	s5 =	sld [smem:$0x3F88]  }
0x2b: {  	s6 =	sld [smem:$0x3F89]  }
0x2c: {  	s7 =	sld [smem:$0x3F8A]  }
0x2d: {  	s3 =	simm.s32 $0x108;
	s8 =	sld [smem:$0x3F8B]  }
0x2e: {  	s3 =	simm.s32 @!p0 $0x1082;
	s9 =	sld [smem:$0x3F8C]  }
0x2f: {  	lr =	sadd.s32 s0, s3;
	s0 =	sld [smem:$0x3F83]  }
0x30: {  	s3 =	sld [smem:$0x3F86]  }
0x31: {  	[smem:$0x3F8F] =	sst s10  }
0x32: {  	s10 =	sld [smem:$0x3F8D];
	_ =	sdelay $0x3  }
0x33: {  	p0 =	seq.s32 s10, $0x1;
	s10 =	sld [smem:$0x3F8F];
	_ =	sdelay $0x3  }
0x34: {  	[smem:$0x3F8F] =	sst s10  }
0x35: {  	s10 =	sld [smem:$0x3F8E];
	_ =	sdelay $0x3  }
0x36: {  	p1 =	seq.s32 s10, $0x1;
	s10 =	sld [smem:$0x3F8F];
	_ =	sdelay $0x3  }
0x37: {  	[smem:$0x3F8F] =	sst s10  }
0x38: {  	s10 =	sld [smem:$0x3F90]  }
0x39: {  	_ = 	snop;
	(pc) =	sbr.ind lr, $3  }
0x3a: {  	_ = 	snop  }
0x3b: {  	_ = 	snop  }
0x3c: {  	p2 =	seq.s32 s10, $0x1;
	s10 =	sld [smem:$0x3F8F]  }
0x3d: {  	_ =	shalt  }
0x3e: {  	_ =	shalt  }
0x3f: {  	_ =	shalt  }
0x40: {  	_ =	shalt  }
0x41: {  	_ =	shalt  }
0x42: {  	_ =	shalt  }
0x43: {  	_ =	shalt  }
0x44: {  	_ =	shalt  }
0x45: {  	_ =	shalt  }
0x46: {  	_ =	shalt  }
0x47: {  	_ =	shalt  }
0x48: {  	_ =	shalt  }
0x49: {  	_ =	shalt  }
0x4a: {  	_ =	shalt  }
0x4b: {  	_ =	shalt  }
0x4c: {  	_ =	shalt  }
0x4d: {  	_ =	shalt  }
0x4e: {  	_ =	shalt  }
0x4f: {  	_ =	shalt  }
0x50: {  	_ =	shalt  }
0x51: {  	_ =	shalt  }
0x52: {  	_ =	shalt  }
0x53: {  	_ =	shalt  }
0x54: {  	_ =	shalt  }
0x55: {  	_ =	shalt  }
0x56: {  	_ =	shalt  }
0x57: {  	_ =	shalt  }
0x58: {  	_ =	shalt  }
0x59: {  	_ =	shalt  }
0x5a: {  	_ =	shalt  }
0x5b: {  	_ =	shalt  }
0x5c: {  	_ =	shalt  }
0x5d: {  	_ =	shalt  }
0x5e: {  	_ =	shalt  }
0x5f: {  	_ =	shalt  }
0x60: {  	_ =	shalt  }
0x61: {  	_ =	shalt  }
0x62: {  	_ =	shalt  }
0x63: {  	_ =	shalt  }
0x64: {  	_ =	shalt  }
0x65: {  	_ =	shalt  }
0x66: {  	_ =	shalt  }
0x67: {  	_ =	shalt  }
0x68: {  	_ =	shalt  }
0x69: {  	_ =	shalt  }
0x6a: {  	_ =	shalt  }
0x6b: {  	_ =	shalt  }
0x6c: {  	_ =	shalt  }
0x6d: {  	_ =	shalt  }
0x6e: {  	_ =	shalt  }
0x6f: {  	_ =	shalt  }
0x70: {  	_ =	shalt  }
0x71: {  	_ =	shalt  }
0x72: {  	_ =	shalt  }
0x73: {  	_ =	shalt  }
0x74: {  	_ =	shalt  }
0x75: {  	_ =	shalt  }
0x76: {  	_ =	shalt  }
0x77: {  	_ =	shalt  }
0x78: {  	_ =	shalt  }
0x79: {  	_ =	shalt  }
0x7a: {  	_ =	shalt  }
0x7b: {  	_ =	shalt  }
0x7c: {  	_ =	shalt  }
0x7d: {  	_ =	shalt  }
0x7e: {  	_ =	shalt  }
0x7f: {  	_ =	shalt  }
0x80: {  	_ =	shalt  }
0x81: {  	_ =	shalt  }
0x82: {  	_ =	shalt  }
0x83: {  	_ =	shalt  }
0x84: {  	_ =	shalt  }
0x85: {  	_ =	shalt  }
0x86: {  	_ =	shalt  }
0x87: {  	_ =	shalt  }
.Lfunc_end0:
.L_simem_size_0:
called_computation.2_lowered:
.L_overlay_start_0:
0x88: {  	s2 =	sld [smem:$0x3FD9]  }
0x89: {  	s3 =	sld [smem:$0x3FFE];
	_ =	sdelay $0x1  }
0x8a: {  	s1 =	srdreg.scid  }
0x8b: {  	s0 =	sand.u32 $0x1, s1  }
0x8c: {  	s15 =	sshll.u32 s0, $0xA;
	s2 =	sadd.s32 s3, s2  }
0x8d: {  	s2 =	sadd.s32 s2, s15  }
0x8e: {  	[smem:$0x3F9B] =	sst s2  }
0x8f: {  	_ = 	snop  }
0x90: {  	s2 =	sld [smem:$0x3FD0];
	_ =	sdelay $0x2  }
0x91: {  	s16 =	simm.s32 $0xC;
	s4 =	simm.s32 $0x10  }
0x92: {  	[smem:s4], [sflag:s16] =	dma.local [hbm:s2], $0x1  }
0x93: {  	_ =	swait.eq [sflag:s16], $0x1  }
0x94: {  	[sflag:s16] =	ssyncset.done $0x0  }
0x95: {  	[sflag:s16] =	ssyncadd.s32 $0xFFFFFFFF  }
0x96: {  	s17 =	sld [smem:$0x11];
	(tm) =	ssettm $0x1  }
0x97: {  	s18 =	sld [smem:$0x3FFB];
	_ =	sdelay $0x3  }
0x98: {  	_ =	strace s18  }
0x99: {  	s2 =	sld [smem:$0x3FFC];
	_ =	sdelay $0x3  }
0x9a: {  	_ =	strace s2  }
0x9b: {  	s2 =	sld [smem:$0x3FFD];
	_ =	sdelay $0x3  }
0x9c: {  	_ =	strace s2  }
0x9d: {  	_ =	strace $0x8FFFFFFF  }
0x9e: {  	s19 =	sld [smem:$0x3FDB];
	_ =	sdelay $0x1  }
0x9f: {  	s20 =	simm.s32 $_scs_section_size  }
0xa0: {  	s5 =	simm.s32 $_size__tile_overlayer_lowered;
	s6 =	simm.s32 $_tile_overlayer_lowered  }
0xa1: {  	s7 =	simm.s32 $0x1BFF;
	s21 =	sshll.u32 s6, $0x1;
	s4 =	sadd.s32 s20, s19  }
0xa2: {  	s22 =	simm.s32 $0x0;
	s5 =	sshll.u32 s5, $0x1;
	s6 =	sadd.s32 s21, s4  }
0xa3: {  	[timem:s22], [sflag:s7] =	dma.local [hbm:s6], s5  }
0xa4: {  	_ =	swait.ge [sflag:s7], s5  }
0xa5: {  	s5 =	ssub.s32 $0x0, s5;
	[sflag:s7] =	ssyncset.done $0x0  }
0xa6: {  	[sflag:s7] =	ssyncadd.s32 s5;
	_ =	sdelay $0x1  }
0xa7: {  	s23 =	simm.s32 $0x1B8B  }
0xa8: {  	_ =	swait.ge [sflag:s23], $0x1  }
0xa9: {  	[sflag:s23] =	ssyncset.done $0x0  }
0xaa: {  	[sflag:s23] =	ssyncadd.s32 $0xFFFFFFFF  }
0xab: {  	s5 =	sld [smem:$0x0]  }
0xac: {  	s6 =	sand.u32 $0xFFFFFFFE, s1  }
0xad: {  	p0 =	sne.s32 s1, s6  }
0xae: {  	s6 =	sshll.u32 @p0 s6, $0xE  }
0xaf: {  	s6 =	sadd.s32 @p0 $0x11B8D, s6;
	s7 =	sshll.u32 @p0 s5, $0x11  }
0xb0: {  	s6 =	sor.u32 @p0 s7, s6  }
0xb1: {  	[sflag:s6] =	ssyncadd.remote.s32 @p0 $0x1;
	_ =	sdelay $0x1  }
0xb2: {  	s6 =	simm.s32 @p0 $0x1B8D  }
0xb3: {  	_ =	swait.eq @p0 [sflag:s6], $0x1  }
0xb4: {  	[sflag:s6] =	ssyncadd.s32 @p0 $0xFFFFFFFF  }
0xb5: {  	s7 =	sshll.u32 @!p0 s1, $0xE  }
0xb6: {  	s7 =	sor.u32 @!p0 $0x4000, s7;
	s6 =	simm.s32 @!p0 $0x1B8D  }
0xb7: {  	s5 =	sshll.u32 @!p0 s5, $0x11;
	s7 =	sadd.s32 @!p0 $0x11B8D, s7;
	_ =	swait.eq @!p0 [sflag:s6], $0x1  }
0xb8: {  	s5 =	sor.u32 @!p0 s5, s7;
	[sflag:s6] =	ssyncadd.s32 @!p0 $0xFFFFFFFF  }
0xb9: {  	s25 =	simm.s32 $0x1B8E;
	s24 =	sld [smem:$0x3FFE];
	[sflag:s5] =	ssyncadd.remote.s32 @!p0 $0x1  }
0xba: {  	s26 =	simm.s32 $execute0_lowered;
	[smem:$0x3FD2] =	sst s25  }
0xbb: {  	s6 =	sshll.u32 s26, $0x1;
	_ =	strace $0x80000049;
	[dreg:$0x1] =	wrdreg $0xFFFFFFFF  }
0xbc: {  	s28 =	simm.s32 $_size_execute0_lowered;
	s4 =	sadd.s32 s4, s6;
	[dreg:$0x0] =	wrdreg $0x0  }
0xbd: {  	s6 =	sshll.u32 s28, $0x1;
	[dreg:$0x2] =	wrdreg s4  }
0xbe: {  	[dreg:$0x3] =	wrdreg s6  }
0xbf: {  	[dreg:$0x4] =	wrdreg $0xC0  }
0xc0: {  	_ =	task [dreg:s22], $0x5FFFF  }
0xc1: {  	[dreg:$0x1] =	wrdreg $0xFFFFFFFF  }
0xc2: {  	[dreg:$0x0] =	wrdreg $0x60  }
0xc3: {  	[dreg:$0x2] =	wrdreg s24  }
0xc4: {  	[dreg:$0x3] =	wrdreg s17  }
0xc5: {  	[dreg:$0x4] =	wrdreg $0xB  }
0xc6: {  	_ =	task.clear_ibuf [dreg:s22], $0x5FFFF;
	_ =	strace $0x90000049  }
0xc7: {  	s29 =	simm.s32 $0xB;
	_ =	strace $0x8000004B  }
0xc8: {  	_ =	swait.ge [sflag:s29], $0x1  }
0xc9: {  	[sflag:s29] =	ssyncadd.s32 $0xFFFFFFFF  }
0xca: {  	_ =	strace $0x9000004B  }
0xcb: {  	_ =	sfence  }
0xcc: {  	s30 =	sld [smem:$0x0];
	_ =	sdelay $0x2  }
0xcd: {  	s31 =	sshll.u32 s1, $0xD;
	s1 =	sshrl.u32 s1, $0x2  }
0xce: {  	s4 =	sand.u32 $0x4000, s31;
	s1 =	sadd.s32 s1, s30  }
0xcf: {  	s0 =	sor.u32 s4, s0;
	s1 =	sshll.u32 s1, $0x11  }
0xd0: {  	s0 =	sor.u32 s1, s0  }
0xd1: {  	s0 =	sadd.s32 $0x8F2B, s0  }
0xd2: {  	[sflag:s0] =	ssyncadd.remote.s32 $0x1  }
0xd3: {  	_ =	sfence.sel $0xFFFF  }
0xd4: {  	[dreg:$0x0] =	wrdreg $0xFFFFFFFF;
	(pc) =	sbr.abs _section_cstart, $3  }
0xd5: {  	[dreg:$0x1] =	wrdreg $0xFFFFFFFF  }
0xd6: {  	_ =	task.clear_ibuf [dreg:s22], $0x2FFFF;
	_ =	strace $0x9FFFFFFF  }
0xd7: {  	(tm) =	ssettm $0x7FFFFFFF  }
tec
execute0_lowered:
.L_overlay_start_1:
0x0: {  	(tag) =	ssettag $0x1  }
0x1: {  	s0 =	srdreg.scid;
	s4 =	rddreg [dreg:$0x0]  }
0x2: {  	s6 =	rddreg [dreg:$0x1];
	s1 =	stileid.u32  }
0x3: {  	s2 =	simm.s32 $0x0;
	s12 =	simm.s32 $0x2800;
	s13 =	simm.s32 $0x2D00  }
0x4: {  	s14 =	simm.s32 $0x1;
	s15 =	simm.s32 $0x2;
	s16 =	simm.s32 $0x0  }
0x5: {  	s5 =	sand.u32 $0x1, s0;
	s0 =	rddreg [dreg:$0x2];
	s9 =	smul.u32 $0x4E20, s1  }
0x6: {  	[smem:$0x7FF] =	sst s2;
	s3 =	sshll.u32 s5, $0x4;
	s8 =	smul.u32 $0x4E200, s5  }
0x7: {  	_ =	strace $0x8000004A;
	s5 =	ssub.s32 $0x2, s5;
	s3 =	sor.u32 s1, s3  }
0x8: {  	s31 =	sshrl.u32 s5, $0x1;
	s7 =	smul.u32 $0x280, s3;
	s8 =	sadd.s32 s8, s4  }
0x9: {  	s3 =	sadd.s32 $0x135800, s4;
	s11 =	ssub.s32 s5, s31;
	s8 =	sadd.s32 s9, s8  }
0xa: {  	s9 =	simm.s32 $0x3;
	s10 =	sadd.s32 s7, s4;
	s4 =	sadd.s32 s6, s7  }
0xb: {  	s6 =	smax.u32 s11, $0x1;
	s7 =	sadd.s32 $0x13F600, s8;
	s8 =	sadd.s32 $0x1DBA00, s8  }
0xc: {  	s11 =	simm.s32 $0x28;
	s5 =	sadd.s32 $0x10200, s10;
	s10 =	simm.s32 $0x1400  }
.LBB2_1:
0xd: {  	[tilespmem:s2], [sflag:$0x3] =	stream.linear.gather [hbm4b:s4+s2], $0x1400, $0x38;
	[tilespmem:$0x3200] =	vst v63  }
0xe: {  	_ =	swait.ge [sflag:s9], $0x1400  }
0xf: {  	[sflag:s9] =	ssyncset.done $0x0  }
0x10: {  	[sflag:s9] =	ssyncadd.s32 $0xFFFFEC00  }
0x11: {  	[tilespmem:s10], [sflag:$0x3] =	stream.linear.gather [hbm4b:s5+s2], $0x1400, $0x38;
	[tilespmem:$0x3200] =	vst v63  }
0x12: {  	_ =	swait.ge [sflag:s9], $0x1400  }
0x13: {  	[sflag:s9] =	ssyncset.done $0x0  }
0x14: {  	s17 =	simm.s32 $0x0;
	[sflag:s9] =	ssyncadd.s32 $0xFFFFEC00  }
0x15: {  	[tilespmem:s12], [sflag:$0x1] =	stream.indirect.gather [hbm4b:s3+s11], $0x20, s17, s11, $0xb8;
	[tilespmem:$0x3200] =	vst v63  }
0x16: {  	s29 =	simm.s32 $0x1400  }
0x17: {  	[tilespmem:s13], [sflag:$0x2] =	stream.indirect.gather [hbm4b:s3+s11], $0x20, s29, s11, $0xb8;
	[tilespmem:$0x3200] =	vst v63  }
0x18: {  	_ =	swait.ge [sflag:s14], $0x500  }
0x19: {  	[sflag:s14] =	ssyncset.done $0x0  }
0x1a: {  	s30 =	sadd.s32 $0x0, s8;
	[sflag:s14] =	ssyncadd.s32 $0xFFFFFB00  }
0x1b: {  	[hbm4b:s30+s2] =	stream.linear.scatter [tilespmem:s12], [sflag:$0x3], $0x500, $0x38;
	[tilespmem:$0x3200] =	vst v63  }
0x1c: {  	_ =	swait.ge [sflag:s9], $0x500  }
0x1d: {  	[sflag:s9] =	ssyncset.done $0x0  }
0x1e: {  	[sflag:s9] =	ssyncadd.s32 $0xFFFFFB00  }
0x1f: {  	_ =	swait.ge [sflag:s15], $0x500  }
0x20: {  	[sflag:s15] =	ssyncset.done $0x0  }
0x21: {  	s31 =	sadd.s32 $0x0, s7;
	[sflag:s15] =	ssyncadd.s32 $0xFFFFFB00  }
0x22: {  	[hbm4b:s31+s2] =	stream.linear.scatter [tilespmem:s13], [sflag:$0x3], $0x500, $0x38;
	[tilespmem:$0x3200] =	vst v63  }
0x23: {  	_ =	swait.ge [sflag:s9], $0x500  }
0x24: {  	s18 =	simm.s32 $0x140;
	s17 =	simm.s32 $0xA0;
	[sflag:s9] =	ssyncset.done $0x0  }
.LBB2_2:
0x25: {  	s19 =	sshra.s32 s17, $0x2  }
0x26: {  	[sflag:s9] =	ssyncadd.s32 $0xFFFFFB00;
	s20 =	smov.u32 s18;
	s21 =	sadd.s32 $0xA0, s18  }
0x27: {  	[tilespmem:s12], [sflag:$0x1] =	stream.indirect.gather [hbm4b:s3+s11], $0x20, s19, s11, $0xb8;
	[tilespmem:$0x3200] =	vst v63  }
0x28: {  	p0 =	sne.s32 s18, $0x4D80;
	s18 =	sadd.s32 $0x1400, s19  }
0x29: {  	[tilespmem:s13], [sflag:$0x2] =	stream.indirect.gather [hbm4b:s3+s11], $0x20, s18, s11, $0xb8;
	[tilespmem:$0x3200] =	vst v63  }
0x2a: {  	_ =	swait.ge [sflag:s14], $0x500  }
0x2b: {  	[sflag:s14] =	ssyncset.done $0x0  }
0x2c: {  	s18 =	sadd.s32 s17, s8;
	[sflag:s14] =	ssyncadd.s32 $0xFFFFFB00  }
0x2d: {  	[hbm4b:s18+s2] =	stream.linear.scatter [tilespmem:s12], [sflag:$0x3], $0x500, $0x38;
	[tilespmem:$0x3200] =	vst v63  }
0x2e: {  	_ =	swait.ge [sflag:s9], $0x500  }
0x2f: {  	[sflag:s9] =	ssyncset.done $0x0  }
0x30: {  	[sflag:s9] =	ssyncadd.s32 $0xFFFFFB00  }
0x31: {  	_ =	swait.ge [sflag:s15], $0x500  }
.Ltmp0:
0x32: {  	[sflag:s15] =	ssyncset.done $0x0;
	(pc) =	sbr.rel @p0 .LBB2_2-.Ltmp0, $4  }
0x33: {  	s18 =	sadd.s32 s17, s7;
	s17 =	smov.u32 s20;
	[sflag:s15] =	ssyncadd.s32 $0xFFFFFB00  }
0x34: {  	[hbm4b:s18+s2] =	stream.linear.scatter [tilespmem:s13], [sflag:$0x3], $0x500, $0x38;
	[tilespmem:$0x3200] =	vst v63  }
0x35: {  	_ =	swait.ge [sflag:s9], $0x500  }
0x36: {  	s18 =	smov.u32 s21;
	[sflag:s9] =	ssyncset.done $0x0  }
0x37: {  	s18 =	sshra.s32 s17, $0x2;
	[sflag:s9] =	ssyncadd.s32 $0xFFFFFB00  }
0x38: {  	[tilespmem:s12], [sflag:$0x1] =	stream.indirect.gather [hbm4b:s3+s11], $0x20, s18, s11, $0xb8;
	[tilespmem:$0x3200] =	vst v63  }
0x39: {  	s18 =	sadd.s32 $0x1400, s18  }
0x3a: {  	[tilespmem:s13], [sflag:$0x2] =	stream.indirect.gather [hbm4b:s3+s11], $0x20, s18, s11, $0xb8;
	[tilespmem:$0x3200] =	vst v63  }
0x3b: {  	_ =	swait.ge [sflag:s14], $0x500  }
0x3c: {  	[sflag:s14] =	ssyncset.done $0x0  }
0x3d: {  	s30 =	sadd.s32 s17, s8;
	[sflag:s14] =	ssyncadd.s32 $0xFFFFFB00  }
0x3e: {  	[hbm4b:s30+s2] =	stream.linear.scatter [tilespmem:s12], [sflag:$0x3], $0x500, $0x38;
	[tilespmem:$0x3200] =	vst v63  }
0x3f: {  	_ =	swait.ge [sflag:s9], $0x500  }
0x40: {  	[sflag:s9] =	ssyncset.done $0x0  }
0x41: {  	[sflag:s9] =	ssyncadd.s32 $0xFFFFFB00  }
0x42: {  	s16 =	sadd.s32 $0x1, s16;
	_ =	swait.ge [sflag:s15], $0x500  }
0x43: {  	p0 =	sne.s32 s16, s6;
	[sflag:s15] =	ssyncset.done $0x0  }
.Ltmp1:
0x44: {  	s31 =	sadd.s32 s17, s7;
	[sflag:s15] =	ssyncadd.s32 $0xFFFFFB00;
	(pc) =	sbr.rel @p0 .LBB2_1-.Ltmp1, $4  }
0x45: {  	[hbm4b:s31+s2] =	stream.linear.scatter [tilespmem:s13], [sflag:$0x3], $0x500, $0x38;
	[tilespmem:$0x3200] =	vst v63  }
0x46: {  	_ =	swait.ge [sflag:s9], $0x500  }
0x47: {  	[sflag:s9] =	ssyncset.done $0x0  }
0x48: {  	[sflag:s9] =	ssyncadd.s32 $0xFFFFFB00  }
0x49: {  	_ =	sfence.sel $0x180000  }
0x4a: {  	[bflag:$0x0] =	sbarrier.arrive $0xFFFF  }
0x4b: {  	p0 =	sne.s32 s1, $0x0;
	_ =	strace $0x9000004A  }
0x4c: {  	s0 =	sadd.s32 @!p0 $0x100000, s0;
	[bflag:$0x2] =	sbarrier.arrive $0xFFFF  }
0x4d: {  	[sflag:s0] =	ssyncadd.tile.s32 @!p0 $0x1;
	_ =	shalt  }
.Lfunc_end2:
_tile_overlayer_lowered:
.L_overlay_start_2:
0x4e: {  	(tag) =	ssettag $0x2  }
0x4f: {  	s0 =	rddreg [dreg:$0x0];
	s2 =	stileid.u32  }
0x50: {  	s1 =	rddreg [dreg:$0x1];
	p0 =	sne.s32 s2, $0x0  }
0x51: {  	s3 =	rddreg [dreg:$0x2];
	[bflag:$0x3] =	sbarrier.arrive $0xFFFF;
	s2 =	simm.s32 @!p0 $0x1C03  }
0x52: {  	[timem:s3], [sflag:s2] =	dma.local @!p0 [hbm:s0], s1  }
0x53: {  	s0 =	simm.s32 @!p0 $0x3  }
0x54: {  	_ =	swait.ge @!p0 [sflag:s0], s1  }
0x55: {  	s1 =	ssub.s32 @!p0 $0x0, s1;
	[sflag:s0] =	ssyncset.done @!p0 $0x0  }
0x56: {  	[sflag:s0] =	ssyncadd.s32 @!p0 s1  }
0x57: {  	[bflag:$0x3] =	sbarrier.arrive $0xFFFF  }
0x58: {  	_ =	shalt  }

// kernel: kernel.37.cloned.1.call-start
scs
__scs_entry_jumppad:
0x0: {  	(pc) =	sbr.rel $0x88, $3  }
0x1: {  	(tag) =	ssettag $0x0;
	lr =	simm.s32 $0x1  }
0x2: {  	[smem:$0x3F74] =	sst lr;
	_ =	strace $0xD0000000  }
0x3: {  	_ = 	snop  }
0x4: {  	_ = 	snop  }
0x5: {  	_ = 	snop  }
0x6: {  	_ = 	snop  }
0x7: {  	_ = 	snop  }
__scs_overlays_trampoline_lowered:
0x8: {  	[smem:$0x3F83] =	sst s0  }
0x9: {  	[smem:$0x3F84] =	sst s1  }
0xa: {  	[smem:$0x3F85] =	sst s2  }
0xb: {  	[smem:$0x3F86] =	sst s3  }
0xc: {  	[smem:$0x3F87] =	sst s4  }
0xd: {  	[smem:$0x3F88] =	sst s5  }
0xe: {  	[smem:$0x3F89] =	sst s6  }
0xf: {  	[smem:$0x3F8A] =	sst s7  }
0x10: {  	[smem:$0x3F8B] =	sst s8  }
0x11: {  	[smem:$0x3F8C] =	sst s9;
	s0 =	simm.s32 @!p0 $0x0  }
0x12: {  	s1 =	sld [smem:$0x3F72];
	s0 =	simm.s32 @p0 $0x1  }
0x13: {  	[smem:$0x3F8D] =	sst s0;
	s0 =	simm.s32 @!p1 $0x0  }
0x14: {  	s2 =	sld [smem:$0x3F71];
	s0 =	simm.s32 @p1 $0x1  }
0x15: {  	[smem:$0x3F8E] =	sst s0;
	s0 =	simm.s32 @!p2 $0x0  }
0x16: {  	s3 =	sld [smem:$0x3FDB];
	s0 =	simm.s32 @p2 $0x1  }
0x17: {  	s4 =	simm.s32 $0x1BF5;
	[smem:$0x3F90] =	sst s0  }
0x18: {  	s0 =	sld [smem:$0x3F73];
	_ =	swait.ge [sflag:s4], $0x0  }
0x19: {  	s7 =	sld [smem:$0x3F74]  }
0x1a: {  	s8 =	sadd.s32 $0xFFFFE003, lr  }
0x1b: {  	s9 =	sadd.s32 $0xFFFFFEF7, lr;
	s5 =	simm.s32 $0xFFFFFFFF;
	p2 =	slt.u32 s8, $0xFFFFF086  }
0x1c: {  	p1 =	slt.u32 s9, $0xF7A;
	s5 =	simm.s32 @!p2 $0x0  }
0x1d: {  	s5 =	simm.s32 @p1 $0x1;
	p0 =	seq.s32 s7, s2  }
0x1e: {  	s7 =	smul.u32 @!p0 $0xF7A, s2;
	p2 =	seq.s32 @!p0 s5, $0x0  }
0x1f: {  	s9 =	smul.u32 $0xF7A, s1;
	s8 =	simm.s32 @!p0 $0x1BF5;
	p2 =	por !p2, p0  }
0x20: {  	[sflag:s8] =	ssyncset.s32 @!p0 $0xFFFFF086;
	s6 =	sadd.s32 @!p0 s3, s7;
	s7 =	simm.s32 @!p0 $0x108  }
0x21: {  	s3 =	sadd.s32 s3, s9;
	s6 =	sadd.s32 @!p0 $0x88, s6;
	s7 =	simm.s32 @p2 $0x1082  }
0x22: {  	[simem:s7], [sflag:s8] =	dma.local @!p0 [hbm:s6], $0xF7A  }
0x23: {  	s9 =	sor.u32 $0xD0000000, s2;
	s6 =	simm.s32 $0x108;
	_ =	swait.ge @!p0 [sflag:s8], $0x0  }
0x24: {  	s3 =	sadd.s32 $0x88, s3;
	s6 =	simm.s32 @!p1 $0x1082;
	[sflag:s4] =	ssyncset.s32 $0xFFFFF086  }
0x25: {  	[simem:s6], [sflag:s4] =	dma.local [hbm:s3], $0xF7A  }
0x26: {  	[smem:$0x3F74] =	sst s1;
	(tag) =	ssettag s2;
	_ =	strace s9  }
0x27: {  	s1 =	sld [smem:$0x3F84]  }
0x28: {  	s2 =	sld [smem:$0x3F85]  }
0x29: {  	s4 =	sld [smem:$0x3F87]  }
0x2a: {  	p0 =	seq.s32 s5, $0x0;
	s5 =	sld [smem:$0x3F88]  }
0x2b: {  	s6 =	sld [smem:$0x3F89]  }
0x2c: {  	s7 =	sld [smem:$0x3F8A]  }
0x2d: {  	s3 =	simm.s32 $0x108;
	s8 =	sld [smem:$0x3F8B]  }
0x2e: {  	s3 =	simm.s32 @!p0 $0x1082;
	s9 =	sld [smem:$0x3F8C]  }
0x2f: {  	lr =	sadd.s32 s0, s3;
	s0 =	sld [smem:$0x3F83]  }
0x30: {  	s3 =	sld [smem:$0x3F86]  }
0x31: {  	[smem:$0x3F8F] =	sst s10  }
0x32: {  	s10 =	sld [smem:$0x3F8D];
	_ =	sdelay $0x3  }
0x33: {  	p0 =	seq.s32 s10, $0x1;
	s10 =	sld [smem:$0x3F8F];
	_ =	sdelay $0x3  }
0x34: {  	[smem:$0x3F8F] =	sst s10  }
0x35: {  	s10 =	sld [smem:$0x3F8E];
	_ =	sdelay $0x3  }
0x36: {  	p1 =	seq.s32 s10, $0x1;
	s10 =	sld [smem:$0x3F8F];
	_ =	sdelay $0x3  }
0x37: {  	[smem:$0x3F8F] =	sst s10  }
0x38: {  	s10 =	sld [smem:$0x3F90]  }
0x39: {  	_ = 	snop;
	(pc) =	sbr.ind lr, $3  }
0x3a: {  	_ = 	snop  }
0x3b: {  	_ = 	snop  }
0x3c: {  	p2 =	seq.s32 s10, $0x1;
	s10 =	sld [smem:$0x3F8F]  }
0x3d: {  	_ =	shalt  }
0x3e: {  	_ =	shalt  }
0x3f: {  	_ =	shalt  }
0x40: {  	_ =	shalt  }
0x41: {  	_ =	shalt  }
0x42: {  	_ =	shalt  }
0x43: {  	_ =	shalt  }
0x44: {  	_ =	shalt  }
0x45: {  	_ =	shalt  }
0x46: {  	_ =	shalt  }
0x47: {  	_ =	shalt  }
0x48: {  	_ =	shalt  }
0x49: {  	_ =	shalt  }
0x4a: {  	_ =	shalt  }
0x4b: {  	_ =	shalt  }
0x4c: {  	_ =	shalt  }
0x4d: {  	_ =	shalt  }
0x4e: {  	_ =	shalt  }
0x4f: {  	_ =	shalt  }
0x50: {  	_ =	shalt  }
0x51: {  	_ =	shalt  }
0x52: {  	_ =	shalt  }
0x53: {  	_ =	shalt  }
0x54: {  	_ =	shalt  }
0x55: {  	_ =	shalt  }
0x56: {  	_ =	shalt  }
0x57: {  	_ =	shalt  }
0x58: {  	_ =	shalt  }
0x59: {  	_ =	shalt  }
0x5a: {  	_ =	shalt  }
0x5b: {  	_ =	shalt  }
0x5c: {  	_ =	shalt  }
0x5d: {  	_ =	shalt  }
0x5e: {  	_ =	shalt  }
0x5f: {  	_ =	shalt  }
0x60: {  	_ =	shalt  }
0x61: {  	_ =	shalt  }
0x62: {  	_ =	shalt  }
0x63: {  	_ =	shalt  }
0x64: {  	_ =	shalt  }
0x65: {  	_ =	shalt  }
0x66: {  	_ =	shalt  }
0x67: {  	_ =	shalt  }
0x68: {  	_ =	shalt  }
0x69: {  	_ =	shalt  }
0x6a: {  	_ =	shalt  }
0x6b: {  	_ =	shalt  }
0x6c: {  	_ =	shalt  }
0x6d: {  	_ =	shalt  }
0x6e: {  	_ =	shalt  }
0x6f: {  	_ =	shalt  }
0x70: {  	_ =	shalt  }
0x71: {  	_ =	shalt  }
0x72: {  	_ =	shalt  }
0x73: {  	_ =	shalt  }
0x74: {  	_ =	shalt  }
0x75: {  	_ =	shalt  }
0x76: {  	_ =	shalt  }
0x77: {  	_ =	shalt  }
0x78: {  	_ =	shalt  }
0x79: {  	_ =	shalt  }
0x7a: {  	_ =	shalt  }
0x7b: {  	_ =	shalt  }
0x7c: {  	_ =	shalt  }
0x7d: {  	_ =	shalt  }
0x7e: {  	_ =	shalt  }
0x7f: {  	_ =	shalt  }
0x80: {  	_ =	shalt  }
0x81: {  	_ =	shalt  }
0x82: {  	_ =	shalt  }
0x83: {  	_ =	shalt  }
0x84: {  	_ =	shalt  }
0x85: {  	_ =	shalt  }
0x86: {  	_ =	shalt  }
0x87: {  	_ =	shalt  }
.Lfunc_end0:
.L_simem_size_0:
called_computation.3_lowered:
.L_overlay_start_0:
0x88: {  	s2 =	sld [smem:$0x3FD9]  }
0x89: {  	s3 =	sld [smem:$0x3FFE];
	_ =	sdelay $0x1  }
0x8a: {  	s1 =	srdreg.scid  }
0x8b: {  	s0 =	sand.u32 $0x1, s1  }
0x8c: {  	s17 =	sshll.u32 s0, $0xA;
	s2 =	sadd.s32 s3, s2  }
0x8d: {  	s2 =	sadd.s32 s2, s17  }
0x8e: {  	[smem:$0x3F9B] =	sst s2  }
0x8f: {  	_ = 	snop  }
0x90: {  	(tm) =	ssettm $0x1  }
0x91: {  	s18 =	sld [smem:$0x3FFB];
	_ =	sdelay $0x3  }
0x92: {  	_ =	strace s18  }
0x93: {  	s2 =	sld [smem:$0x3FFC];
	_ =	sdelay $0x3  }
0x94: {  	_ =	strace s2  }
0x95: {  	s2 =	sld [smem:$0x3FFD];
	_ =	sdelay $0x3  }
0x96: {  	_ =	strace s2  }
0x97: {  	_ =	strace $0x8FFFFFFF  }
0x98: {  	s19 =	sld [smem:$0x3FDB];
	_ =	sdelay $0x1  }
0x99: {  	s20 =	simm.s32 $_scs_section_size  }
0x9a: {  	s4 =	simm.s32 $_size__tile_overlayer_lowered;
	s5 =	simm.s32 $_tile_overlayer_lowered  }
0x9b: {  	s6 =	simm.s32 $0x1BFF;
	s21 =	sshll.u32 s5, $0x1;
	s3 =	sadd.s32 s20, s19  }
0x9c: {  	s22 =	simm.s32 $0x0;
	s4 =	sshll.u32 s4, $0x1;
	s5 =	sadd.s32 s21, s3  }
0x9d: {  	[timem:s22], [sflag:s6] =	dma.local [hbm:s5], s4  }
0x9e: {  	_ =	swait.ge [sflag:s6], s4  }
0x9f: {  	s4 =	ssub.s32 $0x0, s4;
	[sflag:s6] =	ssyncset.done $0x0  }
0xa0: {  	[sflag:s6] =	ssyncadd.s32 s4;
	_ =	sdelay $0x1  }
0xa1: {  	s23 =	simm.s32 $0x1B8B  }
0xa2: {  	_ =	swait.ge [sflag:s23], $0x1  }
0xa3: {  	[sflag:s23] =	ssyncset.done $0x0  }
0xa4: {  	[sflag:s23] =	ssyncadd.s32 $0xFFFFFFFF  }
0xa5: {  	s4 =	sld [smem:$0x0]  }
0xa6: {  	s5 =	sand.u32 $0xFFFFFFFE, s1  }
0xa7: {  	p0 =	sne.s32 s1, s5  }
0xa8: {  	s5 =	sshll.u32 @p0 s5, $0xE  }
0xa9: {  	s5 =	sadd.s32 @p0 $0x11B8D, s5;
	s6 =	sshll.u32 @p0 s4, $0x11  }
0xaa: {  	s5 =	sor.u32 @p0 s6, s5  }
0xab: {  	[sflag:s5] =	ssyncadd.remote.s32 @p0 $0x1;
	_ =	sdelay $0x1  }
0xac: {  	s5 =	simm.s32 @p0 $0x1B8D  }
0xad: {  	_ =	swait.eq @p0 [sflag:s5], $0x1  }
0xae: {  	[sflag:s5] =	ssyncadd.s32 @p0 $0xFFFFFFFF  }
0xaf: {  	s6 =	sshll.u32 @!p0 s1, $0xE  }
0xb0: {  	s6 =	sor.u32 @!p0 $0x4000, s6;
	s5 =	simm.s32 @!p0 $0x1B8D  }
0xb1: {  	s4 =	sshll.u32 @!p0 s4, $0x11;
	s6 =	sadd.s32 @!p0 $0x11B8D, s6;
	_ =	swait.eq @!p0 [sflag:s5], $0x1  }
0xb2: {  	s4 =	sor.u32 @!p0 s4, s6;
	[sflag:s5] =	ssyncadd.s32 @!p0 $0xFFFFFFFF  }
0xb3: {  	s25 =	simm.s32 $0x1B8E;
	s24 =	sld [smem:$0x3FFE];
	[sflag:s4] =	ssyncadd.remote.s32 @!p0 $0x1  }
0xb4: {  	s26 =	simm.s32 $execute0_lowered;
	[smem:$0x3FD2] =	sst s25  }
0xb5: {  	s5 =	sshll.u32 s26, $0x1;
	_ =	strace $0x8000004F;
	[dreg:$0x1] =	wrdreg $0xFFFFFFFF  }
0xb6: {  	s28 =	simm.s32 $_size_execute0_lowered;
	s3 =	sadd.s32 s3, s5;
	[dreg:$0x0] =	wrdreg $0x0  }
0xb7: {  	s5 =	sshll.u32 s28, $0x1;
	[dreg:$0x2] =	wrdreg s3  }
0xb8: {  	[dreg:$0x3] =	wrdreg s5  }
0xb9: {  	[dreg:$0x4] =	wrdreg $0xC0  }
0xba: {  	_ =	task [dreg:s22], $0x5FFFF  }
0xbb: {  	[dreg:$0x1] =	wrdreg $0xFFFFFFFF  }
0xbc: {  	[dreg:$0x0] =	wrdreg $0x60  }
0xbd: {  	[dreg:$0x2] =	wrdreg s24  }
0xbe: {  	[dreg:$0x3] =	wrdreg $0x23000  }
0xbf: {  	[dreg:$0x4] =	wrdreg $0xA  }
0xc0: {  	_ =	task.clear_ibuf [dreg:s22], $0x5FFFF;
	_ =	strace $0x9000004F  }
0xc1: {  	s29 =	simm.s32 $0xA;
	_ =	strace $0x80000051  }
0xc2: {  	_ =	swait.ge [sflag:s29], $0x1  }
0xc3: {  	[sflag:s29] =	ssyncadd.s32 $0xFFFFFFFF  }
0xc4: {  	_ =	strace $0x90000051  }
0xc5: {  	_ =	sfence  }
0xc6: {  	s30 =	sld [smem:$0x0];
	_ =	sdelay $0x2  }
0xc7: {  	s31 =	sshll.u32 s1, $0xD;
	s1 =	sshrl.u32 s1, $0x2  }
0xc8: {  	s4 =	sand.u32 $0x4000, s31;
	s1 =	sadd.s32 s1, s30  }
0xc9: {  	s0 =	sor.u32 s4, s0;
	s1 =	sshll.u32 s1, $0x11  }
0xca: {  	s0 =	sor.u32 s1, s0  }
0xcb: {  	s0 =	sadd.s32 $0x8F2B, s0  }
0xcc: {  	[sflag:s0] =	ssyncadd.remote.s32 $0x1  }
0xcd: {  	_ =	sfence.sel $0xFFFF  }
0xce: {  	[dreg:$0x0] =	wrdreg $0xFFFFFFFF;
	(pc) =	sbr.abs _section_cstart, $3  }
0xcf: {  	[dreg:$0x1] =	wrdreg $0xFFFFFFFF  }
0xd0: {  	_ =	task.clear_ibuf [dreg:s22], $0x2FFFF;
	_ =	strace $0x9FFFFFFF  }
0xd1: {  	(tm) =	ssettm $0x7FFFFFFF  }
tec
execute0_lowered:
.L_overlay_start_1:
0x0: {  	(tag) =	ssettag $0x1  }
0x1: {  	s0 =	srdreg.scid;
	s5 =	rddreg [dreg:$0x0]  }
0x2: {  	s2 =	rddreg [dreg:$0x1];
	s4 =	sand.u32 $0x1, s0  }
0x3: {  	s3 =	simm.s32 $0x0;
	s0 =	stileid.u32;
	s6 =	smul.u32 $0xEA600, s4  }
0x4: {  	s14 =	simm.s32 $0x0;
	[smem:$0x7FF] =	sst s3;
	s8 =	smul.u32 $0xF000, s0  }
0x5: {  	s1 =	sshll.u32 s4, $0x4;
	s9 =	smul.u32 $0xF0000, s4;
	s4 =	ssub.s32 $0x2, s4  }
0x6: {  	s30 =	sshll.u32 s0, $0x6;
	s13 =	smul.u32 $0xEA60, s0;
	s1 =	sor.u32 s0, s1  }
0x7: {  	s11 =	sshrl.u32 s4, $0x1;
	s7 =	smul.u32 $0x280, s1;
	s1 =	rddreg [dreg:$0x2]  }
0x8: {  	_ =	strace $0x80000050;
	s10 =	sadd.s32 s6, s5;
	s28 =	sadd.s32 s8, s9  }
0x9: {  	s29 =	sshrl.u32 s8, $0x3;
	s11 =	ssub.s32 s4, s11;
	s12 =	sadd.s32 s8, s2  }
0xa: {  	s9 =	sadd.s32 s29, s5;
	s8 =	smax.u32 s11, $0x1;
	s31 =	sadd.s32 s13, s10  }
0xb: {  	s10 =	sshrl.u32 s12, $0x3;
	s11 =	simm.s32 $0x1;
	s12 =	simm.s32 $0x1400  }
0xc: {  	s13 =	simm.s32 $0x28;
	s26 =	sadd.s32 s7, s5;
	s7 =	sshrl.u32 s28, $0x3  }
0xd: {  	s4 =	sadd.s32 $0x213800, s9;
	s9 =	sadd.s32 $0x3EC00, s31;
	s7 =	sadd.s32 s7, s5  }
0xe: {  	s5 =	sor.u32 $0x1C01, s30;
	s6 =	sadd.s32 $0x10200, s26;
	s7 =	sadd.s32 $0x231800, s7  }
.LBB2_1:
0xf: {  	[spmem:s10], [sflag:s5] =	dma.local [hbm:s4], $0x1E00  }
0x10: {  	_ =	swait.ge [sflag:s11], $0x1E00  }
0x11: {  	[sflag:s11] =	ssyncset.done $0x0  }
0x12: {  	[sflag:s11] =	ssyncadd.s32 $0xFFFFE200  }
0x13: {  	[tilespmem:s3], [sflag:$0x1] =	stream.linear.gather [hbm4b:s6+s3], $0x1400, $0x38;
	[tilespmem:$0x11300] =	vst v63  }
0x14: {  	_ =	swait.ge [sflag:s11], $0x1400  }
0x15: {  	[sflag:s11] =	ssyncset.done $0x0  }
0x16: {  	[sflag:s11] =	ssyncadd.s32 $0xFFFFEC00  }
0x17: {  	[bflag:$0x0] =	sbarrier.arrive $0xFFFF  }
0x18: {  	[tilespmem:s12], [sflag:$0x1] =	stream.linear.gather [hbm4b:s9+s3], $0xF00, $0x38;
	[tilespmem:$0x11300] =	vst v63  }
0x19: {  	_ =	swait.ge [sflag:s11], $0xF00  }
0x1a: {  	[sflag:s11] =	ssyncset.done $0x0  }
0x1b: {  	s15 =	simm.s32 $0x0;
	[sflag:s11] =	ssyncadd.s32 $0xFFFFF100  }
0x1c: {  	[spmem:s2] =	stream.indirect.scatter.add.f32 [tilespmem:s12], [sflag:$0x1], $0x60, s15, s13, $0xb8;
	[tilespmem:$0x11300] =	vst v63  }
0x1d: {  	_ =	swait.ge [sflag:s11], $0xF00  }
0x1e: {  	s16 =	smov.u32 s9;
	s15 =	simm.s32 $0xA0;
	[sflag:s11] =	ssyncset.done $0x0  }
.LBB2_2:
0x1f: {  	p0 =	sne.s32 s15, $0x4D80;
	[sflag:s11] =	ssyncadd.s32 $0xFFFFF100;
	s16 =	sadd.s32 $0x1E0, s16  }
0x20: {  	[tilespmem:s12], [sflag:$0x1] =	stream.linear.gather [hbm4b:s16+s3], $0xF00, $0x38;
	[tilespmem:$0x11300] =	vst v63  }
0x21: {  	s17 =	smov.u32 s15;
	s15 =	sadd.s32 $0xA0, s15;
	_ =	swait.ge [sflag:s11], $0xF00  }
.Ltmp0:
0x22: {  	[sflag:s11] =	ssyncset.done $0x0;
	(pc) =	sbr.rel @p0 .LBB2_2-.Ltmp0, $4  }
0x23: {  	s17 =	sshra.s32 s17, $0x2;
	[sflag:s11] =	ssyncadd.s32 $0xFFFFF100  }
0x24: {  	[spmem:s2] =	stream.indirect.scatter.add.f32 [tilespmem:s12], [sflag:$0x1], $0x60, s17, s13, $0xb8;
	[tilespmem:$0x11300] =	vst v63  }
0x25: {  	_ =	swait.ge [sflag:s11], $0xF00  }
0x26: {  	[sflag:s11] =	ssyncset.done $0x0  }
0x27: {  	s14 =	sadd.s32 $0x1, s14  }
0x28: {  	[sflag:s11] =	ssyncadd.s32 $0xFFFFF100;
	p0 =	sne.s32 s14, s8  }
.Ltmp1:
0x29: {  	[bflag:$0x0] =	sbarrier.arrive $0xFFFF;
	(pc) =	sbr.rel @p0 .LBB2_1-.Ltmp1, $4  }
0x2a: {  	[hbm:s7], [sflag:s5] =	dma.local [spmem:s10], $0x1E00  }
0x2b: {  	_ =	swait.ge [sflag:s11], $0x1E00  }
0x2c: {  	[sflag:s11] =	ssyncset.done $0x0  }
0x2d: {  	[sflag:s11] =	ssyncadd.s32 $0xFFFFE200  }
0x2e: {  	_ =	sfence.sel $0x180000  }
0x2f: {  	[bflag:$0x0] =	sbarrier.arrive $0xFFFF  }
0x30: {  	p0 =	sne.s32 s0, $0x0;
	_ =	strace $0x90000050  }
0x31: {  	s0 =	sadd.s32 @!p0 $0x100000, s1;
	[bflag:$0x2] =	sbarrier.arrive $0xFFFF  }
0x32: {  	[sflag:s0] =	ssyncadd.tile.s32 @!p0 $0x1;
	_ =	shalt  }
.Lfunc_end2:
_tile_overlayer_lowered:
.L_overlay_start_2:
0x33: {  	(tag) =	ssettag $0x2  }
0x34: {  	s0 =	rddreg [dreg:$0x0];
	s2 =	stileid.u32  }
0x35: {  	s1 =	rddreg [dreg:$0x1];
	p0 =	sne.s32 s2, $0x0  }
0x36: {  	s3 =	rddreg [dreg:$0x2];
	[bflag:$0x3] =	sbarrier.arrive $0xFFFF;
	s2 =	simm.s32 @!p0 $0x1C01  }
0x37: {  	[timem:s3], [sflag:s2] =	dma.local @!p0 [hbm:s0], s1  }
0x38: {  	s0 =	simm.s32 @!p0 $0x1  }
0x39: {  	_ =	swait.ge @!p0 [sflag:s0], s1  }
0x3a: {  	s1 =	ssub.s32 @!p0 $0x0, s1;
	[sflag:s0] =	ssyncset.done @!p0 $0x0  }
0x3b: {  	[sflag:s0] =	ssyncadd.s32 @!p0 s1  }
0x3c: {  	[bflag:$0x3] =	sbarrier.arrive $0xFFFF  }
0x3d: {  	_ =	shalt  }

// kernel: kernel.40.cloned.1.call-start
scs
__scs_entry_jumppad:
0x0: {  	(pc) =	sbr.rel $0x88, $3  }
0x1: {  	(tag) =	ssettag $0x0;
	lr =	simm.s32 $0x1  }
0x2: {  	[smem:$0x3F74] =	sst lr;
	_ =	strace $0xD0000000  }
0x3: {  	_ = 	snop  }
0x4: {  	_ = 	snop  }
0x5: {  	_ = 	snop  }
0x6: {  	_ = 	snop  }
0x7: {  	_ = 	snop  }
__scs_overlays_trampoline_lowered:
0x8: {  	[smem:$0x3F83] =	sst s0  }
0x9: {  	[smem:$0x3F84] =	sst s1  }
0xa: {  	[smem:$0x3F85] =	sst s2  }
0xb: {  	[smem:$0x3F86] =	sst s3  }
0xc: {  	[smem:$0x3F87] =	sst s4  }
0xd: {  	[smem:$0x3F88] =	sst s5  }
0xe: {  	[smem:$0x3F89] =	sst s6  }
0xf: {  	[smem:$0x3F8A] =	sst s7  }
0x10: {  	[smem:$0x3F8B] =	sst s8  }
0x11: {  	[smem:$0x3F8C] =	sst s9;
	s0 =	simm.s32 @!p0 $0x0  }
0x12: {  	s1 =	sld [smem:$0x3F72];
	s0 =	simm.s32 @p0 $0x1  }
0x13: {  	[smem:$0x3F8D] =	sst s0;
	s0 =	simm.s32 @!p1 $0x0  }
0x14: {  	s2 =	sld [smem:$0x3F71];
	s0 =	simm.s32 @p1 $0x1  }
0x15: {  	[smem:$0x3F8E] =	sst s0;
	s0 =	simm.s32 @!p2 $0x0  }
0x16: {  	s3 =	sld [smem:$0x3FDB];
	s0 =	simm.s32 @p2 $0x1  }
0x17: {  	s4 =	simm.s32 $0x1BF5;
	[smem:$0x3F90] =	sst s0  }
0x18: {  	s0 =	sld [smem:$0x3F73];
	_ =	swait.ge [sflag:s4], $0x0  }
0x19: {  	s7 =	sld [smem:$0x3F74]  }
0x1a: {  	s8 =	sadd.s32 $0xFFFFE003, lr  }
0x1b: {  	s9 =	sadd.s32 $0xFFFFFEF7, lr;
	s5 =	simm.s32 $0xFFFFFFFF;
	p2 =	slt.u32 s8, $0xFFFFF086  }
0x1c: {  	p1 =	slt.u32 s9, $0xF7A;
	s5 =	simm.s32 @!p2 $0x0  }
0x1d: {  	s5 =	simm.s32 @p1 $0x1;
	p0 =	seq.s32 s7, s2  }
0x1e: {  	s7 =	smul.u32 @!p0 $0xF7A, s2;
	p2 =	seq.s32 @!p0 s5, $0x0  }
0x1f: {  	s9 =	smul.u32 $0xF7A, s1;
	s8 =	simm.s32 @!p0 $0x1BF5;
	p2 =	por !p2, p0  }
0x20: {  	[sflag:s8] =	ssyncset.s32 @!p0 $0xFFFFF086;
	s6 =	sadd.s32 @!p0 s3, s7;
	s7 =	simm.s32 @!p0 $0x108  }
0x21: {  	s3 =	sadd.s32 s3, s9;
	s6 =	sadd.s32 @!p0 $0x88, s6;
	s7 =	simm.s32 @p2 $0x1082  }
0x22: {  	[simem:s7], [sflag:s8] =	dma.local @!p0 [hbm:s6], $0xF7A  }
0x23: {  	s9 =	sor.u32 $0xD0000000, s2;
	s6 =	simm.s32 $0x108;
	_ =	swait.ge @!p0 [sflag:s8], $0x0  }
0x24: {  	s3 =	sadd.s32 $0x88, s3;
	s6 =	simm.s32 @!p1 $0x1082;
	[sflag:s4] =	ssyncset.s32 $0xFFFFF086  }
0x25: {  	[simem:s6], [sflag:s4] =	dma.local [hbm:s3], $0xF7A  }
0x26: {  	[smem:$0x3F74] =	sst s1;
	(tag) =	ssettag s2;
	_ =	strace s9  }
0x27: {  	s1 =	sld [smem:$0x3F84]  }
0x28: {  	s2 =	sld [smem:$0x3F85]  }
0x29: {  	s4 =	sld [smem:$0x3F87]  }
0x2a: {  	p0 =	seq.s32 s5, $0x0;
	s5 =	sld [smem:$0x3F88]  }
0x2b: {  	s6 =	sld [smem:$0x3F89]  }
0x2c: {  	s7 =	sld [smem:$0x3F8A]  }
0x2d: {  	s3 =	simm.s32 $0x108;
	s8 =	sld [smem:$0x3F8B]  }
0x2e: {  	s3 =	simm.s32 @!p0 $0x1082;
	s9 =	sld [smem:$0x3F8C]  }
0x2f: {  	lr =	sadd.s32 s0, s3;
	s0 =	sld [smem:$0x3F83]  }
0x30: {  	s3 =	sld [smem:$0x3F86]  }
0x31: {  	[smem:$0x3F8F] =	sst s10  }
0x32: {  	s10 =	sld [smem:$0x3F8D];
	_ =	sdelay $0x3  }
0x33: {  	p0 =	seq.s32 s10, $0x1;
	s10 =	sld [smem:$0x3F8F];
	_ =	sdelay $0x3  }
0x34: {  	[smem:$0x3F8F] =	sst s10  }
0x35: {  	s10 =	sld [smem:$0x3F8E];
	_ =	sdelay $0x3  }
0x36: {  	p1 =	seq.s32 s10, $0x1;
	s10 =	sld [smem:$0x3F8F];
	_ =	sdelay $0x3  }
0x37: {  	[smem:$0x3F8F] =	sst s10  }
0x38: {  	s10 =	sld [smem:$0x3F90]  }
0x39: {  	_ = 	snop;
	(pc) =	sbr.ind lr, $3  }
0x3a: {  	_ = 	snop  }
0x3b: {  	_ = 	snop  }
0x3c: {  	p2 =	seq.s32 s10, $0x1;
	s10 =	sld [smem:$0x3F8F]  }
0x3d: {  	_ =	shalt  }
0x3e: {  	_ =	shalt  }
0x3f: {  	_ =	shalt  }
0x40: {  	_ =	shalt  }
0x41: {  	_ =	shalt  }
0x42: {  	_ =	shalt  }
0x43: {  	_ =	shalt  }
0x44: {  	_ =	shalt  }
0x45: {  	_ =	shalt  }
0x46: {  	_ =	shalt  }
0x47: {  	_ =	shalt  }
0x48: {  	_ =	shalt  }
0x49: {  	_ =	shalt  }
0x4a: {  	_ =	shalt  }
0x4b: {  	_ =	shalt  }
0x4c: {  	_ =	shalt  }
0x4d: {  	_ =	shalt  }
0x4e: {  	_ =	shalt  }
0x4f: {  	_ =	shalt  }
0x50: {  	_ =	shalt  }
0x51: {  	_ =	shalt  }
0x52: {  	_ =	shalt  }
0x53: {  	_ =	shalt  }
0x54: {  	_ =	shalt  }
0x55: {  	_ =	shalt  }
0x56: {  	_ =	shalt  }
0x57: {  	_ =	shalt  }
0x58: {  	_ =	shalt  }
0x59: {  	_ =	shalt  }
0x5a: {  	_ =	shalt  }
0x5b: {  	_ =	shalt  }
0x5c: {  	_ =	shalt  }
0x5d: {  	_ =	shalt  }
0x5e: {  	_ =	shalt  }
0x5f: {  	_ =	shalt  }
0x60: {  	_ =	shalt  }
0x61: {  	_ =	shalt  }
0x62: {  	_ =	shalt  }
0x63: {  	_ =	shalt  }
0x64: {  	_ =	shalt  }
0x65: {  	_ =	shalt  }
0x66: {  	_ =	shalt  }
0x67: {  	_ =	shalt  }
0x68: {  	_ =	shalt  }
0x69: {  	_ =	shalt  }
0x6a: {  	_ =	shalt  }
0x6b: {  	_ =	shalt  }
0x6c: {  	_ =	shalt  }
0x6d: {  	_ =	shalt  }
0x6e: {  	_ =	shalt  }
0x6f: {  	_ =	shalt  }
0x70: {  	_ =	shalt  }
0x71: {  	_ =	shalt  }
0x72: {  	_ =	shalt  }
0x73: {  	_ =	shalt  }
0x74: {  	_ =	shalt  }
0x75: {  	_ =	shalt  }
0x76: {  	_ =	shalt  }
0x77: {  	_ =	shalt  }
0x78: {  	_ =	shalt  }
0x79: {  	_ =	shalt  }
0x7a: {  	_ =	shalt  }
0x7b: {  	_ =	shalt  }
0x7c: {  	_ =	shalt  }
0x7d: {  	_ =	shalt  }
0x7e: {  	_ =	shalt  }
0x7f: {  	_ =	shalt  }
0x80: {  	_ =	shalt  }
0x81: {  	_ =	shalt  }
0x82: {  	_ =	shalt  }
0x83: {  	_ =	shalt  }
0x84: {  	_ =	shalt  }
0x85: {  	_ =	shalt  }
0x86: {  	_ =	shalt  }
0x87: {  	_ =	shalt  }
.Lfunc_end0:
.L_simem_size_0:
called_computation.4_lowered:
.L_overlay_start_0:
0x88: {  	s2 =	sld [smem:$0x3FD9]  }
0x89: {  	s3 =	sld [smem:$0x3FFE];
	_ =	sdelay $0x1  }
0x8a: {  	s1 =	srdreg.scid  }
0x8b: {  	s0 =	sand.u32 $0x1, s1  }
0x8c: {  	s14 =	sshll.u32 s0, $0xA;
	s2 =	sadd.s32 s3, s2  }
0x8d: {  	s2 =	sadd.s32 s2, s14  }
0x8e: {  	[smem:$0x3F9B] =	sst s2  }
0x8f: {  	_ = 	snop  }
0x90: {  	s2 =	sld [smem:$0x3FD0];
	_ =	sdelay $0x2  }
0x91: {  	s15 =	simm.s32 $0xC;
	s4 =	simm.s32 $0x10  }
0x92: {  	[smem:s4], [sflag:s15] =	dma.local [hbm:s2], $0x1  }
0x93: {  	_ =	swait.eq [sflag:s15], $0x1  }
0x94: {  	[sflag:s15] =	ssyncset.done $0x0  }
0x95: {  	s16 =	sld [smem:$0x10];
	[sflag:s15] =	ssyncadd.s32 $0xFFFFFFFF  }
0x96: {  	s17 =	sld [smem:$0x11];
	(tm) =	ssettm $0x1  }
0x97: {  	s18 =	sld [smem:$0x3FFB];
	_ =	sdelay $0x3  }
0x98: {  	_ =	strace s18  }
0x99: {  	s4 =	sld [smem:$0x3FFC];
	_ =	sdelay $0x3  }
0x9a: {  	_ =	strace s4  }
0x9b: {  	s4 =	sld [smem:$0x3FFD];
	_ =	sdelay $0x3  }
0x9c: {  	_ =	strace s4  }
0x9d: {  	_ =	strace $0x8FFFFFFF  }
0x9e: {  	s19 =	sld [smem:$0x3FDB];
	_ =	sdelay $0x1  }
0x9f: {  	s5 =	simm.s32 $_scs_section_size  }
0xa0: {  	s6 =	simm.s32 $_size__tile_overlayer_lowered;
	s7 =	simm.s32 $_tile_overlayer_lowered  }
0xa1: {  	s22 =	simm.s32 $0x1BFF;
	s21 =	sshll.u32 s7, $0x1;
	s4 =	sadd.s32 s5, s19  }
0xa2: {  	s8 =	simm.s32 $0x0;
	s20 =	sshll.u32 s6, $0x1;
	s6 =	sadd.s32 s21, s4  }
0xa3: {  	[timem:s8], [sflag:s22] =	dma.local [hbm:s6], s20  }
0xa4: {  	_ =	swait.ge [sflag:s22], s20  }
0xa5: {  	s5 =	ssub.s32 $0x0, s20;
	[sflag:s22] =	ssyncset.done $0x0  }
0xa6: {  	[sflag:s22] =	ssyncadd.s32 s5;
	_ =	sdelay $0x1  }
0xa7: {  	s23 =	simm.s32 $0x1B8B  }
0xa8: {  	_ =	swait.ge [sflag:s23], $0x1  }
0xa9: {  	[sflag:s23] =	ssyncset.done $0x0  }
0xaa: {  	s25 =	simm.s32 $0x1B8E;
	s24 =	sld [smem:$0x3FFE];
	[sflag:s23] =	ssyncadd.s32 $0xFFFFFFFF  }
0xab: {  	s26 =	simm.s32 $execute0_lowered;
	[smem:$0x3FD2] =	sst s25  }
0xac: {  	s6 =	sshll.u32 s26, $0x1;
	_ =	strace $0x80000052;
	[dreg:$0x1] =	wrdreg $0xFFFFFFFF  }
0xad: {  	s28 =	simm.s32 $_size_execute0_lowered;
	s4 =	sadd.s32 s4, s6;
	[dreg:$0x0] =	wrdreg $0x0  }
0xae: {  	s6 =	sshll.u32 s28, $0x1;
	[dreg:$0x2] =	wrdreg s4  }
0xaf: {  	[dreg:$0x3] =	wrdreg s6  }
0xb0: {  	[dreg:$0x4] =	wrdreg $0xC0  }
0xb1: {  	_ =	task [dreg:s8], $0x5FFFF  }
0xb2: {  	[dreg:$0x1] =	wrdreg $0xFFFFFFFF  }
0xb3: {  	[dreg:$0x0] =	wrdreg $0x60  }
0xb4: {  	[dreg:$0x2] =	wrdreg s16  }
0xb5: {  	[dreg:$0x3] =	wrdreg s17  }
0xb6: {  	[dreg:$0x4] =	wrdreg s24  }
0xb7: {  	[dreg:$0x5] =	wrdreg $0x9  }
0xb8: {  	_ =	task.clear_ibuf [dreg:s8], $0x6FFFF;
	_ =	strace $0x90000052  }
0xb9: {  	s29 =	simm.s32 $0x9;
	_ =	strace $0x80000054  }
0xba: {  	_ =	swait.ge [sflag:s29], $0x1  }
0xbb: {  	[sflag:s29] =	ssyncadd.s32 $0xFFFFFFFF  }
0xbc: {  	_ =	strace $0x90000054  }
0xbd: {  	_ =	sfence  }
0xbe: {  	s30 =	sld [smem:$0x0];
	_ =	sdelay $0x2  }
0xbf: {  	s31 =	sshll.u32 s1, $0xD;
	s1 =	sshrl.u32 s1, $0x2  }
0xc0: {  	s3 =	sand.u32 $0x4000, s31;
	s1 =	sadd.s32 s1, s30  }
0xc1: {  	s0 =	sor.u32 s3, s0;
	s1 =	sshll.u32 s1, $0x11  }
0xc2: {  	s0 =	sor.u32 s1, s0  }
0xc3: {  	s0 =	sadd.s32 $0x8F2B, s0  }
0xc4: {  	[sflag:s0] =	ssyncadd.remote.s32 $0x1  }
0xc5: {  	_ =	sfence.sel $0xFFFF  }
0xc6: {  	[dreg:$0x0] =	wrdreg $0xFFFFFFFF;
	(pc) =	sbr.abs _section_cstart, $3  }
0xc7: {  	[dreg:$0x1] =	wrdreg $0xFFFFFFFF  }
0xc8: {  	_ =	task.clear_ibuf [dreg:s8], $0x2FFFF;
	_ =	strace $0x9FFFFFFF  }
0xc9: {  	(tm) =	ssettm $0x7FFFFFFF  }
tec
execute0_lowered:
.L_overlay_start_1:
0x0: {  	(tag) =	ssettag $0x1  }
0x1: {  	s1 =	rddreg [dreg:$0x0]  }
0x2: {  	s5 =	rddreg [dreg:$0x1]  }
0x3: {  	s6 =	rddreg [dreg:$0x2]  }
0x4: {  	s2 =	srdreg.scid;
	s0 =	rddreg [dreg:$0x3];
	s3 =	simm.s32 $0x0  }
0x5: {  	s14 =	simm.s32 $0x3700;
	s15 =	simm.s32 $0x1;
	s7 =	sand.u32 $0x1, s2  }
0x6: {  	s16 =	simm.s32 $0x2;
	s2 =	stileid.u32;
	s9 =	smul.u32 $0xEA600, s7  }
0x7: {  	s17 =	simm.s32 $0x0;
	[smem:$0x7FF] =	sst s3;
	s11 =	smul.u32 $0x4E200, s7  }
0x8: {  	s4 =	sshll.u32 s7, $0x4;
	_ =	strace $0x80000053;
	s13 =	smul.u32 $0xEA60, s2  }
0x9: {  	s7 =	ssub.s32 $0x2, s7;
	s29 =	smul.u32 $0x4E20, s2;
	s4 =	sor.u32 s2, s4  }
0xa: {  	s12 =	sshrl.u32 s7, $0x1;
	s8 =	smul.u32 $0x280, s4;
	s4 =	sadd.s32 $0x258A00, s6  }
0xb: {  	s9 =	sadd.s32 s9, s6;
	s11 =	sadd.s32 s11, s6;
	s7 =	ssub.s32 s7, s12  }
0xc: {  	s12 =	simm.s32 $0x28;
	s30 =	sadd.s32 s13, s9;
	s7 =	smax.u32 s7, $0x1  }
0xd: {  	s31 =	sadd.s32 s29, s11;
	s11 =	simm.s32 $0x1400;
	s13 =	simm.s32 $0x2800  }
0xe: {  	s10 =	sadd.s32 s8, s6;
	s5 =	sadd.s32 s5, s8;
	s8 =	sadd.s32 $0x2BBA00, s30  }
0xf: {  	s9 =	sadd.s32 $0x15200, s31;
	s6 =	sadd.s32 $0x10200, s10;
	s10 =	simm.s32 $0x3  }
.LBB2_1:
0x10: {  	[tilespmem:s3], [sflag:$0x3] =	stream.linear.gather [hbm4b:s5+s3], $0x1400, $0x38;
	[tilespmem:$0x3C00] =	vst v63  }
0x11: {  	_ =	swait.ge [sflag:s10], $0x1400  }
0x12: {  	[sflag:s10] =	ssyncset.done $0x0  }
0x13: {  	[sflag:s10] =	ssyncadd.s32 $0xFFFFEC00  }
0x14: {  	[tilespmem:s11], [sflag:$0x3] =	stream.linear.gather [hbm4b:s6+s3], $0x1400, $0x38;
	[tilespmem:$0x3C00] =	vst v63  }
0x15: {  	_ =	swait.ge [sflag:s10], $0x1400  }
0x16: {  	[sflag:s10] =	ssyncset.done $0x0  }
0x17: {  	s18 =	simm.s32 $0x0;
	[sflag:s10] =	ssyncadd.s32 $0xFFFFEC00  }
0x18: {  	[tilespmem:s13], [sflag:$0x1] =	stream.indirect.gather [hbm4b:s1+s12], $0x60, s18, s12, $0xb8;
	[tilespmem:$0x3C00] =	vst v63  }
0x19: {  	s30 =	simm.s32 $0x1400  }
0x1a: {  	[tilespmem:s14], [sflag:$0x2] =	stream.indirect.gather [hbm4b:s4+s12], $0x20, s30, s12, $0xb8;
	[tilespmem:$0x3C00] =	vst v63  }
0x1b: {  	_ =	swait.ge [sflag:s15], $0xF00  }
0x1c: {  	[sflag:s15] =	ssyncset.done $0x0  }
0x1d: {  	[sflag:s15] =	ssyncadd.s32 $0xFFFFF100  }
0x1e: {  	[hbm4b:s8+s3] =	stream.linear.scatter [tilespmem:s13], [sflag:$0x3], $0xF00, $0x38;
	[tilespmem:$0x3C00] =	vst v63  }
0x1f: {  	_ =	swait.ge [sflag:s10], $0xF00  }
0x20: {  	[sflag:s10] =	ssyncset.done $0x0  }
0x21: {  	[sflag:s10] =	ssyncadd.s32 $0xFFFFF100  }
0x22: {  	_ =	swait.ge [sflag:s16], $0x500  }
0x23: {  	[sflag:s16] =	ssyncset.done $0x0  }
0x24: {  	s31 =	sadd.s32 $0x0, s9;
	[sflag:s16] =	ssyncadd.s32 $0xFFFFFB00  }
0x25: {  	[hbm4b:s31+s3] =	stream.linear.scatter [tilespmem:s14], [sflag:$0x3], $0x500, $0x38;
	[tilespmem:$0x3C00] =	vst v63  }
0x26: {  	s20 =	simm.s32 $0x140;
	_ =	swait.ge [sflag:s10], $0x500  }
0x27: {  	s19 =	sadd.s32 $0x1E0, s8;
	s18 =	simm.s32 $0xA0;
	[sflag:s10] =	ssyncset.done $0x0  }
.LBB2_2:
0x28: {  	s21 =	sshra.s32 s18, $0x2  }
0x29: {  	[sflag:s10] =	ssyncadd.s32 $0xFFFFFB00;
	s22 =	smov.u32 s20;
	s23 =	sadd.s32 $0xA0, s20  }
0x2a: {  	[tilespmem:s13], [sflag:$0x1] =	stream.indirect.gather [hbm4b:s1+s12], $0x60, s21, s12, $0xb8;
	[tilespmem:$0x3C00] =	vst v63  }
0x2b: {  	p0 =	sne.s32 s20, $0x4D80;
	s20 =	sadd.s32 $0x1400, s21  }
0x2c: {  	[tilespmem:s14], [sflag:$0x2] =	stream.indirect.gather [hbm4b:s4+s12], $0x20, s20, s12, $0xb8;
	[tilespmem:$0x3C00] =	vst v63  }
0x2d: {  	_ =	swait.ge [sflag:s15], $0xF00  }
0x2e: {  	[sflag:s15] =	ssyncset.done $0x0  }
0x2f: {  	[sflag:s15] =	ssyncadd.s32 $0xFFFFF100  }
0x30: {  	[hbm4b:s19+s3] =	stream.linear.scatter [tilespmem:s13], [sflag:$0x3], $0xF00, $0x38;
	[tilespmem:$0x3C00] =	vst v63  }
0x31: {  	_ =	swait.ge [sflag:s10], $0xF00  }
0x32: {  	[sflag:s10] =	ssyncset.done $0x0  }
0x33: {  	[sflag:s10] =	ssyncadd.s32 $0xFFFFF100  }
0x34: {  	_ =	swait.ge [sflag:s16], $0x500  }
.Ltmp0:
0x35: {  	[sflag:s16] =	ssyncset.done $0x0;
	(pc) =	sbr.rel @p0 .LBB2_2-.Ltmp0, $4  }
0x36: {  	s20 =	sadd.s32 s18, s9;
	s18 =	smov.u32 s22;
	[sflag:s16] =	ssyncadd.s32 $0xFFFFFB00  }
0x37: {  	[hbm4b:s20+s3] =	stream.linear.scatter [tilespmem:s14], [sflag:$0x3], $0x500, $0x38;
	[tilespmem:$0x3C00] =	vst v63  }
0x38: {  	_ =	swait.ge [sflag:s10], $0x500  }
0x39: {  	s19 =	sadd.s32 $0x1E0, s19;
	s20 =	smov.u32 s23;
	[sflag:s10] =	ssyncset.done $0x0  }
0x3a: {  	s20 =	sshra.s32 s18, $0x2;
	[sflag:s10] =	ssyncadd.s32 $0xFFFFFB00  }
0x3b: {  	[tilespmem:s13], [sflag:$0x1] =	stream.indirect.gather [hbm4b:s1+s12], $0x60, s20, s12, $0xb8;
	[tilespmem:$0x3C00] =	vst v63  }
0x3c: {  	s20 =	sadd.s32 $0x1400, s20  }
0x3d: {  	[tilespmem:s14], [sflag:$0x2] =	stream.indirect.gather [hbm4b:s4+s12], $0x20, s20, s12, $0xb8;
	[tilespmem:$0x3C00] =	vst v63  }
0x3e: {  	_ =	swait.ge [sflag:s15], $0xF00  }
0x3f: {  	[sflag:s15] =	ssyncset.done $0x0  }
0x40: {  	[sflag:s15] =	ssyncadd.s32 $0xFFFFF100  }
0x41: {  	[hbm4b:s19+s3] =	stream.linear.scatter [tilespmem:s13], [sflag:$0x3], $0xF00, $0x38;
	[tilespmem:$0x3C00] =	vst v63  }
0x42: {  	_ =	swait.ge [sflag:s10], $0xF00  }
0x43: {  	[sflag:s10] =	ssyncset.done $0x0  }
0x44: {  	[sflag:s10] =	ssyncadd.s32 $0xFFFFF100  }
0x45: {  	s17 =	sadd.s32 $0x1, s17;
	_ =	swait.ge [sflag:s16], $0x500  }
0x46: {  	p0 =	sne.s32 s17, s7;
	[sflag:s16] =	ssyncset.done $0x0  }
.Ltmp1:
0x47: {  	s31 =	sadd.s32 s18, s9;
	[sflag:s16] =	ssyncadd.s32 $0xFFFFFB00;
	(pc) =	sbr.rel @p0 .LBB2_1-.Ltmp1, $4  }
0x48: {  	[hbm4b:s31+s3] =	stream.linear.scatter [tilespmem:s14], [sflag:$0x3], $0x500, $0x38;
	[tilespmem:$0x3C00] =	vst v63  }
0x49: {  	_ =	swait.ge [sflag:s10], $0x500  }
0x4a: {  	[sflag:s10] =	ssyncset.done $0x0  }
0x4b: {  	[sflag:s10] =	ssyncadd.s32 $0xFFFFFB00  }
0x4c: {  	_ =	sfence.sel $0x180000  }
0x4d: {  	[bflag:$0x0] =	sbarrier.arrive $0xFFFF  }
0x4e: {  	p0 =	sne.s32 s2, $0x0;
	_ =	strace $0x90000053  }
0x4f: {  	s0 =	sadd.s32 @!p0 $0x100000, s0;
	[bflag:$0x2] =	sbarrier.arrive $0xFFFF  }
0x50: {  	[sflag:s0] =	ssyncadd.tile.s32 @!p0 $0x1;
	_ =	shalt  }
.Lfunc_end2:
_tile_overlayer_lowered:
.L_overlay_start_2:
0x51: {  	(tag) =	ssettag $0x2  }
0x52: {  	s0 =	rddreg [dreg:$0x0];
	s2 =	stileid.u32  }
0x53: {  	s1 =	rddreg [dreg:$0x1];
	p0 =	sne.s32 s2, $0x0  }
0x54: {  	s3 =	rddreg [dreg:$0x2];
	[bflag:$0x3] =	sbarrier.arrive $0xFFFF;
	s2 =	simm.s32 @!p0 $0x1C03  }
0x55: {  	[timem:s3], [sflag:s2] =	dma.local @!p0 [hbm:s0], s1  }
0x56: {  	s0 =	simm.s32 @!p0 $0x3  }
0x57: {  	_ =	swait.ge @!p0 [sflag:s0], s1  }
0x58: {  	s1 =	ssub.s32 @!p0 $0x0, s1;
	[sflag:s0] =	ssyncset.done @!p0 $0x0  }
0x59: {  	[sflag:s0] =	ssyncadd.s32 @!p0 s1  }
0x5a: {  	[bflag:$0x3] =	sbarrier.arrive $0xFFFF  }
0x5b: {  	_ =	shalt  }

// kernel: kernel.43.cloned.1.call-start
scs
__scs_entry_jumppad:
0x0: {  	(pc) =	sbr.rel $0x88, $3  }
0x1: {  	(tag) =	ssettag $0x0;
	lr =	simm.s32 $0x1  }
0x2: {  	[smem:$0x3F74] =	sst lr;
	_ =	strace $0xD0000000  }
0x3: {  	_ = 	snop  }
0x4: {  	_ = 	snop  }
0x5: {  	_ = 	snop  }
0x6: {  	_ = 	snop  }
0x7: {  	_ = 	snop  }
__scs_overlays_trampoline_lowered:
0x8: {  	[smem:$0x3F83] =	sst s0  }
0x9: {  	[smem:$0x3F84] =	sst s1  }
0xa: {  	[smem:$0x3F85] =	sst s2  }
0xb: {  	[smem:$0x3F86] =	sst s3  }
0xc: {  	[smem:$0x3F87] =	sst s4  }
0xd: {  	[smem:$0x3F88] =	sst s5  }
0xe: {  	[smem:$0x3F89] =	sst s6  }
0xf: {  	[smem:$0x3F8A] =	sst s7  }
0x10: {  	[smem:$0x3F8B] =	sst s8  }
0x11: {  	[smem:$0x3F8C] =	sst s9;
	s0 =	simm.s32 @!p0 $0x0  }
0x12: {  	s1 =	sld [smem:$0x3F72];
	s0 =	simm.s32 @p0 $0x1  }
0x13: {  	[smem:$0x3F8D] =	sst s0;
	s0 =	simm.s32 @!p1 $0x0  }
0x14: {  	s2 =	sld [smem:$0x3F71];
	s0 =	simm.s32 @p1 $0x1  }
0x15: {  	[smem:$0x3F8E] =	sst s0;
	s0 =	simm.s32 @!p2 $0x0  }
0x16: {  	s3 =	sld [smem:$0x3FDB];
	s0 =	simm.s32 @p2 $0x1  }
0x17: {  	s4 =	simm.s32 $0x1BF5;
	[smem:$0x3F90] =	sst s0  }
0x18: {  	s0 =	sld [smem:$0x3F73];
	_ =	swait.ge [sflag:s4], $0x0  }
0x19: {  	s7 =	sld [smem:$0x3F74]  }
0x1a: {  	s8 =	sadd.s32 $0xFFFFE003, lr  }
0x1b: {  	s9 =	sadd.s32 $0xFFFFFEF7, lr;
	s5 =	simm.s32 $0xFFFFFFFF;
	p2 =	slt.u32 s8, $0xFFFFF086  }
0x1c: {  	p1 =	slt.u32 s9, $0xF7A;
	s5 =	simm.s32 @!p2 $0x0  }
0x1d: {  	s5 =	simm.s32 @p1 $0x1;
	p0 =	seq.s32 s7, s2  }
0x1e: {  	s7 =	smul.u32 @!p0 $0xF7A, s2;
	p2 =	seq.s32 @!p0 s5, $0x0  }
0x1f: {  	s9 =	smul.u32 $0xF7A, s1;
	s8 =	simm.s32 @!p0 $0x1BF5;
	p2 =	por !p2, p0  }
0x20: {  	[sflag:s8] =	ssyncset.s32 @!p0 $0xFFFFF086;
	s6 =	sadd.s32 @!p0 s3, s7;
	s7 =	simm.s32 @!p0 $0x108  }
0x21: {  	s3 =	sadd.s32 s3, s9;
	s6 =	sadd.s32 @!p0 $0x88, s6;
	s7 =	simm.s32 @p2 $0x1082  }
0x22: {  	[simem:s7], [sflag:s8] =	dma.local @!p0 [hbm:s6], $0xF7A  }
0x23: {  	s9 =	sor.u32 $0xD0000000, s2;
	s6 =	simm.s32 $0x108;
	_ =	swait.ge @!p0 [sflag:s8], $0x0  }
0x24: {  	s3 =	sadd.s32 $0x88, s3;
	s6 =	simm.s32 @!p1 $0x1082;
	[sflag:s4] =	ssyncset.s32 $0xFFFFF086  }
0x25: {  	[simem:s6], [sflag:s4] =	dma.local [hbm:s3], $0xF7A  }
0x26: {  	[smem:$0x3F74] =	sst s1;
	(tag) =	ssettag s2;
	_ =	strace s9  }
0x27: {  	s1 =	sld [smem:$0x3F84]  }
0x28: {  	s2 =	sld [smem:$0x3F85]  }
0x29: {  	s4 =	sld [smem:$0x3F87]  }
0x2a: {  	p0 =	seq.s32 s5, $0x0;
	s5 =	sld [smem:$0x3F88]  }
0x2b: {  	s6 =	sld [smem:$0x3F89]  }
0x2c: {  	s7 =	sld [smem:$0x3F8A]  }
0x2d: {  	s3 =	simm.s32 $0x108;
	s8 =	sld [smem:$0x3F8B]  }
0x2e: {  	s3 =	simm.s32 @!p0 $0x1082;
	s9 =	sld [smem:$0x3F8C]  }
0x2f: {  	lr =	sadd.s32 s0, s3;
	s0 =	sld [smem:$0x3F83]  }
0x30: {  	s3 =	sld [smem:$0x3F86]  }
0x31: {  	[smem:$0x3F8F] =	sst s10  }
0x32: {  	s10 =	sld [smem:$0x3F8D];
	_ =	sdelay $0x3  }
0x33: {  	p0 =	seq.s32 s10, $0x1;
	s10 =	sld [smem:$0x3F8F];
	_ =	sdelay $0x3  }
0x34: {  	[smem:$0x3F8F] =	sst s10  }
0x35: {  	s10 =	sld [smem:$0x3F8E];
	_ =	sdelay $0x3  }
0x36: {  	p1 =	seq.s32 s10, $0x1;
	s10 =	sld [smem:$0x3F8F];
	_ =	sdelay $0x3  }
0x37: {  	[smem:$0x3F8F] =	sst s10  }
0x38: {  	s10 =	sld [smem:$0x3F90]  }
0x39: {  	_ = 	snop;
	(pc) =	sbr.ind lr, $3  }
0x3a: {  	_ = 	snop  }
0x3b: {  	_ = 	snop  }
0x3c: {  	p2 =	seq.s32 s10, $0x1;
	s10 =	sld [smem:$0x3F8F]  }
0x3d: {  	_ =	shalt  }
0x3e: {  	_ =	shalt  }
0x3f: {  	_ =	shalt  }
0x40: {  	_ =	shalt  }
0x41: {  	_ =	shalt  }
0x42: {  	_ =	shalt  }
0x43: {  	_ =	shalt  }
0x44: {  	_ =	shalt  }
0x45: {  	_ =	shalt  }
0x46: {  	_ =	shalt  }
0x47: {  	_ =	shalt  }
0x48: {  	_ =	shalt  }
0x49: {  	_ =	shalt  }
0x4a: {  	_ =	shalt  }
0x4b: {  	_ =	shalt  }
0x4c: {  	_ =	shalt  }
0x4d: {  	_ =	shalt  }
0x4e: {  	_ =	shalt  }
0x4f: {  	_ =	shalt  }
0x50: {  	_ =	shalt  }
0x51: {  	_ =	shalt  }
0x52: {  	_ =	shalt  }
0x53: {  	_ =	shalt  }
0x54: {  	_ =	shalt  }
0x55: {  	_ =	shalt  }
0x56: {  	_ =	shalt  }
0x57: {  	_ =	shalt  }
0x58: {  	_ =	shalt  }
0x59: {  	_ =	shalt  }
0x5a: {  	_ =	shalt  }
0x5b: {  	_ =	shalt  }
0x5c: {  	_ =	shalt  }
0x5d: {  	_ =	shalt  }
0x5e: {  	_ =	shalt  }
0x5f: {  	_ =	shalt  }
0x60: {  	_ =	shalt  }
0x61: {  	_ =	shalt  }
0x62: {  	_ =	shalt  }
0x63: {  	_ =	shalt  }
0x64: {  	_ =	shalt  }
0x65: {  	_ =	shalt  }
0x66: {  	_ =	shalt  }
0x67: {  	_ =	shalt  }
0x68: {  	_ =	shalt  }
0x69: {  	_ =	shalt  }
0x6a: {  	_ =	shalt  }
0x6b: {  	_ =	shalt  }
0x6c: {  	_ =	shalt  }
0x6d: {  	_ =	shalt  }
0x6e: {  	_ =	shalt  }
0x6f: {  	_ =	shalt  }
0x70: {  	_ =	shalt  }
0x71: {  	_ =	shalt  }
0x72: {  	_ =	shalt  }
0x73: {  	_ =	shalt  }
0x74: {  	_ =	shalt  }
0x75: {  	_ =	shalt  }
0x76: {  	_ =	shalt  }
0x77: {  	_ =	shalt  }
0x78: {  	_ =	shalt  }
0x79: {  	_ =	shalt  }
0x7a: {  	_ =	shalt  }
0x7b: {  	_ =	shalt  }
0x7c: {  	_ =	shalt  }
0x7d: {  	_ =	shalt  }
0x7e: {  	_ =	shalt  }
0x7f: {  	_ =	shalt  }
0x80: {  	_ =	shalt  }
0x81: {  	_ =	shalt  }
0x82: {  	_ =	shalt  }
0x83: {  	_ =	shalt  }
0x84: {  	_ =	shalt  }
0x85: {  	_ =	shalt  }
0x86: {  	_ =	shalt  }
0x87: {  	_ =	shalt  }
.Lfunc_end0:
.L_simem_size_0:
called_computation.5_lowered:
.L_overlay_start_0:
0x88: {  	s2 =	sld [smem:$0x3FD9]  }
0x89: {  	s3 =	sld [smem:$0x3FFE];
	_ =	sdelay $0x1  }
0x8a: {  	s1 =	srdreg.scid  }
0x8b: {  	s0 =	sand.u32 $0x1, s1  }
0x8c: {  	s14 =	sshll.u32 s0, $0xA;
	s2 =	sadd.s32 s3, s2  }
0x8d: {  	s2 =	sadd.s32 s2, s14  }
0x8e: {  	[smem:$0x3F9B] =	sst s2  }
0x8f: {  	_ = 	snop  }
0x90: {  	s2 =	sld [smem:$0x3FD0];
	_ =	sdelay $0x2  }
0x91: {  	s15 =	simm.s32 $0xC;
	s4 =	simm.s32 $0x10  }
0x92: {  	[smem:s4], [sflag:s15] =	dma.local [hbm:s2], $0x1  }
0x93: {  	_ =	swait.eq [sflag:s15], $0x1  }
0x94: {  	[sflag:s15] =	ssyncset.done $0x0  }
0x95: {  	[sflag:s15] =	ssyncadd.s32 $0xFFFFFFFF  }
0x96: {  	s16 =	sld [smem:$0x10];
	(tm) =	ssettm $0x1  }
0x97: {  	s17 =	sld [smem:$0x3FFB];
	_ =	sdelay $0x3  }
0x98: {  	_ =	strace s17  }
0x99: {  	s3 =	sld [smem:$0x3FFC];
	_ =	sdelay $0x3  }
0x9a: {  	_ =	strace s3  }
0x9b: {  	s3 =	sld [smem:$0x3FFD];
	_ =	sdelay $0x3  }
0x9c: {  	_ =	strace s3  }
0x9d: {  	_ =	strace $0x8FFFFFFF  }
0x9e: {  	s18 =	sld [smem:$0x3FDB];
	_ =	sdelay $0x1  }
0x9f: {  	s19 =	simm.s32 $_scs_section_size  }
0xa0: {  	s5 =	simm.s32 $_size__tile_overlayer_lowered;
	s6 =	simm.s32 $_tile_overlayer_lowered  }
0xa1: {  	s22 =	simm.s32 $0x1BFF;
	s21 =	sshll.u32 s6, $0x1;
	s3 =	sadd.s32 s19, s18  }
0xa2: {  	s7 =	simm.s32 $0x0;
	s20 =	sshll.u32 s5, $0x1;
	s5 =	sadd.s32 s21, s3  }
0xa3: {  	[timem:s7], [sflag:s22] =	dma.local [hbm:s5], s20  }
0xa4: {  	_ =	swait.ge [sflag:s22], s20  }
0xa5: {  	s4 =	ssub.s32 $0x0, s20;
	[sflag:s22] =	ssyncset.done $0x0  }
0xa6: {  	[sflag:s22] =	ssyncadd.s32 s4;
	_ =	sdelay $0x1  }
0xa7: {  	s23 =	simm.s32 $0x1B8B  }
0xa8: {  	_ =	swait.ge [sflag:s23], $0x1  }
0xa9: {  	[sflag:s23] =	ssyncset.done $0x0  }
0xaa: {  	s25 =	simm.s32 $0x1B8E;
	s24 =	sld [smem:$0x3FFE];
	[sflag:s23] =	ssyncadd.s32 $0xFFFFFFFF  }
0xab: {  	s26 =	simm.s32 $execute0_lowered;
	[smem:$0x3FD2] =	sst s25  }
0xac: {  	s5 =	sshll.u32 s26, $0x1;
	_ =	strace $0x80000055;
	[dreg:$0x1] =	wrdreg $0xFFFFFFFF  }
0xad: {  	s28 =	simm.s32 $_size_execute0_lowered;
	s3 =	sadd.s32 s3, s5;
	[dreg:$0x0] =	wrdreg $0x0  }
0xae: {  	s5 =	sshll.u32 s28, $0x1;
	[dreg:$0x2] =	wrdreg s3  }
0xaf: {  	[dreg:$0x3] =	wrdreg s5  }
0xb0: {  	[dreg:$0x4] =	wrdreg $0xC0  }
0xb1: {  	_ =	task [dreg:s7], $0x5FFFF  }
0xb2: {  	[dreg:$0x1] =	wrdreg $0xFFFFFFFF  }
0xb3: {  	[dreg:$0x0] =	wrdreg $0x60  }
0xb4: {  	[dreg:$0x2] =	wrdreg s24  }
0xb5: {  	[dreg:$0x3] =	wrdreg s16  }
0xb6: {  	[dreg:$0x4] =	wrdreg $0x2D000  }
0xb7: {  	[dreg:$0x5] =	wrdreg $0x9  }
0xb8: {  	_ =	task.clear_ibuf [dreg:s7], $0x6FFFF;
	_ =	strace $0x90000055  }
0xb9: {  	s29 =	simm.s32 $0x9;
	_ =	strace $0x80000057  }
0xba: {  	_ =	swait.ge [sflag:s29], $0x1  }
0xbb: {  	[sflag:s29] =	ssyncadd.s32 $0xFFFFFFFF  }
0xbc: {  	_ =	strace $0x90000057  }
0xbd: {  	_ =	sfence  }
0xbe: {  	s30 =	sld [smem:$0x0];
	_ =	sdelay $0x2  }
0xbf: {  	s31 =	sshll.u32 s1, $0xD;
	s1 =	sshrl.u32 s1, $0x2  }
0xc0: {  	s3 =	sand.u32 $0x4000, s31;
	s1 =	sadd.s32 s1, s30  }
0xc1: {  	s0 =	sor.u32 s3, s0;
	s1 =	sshll.u32 s1, $0x11  }
0xc2: {  	s0 =	sor.u32 s1, s0  }
0xc3: {  	s0 =	sadd.s32 $0x8F2B, s0  }
0xc4: {  	[sflag:s0] =	ssyncadd.remote.s32 $0x1  }
0xc5: {  	_ =	sfence.sel $0xFFFF  }
0xc6: {  	[dreg:$0x0] =	wrdreg $0xFFFFFFFF;
	(pc) =	sbr.abs _section_cstart, $3  }
0xc7: {  	[dreg:$0x1] =	wrdreg $0xFFFFFFFF  }
0xc8: {  	_ =	task.clear_ibuf [dreg:s7], $0x2FFFF;
	_ =	strace $0x9FFFFFFF  }
0xc9: {  	(tm) =	ssettm $0x7FFFFFFF  }
tec
execute0_lowered:
.L_overlay_start_1:
0x0: {  	(tag) =	ssettag $0x1  }
0x1: {  	s4 =	rddreg [dreg:$0x0]  }
0x2: {  	s5 =	rddreg [dreg:$0x1]  }
0x3: {  	s1 =	rddreg [dreg:$0x2];
	s2 =	srdreg.scid  }
0x4: {  	s0 =	rddreg [dreg:$0x3];
	s3 =	simm.s32 $0x0;
	s6 =	sand.u32 $0x1, s2  }
0x5: {  	s13 =	simm.s32 $0x28;
	s2 =	stileid.u32;
	s7 =	smul.u32 $0x186A00, s6  }
0x6: {  	s14 =	simm.s32 $0x0;
	[smem:$0x7FF] =	sst s3;
	s9 =	smul.u32 $0x19000, s2  }
0x7: {  	s8 =	sshll.u32 s6, $0x4;
	s10 =	smul.u32 $0x190000, s6;
	_ =	strace $0x80000056  }
0x8: {  	s6 =	ssub.s32 $0x2, s6;
	s31 =	smul.u32 $0x186A0, s2;
	s8 =	sor.u32 s2, s8  }
0x9: {  	s30 =	sshll.u32 s2, $0x6;
	s28 =	sshrl.u32 s6, $0x1;
	s8 =	smul.u32 $0x280, s8  }
0xa: {  	s11 =	sadd.s32 s7, s4;
	s26 =	sadd.s32 s9, s10;
	s10 =	ssub.s32 s6, s28  }
0xb: {  	s12 =	sadd.s32 s9, s1;
	s29 =	sshrl.u32 s9, $0x3;
	s7 =	sshrl.u32 s26, $0x3  }
0xc: {  	s9 =	sadd.s32 s31, s11;
	s11 =	simm.s32 $0x1;
	s8 =	sadd.s32 s8, s4  }
0xd: {  	s7 =	sadd.s32 s7, s4;
	s4 =	sadd.s32 s5, s29;
	s5 =	sor.u32 $0x1C01, s30  }
0xe: {  	s9 =	sadd.s32 $0x2BBA00, s9;
	s6 =	sadd.s32 $0x10200, s8;
	s7 =	sadd.s32 $0x15200, s7  }
0xf: {  	s8 =	smax.u32 s10, $0x1;
	s10 =	sshrl.u32 s12, $0x3;
	s12 =	simm.s32 $0x1400  }
.LBB2_1:
0x10: {  	[spmem:s10], [sflag:s5] =	dma.local [hbm:s4], $0x3200  }
0x11: {  	_ =	swait.ge [sflag:s11], $0x3200  }
0x12: {  	[sflag:s11] =	ssyncset.done $0x0  }
0x13: {  	[sflag:s11] =	ssyncadd.s32 $0xFFFFCE00  }
0x14: {  	[tilespmem:s3], [sflag:$0x1] =	stream.linear.gather [hbm4b:s6+s3], $0x1400, $0x38;
	[tilespmem:$0x1BD00] =	vst v63  }
0x15: {  	_ =	swait.ge [sflag:s11], $0x1400  }
0x16: {  	[sflag:s11] =	ssyncset.done $0x0  }
0x17: {  	[sflag:s11] =	ssyncadd.s32 $0xFFFFEC00  }
0x18: {  	[bflag:$0x0] =	sbarrier.arrive $0xFFFF  }
0x19: {  	[tilespmem:s12], [sflag:$0x1] =	stream.linear.gather [hbm4b:s9+s3], $0x1900, $0x38;
	[tilespmem:$0x1BD00] =	vst v63  }
0x1a: {  	_ =	swait.ge [sflag:s11], $0x1900  }
0x1b: {  	[sflag:s11] =	ssyncset.done $0x0  }
0x1c: {  	s15 =	simm.s32 $0x0;
	[sflag:s11] =	ssyncadd.s32 $0xFFFFE700  }
0x1d: {  	[spmem:s1] =	stream.indirect.scatter.add.f32 [tilespmem:s12], [sflag:$0x1], $0xA0, s15, s13, $0xb8;
	[tilespmem:$0x1BD00] =	vst v63  }
0x1e: {  	_ =	swait.ge [sflag:s11], $0x1900  }
0x1f: {  	s16 =	smov.u32 s9;
	s15 =	simm.s32 $0xA0;
	[sflag:s11] =	ssyncset.done $0x0  }
.LBB2_2:
0x20: {  	p0 =	sne.s32 s15, $0x4D80;
	[sflag:s11] =	ssyncadd.s32 $0xFFFFE700;
	s16 =	sadd.s32 $0x320, s16  }
0x21: {  	[tilespmem:s12], [sflag:$0x1] =	stream.linear.gather [hbm4b:s16+s3], $0x1900, $0x38;
	[tilespmem:$0x1BD00] =	vst v63  }
0x22: {  	s17 =	smov.u32 s15;
	s15 =	sadd.s32 $0xA0, s15;
	_ =	swait.ge [sflag:s11], $0x1900  }
.Ltmp0:
0x23: {  	[sflag:s11] =	ssyncset.done $0x0;
	(pc) =	sbr.rel @p0 .LBB2_2-.Ltmp0, $4  }
0x24: {  	s17 =	sshra.s32 s17, $0x2;
	[sflag:s11] =	ssyncadd.s32 $0xFFFFE700  }
0x25: {  	[spmem:s1] =	stream.indirect.scatter.add.f32 [tilespmem:s12], [sflag:$0x1], $0xA0, s17, s13, $0xb8;
	[tilespmem:$0x1BD00] =	vst v63  }
0x26: {  	_ =	swait.ge [sflag:s11], $0x1900  }
0x27: {  	[sflag:s11] =	ssyncset.done $0x0  }
0x28: {  	s14 =	sadd.s32 $0x1, s14  }
0x29: {  	[sflag:s11] =	ssyncadd.s32 $0xFFFFE700;
	p0 =	sne.s32 s14, s8  }
.Ltmp1:
0x2a: {  	[bflag:$0x0] =	sbarrier.arrive $0xFFFF;
	(pc) =	sbr.rel @p0 .LBB2_1-.Ltmp1, $4  }
0x2b: {  	[hbm:s7], [sflag:s5] =	dma.local [spmem:s10], $0x3200  }
0x2c: {  	_ =	swait.ge [sflag:s11], $0x3200  }
0x2d: {  	[sflag:s11] =	ssyncset.done $0x0  }
0x2e: {  	[sflag:s11] =	ssyncadd.s32 $0xFFFFCE00  }
0x2f: {  	_ =	sfence.sel $0x180000  }
0x30: {  	[bflag:$0x0] =	sbarrier.arrive $0xFFFF  }
0x31: {  	p0 =	sne.s32 s2, $0x0;
	_ =	strace $0x90000056  }
0x32: {  	s0 =	sadd.s32 @!p0 $0x100000, s0;
	[bflag:$0x2] =	sbarrier.arrive $0xFFFF  }
0x33: {  	[sflag:s0] =	ssyncadd.tile.s32 @!p0 $0x1;
	_ =	shalt  }
.Lfunc_end2:
_tile_overlayer_lowered:
.L_overlay_start_2:
0x34: {  	(tag) =	ssettag $0x2  }
0x35: {  	s0 =	rddreg [dreg:$0x0];
	s2 =	stileid.u32  }
0x36: {  	s1 =	rddreg [dreg:$0x1];
	p0 =	sne.s32 s2, $0x0  }
0x37: {  	s3 =	rddreg [dreg:$0x2];
	[bflag:$0x3] =	sbarrier.arrive $0xFFFF;
	s2 =	simm.s32 @!p0 $0x1C01  }
0x38: {  	[timem:s3], [sflag:s2] =	dma.local @!p0 [hbm:s0], s1  }
0x39: {  	s0 =	simm.s32 @!p0 $0x1  }
0x3a: {  	_ =	swait.ge @!p0 [sflag:s0], s1  }
0x3b: {  	s1 =	ssub.s32 @!p0 $0x0, s1;
	[sflag:s0] =	ssyncset.done @!p0 $0x0  }
0x3c: {  	[sflag:s0] =	ssyncadd.s32 @!p0 s1  }
0x3d: {  	[bflag:$0x3] =	sbarrier.arrive $0xFFFF  }
0x3e: {  	_ =	shalt  }

// kernel: kernel.46.cloned.1.call-start
scs
__scs_entry_jumppad:
0x0: {  	(pc) =	sbr.rel $0x88, $3  }
0x1: {  	(tag) =	ssettag $0x0;
	lr =	simm.s32 $0x1  }
0x2: {  	[smem:$0x3F74] =	sst lr;
	_ =	strace $0xD0000000  }
0x3: {  	_ = 	snop  }
0x4: {  	_ = 	snop  }
0x5: {  	_ = 	snop  }
0x6: {  	_ = 	snop  }
0x7: {  	_ = 	snop  }
__scs_overlays_trampoline_lowered:
0x8: {  	[smem:$0x3F83] =	sst s0  }
0x9: {  	[smem:$0x3F84] =	sst s1  }
0xa: {  	[smem:$0x3F85] =	sst s2  }
0xb: {  	[smem:$0x3F86] =	sst s3  }
0xc: {  	[smem:$0x3F87] =	sst s4  }
0xd: {  	[smem:$0x3F88] =	sst s5  }
0xe: {  	[smem:$0x3F89] =	sst s6  }
0xf: {  	[smem:$0x3F8A] =	sst s7  }
0x10: {  	[smem:$0x3F8B] =	sst s8  }
0x11: {  	[smem:$0x3F8C] =	sst s9;
	s0 =	simm.s32 @!p0 $0x0  }
0x12: {  	s1 =	sld [smem:$0x3F72];
	s0 =	simm.s32 @p0 $0x1  }
0x13: {  	[smem:$0x3F8D] =	sst s0;
	s0 =	simm.s32 @!p1 $0x0  }
0x14: {  	s2 =	sld [smem:$0x3F71];
	s0 =	simm.s32 @p1 $0x1  }
0x15: {  	[smem:$0x3F8E] =	sst s0;
	s0 =	simm.s32 @!p2 $0x0  }
0x16: {  	s3 =	sld [smem:$0x3FDB];
	s0 =	simm.s32 @p2 $0x1  }
0x17: {  	s4 =	simm.s32 $0x1BF5;
	[smem:$0x3F90] =	sst s0  }
0x18: {  	s0 =	sld [smem:$0x3F73];
	_ =	swait.ge [sflag:s4], $0x0  }
0x19: {  	s7 =	sld [smem:$0x3F74]  }
0x1a: {  	s8 =	sadd.s32 $0xFFFFE003, lr  }
0x1b: {  	s9 =	sadd.s32 $0xFFFFFEF7, lr;
	s5 =	simm.s32 $0xFFFFFFFF;
	p2 =	slt.u32 s8, $0xFFFFF086  }
0x1c: {  	p1 =	slt.u32 s9, $0xF7A;
	s5 =	simm.s32 @!p2 $0x0  }
0x1d: {  	s5 =	simm.s32 @p1 $0x1;
	p0 =	seq.s32 s7, s2  }
0x1e: {  	s7 =	smul.u32 @!p0 $0xF7A, s2;
	p2 =	seq.s32 @!p0 s5, $0x0  }
0x1f: {  	s9 =	smul.u32 $0xF7A, s1;
	s8 =	simm.s32 @!p0 $0x1BF5;
	p2 =	por !p2, p0  }
0x20: {  	[sflag:s8] =	ssyncset.s32 @!p0 $0xFFFFF086;
	s6 =	sadd.s32 @!p0 s3, s7;
	s7 =	simm.s32 @!p0 $0x108  }
0x21: {  	s3 =	sadd.s32 s3, s9;
	s6 =	sadd.s32 @!p0 $0x88, s6;
	s7 =	simm.s32 @p2 $0x1082  }
0x22: {  	[simem:s7], [sflag:s8] =	dma.local @!p0 [hbm:s6], $0xF7A  }
0x23: {  	s9 =	sor.u32 $0xD0000000, s2;
	s6 =	simm.s32 $0x108;
	_ =	swait.ge @!p0 [sflag:s8], $0x0  }
0x24: {  	s3 =	sadd.s32 $0x88, s3;
	s6 =	simm.s32 @!p1 $0x1082;
	[sflag:s4] =	ssyncset.s32 $0xFFFFF086  }
0x25: {  	[simem:s6], [sflag:s4] =	dma.local [hbm:s3], $0xF7A  }
0x26: {  	[smem:$0x3F74] =	sst s1;
	(tag) =	ssettag s2;
	_ =	strace s9  }
0x27: {  	s1 =	sld [smem:$0x3F84]  }
0x28: {  	s2 =	sld [smem:$0x3F85]  }
0x29: {  	s4 =	sld [smem:$0x3F87]  }
0x2a: {  	p0 =	seq.s32 s5, $0x0;
	s5 =	sld [smem:$0x3F88]  }
0x2b: {  	s6 =	sld [smem:$0x3F89]  }
0x2c: {  	s7 =	sld [smem:$0x3F8A]  }
0x2d: {  	s3 =	simm.s32 $0x108;
	s8 =	sld [smem:$0x3F8B]  }
0x2e: {  	s3 =	simm.s32 @!p0 $0x1082;
	s9 =	sld [smem:$0x3F8C]  }
0x2f: {  	lr =	sadd.s32 s0, s3;
	s0 =	sld [smem:$0x3F83]  }
0x30: {  	s3 =	sld [smem:$0x3F86]  }
0x31: {  	[smem:$0x3F8F] =	sst s10  }
0x32: {  	s10 =	sld [smem:$0x3F8D];
	_ =	sdelay $0x3  }
0x33: {  	p0 =	seq.s32 s10, $0x1;
	s10 =	sld [smem:$0x3F8F];
	_ =	sdelay $0x3  }
0x34: {  	[smem:$0x3F8F] =	sst s10  }
0x35: {  	s10 =	sld [smem:$0x3F8E];
	_ =	sdelay $0x3  }
0x36: {  	p1 =	seq.s32 s10, $0x1;
	s10 =	sld [smem:$0x3F8F];
	_ =	sdelay $0x3  }
0x37: {  	[smem:$0x3F8F] =	sst s10  }
0x38: {  	s10 =	sld [smem:$0x3F90]  }
0x39: {  	_ = 	snop;
	(pc) =	sbr.ind lr, $3  }
0x3a: {  	_ = 	snop  }
0x3b: {  	_ = 	snop  }
0x3c: {  	p2 =	seq.s32 s10, $0x1;
	s10 =	sld [smem:$0x3F8F]  }
0x3d: {  	_ =	shalt  }
0x3e: {  	_ =	shalt  }
0x3f: {  	_ =	shalt  }
0x40: {  	_ =	shalt  }
0x41: {  	_ =	shalt  }
0x42: {  	_ =	shalt  }
0x43: {  	_ =	shalt  }
0x44: {  	_ =	shalt  }
0x45: {  	_ =	shalt  }
0x46: {  	_ =	shalt  }
0x47: {  	_ =	shalt  }
0x48: {  	_ =	shalt  }
0x49: {  	_ =	shalt  }
0x4a: {  	_ =	shalt  }
0x4b: {  	_ =	shalt  }
0x4c: {  	_ =	shalt  }
0x4d: {  	_ =	shalt  }
0x4e: {  	_ =	shalt  }
0x4f: {  	_ =	shalt  }
0x50: {  	_ =	shalt  }
0x51: {  	_ =	shalt  }
0x52: {  	_ =	shalt  }
0x53: {  	_ =	shalt  }
0x54: {  	_ =	shalt  }
0x55: {  	_ =	shalt  }
0x56: {  	_ =	shalt  }
0x57: {  	_ =	shalt  }
0x58: {  	_ =	shalt  }
0x59: {  	_ =	shalt  }
0x5a: {  	_ =	shalt  }
0x5b: {  	_ =	shalt  }
0x5c: {  	_ =	shalt  }
0x5d: {  	_ =	shalt  }
0x5e: {  	_ =	shalt  }
0x5f: {  	_ =	shalt  }
0x60: {  	_ =	shalt  }
0x61: {  	_ =	shalt  }
0x62: {  	_ =	shalt  }
0x63: {  	_ =	shalt  }
0x64: {  	_ =	shalt  }
0x65: {  	_ =	shalt  }
0x66: {  	_ =	shalt  }
0x67: {  	_ =	shalt  }
0x68: {  	_ =	shalt  }
0x69: {  	_ =	shalt  }
0x6a: {  	_ =	shalt  }
0x6b: {  	_ =	shalt  }
0x6c: {  	_ =	shalt  }
0x6d: {  	_ =	shalt  }
0x6e: {  	_ =	shalt  }
0x6f: {  	_ =	shalt  }
0x70: {  	_ =	shalt  }
0x71: {  	_ =	shalt  }
0x72: {  	_ =	shalt  }
0x73: {  	_ =	shalt  }
0x74: {  	_ =	shalt  }
0x75: {  	_ =	shalt  }
0x76: {  	_ =	shalt  }
0x77: {  	_ =	shalt  }
0x78: {  	_ =	shalt  }
0x79: {  	_ =	shalt  }
0x7a: {  	_ =	shalt  }
0x7b: {  	_ =	shalt  }
0x7c: {  	_ =	shalt  }
0x7d: {  	_ =	shalt  }
0x7e: {  	_ =	shalt  }
0x7f: {  	_ =	shalt  }
0x80: {  	_ =	shalt  }
0x81: {  	_ =	shalt  }
0x82: {  	_ =	shalt  }
0x83: {  	_ =	shalt  }
0x84: {  	_ =	shalt  }
0x85: {  	_ =	shalt  }
0x86: {  	_ =	shalt  }
0x87: {  	_ =	shalt  }
.Lfunc_end0:
.L_simem_size_0:
called_computation.6_lowered:
.L_overlay_start_0:
0x88: {  	s2 =	sld [smem:$0x3FD9]  }
0x89: {  	s3 =	sld [smem:$0x3FFE];
	_ =	sdelay $0x1  }
0x8a: {  	s1 =	srdreg.scid  }
0x8b: {  	s0 =	sand.u32 $0x1, s1  }
0x8c: {  	s14 =	sshll.u32 s0, $0xA;
	s2 =	sadd.s32 s3, s2  }
0x8d: {  	s2 =	sadd.s32 s2, s14  }
0x8e: {  	[smem:$0x3F9B] =	sst s2  }
0x8f: {  	_ = 	snop  }
0x90: {  	s2 =	sld [smem:$0x3FD0];
	_ =	sdelay $0x2  }
0x91: {  	s15 =	simm.s32 $0xC;
	s4 =	simm.s32 $0x10  }
0x92: {  	[smem:s4], [sflag:s15] =	dma.local [hbm:s2], $0x1  }
0x93: {  	_ =	swait.eq [sflag:s15], $0x1  }
0x94: {  	[sflag:s15] =	ssyncset.done $0x0  }
0x95: {  	s16 =	sld [smem:$0x10];
	[sflag:s15] =	ssyncadd.s32 $0xFFFFFFFF  }
0x96: {  	s17 =	sld [smem:$0x11];
	(tm) =	ssettm $0x1  }
0x97: {  	s18 =	sld [smem:$0x3FFB];
	_ =	sdelay $0x3  }
0x98: {  	_ =	strace s18  }
0x99: {  	s4 =	sld [smem:$0x3FFC];
	_ =	sdelay $0x3  }
0x9a: {  	_ =	strace s4  }
0x9b: {  	s4 =	sld [smem:$0x3FFD];
	_ =	sdelay $0x3  }
0x9c: {  	_ =	strace s4  }
0x9d: {  	_ =	strace $0x8FFFFFFF  }
0x9e: {  	s19 =	sld [smem:$0x3FDB];
	_ =	sdelay $0x1  }
0x9f: {  	s5 =	simm.s32 $_scs_section_size  }
0xa0: {  	s6 =	simm.s32 $_size__tile_overlayer_lowered;
	s7 =	simm.s32 $_tile_overlayer_lowered  }
0xa1: {  	s22 =	simm.s32 $0x1BFF;
	s21 =	sshll.u32 s7, $0x1;
	s4 =	sadd.s32 s5, s19  }
0xa2: {  	s8 =	simm.s32 $0x0;
	s20 =	sshll.u32 s6, $0x1;
	s6 =	sadd.s32 s21, s4  }
0xa3: {  	[timem:s8], [sflag:s22] =	dma.local [hbm:s6], s20  }
0xa4: {  	_ =	swait.ge [sflag:s22], s20  }
0xa5: {  	s5 =	ssub.s32 $0x0, s20;
	[sflag:s22] =	ssyncset.done $0x0  }
0xa6: {  	[sflag:s22] =	ssyncadd.s32 s5;
	_ =	sdelay $0x1  }
0xa7: {  	s23 =	simm.s32 $0x1B8B  }
0xa8: {  	_ =	swait.ge [sflag:s23], $0x1  }
0xa9: {  	[sflag:s23] =	ssyncset.done $0x0  }
0xaa: {  	s25 =	simm.s32 $0x1B8E;
	s24 =	sld [smem:$0x3FFE];
	[sflag:s23] =	ssyncadd.s32 $0xFFFFFFFF  }
0xab: {  	s26 =	simm.s32 $execute0_lowered;
	[smem:$0x3FD2] =	sst s25  }
0xac: {  	s6 =	sshll.u32 s26, $0x1;
	_ =	strace $0x80000058;
	[dreg:$0x1] =	wrdreg $0xFFFFFFFF  }
0xad: {  	s28 =	simm.s32 $_size_execute0_lowered;
	s4 =	sadd.s32 s4, s6;
	[dreg:$0x0] =	wrdreg $0x0  }
0xae: {  	s6 =	sshll.u32 s28, $0x1;
	[dreg:$0x2] =	wrdreg s4  }
0xaf: {  	[dreg:$0x3] =	wrdreg s6  }
0xb0: {  	[dreg:$0x4] =	wrdreg $0xC0  }
0xb1: {  	_ =	task [dreg:s8], $0x5FFFF  }
0xb2: {  	[dreg:$0x1] =	wrdreg $0xFFFFFFFF  }
0xb3: {  	[dreg:$0x0] =	wrdreg $0x60  }
0xb4: {  	[dreg:$0x2] =	wrdreg s16  }
0xb5: {  	[dreg:$0x3] =	wrdreg s17  }
0xb6: {  	[dreg:$0x4] =	wrdreg s24  }
0xb7: {  	[dreg:$0x5] =	wrdreg $0x9  }
0xb8: {  	_ =	task.clear_ibuf [dreg:s8], $0x6FFFF;
	_ =	strace $0x90000058  }
0xb9: {  	s29 =	simm.s32 $0x9;
	_ =	strace $0x8000005A  }
0xba: {  	_ =	swait.ge [sflag:s29], $0x1  }
0xbb: {  	[sflag:s29] =	ssyncadd.s32 $0xFFFFFFFF  }
0xbc: {  	_ =	strace $0x9000005A  }
0xbd: {  	_ =	sfence  }
0xbe: {  	s30 =	sld [smem:$0x0];
	_ =	sdelay $0x2  }
0xbf: {  	s31 =	sshll.u32 s1, $0xD;
	s1 =	sshrl.u32 s1, $0x2  }
0xc0: {  	s3 =	sand.u32 $0x4000, s31;
	s1 =	sadd.s32 s1, s30  }
0xc1: {  	s0 =	sor.u32 s3, s0;
	s1 =	sshll.u32 s1, $0x11  }
0xc2: {  	s0 =	sor.u32 s1, s0  }
0xc3: {  	s0 =	sadd.s32 $0x8F2B, s0  }
0xc4: {  	[sflag:s0] =	ssyncadd.remote.s32 $0x1  }
0xc5: {  	_ =	sfence.sel $0xFFFF  }
0xc6: {  	[dreg:$0x0] =	wrdreg $0xFFFFFFFF;
	(pc) =	sbr.abs _section_cstart, $3  }
0xc7: {  	[dreg:$0x1] =	wrdreg $0xFFFFFFFF  }
0xc8: {  	_ =	task.clear_ibuf [dreg:s8], $0x2FFFF;
	_ =	strace $0x9FFFFFFF  }
0xc9: {  	(tm) =	ssettm $0x7FFFFFFF  }
tec
execute0_lowered:
.L_overlay_start_1:
0x0: {  	(tag) =	ssettag $0x1  }
0x1: {  	s1 =	rddreg [dreg:$0x0]  }
0x2: {  	s5 =	rddreg [dreg:$0x1]  }
0x3: {  	s6 =	rddreg [dreg:$0x2]  }
0x4: {  	s2 =	srdreg.scid;
	s0 =	rddreg [dreg:$0x3];
	s3 =	simm.s32 $0x0  }
0x5: {  	s14 =	simm.s32 $0x4100;
	s15 =	simm.s32 $0x1;
	s7 =	sand.u32 $0x1, s2  }
0x6: {  	s16 =	simm.s32 $0x2;
	s2 =	stileid.u32;
	s9 =	smul.u32 $0x186A00, s7  }
0x7: {  	s17 =	simm.s32 $0x0;
	[smem:$0x7FF] =	sst s3;
	s11 =	smul.u32 $0x4E200, s7  }
0x8: {  	s4 =	sshll.u32 s7, $0x4;
	_ =	strace $0x80000059;
	s13 =	smul.u32 $0x186A0, s2  }
0x9: {  	s7 =	ssub.s32 $0x2, s7;
	s29 =	smul.u32 $0x4E20, s2;
	s4 =	sor.u32 s2, s4  }
0xa: {  	s12 =	sshrl.u32 s7, $0x1;
	s8 =	smul.u32 $0x280, s4;
	s4 =	sadd.s32 $0x231800, s6  }
0xb: {  	s9 =	sadd.s32 s9, s6;
	s11 =	sadd.s32 s11, s6;
	s7 =	ssub.s32 s7, s12  }
0xc: {  	s12 =	simm.s32 $0x28;
	s30 =	sadd.s32 s13, s9;
	s7 =	smax.u32 s7, $0x1  }
0xd: {  	s31 =	sadd.s32 s29, s11;
	s11 =	simm.s32 $0x1400;
	s13 =	simm.s32 $0x2800  }
0xe: {  	s10 =	sadd.s32 s8, s6;
	s5 =	sadd.s32 s5, s8;
	s8 =	sadd.s32 $0x2BBA00, s30  }
0xf: {  	s9 =	sadd.s32 $0x63400, s31;
	s6 =	sadd.s32 $0x10200, s10;
	s10 =	simm.s32 $0x3  }
.LBB2_1:
0x10: {  	[tilespmem:s3], [sflag:$0x3] =	stream.linear.gather [hbm4b:s5+s3], $0x1400, $0x38;
	[tilespmem:$0x4600] =	vst v63  }
0x11: {  	_ =	swait.ge [sflag:s10], $0x1400  }
0x12: {  	[sflag:s10] =	ssyncset.done $0x0  }
0x13: {  	[sflag:s10] =	ssyncadd.s32 $0xFFFFEC00  }
0x14: {  	[tilespmem:s11], [sflag:$0x3] =	stream.linear.gather [hbm4b:s6+s3], $0x1400, $0x38;
	[tilespmem:$0x4600] =	vst v63  }
0x15: {  	_ =	swait.ge [sflag:s10], $0x1400  }
0x16: {  	[sflag:s10] =	ssyncset.done $0x0  }
0x17: {  	s18 =	simm.s32 $0x0;
	[sflag:s10] =	ssyncadd.s32 $0xFFFFEC00  }
0x18: {  	[tilespmem:s13], [sflag:$0x1] =	stream.indirect.gather [hbm4b:s1+s12], $0xA0, s18, s12, $0xb8;
	[tilespmem:$0x4600] =	vst v63  }
0x19: {  	s30 =	simm.s32 $0x1400  }
0x1a: {  	[tilespmem:s14], [sflag:$0x2] =	stream.indirect.gather [hbm4b:s4+s12], $0x20, s30, s12, $0xb8;
	[tilespmem:$0x4600] =	vst v63  }
0x1b: {  	_ =	swait.ge [sflag:s15], $0x1900  }
0x1c: {  	[sflag:s15] =	ssyncset.done $0x0  }
0x1d: {  	[sflag:s15] =	ssyncadd.s32 $0xFFFFE700  }
0x1e: {  	[hbm4b:s8+s3] =	stream.linear.scatter [tilespmem:s13], [sflag:$0x3], $0x1900, $0x38;
	[tilespmem:$0x4600] =	vst v63  }
0x1f: {  	_ =	swait.ge [sflag:s10], $0x1900  }
0x20: {  	[sflag:s10] =	ssyncset.done $0x0  }
0x21: {  	[sflag:s10] =	ssyncadd.s32 $0xFFFFE700  }
0x22: {  	_ =	swait.ge [sflag:s16], $0x500  }
0x23: {  	[sflag:s16] =	ssyncset.done $0x0  }
0x24: {  	s31 =	sadd.s32 $0x0, s9;
	[sflag:s16] =	ssyncadd.s32 $0xFFFFFB00  }
0x25: {  	[hbm4b:s31+s3] =	stream.linear.scatter [tilespmem:s14], [sflag:$0x3], $0x500, $0x38;
	[tilespmem:$0x4600] =	vst v63  }
0x26: {  	s20 =	simm.s32 $0x140;
	_ =	swait.ge [sflag:s10], $0x500  }
0x27: {  	s19 =	sadd.s32 $0x320, s8;
	s18 =	simm.s32 $0xA0;
	[sflag:s10] =	ssyncset.done $0x0  }
.LBB2_2:
0x28: {  	s21 =	sshra.s32 s18, $0x2  }
0x29: {  	[sflag:s10] =	ssyncadd.s32 $0xFFFFFB00;
	s22 =	smov.u32 s20;
	s23 =	sadd.s32 $0xA0, s20  }
0x2a: {  	[tilespmem:s13], [sflag:$0x1] =	stream.indirect.gather [hbm4b:s1+s12], $0xA0, s21, s12, $0xb8;
	[tilespmem:$0x4600] =	vst v63  }
0x2b: {  	p0 =	sne.s32 s20, $0x4D80;
	s20 =	sadd.s32 $0x1400, s21  }
0x2c: {  	[tilespmem:s14], [sflag:$0x2] =	stream.indirect.gather [hbm4b:s4+s12], $0x20, s20, s12, $0xb8;
	[tilespmem:$0x4600] =	vst v63  }
0x2d: {  	_ =	swait.ge [sflag:s15], $0x1900  }
0x2e: {  	[sflag:s15] =	ssyncset.done $0x0  }
0x2f: {  	[sflag:s15] =	ssyncadd.s32 $0xFFFFE700  }
0x30: {  	[hbm4b:s19+s3] =	stream.linear.scatter [tilespmem:s13], [sflag:$0x3], $0x1900, $0x38;
	[tilespmem:$0x4600] =	vst v63  }
0x31: {  	_ =	swait.ge [sflag:s10], $0x1900  }
0x32: {  	[sflag:s10] =	ssyncset.done $0x0  }
0x33: {  	[sflag:s10] =	ssyncadd.s32 $0xFFFFE700  }
0x34: {  	_ =	swait.ge [sflag:s16], $0x500  }
.Ltmp0:
0x35: {  	[sflag:s16] =	ssyncset.done $0x0;
	(pc) =	sbr.rel @p0 .LBB2_2-.Ltmp0, $4  }
0x36: {  	s20 =	sadd.s32 s18, s9;
	s18 =	smov.u32 s22;
	[sflag:s16] =	ssyncadd.s32 $0xFFFFFB00  }
0x37: {  	[hbm4b:s20+s3] =	stream.linear.scatter [tilespmem:s14], [sflag:$0x3], $0x500, $0x38;
	[tilespmem:$0x4600] =	vst v63  }
0x38: {  	_ =	swait.ge [sflag:s10], $0x500  }
0x39: {  	s19 =	sadd.s32 $0x320, s19;
	s20 =	smov.u32 s23;
	[sflag:s10] =	ssyncset.done $0x0  }
0x3a: {  	s20 =	sshra.s32 s18, $0x2;
	[sflag:s10] =	ssyncadd.s32 $0xFFFFFB00  }
0x3b: {  	[tilespmem:s13], [sflag:$0x1] =	stream.indirect.gather [hbm4b:s1+s12], $0xA0, s20, s12, $0xb8;
	[tilespmem:$0x4600] =	vst v63  }
0x3c: {  	s20 =	sadd.s32 $0x1400, s20  }
0x3d: {  	[tilespmem:s14], [sflag:$0x2] =	stream.indirect.gather [hbm4b:s4+s12], $0x20, s20, s12, $0xb8;
	[tilespmem:$0x4600] =	vst v63  }
0x3e: {  	_ =	swait.ge [sflag:s15], $0x1900  }
0x3f: {  	[sflag:s15] =	ssyncset.done $0x0  }
0x40: {  	[sflag:s15] =	ssyncadd.s32 $0xFFFFE700  }
0x41: {  	[hbm4b:s19+s3] =	stream.linear.scatter [tilespmem:s13], [sflag:$0x3], $0x1900, $0x38;
	[tilespmem:$0x4600] =	vst v63  }
0x42: {  	_ =	swait.ge [sflag:s10], $0x1900  }
0x43: {  	[sflag:s10] =	ssyncset.done $0x0  }
0x44: {  	[sflag:s10] =	ssyncadd.s32 $0xFFFFE700  }
0x45: {  	s17 =	sadd.s32 $0x1, s17;
	_ =	swait.ge [sflag:s16], $0x500  }
0x46: {  	p0 =	sne.s32 s17, s7;
	[sflag:s16] =	ssyncset.done $0x0  }
.Ltmp1:
0x47: {  	s31 =	sadd.s32 s18, s9;
	[sflag:s16] =	ssyncadd.s32 $0xFFFFFB00;
	(pc) =	sbr.rel @p0 .LBB2_1-.Ltmp1, $4  }
0x48: {  	[hbm4b:s31+s3] =	stream.linear.scatter [tilespmem:s14], [sflag:$0x3], $0x500, $0x38;
	[tilespmem:$0x4600] =	vst v63  }
0x49: {  	_ =	swait.ge [sflag:s10], $0x500  }
0x4a: {  	[sflag:s10] =	ssyncset.done $0x0  }
0x4b: {  	[sflag:s10] =	ssyncadd.s32 $0xFFFFFB00  }
0x4c: {  	_ =	sfence.sel $0x180000  }
0x4d: {  	[bflag:$0x0] =	sbarrier.arrive $0xFFFF  }
0x4e: {  	p0 =	sne.s32 s2, $0x0;
	_ =	strace $0x90000059  }
0x4f: {  	s0 =	sadd.s32 @!p0 $0x100000, s0;
	[bflag:$0x2] =	sbarrier.arrive $0xFFFF  }
0x50: {  	[sflag:s0] =	ssyncadd.tile.s32 @!p0 $0x1;
	_ =	shalt  }
.Lfunc_end2:
_tile_overlayer_lowered:
.L_overlay_start_2:
0x51: {  	(tag) =	ssettag $0x2  }
0x52: {  	s0 =	rddreg [dreg:$0x0];
	s2 =	stileid.u32  }
0x53: {  	s1 =	rddreg [dreg:$0x1];
	p0 =	sne.s32 s2, $0x0  }
0x54: {  	s3 =	rddreg [dreg:$0x2];
	[bflag:$0x3] =	sbarrier.arrive $0xFFFF;
	s2 =	simm.s32 @!p0 $0x1C03  }
0x55: {  	[timem:s3], [sflag:s2] =	dma.local @!p0 [hbm:s0], s1  }
0x56: {  	s0 =	simm.s32 @!p0 $0x3  }
0x57: {  	_ =	swait.ge @!p0 [sflag:s0], s1  }
0x58: {  	s1 =	ssub.s32 @!p0 $0x0, s1;
	[sflag:s0] =	ssyncset.done @!p0 $0x0  }
0x59: {  	[sflag:s0] =	ssyncadd.s32 @!p0 s1  }
0x5a: {  	[bflag:$0x3] =	sbarrier.arrive $0xFFFF  }
0x5b: {  	_ =	shalt  }

// kernel: kernel.49.cloned.1.call-start
scs
__scs_entry_jumppad:
0x0: {  	(pc) =	sbr.rel $0x88, $3  }
0x1: {  	(tag) =	ssettag $0x0;
	lr =	simm.s32 $0x1  }
0x2: {  	[smem:$0x3F74] =	sst lr;
	_ =	strace $0xD0000000  }
0x3: {  	_ = 	snop  }
0x4: {  	_ = 	snop  }
0x5: {  	_ = 	snop  }
0x6: {  	_ = 	snop  }
0x7: {  	_ = 	snop  }
__scs_overlays_trampoline_lowered:
0x8: {  	[smem:$0x3F83] =	sst s0  }
0x9: {  	[smem:$0x3F84] =	sst s1  }
0xa: {  	[smem:$0x3F85] =	sst s2  }
0xb: {  	[smem:$0x3F86] =	sst s3  }
0xc: {  	[smem:$0x3F87] =	sst s4  }
0xd: {  	[smem:$0x3F88] =	sst s5  }
0xe: {  	[smem:$0x3F89] =	sst s6  }
0xf: {  	[smem:$0x3F8A] =	sst s7  }
0x10: {  	[smem:$0x3F8B] =	sst s8  }
0x11: {  	[smem:$0x3F8C] =	sst s9;
	s0 =	simm.s32 @!p0 $0x0  }
0x12: {  	s1 =	sld [smem:$0x3F72];
	s0 =	simm.s32 @p0 $0x1  }
0x13: {  	[smem:$0x3F8D] =	sst s0;
	s0 =	simm.s32 @!p1 $0x0  }
0x14: {  	s2 =	sld [smem:$0x3F71];
	s0 =	simm.s32 @p1 $0x1  }
0x15: {  	[smem:$0x3F8E] =	sst s0;
	s0 =	simm.s32 @!p2 $0x0  }
0x16: {  	s3 =	sld [smem:$0x3FDB];
	s0 =	simm.s32 @p2 $0x1  }
0x17: {  	s4 =	simm.s32 $0x1BF5;
	[smem:$0x3F90] =	sst s0  }
0x18: {  	s0 =	sld [smem:$0x3F73];
	_ =	swait.ge [sflag:s4], $0x0  }
0x19: {  	s7 =	sld [smem:$0x3F74]  }
0x1a: {  	s8 =	sadd.s32 $0xFFFFE003, lr  }
0x1b: {  	s9 =	sadd.s32 $0xFFFFFEF7, lr;
	s5 =	simm.s32 $0xFFFFFFFF;
	p2 =	slt.u32 s8, $0xFFFFF086  }
0x1c: {  	p1 =	slt.u32 s9, $0xF7A;
	s5 =	simm.s32 @!p2 $0x0  }
0x1d: {  	s5 =	simm.s32 @p1 $0x1;
	p0 =	seq.s32 s7, s2  }
0x1e: {  	s7 =	smul.u32 @!p0 $0xF7A, s2;
	p2 =	seq.s32 @!p0 s5, $0x0  }
0x1f: {  	s9 =	smul.u32 $0xF7A, s1;
	s8 =	simm.s32 @!p0 $0x1BF5;
	p2 =	por !p2, p0  }
0x20: {  	[sflag:s8] =	ssyncset.s32 @!p0 $0xFFFFF086;
	s6 =	sadd.s32 @!p0 s3, s7;
	s7 =	simm.s32 @!p0 $0x108  }
0x21: {  	s3 =	sadd.s32 s3, s9;
	s6 =	sadd.s32 @!p0 $0x88, s6;
	s7 =	simm.s32 @p2 $0x1082  }
0x22: {  	[simem:s7], [sflag:s8] =	dma.local @!p0 [hbm:s6], $0xF7A  }
0x23: {  	s9 =	sor.u32 $0xD0000000, s2;
	s6 =	simm.s32 $0x108;
	_ =	swait.ge @!p0 [sflag:s8], $0x0  }
0x24: {  	s3 =	sadd.s32 $0x88, s3;
	s6 =	simm.s32 @!p1 $0x1082;
	[sflag:s4] =	ssyncset.s32 $0xFFFFF086  }
0x25: {  	[simem:s6], [sflag:s4] =	dma.local [hbm:s3], $0xF7A  }
0x26: {  	[smem:$0x3F74] =	sst s1;
	(tag) =	ssettag s2;
	_ =	strace s9  }
0x27: {  	s1 =	sld [smem:$0x3F84]  }
0x28: {  	s2 =	sld [smem:$0x3F85]  }
0x29: {  	s4 =	sld [smem:$0x3F87]  }
0x2a: {  	p0 =	seq.s32 s5, $0x0;
	s5 =	sld [smem:$0x3F88]  }
0x2b: {  	s6 =	sld [smem:$0x3F89]  }
0x2c: {  	s7 =	sld [smem:$0x3F8A]  }
0x2d: {  	s3 =	simm.s32 $0x108;
	s8 =	sld [smem:$0x3F8B]  }
0x2e: {  	s3 =	simm.s32 @!p0 $0x1082;
	s9 =	sld [smem:$0x3F8C]  }
0x2f: {  	lr =	sadd.s32 s0, s3;
	s0 =	sld [smem:$0x3F83]  }
0x30: {  	s3 =	sld [smem:$0x3F86]  }
0x31: {  	[smem:$0x3F8F] =	sst s10  }
0x32: {  	s10 =	sld [smem:$0x3F8D];
	_ =	sdelay $0x3  }
0x33: {  	p0 =	seq.s32 s10, $0x1;
	s10 =	sld [smem:$0x3F8F];
	_ =	sdelay $0x3  }
0x34: {  	[smem:$0x3F8F] =	sst s10  }
0x35: {  	s10 =	sld [smem:$0x3F8E];
	_ =	sdelay $0x3  }
0x36: {  	p1 =	seq.s32 s10, $0x1;
	s10 =	sld [smem:$0x3F8F];
	_ =	sdelay $0x3  }
0x37: {  	[smem:$0x3F8F] =	sst s10  }
0x38: {  	s10 =	sld [smem:$0x3F90]  }
0x39: {  	_ = 	snop;
	(pc) =	sbr.ind lr, $3  }
0x3a: {  	_ = 	snop  }
0x3b: {  	_ = 	snop  }
0x3c: {  	p2 =	seq.s32 s10, $0x1;
	s10 =	sld [smem:$0x3F8F]  }
0x3d: {  	_ =	shalt  }
0x3e: {  	_ =	shalt  }
0x3f: {  	_ =	shalt  }
0x40: {  	_ =	shalt  }
0x41: {  	_ =	shalt  }
0x42: {  	_ =	shalt  }
0x43: {  	_ =	shalt  }
0x44: {  	_ =	shalt  }
0x45: {  	_ =	shalt  }
0x46: {  	_ =	shalt  }
0x47: {  	_ =	shalt  }
0x48: {  	_ =	shalt  }
0x49: {  	_ =	shalt  }
0x4a: {  	_ =	shalt  }
0x4b: {  	_ =	shalt  }
0x4c: {  	_ =	shalt  }
0x4d: {  	_ =	shalt  }
0x4e: {  	_ =	shalt  }
0x4f: {  	_ =	shalt  }
0x50: {  	_ =	shalt  }
0x51: {  	_ =	shalt  }
0x52: {  	_ =	shalt  }
0x53: {  	_ =	shalt  }
0x54: {  	_ =	shalt  }
0x55: {  	_ =	shalt  }
0x56: {  	_ =	shalt  }
0x57: {  	_ =	shalt  }
0x58: {  	_ =	shalt  }
0x59: {  	_ =	shalt  }
0x5a: {  	_ =	shalt  }
0x5b: {  	_ =	shalt  }
0x5c: {  	_ =	shalt  }
0x5d: {  	_ =	shalt  }
0x5e: {  	_ =	shalt  }
0x5f: {  	_ =	shalt  }
0x60: {  	_ =	shalt  }
0x61: {  	_ =	shalt  }
0x62: {  	_ =	shalt  }
0x63: {  	_ =	shalt  }
0x64: {  	_ =	shalt  }
0x65: {  	_ =	shalt  }
0x66: {  	_ =	shalt  }
0x67: {  	_ =	shalt  }
0x68: {  	_ =	shalt  }
0x69: {  	_ =	shalt  }
0x6a: {  	_ =	shalt  }
0x6b: {  	_ =	shalt  }
0x6c: {  	_ =	shalt  }
0x6d: {  	_ =	shalt  }
0x6e: {  	_ =	shalt  }
0x6f: {  	_ =	shalt  }
0x70: {  	_ =	shalt  }
0x71: {  	_ =	shalt  }
0x72: {  	_ =	shalt  }
0x73: {  	_ =	shalt  }
0x74: {  	_ =	shalt  }
0x75: {  	_ =	shalt  }
0x76: {  	_ =	shalt  }
0x77: {  	_ =	shalt  }
0x78: {  	_ =	shalt  }
0x79: {  	_ =	shalt  }
0x7a: {  	_ =	shalt  }
0x7b: {  	_ =	shalt  }
0x7c: {  	_ =	shalt  }
0x7d: {  	_ =	shalt  }
0x7e: {  	_ =	shalt  }
0x7f: {  	_ =	shalt  }
0x80: {  	_ =	shalt  }
0x81: {  	_ =	shalt  }
0x82: {  	_ =	shalt  }
0x83: {  	_ =	shalt  }
0x84: {  	_ =	shalt  }
0x85: {  	_ =	shalt  }
0x86: {  	_ =	shalt  }
0x87: {  	_ =	shalt  }
.Lfunc_end0:
.L_simem_size_0:
called_computation.7_lowered:
.L_overlay_start_0:
0x88: {  	s2 =	sld [smem:$0x3FD9]  }
0x89: {  	s3 =	sld [smem:$0x3FFE];
	_ =	sdelay $0x1  }
0x8a: {  	s1 =	srdreg.scid  }
0x8b: {  	s0 =	sand.u32 $0x1, s1  }
0x8c: {  	s16 =	sshll.u32 s0, $0xA;
	s2 =	sadd.s32 s3, s2  }
0x8d: {  	s2 =	sadd.s32 s2, s16  }
0x8e: {  	[smem:$0x3F9B] =	sst s2  }
0x8f: {  	_ = 	snop  }
0x90: {  	(tm) =	ssettm $0x1  }
0x91: {  	s17 =	sld [smem:$0x3FFB];
	_ =	sdelay $0x3  }
0x92: {  	_ =	strace s17  }
0x93: {  	s2 =	sld [smem:$0x3FFC];
	_ =	sdelay $0x3  }
0x94: {  	_ =	strace s2  }
0x95: {  	s2 =	sld [smem:$0x3FFD];
	_ =	sdelay $0x3  }
0x96: {  	_ =	strace s2  }
0x97: {  	_ =	strace $0x8FFFFFFF  }
0x98: {  	s18 =	sld [smem:$0x3FDB];
	_ =	sdelay $0x1  }
0x99: {  	s19 =	simm.s32 $_scs_section_size  }
0x9a: {  	s4 =	simm.s32 $_size__tile_overlayer_lowered;
	s5 =	simm.s32 $_tile_overlayer_lowered  }
0x9b: {  	s22 =	simm.s32 $0x1BFF;
	s21 =	sshll.u32 s5, $0x1;
	s2 =	sadd.s32 s19, s18  }
0x9c: {  	s6 =	simm.s32 $0x0;
	s20 =	sshll.u32 s4, $0x1;
	s4 =	sadd.s32 s21, s2  }
0x9d: {  	[timem:s6], [sflag:s22] =	dma.local [hbm:s4], s20  }
0x9e: {  	_ =	swait.ge [sflag:s22], s20  }
0x9f: {  	s3 =	ssub.s32 $0x0, s20;
	[sflag:s22] =	ssyncset.done $0x0  }
0xa0: {  	[sflag:s22] =	ssyncadd.s32 s3;
	_ =	sdelay $0x1  }
0xa1: {  	s23 =	simm.s32 $0x1B8B  }
0xa2: {  	_ =	swait.ge [sflag:s23], $0x1  }
0xa3: {  	[sflag:s23] =	ssyncset.done $0x0  }
0xa4: {  	s25 =	simm.s32 $0x1B8E;
	s24 =	sld [smem:$0x3FFE];
	[sflag:s23] =	ssyncadd.s32 $0xFFFFFFFF  }
0xa5: {  	s26 =	simm.s32 $execute0_lowered;
	[smem:$0x3FD2] =	sst s25  }
0xa6: {  	s4 =	sshll.u32 s26, $0x1;
	_ =	strace $0x8000005B;
	[dreg:$0x1] =	wrdreg $0xFFFFFFFF  }
0xa7: {  	s28 =	simm.s32 $_size_execute0_lowered;
	s2 =	sadd.s32 s2, s4;
	[dreg:$0x0] =	wrdreg $0x0  }
0xa8: {  	s4 =	sshll.u32 s28, $0x1;
	[dreg:$0x2] =	wrdreg s2  }
0xa9: {  	[dreg:$0x3] =	wrdreg s4  }
0xaa: {  	[dreg:$0x4] =	wrdreg $0xC0  }
0xab: {  	_ =	task [dreg:s6], $0x5FFFF  }
0xac: {  	[dreg:$0x1] =	wrdreg $0xFFFFFFFF  }
0xad: {  	[dreg:$0x0] =	wrdreg $0x60  }
0xae: {  	[dreg:$0x2] =	wrdreg s24  }
0xaf: {  	[dreg:$0x3] =	wrdreg $0x23000  }
0xb0: {  	[dreg:$0x4] =	wrdreg $0x9  }
0xb1: {  	_ =	task.clear_ibuf [dreg:s6], $0x5FFFF;
	_ =	strace $0x9000005B  }
0xb2: {  	s29 =	simm.s32 $0x9;
	_ =	strace $0x8000005D  }
0xb3: {  	_ =	swait.ge [sflag:s29], $0x1  }
0xb4: {  	[sflag:s29] =	ssyncadd.s32 $0xFFFFFFFF  }
0xb5: {  	_ =	strace $0x9000005D  }
0xb6: {  	_ =	sfence  }
0xb7: {  	s30 =	sld [smem:$0x0];
	_ =	sdelay $0x2  }
0xb8: {  	s31 =	sshll.u32 s1, $0xD;
	s1 =	sshrl.u32 s1, $0x2  }
0xb9: {  	s3 =	sand.u32 $0x4000, s31;
	s1 =	sadd.s32 s1, s30  }
0xba: {  	s0 =	sor.u32 s3, s0;
	s1 =	sshll.u32 s1, $0x11  }
0xbb: {  	s0 =	sor.u32 s1, s0  }
0xbc: {  	s0 =	sadd.s32 $0x8F2B, s0  }
0xbd: {  	[sflag:s0] =	ssyncadd.remote.s32 $0x1  }
0xbe: {  	_ =	sfence.sel $0xFFFF  }
0xbf: {  	[dreg:$0x0] =	wrdreg $0xFFFFFFFF;
	(pc) =	sbr.abs _section_cstart, $3  }
0xc0: {  	[dreg:$0x1] =	wrdreg $0xFFFFFFFF  }
0xc1: {  	_ =	task.clear_ibuf [dreg:s6], $0x2FFFF;
	_ =	strace $0x9FFFFFFF  }
0xc2: {  	(tm) =	ssettm $0x7FFFFFFF  }
0xc3: {  	_ =	shalt  }
tec
execute0_lowered:
.L_overlay_start_1:
0x0: {  	(tag) =	ssettag $0x1  }
0x1: {  	s5 =	rddreg [dreg:$0x0]  }
0x2: {  	s0 =	srdreg.scid;
	s2 =	rddreg [dreg:$0x1]  }
0x3: {  	s3 =	simm.s32 $0x0;
	s14 =	simm.s32 $0x1400;
	s4 =	sand.u32 $0x1, s0  }
0x4: {  	s15 =	simm.s32 $0x28;
	s0 =	stileid.u32;
	s6 =	smul.u32 $0x1D4C00, s4  }
0x5: {  	s16 =	simm.s32 $0x0;
	[smem:$0x7FF] =	sst s3;
	s8 =	smul.u32 $0xF000, s0  }
0x6: {  	s1 =	sshll.u32 s4, $0x4;
	s9 =	smul.u32 $0xF0000, s4;
	s4 =	ssub.s32 $0x2, s4  }
0x7: {  	s30 =	sshll.u32 s0, $0x6;
	s12 =	smul.u32 $0x1D4C0, s0;
	s1 =	sor.u32 s0, s1  }
0x8: {  	s29 =	sshrl.u32 s4, $0x1;
	s7 =	smul.u32 $0x280, s1;
	s1 =	rddreg [dreg:$0x2]  }
0x9: {  	_ =	strace $0x8000005C;
	s10 =	sadd.s32 s6, s5;
	s26 =	sadd.s32 s8, s9  }
0xa: {  	s28 =	sshrl.u32 s8, $0x3;
	s11 =	ssub.s32 s4, s29;
	s13 =	sadd.s32 s8, s2  }
0xb: {  	s9 =	sadd.s32 s28, s5;
	s31 =	sadd.s32 s12, s10;
	s8 =	smax.u32 s11, $0x1  }
0xc: {  	s10 =	sshrl.u32 s13, $0x3;
	s11 =	simm.s32 $0x1;
	s12 =	simm.s32 $0x60  }
0xd: {  	s13 =	simm.s32 $0xC0;
	s25 =	sadd.s32 s7, s5;
	s7 =	sshrl.u32 s26, $0x3  }
0xe: {  	s4 =	sadd.s32 $0x213800, s9;
	s9 =	sadd.s32 $0x2BBA00, s31;
	s7 =	sadd.s32 s7, s5  }
0xf: {  	s5 =	sor.u32 $0x1C01, s30;
	s6 =	sadd.s32 $0x10200, s25;
	s7 =	sadd.s32 $0x231800, s7  }
.LBB2_1:
0x10: {  	[spmem:s10], [sflag:s5] =	dma.local [hbm:s4], $0x1E00  }
0x11: {  	_ =	swait.ge [sflag:s11], $0x1E00  }
0x12: {  	[sflag:s11] =	ssyncset.done $0x0  }
0x13: {  	[sflag:s11] =	ssyncadd.s32 $0xFFFFE200  }
0x14: {  	[tilespmem:s3], [sflag:$0x1] =	stream.linear.gather [hbm4b:s6+s3], $0x1400, $0x38;
	[tilespmem:$0x11300] =	vst v63  }
0x15: {  	_ =	swait.ge [sflag:s11], $0x1400  }
0x16: {  	[sflag:s11] =	ssyncset.done $0x0  }
0x17: {  	[sflag:s11] =	ssyncadd.s32 $0xFFFFEC00  }
0x18: {  	[bflag:$0x0] =	sbarrier.arrive $0xFFFF  }
0x19: {  	[tilespmem:s14], [sflag:$0x1] =	stream.strided.gather [hbm4b:s9+s12], $0xF00, s13, s12, $0x38;
	[tilespmem:$0x11300] =	vst v63  }
0x1a: {  	_ =	swait.ge [sflag:s11], $0xF00  }
0x1b: {  	[sflag:s11] =	ssyncset.done $0x0  }
0x1c: {  	s17 =	simm.s32 $0x0;
	[sflag:s11] =	ssyncadd.s32 $0xFFFFF100  }
0x1d: {  	[spmem:s2] =	stream.indirect.scatter.add.f32 [tilespmem:s14], [sflag:$0x1], $0x60, s17, s15, $0xb8;
	[tilespmem:$0x11300] =	vst v63  }
0x1e: {  	_ =	swait.ge [sflag:s11], $0xF00  }
0x1f: {  	s18 =	smov.u32 s9;
	s17 =	simm.s32 $0xA0;
	[sflag:s11] =	ssyncset.done $0x0  }
.LBB2_2:
0x20: {  	p0 =	sne.s32 s17, $0x4D80;
	[sflag:s11] =	ssyncadd.s32 $0xFFFFF100;
	s18 =	sadd.s32 $0x3C0, s18  }
0x21: {  	[tilespmem:s14], [sflag:$0x1] =	stream.strided.gather [hbm4b:s18+s12], $0xF00, s13, s12, $0x38;
	[tilespmem:$0x11300] =	vst v63  }
0x22: {  	s19 =	smov.u32 s17;
	s17 =	sadd.s32 $0xA0, s17;
	_ =	swait.ge [sflag:s11], $0xF00  }
.Ltmp0:
0x23: {  	[sflag:s11] =	ssyncset.done $0x0;
	(pc) =	sbr.rel @p0 .LBB2_2-.Ltmp0, $4  }
0x24: {  	s19 =	sshra.s32 s19, $0x2;
	[sflag:s11] =	ssyncadd.s32 $0xFFFFF100  }
0x25: {  	[spmem:s2] =	stream.indirect.scatter.add.f32 [tilespmem:s14], [sflag:$0x1], $0x60, s19, s15, $0xb8;
	[tilespmem:$0x11300] =	vst v63  }
0x26: {  	_ =	swait.ge [sflag:s11], $0xF00  }
0x27: {  	[sflag:s11] =	ssyncset.done $0x0  }
0x28: {  	s16 =	sadd.s32 $0x1, s16  }
0x29: {  	[sflag:s11] =	ssyncadd.s32 $0xFFFFF100;
	p0 =	sne.s32 s16, s8  }
.Ltmp1:
0x2a: {  	[bflag:$0x0] =	sbarrier.arrive $0xFFFF;
	(pc) =	sbr.rel @p0 .LBB2_1-.Ltmp1, $4  }
0x2b: {  	[hbm:s7], [sflag:s5] =	dma.local [spmem:s10], $0x1E00  }
0x2c: {  	_ =	swait.ge [sflag:s11], $0x1E00  }
0x2d: {  	[sflag:s11] =	ssyncset.done $0x0  }
0x2e: {  	[sflag:s11] =	ssyncadd.s32 $0xFFFFE200  }
0x2f: {  	_ =	sfence.sel $0x180000  }
0x30: {  	[bflag:$0x0] =	sbarrier.arrive $0xFFFF  }
0x31: {  	p0 =	sne.s32 s0, $0x0;
	_ =	strace $0x9000005C  }
0x32: {  	s0 =	sadd.s32 @!p0 $0x100000, s1;
	[bflag:$0x2] =	sbarrier.arrive $0xFFFF  }
0x33: {  	[sflag:s0] =	ssyncadd.tile.s32 @!p0 $0x1;
	_ =	shalt  }
.Lfunc_end2:
_tile_overlayer_lowered:
.L_overlay_start_2:
0x34: {  	(tag) =	ssettag $0x2  }
0x35: {  	s0 =	rddreg [dreg:$0x0];
	s2 =	stileid.u32  }
0x36: {  	s1 =	rddreg [dreg:$0x1];
	p0 =	sne.s32 s2, $0x0  }
0x37: {  	s3 =	rddreg [dreg:$0x2];
	[bflag:$0x3] =	sbarrier.arrive $0xFFFF;
	s2 =	simm.s32 @!p0 $0x1C01  }
0x38: {  	[timem:s3], [sflag:s2] =	dma.local @!p0 [hbm:s0], s1  }
0x39: {  	s0 =	simm.s32 @!p0 $0x1  }
0x3a: {  	_ =	swait.ge @!p0 [sflag:s0], s1  }
0x3b: {  	s1 =	ssub.s32 @!p0 $0x0, s1;
	[sflag:s0] =	ssyncset.done @!p0 $0x0  }
0x3c: {  	[sflag:s0] =	ssyncadd.s32 @!p0 s1  }
0x3d: {  	[bflag:$0x3] =	sbarrier.arrive $0xFFFF  }
0x3e: {  	_ =	shalt  }

// kernel: kernel.52.cloned.1.call-start
scs
__scs_entry_jumppad:
0x0: {  	(pc) =	sbr.rel $0x88, $3  }
0x1: {  	(tag) =	ssettag $0x0;
	lr =	simm.s32 $0x1  }
0x2: {  	[smem:$0x3F74] =	sst lr;
	_ =	strace $0xD0000000  }
0x3: {  	_ = 	snop  }
0x4: {  	_ = 	snop  }
0x5: {  	_ = 	snop  }
0x6: {  	_ = 	snop  }
0x7: {  	_ = 	snop  }
__scs_overlays_trampoline_lowered:
0x8: {  	[smem:$0x3F83] =	sst s0  }
0x9: {  	[smem:$0x3F84] =	sst s1  }
0xa: {  	[smem:$0x3F85] =	sst s2  }
0xb: {  	[smem:$0x3F86] =	sst s3  }
0xc: {  	[smem:$0x3F87] =	sst s4  }
0xd: {  	[smem:$0x3F88] =	sst s5  }
0xe: {  	[smem:$0x3F89] =	sst s6  }
0xf: {  	[smem:$0x3F8A] =	sst s7  }
0x10: {  	[smem:$0x3F8B] =	sst s8  }
0x11: {  	[smem:$0x3F8C] =	sst s9;
	s0 =	simm.s32 @!p0 $0x0  }
0x12: {  	s1 =	sld [smem:$0x3F72];
	s0 =	simm.s32 @p0 $0x1  }
0x13: {  	[smem:$0x3F8D] =	sst s0;
	s0 =	simm.s32 @!p1 $0x0  }
0x14: {  	s2 =	sld [smem:$0x3F71];
	s0 =	simm.s32 @p1 $0x1  }
0x15: {  	[smem:$0x3F8E] =	sst s0;
	s0 =	simm.s32 @!p2 $0x0  }
0x16: {  	s3 =	sld [smem:$0x3FDB];
	s0 =	simm.s32 @p2 $0x1  }
0x17: {  	s4 =	simm.s32 $0x1BF5;
	[smem:$0x3F90] =	sst s0  }
0x18: {  	s0 =	sld [smem:$0x3F73];
	_ =	swait.ge [sflag:s4], $0x0  }
0x19: {  	s7 =	sld [smem:$0x3F74]  }
0x1a: {  	s8 =	sadd.s32 $0xFFFFE003, lr  }
0x1b: {  	s9 =	sadd.s32 $0xFFFFFEF7, lr;
	s5 =	simm.s32 $0xFFFFFFFF;
	p2 =	slt.u32 s8, $0xFFFFF086  }
0x1c: {  	p1 =	slt.u32 s9, $0xF7A;
	s5 =	simm.s32 @!p2 $0x0  }
0x1d: {  	s5 =	simm.s32 @p1 $0x1;
	p0 =	seq.s32 s7, s2  }
0x1e: {  	s7 =	smul.u32 @!p0 $0xF7A, s2;
	p2 =	seq.s32 @!p0 s5, $0x0  }
0x1f: {  	s9 =	smul.u32 $0xF7A, s1;
	s8 =	simm.s32 @!p0 $0x1BF5;
	p2 =	por !p2, p0  }
0x20: {  	[sflag:s8] =	ssyncset.s32 @!p0 $0xFFFFF086;
	s6 =	sadd.s32 @!p0 s3, s7;
	s7 =	simm.s32 @!p0 $0x108  }
0x21: {  	s3 =	sadd.s32 s3, s9;
	s6 =	sadd.s32 @!p0 $0x88, s6;
	s7 =	simm.s32 @p2 $0x1082  }
0x22: {  	[simem:s7], [sflag:s8] =	dma.local @!p0 [hbm:s6], $0xF7A  }
0x23: {  	s9 =	sor.u32 $0xD0000000, s2;
	s6 =	simm.s32 $0x108;
	_ =	swait.ge @!p0 [sflag:s8], $0x0  }
0x24: {  	s3 =	sadd.s32 $0x88, s3;
	s6 =	simm.s32 @!p1 $0x1082;
	[sflag:s4] =	ssyncset.s32 $0xFFFFF086  }
0x25: {  	[simem:s6], [sflag:s4] =	dma.local [hbm:s3], $0xF7A  }
0x26: {  	[smem:$0x3F74] =	sst s1;
	(tag) =	ssettag s2;
	_ =	strace s9  }
0x27: {  	s1 =	sld [smem:$0x3F84]  }
0x28: {  	s2 =	sld [smem:$0x3F85]  }
0x29: {  	s4 =	sld [smem:$0x3F87]  }
0x2a: {  	p0 =	seq.s32 s5, $0x0;
	s5 =	sld [smem:$0x3F88]  }
0x2b: {  	s6 =	sld [smem:$0x3F89]  }
0x2c: {  	s7 =	sld [smem:$0x3F8A]  }
0x2d: {  	s3 =	simm.s32 $0x108;
	s8 =	sld [smem:$0x3F8B]  }
0x2e: {  	s3 =	simm.s32 @!p0 $0x1082;
	s9 =	sld [smem:$0x3F8C]  }
0x2f: {  	lr =	sadd.s32 s0, s3;
	s0 =	sld [smem:$0x3F83]  }
0x30: {  	s3 =	sld [smem:$0x3F86]  }
0x31: {  	[smem:$0x3F8F] =	sst s10  }
0x32: {  	s10 =	sld [smem:$0x3F8D];
	_ =	sdelay $0x3  }
0x33: {  	p0 =	seq.s32 s10, $0x1;
	s10 =	sld [smem:$0x3F8F];
	_ =	sdelay $0x3  }
0x34: {  	[smem:$0x3F8F] =	sst s10  }
0x35: {  	s10 =	sld [smem:$0x3F8E];
	_ =	sdelay $0x3  }
0x36: {  	p1 =	seq.s32 s10, $0x1;
	s10 =	sld [smem:$0x3F8F];
	_ =	sdelay $0x3  }
0x37: {  	[smem:$0x3F8F] =	sst s10  }
0x38: {  	s10 =	sld [smem:$0x3F90]  }
0x39: {  	_ = 	snop;
	(pc) =	sbr.ind lr, $3  }
0x3a: {  	_ = 	snop  }
0x3b: {  	_ = 	snop  }
0x3c: {  	p2 =	seq.s32 s10, $0x1;
	s10 =	sld [smem:$0x3F8F]  }
0x3d: {  	_ =	shalt  }
0x3e: {  	_ =	shalt  }
0x3f: {  	_ =	shalt  }
0x40: {  	_ =	shalt  }
0x41: {  	_ =	shalt  }
0x42: {  	_ =	shalt  }
0x43: {  	_ =	shalt  }
0x44: {  	_ =	shalt  }
0x45: {  	_ =	shalt  }
0x46: {  	_ =	shalt  }
0x47: {  	_ =	shalt  }
0x48: {  	_ =	shalt  }
0x49: {  	_ =	shalt  }
0x4a: {  	_ =	shalt  }
0x4b: {  	_ =	shalt  }
0x4c: {  	_ =	shalt  }
0x4d: {  	_ =	shalt  }
0x4e: {  	_ =	shalt  }
0x4f: {  	_ =	shalt  }
0x50: {  	_ =	shalt  }
0x51: {  	_ =	shalt  }
0x52: {  	_ =	shalt  }
0x53: {  	_ =	shalt  }
0x54: {  	_ =	shalt  }
0x55: {  	_ =	shalt  }
0x56: {  	_ =	shalt  }
0x57: {  	_ =	shalt  }
0x58: {  	_ =	shalt  }
0x59: {  	_ =	shalt  }
0x5a: {  	_ =	shalt  }
0x5b: {  	_ =	shalt  }
0x5c: {  	_ =	shalt  }
0x5d: {  	_ =	shalt  }
0x5e: {  	_ =	shalt  }
0x5f: {  	_ =	shalt  }
0x60: {  	_ =	shalt  }
0x61: {  	_ =	shalt  }
0x62: {  	_ =	shalt  }
0x63: {  	_ =	shalt  }
0x64: {  	_ =	shalt  }
0x65: {  	_ =	shalt  }
0x66: {  	_ =	shalt  }
0x67: {  	_ =	shalt  }
0x68: {  	_ =	shalt  }
0x69: {  	_ =	shalt  }
0x6a: {  	_ =	shalt  }
0x6b: {  	_ =	shalt  }
0x6c: {  	_ =	shalt  }
0x6d: {  	_ =	shalt  }
0x6e: {  	_ =	shalt  }
0x6f: {  	_ =	shalt  }
0x70: {  	_ =	shalt  }
0x71: {  	_ =	shalt  }
0x72: {  	_ =	shalt  }
0x73: {  	_ =	shalt  }
0x74: {  	_ =	shalt  }
0x75: {  	_ =	shalt  }
0x76: {  	_ =	shalt  }
0x77: {  	_ =	shalt  }
0x78: {  	_ =	shalt  }
0x79: {  	_ =	shalt  }
0x7a: {  	_ =	shalt  }
0x7b: {  	_ =	shalt  }
0x7c: {  	_ =	shalt  }
0x7d: {  	_ =	shalt  }
0x7e: {  	_ =	shalt  }
0x7f: {  	_ =	shalt  }
0x80: {  	_ =	shalt  }
0x81: {  	_ =	shalt  }
0x82: {  	_ =	shalt  }
0x83: {  	_ =	shalt  }
0x84: {  	_ =	shalt  }
0x85: {  	_ =	shalt  }
0x86: {  	_ =	shalt  }
0x87: {  	_ =	shalt  }
.Lfunc_end0:
.L_simem_size_0:
called_computation.8_lowered:
.L_overlay_start_0:
0x88: {  	s2 =	sld [smem:$0x3FD9]  }
0x89: {  	s3 =	sld [smem:$0x3FFE];
	_ =	sdelay $0x1  }
0x8a: {  	s1 =	srdreg.scid  }
0x8b: {  	s0 =	sand.u32 $0x1, s1  }
0x8c: {  	s17 =	sshll.u32 s0, $0xA;
	s2 =	sadd.s32 s3, s2  }
0x8d: {  	s2 =	sadd.s32 s2, s17  }
0x8e: {  	[smem:$0x3F9B] =	sst s2  }
0x8f: {  	_ = 	snop  }
0x90: {  	(tm) =	ssettm $0x1  }
0x91: {  	s18 =	sld [smem:$0x3FFB];
	_ =	sdelay $0x3  }
0x92: {  	_ =	strace s18  }
0x93: {  	s2 =	sld [smem:$0x3FFC];
	_ =	sdelay $0x3  }
0x94: {  	_ =	strace s2  }
0x95: {  	s2 =	sld [smem:$0x3FFD];
	_ =	sdelay $0x3  }
0x96: {  	_ =	strace s2  }
0x97: {  	_ =	strace $0x8FFFFFFF  }
0x98: {  	s19 =	sld [smem:$0x3FDB];
	_ =	sdelay $0x1  }
0x99: {  	s20 =	simm.s32 $_scs_section_size  }
0x9a: {  	s4 =	simm.s32 $_size__tile_overlayer_lowered;
	s5 =	simm.s32 $_tile_overlayer_lowered  }
0x9b: {  	s6 =	simm.s32 $0x1BFF;
	s21 =	sshll.u32 s5, $0x1;
	s3 =	sadd.s32 s20, s19  }
0x9c: {  	s22 =	simm.s32 $0x0;
	s4 =	sshll.u32 s4, $0x1;
	s5 =	sadd.s32 s21, s3  }
0x9d: {  	[timem:s22], [sflag:s6] =	dma.local [hbm:s5], s4  }
0x9e: {  	_ =	swait.ge [sflag:s6], s4  }
0x9f: {  	s4 =	ssub.s32 $0x0, s4;
	[sflag:s6] =	ssyncset.done $0x0  }
0xa0: {  	[sflag:s6] =	ssyncadd.s32 s4;
	_ =	sdelay $0x1  }
0xa1: {  	s23 =	simm.s32 $0x1B8B  }
0xa2: {  	_ =	swait.ge [sflag:s23], $0x1  }
0xa3: {  	[sflag:s23] =	ssyncset.done $0x0  }
0xa4: {  	[sflag:s23] =	ssyncadd.s32 $0xFFFFFFFF  }
0xa5: {  	s4 =	sld [smem:$0x0]  }
0xa6: {  	s5 =	sand.u32 $0xFFFFFFFE, s1  }
0xa7: {  	p0 =	sne.s32 s1, s5  }
0xa8: {  	s5 =	sshll.u32 @p0 s5, $0xE  }
0xa9: {  	s5 =	sadd.s32 @p0 $0x11B8D, s5;
	s6 =	sshll.u32 @p0 s4, $0x11  }
0xaa: {  	s5 =	sor.u32 @p0 s6, s5  }
0xab: {  	[sflag:s5] =	ssyncadd.remote.s32 @p0 $0x1;
	_ =	sdelay $0x1  }
0xac: {  	s5 =	simm.s32 @p0 $0x1B8D  }
0xad: {  	_ =	swait.eq @p0 [sflag:s5], $0x1  }
0xae: {  	[sflag:s5] =	ssyncadd.s32 @p0 $0xFFFFFFFF  }
0xaf: {  	s6 =	sshll.u32 @!p0 s1, $0xE  }
0xb0: {  	s6 =	sor.u32 @!p0 $0x4000, s6;
	s5 =	simm.s32 @!p0 $0x1B8D  }
0xb1: {  	s4 =	sshll.u32 @!p0 s4, $0x11;
	s6 =	sadd.s32 @!p0 $0x11B8D, s6;
	_ =	swait.eq @!p0 [sflag:s5], $0x1  }
0xb2: {  	s4 =	sor.u32 @!p0 s4, s6;
	[sflag:s5] =	ssyncadd.s32 @!p0 $0xFFFFFFFF  }
0xb3: {  	s25 =	simm.s32 $0x1B8E;
	s24 =	sld [smem:$0x3FFE];
	[sflag:s4] =	ssyncadd.remote.s32 @!p0 $0x1  }
0xb4: {  	s26 =	simm.s32 $execute0_lowered;
	[smem:$0x3FD2] =	sst s25  }
0xb5: {  	s5 =	sshll.u32 s26, $0x1;
	_ =	strace $0x8000005E;
	[dreg:$0x1] =	wrdreg $0xFFFFFFFF  }
0xb6: {  	s28 =	simm.s32 $_size_execute0_lowered;
	s3 =	sadd.s32 s3, s5;
	[dreg:$0x0] =	wrdreg $0x0  }
0xb7: {  	s5 =	sshll.u32 s28, $0x1;
	[dreg:$0x2] =	wrdreg s3  }
0xb8: {  	[dreg:$0x3] =	wrdreg s5  }
0xb9: {  	[dreg:$0x4] =	wrdreg $0xC0  }
0xba: {  	_ =	task [dreg:s22], $0x5FFFF  }
0xbb: {  	[dreg:$0x1] =	wrdreg $0xFFFFFFFF  }
0xbc: {  	[dreg:$0x0] =	wrdreg $0x60  }
0xbd: {  	[dreg:$0x2] =	wrdreg s24  }
0xbe: {  	[dreg:$0x3] =	wrdreg $0x23000  }
0xbf: {  	[dreg:$0x4] =	wrdreg $0xA  }
0xc0: {  	_ =	task.clear_ibuf [dreg:s22], $0x5FFFF;
	_ =	strace $0x9000005E  }
0xc1: {  	s29 =	simm.s32 $0xA;
	_ =	strace $0x80000060  }
0xc2: {  	_ =	swait.ge [sflag:s29], $0x1  }
0xc3: {  	[sflag:s29] =	ssyncadd.s32 $0xFFFFFFFF  }
0xc4: {  	_ =	strace $0x90000060  }
0xc5: {  	_ =	sfence  }
0xc6: {  	s30 =	sld [smem:$0x0];
	_ =	sdelay $0x2  }
0xc7: {  	s31 =	sshll.u32 s1, $0xD;
	s1 =	sshrl.u32 s1, $0x2  }
0xc8: {  	s4 =	sand.u32 $0x4000, s31;
	s1 =	sadd.s32 s1, s30  }
0xc9: {  	s0 =	sor.u32 s4, s0;
	s1 =	sshll.u32 s1, $0x11  }
0xca: {  	s0 =	sor.u32 s1, s0  }
0xcb: {  	s0 =	sadd.s32 $0x8F2B, s0  }
0xcc: {  	[sflag:s0] =	ssyncadd.remote.s32 $0x1  }
0xcd: {  	_ =	sfence.sel $0xFFFF  }
0xce: {  	[dreg:$0x0] =	wrdreg $0xFFFFFFFF;
	(pc) =	sbr.abs _section_cstart, $3  }
0xcf: {  	[dreg:$0x1] =	wrdreg $0xFFFFFFFF  }
0xd0: {  	_ =	task.clear_ibuf [dreg:s22], $0x2FFFF;
	_ =	strace $0x9FFFFFFF  }
0xd1: {  	(tm) =	ssettm $0x7FFFFFFF  }
tec
execute0_lowered:
.L_overlay_start_1:
0x0: {  	(tag) =	ssettag $0x1  }
0x1: {  	s5 =	rddreg [dreg:$0x0]  }
0x2: {  	s0 =	srdreg.scid;
	s2 =	rddreg [dreg:$0x1]  }
0x3: {  	s3 =	simm.s32 $0x0;
	s14 =	simm.s32 $0x1400;
	s4 =	sand.u32 $0x1, s0  }
0x4: {  	s15 =	simm.s32 $0x28;
	s0 =	stileid.u32;
	s6 =	smul.u32 $0x1D4C00, s4  }
0x5: {  	s16 =	simm.s32 $0x0;
	[smem:$0x7FF] =	sst s3;
	s8 =	smul.u32 $0xF000, s0  }
0x6: {  	s1 =	sshll.u32 s4, $0x4;
	s9 =	smul.u32 $0xF0000, s4;
	s4 =	ssub.s32 $0x2, s4  }
0x7: {  	s30 =	sshll.u32 s0, $0x6;
	s12 =	smul.u32 $0x1D4C0, s0;
	s1 =	sor.u32 s0, s1  }
0x8: {  	s29 =	sshrl.u32 s4, $0x1;
	s7 =	smul.u32 $0x280, s1;
	s1 =	rddreg [dreg:$0x2]  }
0x9: {  	_ =	strace $0x8000005F;
	s10 =	sadd.s32 s6, s5;
	s26 =	sadd.s32 s8, s9  }
0xa: {  	s28 =	sshrl.u32 s8, $0x3;
	s11 =	ssub.s32 s4, s29;
	s13 =	sadd.s32 s8, s2  }
0xb: {  	s9 =	sadd.s32 s28, s5;
	s31 =	sadd.s32 s12, s10;
	s8 =	smax.u32 s11, $0x1  }
0xc: {  	s10 =	sshrl.u32 s13, $0x3;
	s11 =	simm.s32 $0x1;
	s12 =	simm.s32 $0x60  }
0xd: {  	s13 =	simm.s32 $0xC0;
	s25 =	sadd.s32 s7, s5;
	s7 =	sshrl.u32 s26, $0x3  }
0xe: {  	s4 =	sadd.s32 $0x213800, s9;
	s9 =	sadd.s32 $0x2BBA0C, s31;
	s7 =	sadd.s32 s7, s5  }
0xf: {  	s5 =	sor.u32 $0x1C01, s30;
	s6 =	sadd.s32 $0x10200, s25;
	s7 =	sadd.s32 $0x63400, s7  }
.LBB2_1:
0x10: {  	[spmem:s10], [sflag:s5] =	dma.local [hbm:s4], $0x1E00  }
0x11: {  	_ =	swait.ge [sflag:s11], $0x1E00  }
0x12: {  	[sflag:s11] =	ssyncset.done $0x0  }
0x13: {  	[sflag:s11] =	ssyncadd.s32 $0xFFFFE200  }
0x14: {  	[tilespmem:s3], [sflag:$0x1] =	stream.linear.gather [hbm4b:s6+s3], $0x1400, $0x38;
	[tilespmem:$0x11300] =	vst v63  }
0x15: {  	_ =	swait.ge [sflag:s11], $0x1400  }
0x16: {  	[sflag:s11] =	ssyncset.done $0x0  }
0x17: {  	[sflag:s11] =	ssyncadd.s32 $0xFFFFEC00  }
0x18: {  	[bflag:$0x0] =	sbarrier.arrive $0xFFFF  }
0x19: {  	[tilespmem:s14], [sflag:$0x1] =	stream.strided.gather [hbm4b:s9+s12], $0xF00, s13, s12, $0x38;
	[tilespmem:$0x11300] =	vst v63  }
0x1a: {  	_ =	swait.ge [sflag:s11], $0xF00  }
0x1b: {  	[sflag:s11] =	ssyncset.done $0x0  }
0x1c: {  	s17 =	simm.s32 $0x0;
	[sflag:s11] =	ssyncadd.s32 $0xFFFFF100  }
0x1d: {  	[spmem:s2] =	stream.indirect.scatter.add.f32 [tilespmem:s14], [sflag:$0x1], $0x60, s17, s15, $0xb8;
	[tilespmem:$0x11300] =	vst v63  }
0x1e: {  	_ =	swait.ge [sflag:s11], $0xF00  }
0x1f: {  	s18 =	smov.u32 s9;
	s17 =	simm.s32 $0xA0;
	[sflag:s11] =	ssyncset.done $0x0  }
.LBB2_2:
0x20: {  	p0 =	sne.s32 s17, $0x4D80;
	[sflag:s11] =	ssyncadd.s32 $0xFFFFF100;
	s18 =	sadd.s32 $0x3C0, s18  }
0x21: {  	[tilespmem:s14], [sflag:$0x1] =	stream.strided.gather [hbm4b:s18+s12], $0xF00, s13, s12, $0x38;
	[tilespmem:$0x11300] =	vst v63  }
0x22: {  	s19 =	smov.u32 s17;
	s17 =	sadd.s32 $0xA0, s17;
	_ =	swait.ge [sflag:s11], $0xF00  }
.Ltmp0:
0x23: {  	[sflag:s11] =	ssyncset.done $0x0;
	(pc) =	sbr.rel @p0 .LBB2_2-.Ltmp0, $4  }
0x24: {  	s19 =	sshra.s32 s19, $0x2;
	[sflag:s11] =	ssyncadd.s32 $0xFFFFF100  }
0x25: {  	[spmem:s2] =	stream.indirect.scatter.add.f32 [tilespmem:s14], [sflag:$0x1], $0x60, s19, s15, $0xb8;
	[tilespmem:$0x11300] =	vst v63  }
0x26: {  	_ =	swait.ge [sflag:s11], $0xF00  }
0x27: {  	[sflag:s11] =	ssyncset.done $0x0  }
0x28: {  	s16 =	sadd.s32 $0x1, s16  }
0x29: {  	[sflag:s11] =	ssyncadd.s32 $0xFFFFF100;
	p0 =	sne.s32 s16, s8  }
.Ltmp1:
0x2a: {  	[bflag:$0x0] =	sbarrier.arrive $0xFFFF;
	(pc) =	sbr.rel @p0 .LBB2_1-.Ltmp1, $4  }
0x2b: {  	[hbm:s7], [sflag:s5] =	dma.local [spmem:s10], $0x1E00  }
0x2c: {  	_ =	swait.ge [sflag:s11], $0x1E00  }
0x2d: {  	[sflag:s11] =	ssyncset.done $0x0  }
0x2e: {  	[sflag:s11] =	ssyncadd.s32 $0xFFFFE200  }
0x2f: {  	_ =	sfence.sel $0x180000  }
0x30: {  	[bflag:$0x0] =	sbarrier.arrive $0xFFFF  }
0x31: {  	p0 =	sne.s32 s0, $0x0;
	_ =	strace $0x9000005F  }
0x32: {  	s0 =	sadd.s32 @!p0 $0x100000, s1;
	[bflag:$0x2] =	sbarrier.arrive $0xFFFF  }
0x33: {  	[sflag:s0] =	ssyncadd.tile.s32 @!p0 $0x1;
	_ =	shalt  }
.Lfunc_end2:
_tile_overlayer_lowered:
.L_overlay_start_2:
0x34: {  	(tag) =	ssettag $0x2  }
0x35: {  	s0 =	rddreg [dreg:$0x0];
	s2 =	stileid.u32  }
0x36: {  	s1 =	rddreg [dreg:$0x1];
	p0 =	sne.s32 s2, $0x0  }
0x37: {  	s3 =	rddreg [dreg:$0x2];
	[bflag:$0x3] =	sbarrier.arrive $0xFFFF;
	s2 =	simm.s32 @!p0 $0x1C01  }
0x38: {  	[timem:s3], [sflag:s2] =	dma.local @!p0 [hbm:s0], s1  }
0x39: {  	s0 =	simm.s32 @!p0 $0x1  }
0x3a: {  	_ =	swait.ge @!p0 [sflag:s0], s1  }
0x3b: {  	s1 =	ssub.s32 @!p0 $0x0, s1;
	[sflag:s0] =	ssyncset.done @!p0 $0x0  }
0x3c: {  	[sflag:s0] =	ssyncadd.s32 @!p0 s1  }
0x3d: {  	[bflag:$0x3] =	sbarrier.arrive $0xFFFF  }
0x3e: {  	_ =	shalt  }

// kernel: kernel.55.cloned.1.call-start
scs
__scs_entry_jumppad:
0x0: {  	(pc) =	sbr.rel $0x88, $3  }
0x1: {  	(tag) =	ssettag $0x0;
	lr =	simm.s32 $0x1  }
0x2: {  	[smem:$0x3F74] =	sst lr;
	_ =	strace $0xD0000000  }
0x3: {  	_ = 	snop  }
0x4: {  	_ = 	snop  }
0x5: {  	_ = 	snop  }
0x6: {  	_ = 	snop  }
0x7: {  	_ = 	snop  }
__scs_overlays_trampoline_lowered:
0x8: {  	[smem:$0x3F83] =	sst s0  }
0x9: {  	[smem:$0x3F84] =	sst s1  }
0xa: {  	[smem:$0x3F85] =	sst s2  }
0xb: {  	[smem:$0x3F86] =	sst s3  }
0xc: {  	[smem:$0x3F87] =	sst s4  }
0xd: {  	[smem:$0x3F88] =	sst s5  }
0xe: {  	[smem:$0x3F89] =	sst s6  }
0xf: {  	[smem:$0x3F8A] =	sst s7  }
0x10: {  	[smem:$0x3F8B] =	sst s8  }
0x11: {  	[smem:$0x3F8C] =	sst s9;
	s0 =	simm.s32 @!p0 $0x0  }
0x12: {  	s1 =	sld [smem:$0x3F72];
	s0 =	simm.s32 @p0 $0x1  }
0x13: {  	[smem:$0x3F8D] =	sst s0;
	s0 =	simm.s32 @!p1 $0x0  }
0x14: {  	s2 =	sld [smem:$0x3F71];
	s0 =	simm.s32 @p1 $0x1  }
0x15: {  	[smem:$0x3F8E] =	sst s0;
	s0 =	simm.s32 @!p2 $0x0  }
0x16: {  	s3 =	sld [smem:$0x3FDB];
	s0 =	simm.s32 @p2 $0x1  }
0x17: {  	s4 =	simm.s32 $0x1BF5;
	[smem:$0x3F90] =	sst s0  }
0x18: {  	s0 =	sld [smem:$0x3F73];
	_ =	swait.ge [sflag:s4], $0x0  }
0x19: {  	s7 =	sld [smem:$0x3F74]  }
0x1a: {  	s8 =	sadd.s32 $0xFFFFE003, lr  }
0x1b: {  	s9 =	sadd.s32 $0xFFFFFEF7, lr;
	s5 =	simm.s32 $0xFFFFFFFF;
	p2 =	slt.u32 s8, $0xFFFFF086  }
0x1c: {  	p1 =	slt.u32 s9, $0xF7A;
	s5 =	simm.s32 @!p2 $0x0  }
0x1d: {  	s5 =	simm.s32 @p1 $0x1;
	p0 =	seq.s32 s7, s2  }
0x1e: {  	s7 =	smul.u32 @!p0 $0xF7A, s2;
	p2 =	seq.s32 @!p0 s5, $0x0  }
0x1f: {  	s9 =	smul.u32 $0xF7A, s1;
	s8 =	simm.s32 @!p0 $0x1BF5;
	p2 =	por !p2, p0  }
0x20: {  	[sflag:s8] =	ssyncset.s32 @!p0 $0xFFFFF086;
	s6 =	sadd.s32 @!p0 s3, s7;
	s7 =	simm.s32 @!p0 $0x108  }
0x21: {  	s3 =	sadd.s32 s3, s9;
	s6 =	sadd.s32 @!p0 $0x88, s6;
	s7 =	simm.s32 @p2 $0x1082  }
0x22: {  	[simem:s7], [sflag:s8] =	dma.local @!p0 [hbm:s6], $0xF7A  }
0x23: {  	s9 =	sor.u32 $0xD0000000, s2;
	s6 =	simm.s32 $0x108;
	_ =	swait.ge @!p0 [sflag:s8], $0x0  }
0x24: {  	s3 =	sadd.s32 $0x88, s3;
	s6 =	simm.s32 @!p1 $0x1082;
	[sflag:s4] =	ssyncset.s32 $0xFFFFF086  }
0x25: {  	[simem:s6], [sflag:s4] =	dma.local [hbm:s3], $0xF7A  }
0x26: {  	[smem:$0x3F74] =	sst s1;
	(tag) =	ssettag s2;
	_ =	strace s9  }
0x27: {  	s1 =	sld [smem:$0x3F84]  }
0x28: {  	s2 =	sld [smem:$0x3F85]  }
0x29: {  	s4 =	sld [smem:$0x3F87]  }
0x2a: {  	p0 =	seq.s32 s5, $0x0;
	s5 =	sld [smem:$0x3F88]  }
0x2b: {  	s6 =	sld [smem:$0x3F89]  }
0x2c: {  	s7 =	sld [smem:$0x3F8A]  }
0x2d: {  	s3 =	simm.s32 $0x108;
	s8 =	sld [smem:$0x3F8B]  }
0x2e: {  	s3 =	simm.s32 @!p0 $0x1082;
	s9 =	sld [smem:$0x3F8C]  }
0x2f: {  	lr =	sadd.s32 s0, s3;
	s0 =	sld [smem:$0x3F83]  }
0x30: {  	s3 =	sld [smem:$0x3F86]  }
0x31: {  	[smem:$0x3F8F] =	sst s10  }
0x32: {  	s10 =	sld [smem:$0x3F8D];
	_ =	sdelay $0x3  }
0x33: {  	p0 =	seq.s32 s10, $0x1;
	s10 =	sld [smem:$0x3F8F];
	_ =	sdelay $0x3  }
0x34: {  	[smem:$0x3F8F] =	sst s10  }
0x35: {  	s10 =	sld [smem:$0x3F8E];
	_ =	sdelay $0x3  }
0x36: {  	p1 =	seq.s32 s10, $0x1;
	s10 =	sld [smem:$0x3F8F];
	_ =	sdelay $0x3  }
0x37: {  	[smem:$0x3F8F] =	sst s10  }
0x38: {  	s10 =	sld [smem:$0x3F90]  }
0x39: {  	_ = 	snop;
	(pc) =	sbr.ind lr, $3  }
0x3a: {  	_ = 	snop  }
0x3b: {  	_ = 	snop  }
0x3c: {  	p2 =	seq.s32 s10, $0x1;
	s10 =	sld [smem:$0x3F8F]  }
0x3d: {  	_ =	shalt  }
0x3e: {  	_ =	shalt  }
0x3f: {  	_ =	shalt  }
0x40: {  	_ =	shalt  }
0x41: {  	_ =	shalt  }
0x42: {  	_ =	shalt  }
0x43: {  	_ =	shalt  }
0x44: {  	_ =	shalt  }
0x45: {  	_ =	shalt  }
0x46: {  	_ =	shalt  }
0x47: {  	_ =	shalt  }
0x48: {  	_ =	shalt  }
0x49: {  	_ =	shalt  }
0x4a: {  	_ =	shalt  }
0x4b: {  	_ =	shalt  }
0x4c: {  	_ =	shalt  }
0x4d: {  	_ =	shalt  }
0x4e: {  	_ =	shalt  }
0x4f: {  	_ =	shalt  }
0x50: {  	_ =	shalt  }
0x51: {  	_ =	shalt  }
0x52: {  	_ =	shalt  }
0x53: {  	_ =	shalt  }
0x54: {  	_ =	shalt  }
0x55: {  	_ =	shalt  }
0x56: {  	_ =	shalt  }
0x57: {  	_ =	shalt  }
0x58: {  	_ =	shalt  }
0x59: {  	_ =	shalt  }
0x5a: {  	_ =	shalt  }
0x5b: {  	_ =	shalt  }
0x5c: {  	_ =	shalt  }
0x5d: {  	_ =	shalt  }
0x5e: {  	_ =	shalt  }
0x5f: {  	_ =	shalt  }
0x60: {  	_ =	shalt  }
0x61: {  	_ =	shalt  }
0x62: {  	_ =	shalt  }
0x63: {  	_ =	shalt  }
0x64: {  	_ =	shalt  }
0x65: {  	_ =	shalt  }
0x66: {  	_ =	shalt  }
0x67: {  	_ =	shalt  }
0x68: {  	_ =	shalt  }
0x69: {  	_ =	shalt  }
0x6a: {  	_ =	shalt  }
0x6b: {  	_ =	shalt  }
0x6c: {  	_ =	shalt  }
0x6d: {  	_ =	shalt  }
0x6e: {  	_ =	shalt  }
0x6f: {  	_ =	shalt  }
0x70: {  	_ =	shalt  }
0x71: {  	_ =	shalt  }
0x72: {  	_ =	shalt  }
0x73: {  	_ =	shalt  }
0x74: {  	_ =	shalt  }
0x75: {  	_ =	shalt  }
0x76: {  	_ =	shalt  }
0x77: {  	_ =	shalt  }
0x78: {  	_ =	shalt  }
0x79: {  	_ =	shalt  }
0x7a: {  	_ =	shalt  }
0x7b: {  	_ =	shalt  }
0x7c: {  	_ =	shalt  }
0x7d: {  	_ =	shalt  }
0x7e: {  	_ =	shalt  }
0x7f: {  	_ =	shalt  }
0x80: {  	_ =	shalt  }
0x81: {  	_ =	shalt  }
0x82: {  	_ =	shalt  }
0x83: {  	_ =	shalt  }
0x84: {  	_ =	shalt  }
0x85: {  	_ =	shalt  }
0x86: {  	_ =	shalt  }
0x87: {  	_ =	shalt  }
.Lfunc_end0:
.L_simem_size_0:
called_computation.9_lowered:
.L_overlay_start_0:
0x88: {  	s2 =	sld [smem:$0x3FD9]  }
0x89: {  	s3 =	sld [smem:$0x3FFE];
	_ =	sdelay $0x1  }
0x8a: {  	s1 =	srdreg.scid  }
0x8b: {  	s0 =	sand.u32 $0x1, s1  }
0x8c: {  	s14 =	sshll.u32 s0, $0xA;
	s2 =	sadd.s32 s3, s2  }
0x8d: {  	s2 =	sadd.s32 s2, s14  }
0x8e: {  	[smem:$0x3F9B] =	sst s2  }
0x8f: {  	_ = 	snop  }
0x90: {  	s2 =	sld [smem:$0x3FD0];
	_ =	sdelay $0x2  }
0x91: {  	s15 =	simm.s32 $0xC;
	s4 =	simm.s32 $0x10  }
0x92: {  	[smem:s4], [sflag:s15] =	dma.local [hbm:s2], $0x1  }
0x93: {  	_ =	swait.eq [sflag:s15], $0x1  }
0x94: {  	[sflag:s15] =	ssyncset.done $0x0  }
0x95: {  	s16 =	sld [smem:$0x10];
	[sflag:s15] =	ssyncadd.s32 $0xFFFFFFFF  }
0x96: {  	s17 =	sld [smem:$0x11];
	(tm) =	ssettm $0x1  }
0x97: {  	s18 =	sld [smem:$0x3FFB];
	_ =	sdelay $0x3  }
0x98: {  	_ =	strace s18  }
0x99: {  	s4 =	sld [smem:$0x3FFC];
	_ =	sdelay $0x3  }
0x9a: {  	_ =	strace s4  }
0x9b: {  	s4 =	sld [smem:$0x3FFD];
	_ =	sdelay $0x3  }
0x9c: {  	_ =	strace s4  }
0x9d: {  	_ =	strace $0x8FFFFFFF  }
0x9e: {  	s19 =	sld [smem:$0x3FDB];
	_ =	sdelay $0x1  }
0x9f: {  	s5 =	simm.s32 $_scs_section_size  }
0xa0: {  	s6 =	simm.s32 $_size__tile_overlayer_lowered;
	s7 =	simm.s32 $_tile_overlayer_lowered  }
0xa1: {  	s22 =	simm.s32 $0x1BFF;
	s21 =	sshll.u32 s7, $0x1;
	s4 =	sadd.s32 s5, s19  }
0xa2: {  	s8 =	simm.s32 $0x0;
	s20 =	sshll.u32 s6, $0x1;
	s6 =	sadd.s32 s21, s4  }
0xa3: {  	[timem:s8], [sflag:s22] =	dma.local [hbm:s6], s20  }
0xa4: {  	_ =	swait.ge [sflag:s22], s20  }
0xa5: {  	s5 =	ssub.s32 $0x0, s20;
	[sflag:s22] =	ssyncset.done $0x0  }
0xa6: {  	[sflag:s22] =	ssyncadd.s32 s5;
	_ =	sdelay $0x1  }
0xa7: {  	s23 =	simm.s32 $0x1B8B  }
0xa8: {  	_ =	swait.ge [sflag:s23], $0x1  }
0xa9: {  	[sflag:s23] =	ssyncset.done $0x0  }
0xaa: {  	s25 =	simm.s32 $0x1B8E;
	s24 =	sld [smem:$0x3FFE];
	[sflag:s23] =	ssyncadd.s32 $0xFFFFFFFF  }
0xab: {  	s26 =	simm.s32 $execute0_lowered;
	[smem:$0x3FD2] =	sst s25  }
0xac: {  	s6 =	sshll.u32 s26, $0x1;
	_ =	strace $0x80000061;
	[dreg:$0x1] =	wrdreg $0xFFFFFFFF  }
0xad: {  	s28 =	simm.s32 $_size_execute0_lowered;
	s4 =	sadd.s32 s4, s6;
	[dreg:$0x0] =	wrdreg $0x0  }
0xae: {  	s6 =	sshll.u32 s28, $0x1;
	[dreg:$0x2] =	wrdreg s4  }
0xaf: {  	[dreg:$0x3] =	wrdreg s6  }
0xb0: {  	[dreg:$0x4] =	wrdreg $0xC0  }
0xb1: {  	_ =	task [dreg:s8], $0x5FFFF  }
0xb2: {  	[dreg:$0x1] =	wrdreg $0xFFFFFFFF  }
0xb3: {  	[dreg:$0x0] =	wrdreg $0x60  }
0xb4: {  	[dreg:$0x2] =	wrdreg s16  }
0xb5: {  	[dreg:$0x3] =	wrdreg s17  }
0xb6: {  	[dreg:$0x4] =	wrdreg s24  }
0xb7: {  	[dreg:$0x5] =	wrdreg $0x9  }
0xb8: {  	_ =	task.clear_ibuf [dreg:s8], $0x6FFFF;
	_ =	strace $0x90000061  }
0xb9: {  	s29 =	simm.s32 $0x9;
	_ =	strace $0x80000063  }
0xba: {  	_ =	swait.ge [sflag:s29], $0x1  }
0xbb: {  	[sflag:s29] =	ssyncadd.s32 $0xFFFFFFFF  }
0xbc: {  	_ =	strace $0x90000063  }
0xbd: {  	_ =	sfence  }
0xbe: {  	s30 =	sld [smem:$0x0];
	_ =	sdelay $0x2  }
0xbf: {  	s31 =	sshll.u32 s1, $0xD;
	s1 =	sshrl.u32 s1, $0x2  }
0xc0: {  	s3 =	sand.u32 $0x4000, s31;
	s1 =	sadd.s32 s1, s30  }
0xc1: {  	s0 =	sor.u32 s3, s0;
	s1 =	sshll.u32 s1, $0x11  }
0xc2: {  	s0 =	sor.u32 s1, s0  }
0xc3: {  	s0 =	sadd.s32 $0x8F2B, s0  }
0xc4: {  	[sflag:s0] =	ssyncadd.remote.s32 $0x1  }
0xc5: {  	_ =	sfence.sel $0xFFFF  }
0xc6: {  	[dreg:$0x0] =	wrdreg $0xFFFFFFFF;
	(pc) =	sbr.abs _section_cstart, $3  }
0xc7: {  	[dreg:$0x1] =	wrdreg $0xFFFFFFFF  }
0xc8: {  	_ =	task.clear_ibuf [dreg:s8], $0x2FFFF;
	_ =	strace $0x9FFFFFFF  }
0xc9: {  	(tm) =	ssettm $0x7FFFFFFF  }
tec
execute0_lowered:
.L_overlay_start_1:
0x0: {  	(tag) =	ssettag $0x1  }
0x1: {  	s1 =	rddreg [dreg:$0x0]  }
0x2: {  	s5 =	rddreg [dreg:$0x1]  }
0x3: {  	s6 =	rddreg [dreg:$0x2]  }
0x4: {  	s2 =	srdreg.scid;
	s0 =	rddreg [dreg:$0x3];
	s3 =	simm.s32 $0x0  }
0x5: {  	s14 =	simm.s32 $0x4600;
	s15 =	simm.s32 $0x1;
	s7 =	sand.u32 $0x1, s2  }
0x6: {  	s16 =	simm.s32 $0x2;
	s2 =	stileid.u32;
	s9 =	smul.u32 $0x1D4C00, s7  }
0x7: {  	s17 =	simm.s32 $0x0;
	[smem:$0x7FF] =	sst s3;
	s11 =	smul.u32 $0x4E200, s7  }
0x8: {  	s4 =	sshll.u32 s7, $0x4;
	_ =	strace $0x80000062;
	s13 =	smul.u32 $0x1D4C0, s2  }
0x9: {  	s7 =	ssub.s32 $0x2, s7;
	s29 =	smul.u32 $0x4E20, s2;
	s4 =	sor.u32 s2, s4  }
0xa: {  	s12 =	sshrl.u32 s7, $0x1;
	s8 =	smul.u32 $0x280, s4;
	s4 =	sadd.s32 $0x231800, s6  }
0xb: {  	s9 =	sadd.s32 s9, s6;
	s11 =	sadd.s32 s11, s6;
	s7 =	ssub.s32 s7, s12  }
0xc: {  	s12 =	simm.s32 $0x28;
	s30 =	sadd.s32 s13, s9;
	s7 =	smax.u32 s7, $0x1  }
0xd: {  	s31 =	sadd.s32 s29, s11;
	s11 =	simm.s32 $0x1400;
	s13 =	simm.s32 $0x2800  }
0xe: {  	s10 =	sadd.s32 s8, s6;
	s5 =	sadd.s32 s5, s8;
	s8 =	sadd.s32 $0x2BBA00, s30  }
0xf: {  	s9 =	sadd.s32 $0x63400, s31;
	s6 =	sadd.s32 $0x10200, s10;
	s10 =	simm.s32 $0x3  }
.LBB2_1:
0x10: {  	[tilespmem:s3], [sflag:$0x3] =	stream.linear.gather [hbm4b:s5+s3], $0x1400, $0x38;
	[tilespmem:$0x4B00] =	vst v63  }
0x11: {  	_ =	swait.ge [sflag:s10], $0x1400  }
0x12: {  	[sflag:s10] =	ssyncset.done $0x0  }
0x13: {  	[sflag:s10] =	ssyncadd.s32 $0xFFFFEC00  }
0x14: {  	[tilespmem:s11], [sflag:$0x3] =	stream.linear.gather [hbm4b:s6+s3], $0x1400, $0x38;
	[tilespmem:$0x4B00] =	vst v63  }
0x15: {  	_ =	swait.ge [sflag:s10], $0x1400  }
0x16: {  	[sflag:s10] =	ssyncset.done $0x0  }
0x17: {  	s18 =	simm.s32 $0x0;
	[sflag:s10] =	ssyncadd.s32 $0xFFFFEC00  }
0x18: {  	[tilespmem:s13], [sflag:$0x1] =	stream.indirect.gather [hbm4b:s1+s12], $0xC0, s18, s12, $0xb8;
	[tilespmem:$0x4B00] =	vst v63  }
0x19: {  	s30 =	simm.s32 $0x1400  }
0x1a: {  	[tilespmem:s14], [sflag:$0x2] =	stream.indirect.gather [hbm4b:s4+s12], $0x20, s30, s12, $0xb8;
	[tilespmem:$0x4B00] =	vst v63  }
0x1b: {  	_ =	swait.ge [sflag:s15], $0x1E00  }
0x1c: {  	[sflag:s15] =	ssyncset.done $0x0  }
0x1d: {  	[sflag:s15] =	ssyncadd.s32 $0xFFFFE200  }
0x1e: {  	[hbm4b:s8+s3] =	stream.linear.scatter [tilespmem:s13], [sflag:$0x3], $0x1E00, $0x38;
	[tilespmem:$0x4B00] =	vst v63  }
0x1f: {  	_ =	swait.ge [sflag:s10], $0x1E00  }
0x20: {  	[sflag:s10] =	ssyncset.done $0x0  }
0x21: {  	[sflag:s10] =	ssyncadd.s32 $0xFFFFE200  }
0x22: {  	_ =	swait.ge [sflag:s16], $0x500  }
0x23: {  	[sflag:s16] =	ssyncset.done $0x0  }
0x24: {  	s31 =	sadd.s32 $0x0, s9;
	[sflag:s16] =	ssyncadd.s32 $0xFFFFFB00  }
0x25: {  	[hbm4b:s31+s3] =	stream.linear.scatter [tilespmem:s14], [sflag:$0x3], $0x500, $0x38;
	[tilespmem:$0x4B00] =	vst v63  }
0x26: {  	s20 =	simm.s32 $0x140;
	_ =	swait.ge [sflag:s10], $0x500  }
0x27: {  	s19 =	sadd.s32 $0x3C0, s8;
	s18 =	simm.s32 $0xA0;
	[sflag:s10] =	ssyncset.done $0x0  }
.LBB2_2:
0x28: {  	s21 =	sshra.s32 s18, $0x2  }
0x29: {  	[sflag:s10] =	ssyncadd.s32 $0xFFFFFB00;
	s22 =	smov.u32 s20;
	s23 =	sadd.s32 $0xA0, s20  }
0x2a: {  	[tilespmem:s13], [sflag:$0x1] =	stream.indirect.gather [hbm4b:s1+s12], $0xC0, s21, s12, $0xb8;
	[tilespmem:$0x4B00] =	vst v63  }
0x2b: {  	p0 =	sne.s32 s20, $0x4D80;
	s20 =	sadd.s32 $0x1400, s21  }
0x2c: {  	[tilespmem:s14], [sflag:$0x2] =	stream.indirect.gather [hbm4b:s4+s12], $0x20, s20, s12, $0xb8;
	[tilespmem:$0x4B00] =	vst v63  }
0x2d: {  	_ =	swait.ge [sflag:s15], $0x1E00  }
0x2e: {  	[sflag:s15] =	ssyncset.done $0x0  }
0x2f: {  	[sflag:s15] =	ssyncadd.s32 $0xFFFFE200  }
0x30: {  	[hbm4b:s19+s3] =	stream.linear.scatter [tilespmem:s13], [sflag:$0x3], $0x1E00, $0x38;
	[tilespmem:$0x4B00] =	vst v63  }
0x31: {  	_ =	swait.ge [sflag:s10], $0x1E00  }
0x32: {  	[sflag:s10] =	ssyncset.done $0x0  }
0x33: {  	[sflag:s10] =	ssyncadd.s32 $0xFFFFE200  }
0x34: {  	_ =	swait.ge [sflag:s16], $0x500  }
.Ltmp0:
0x35: {  	[sflag:s16] =	ssyncset.done $0x0;
	(pc) =	sbr.rel @p0 .LBB2_2-.Ltmp0, $4  }
0x36: {  	s20 =	sadd.s32 s18, s9;
	s18 =	smov.u32 s22;
	[sflag:s16] =	ssyncadd.s32 $0xFFFFFB00  }
0x37: {  	[hbm4b:s20+s3] =	stream.linear.scatter [tilespmem:s14], [sflag:$0x3], $0x500, $0x38;
	[tilespmem:$0x4B00] =	vst v63  }
0x38: {  	_ =	swait.ge [sflag:s10], $0x500  }
0x39: {  	s19 =	sadd.s32 $0x3C0, s19;
	s20 =	smov.u32 s23;
	[sflag:s10] =	ssyncset.done $0x0  }
0x3a: {  	s20 =	sshra.s32 s18, $0x2;
	[sflag:s10] =	ssyncadd.s32 $0xFFFFFB00  }
0x3b: {  	[tilespmem:s13], [sflag:$0x1] =	stream.indirect.gather [hbm4b:s1+s12], $0xC0, s20, s12, $0xb8;
	[tilespmem:$0x4B00] =	vst v63  }
0x3c: {  	s20 =	sadd.s32 $0x1400, s20  }
0x3d: {  	[tilespmem:s14], [sflag:$0x2] =	stream.indirect.gather [hbm4b:s4+s12], $0x20, s20, s12, $0xb8;
	[tilespmem:$0x4B00] =	vst v63  }
0x3e: {  	_ =	swait.ge [sflag:s15], $0x1E00  }
0x3f: {  	[sflag:s15] =	ssyncset.done $0x0  }
0x40: {  	[sflag:s15] =	ssyncadd.s32 $0xFFFFE200  }
0x41: {  	[hbm4b:s19+s3] =	stream.linear.scatter [tilespmem:s13], [sflag:$0x3], $0x1E00, $0x38;
	[tilespmem:$0x4B00] =	vst v63  }
0x42: {  	_ =	swait.ge [sflag:s10], $0x1E00  }
0x43: {  	[sflag:s10] =	ssyncset.done $0x0  }
0x44: {  	[sflag:s10] =	ssyncadd.s32 $0xFFFFE200  }
0x45: {  	s17 =	sadd.s32 $0x1, s17;
	_ =	swait.ge [sflag:s16], $0x500  }
0x46: {  	p0 =	sne.s32 s17, s7;
	[sflag:s16] =	ssyncset.done $0x0  }
.Ltmp1:
0x47: {  	s31 =	sadd.s32 s18, s9;
	[sflag:s16] =	ssyncadd.s32 $0xFFFFFB00;
	(pc) =	sbr.rel @p0 .LBB2_1-.Ltmp1, $4  }
0x48: {  	[hbm4b:s31+s3] =	stream.linear.scatter [tilespmem:s14], [sflag:$0x3], $0x500, $0x38;
	[tilespmem:$0x4B00] =	vst v63  }
0x49: {  	_ =	swait.ge [sflag:s10], $0x500  }
0x4a: {  	[sflag:s10] =	ssyncset.done $0x0  }
0x4b: {  	[sflag:s10] =	ssyncadd.s32 $0xFFFFFB00  }
0x4c: {  	_ =	sfence.sel $0x180000  }
0x4d: {  	[bflag:$0x0] =	sbarrier.arrive $0xFFFF  }
0x4e: {  	p0 =	sne.s32 s2, $0x0;
	_ =	strace $0x90000062  }
0x4f: {  	s0 =	sadd.s32 @!p0 $0x100000, s0;
	[bflag:$0x2] =	sbarrier.arrive $0xFFFF  }
0x50: {  	[sflag:s0] =	ssyncadd.tile.s32 @!p0 $0x1;
	_ =	shalt  }
.Lfunc_end2:
_tile_overlayer_lowered:
.L_overlay_start_2:
0x51: {  	(tag) =	ssettag $0x2  }
0x52: {  	s0 =	rddreg [dreg:$0x0];
	s2 =	stileid.u32  }
0x53: {  	s1 =	rddreg [dreg:$0x1];
	p0 =	sne.s32 s2, $0x0  }
0x54: {  	s3 =	rddreg [dreg:$0x2];
	[bflag:$0x3] =	sbarrier.arrive $0xFFFF;
	s2 =	simm.s32 @!p0 $0x1C03  }
0x55: {  	[timem:s3], [sflag:s2] =	dma.local @!p0 [hbm:s0], s1  }
0x56: {  	s0 =	simm.s32 @!p0 $0x3  }
0x57: {  	_ =	swait.ge @!p0 [sflag:s0], s1  }
0x58: {  	s1 =	ssub.s32 @!p0 $0x0, s1;
	[sflag:s0] =	ssyncset.done @!p0 $0x0  }
0x59: {  	[sflag:s0] =	ssyncadd.s32 @!p0 s1  }
0x5a: {  	[bflag:$0x3] =	sbarrier.arrive $0xFFFF  }
0x5b: {  	_ =	shalt  }

// kernel: kernel.58.cloned.1.call-start
scs
__scs_entry_jumppad:
0x0: {  	(pc) =	sbr.rel $0x88, $3  }
0x1: {  	(tag) =	ssettag $0x0;
	lr =	simm.s32 $0x1  }
0x2: {  	[smem:$0x3F74] =	sst lr;
	_ =	strace $0xD0000000  }
0x3: {  	_ = 	snop  }
0x4: {  	_ = 	snop  }
0x5: {  	_ = 	snop  }
0x6: {  	_ = 	snop  }
0x7: {  	_ = 	snop  }
__scs_overlays_trampoline_lowered:
0x8: {  	[smem:$0x3F83] =	sst s0  }
0x9: {  	[smem:$0x3F84] =	sst s1  }
0xa: {  	[smem:$0x3F85] =	sst s2  }
0xb: {  	[smem:$0x3F86] =	sst s3  }
0xc: {  	[smem:$0x3F87] =	sst s4  }
0xd: {  	[smem:$0x3F88] =	sst s5  }
0xe: {  	[smem:$0x3F89] =	sst s6  }
0xf: {  	[smem:$0x3F8A] =	sst s7  }
0x10: {  	[smem:$0x3F8B] =	sst s8  }
0x11: {  	[smem:$0x3F8C] =	sst s9;
	s0 =	simm.s32 @!p0 $0x0  }
0x12: {  	s1 =	sld [smem:$0x3F72];
	s0 =	simm.s32 @p0 $0x1  }
0x13: {  	[smem:$0x3F8D] =	sst s0;
	s0 =	simm.s32 @!p1 $0x0  }
0x14: {  	s2 =	sld [smem:$0x3F71];
	s0 =	simm.s32 @p1 $0x1  }
0x15: {  	[smem:$0x3F8E] =	sst s0;
	s0 =	simm.s32 @!p2 $0x0  }
0x16: {  	s3 =	sld [smem:$0x3FDB];
	s0 =	simm.s32 @p2 $0x1  }
0x17: {  	s4 =	simm.s32 $0x1BF5;
	[smem:$0x3F90] =	sst s0  }
0x18: {  	s0 =	sld [smem:$0x3F73];
	_ =	swait.ge [sflag:s4], $0x0  }
0x19: {  	s7 =	sld [smem:$0x3F74]  }
0x1a: {  	s8 =	sadd.s32 $0xFFFFE003, lr  }
0x1b: {  	s9 =	sadd.s32 $0xFFFFFEF7, lr;
	s5 =	simm.s32 $0xFFFFFFFF;
	p2 =	slt.u32 s8, $0xFFFFF086  }
0x1c: {  	p1 =	slt.u32 s9, $0xF7A;
	s5 =	simm.s32 @!p2 $0x0  }
0x1d: {  	s5 =	simm.s32 @p1 $0x1;
	p0 =	seq.s32 s7, s2  }
0x1e: {  	s7 =	smul.u32 @!p0 $0xF7A, s2;
	p2 =	seq.s32 @!p0 s5, $0x0  }
0x1f: {  	s9 =	smul.u32 $0xF7A, s1;
	s8 =	simm.s32 @!p0 $0x1BF5;
	p2 =	por !p2, p0  }
0x20: {  	[sflag:s8] =	ssyncset.s32 @!p0 $0xFFFFF086;
	s6 =	sadd.s32 @!p0 s3, s7;
	s7 =	simm.s32 @!p0 $0x108  }
0x21: {  	s3 =	sadd.s32 s3, s9;
	s6 =	sadd.s32 @!p0 $0x88, s6;
	s7 =	simm.s32 @p2 $0x1082  }
0x22: {  	[simem:s7], [sflag:s8] =	dma.local @!p0 [hbm:s6], $0xF7A  }
0x23: {  	s9 =	sor.u32 $0xD0000000, s2;
	s6 =	simm.s32 $0x108;
	_ =	swait.ge @!p0 [sflag:s8], $0x0  }
0x24: {  	s3 =	sadd.s32 $0x88, s3;
	s6 =	simm.s32 @!p1 $0x1082;
	[sflag:s4] =	ssyncset.s32 $0xFFFFF086  }
0x25: {  	[simem:s6], [sflag:s4] =	dma.local [hbm:s3], $0xF7A  }
0x26: {  	[smem:$0x3F74] =	sst s1;
	(tag) =	ssettag s2;
	_ =	strace s9  }
0x27: {  	s1 =	sld [smem:$0x3F84]  }
0x28: {  	s2 =	sld [smem:$0x3F85]  }
0x29: {  	s4 =	sld [smem:$0x3F87]  }
0x2a: {  	p0 =	seq.s32 s5, $0x0;
	s5 =	sld [smem:$0x3F88]  }
0x2b: {  	s6 =	sld [smem:$0x3F89]  }
0x2c: {  	s7 =	sld [smem:$0x3F8A]  }
0x2d: {  	s3 =	simm.s32 $0x108;
	s8 =	sld [smem:$0x3F8B]  }
0x2e: {  	s3 =	simm.s32 @!p0 $0x1082;
	s9 =	sld [smem:$0x3F8C]  }
0x2f: {  	lr =	sadd.s32 s0, s3;
	s0 =	sld [smem:$0x3F83]  }
0x30: {  	s3 =	sld [smem:$0x3F86]  }
0x31: {  	[smem:$0x3F8F] =	sst s10  }
0x32: {  	s10 =	sld [smem:$0x3F8D];
	_ =	sdelay $0x3  }
0x33: {  	p0 =	seq.s32 s10, $0x1;
	s10 =	sld [smem:$0x3F8F];
	_ =	sdelay $0x3  }
0x34: {  	[smem:$0x3F8F] =	sst s10  }
0x35: {  	s10 =	sld [smem:$0x3F8E];
	_ =	sdelay $0x3  }
0x36: {  	p1 =	seq.s32 s10, $0x1;
	s10 =	sld [smem:$0x3F8F];
	_ =	sdelay $0x3  }
0x37: {  	[smem:$0x3F8F] =	sst s10  }
0x38: {  	s10 =	sld [smem:$0x3F90]  }
0x39: {  	_ = 	snop;
	(pc) =	sbr.ind lr, $3  }
0x3a: {  	_ = 	snop  }
0x3b: {  	_ = 	snop  }
0x3c: {  	p2 =	seq.s32 s10, $0x1;
	s10 =	sld [smem:$0x3F8F]  }
0x3d: {  	_ =	shalt  }
0x3e: {  	_ =	shalt  }
0x3f: {  	_ =	shalt  }
0x40: {  	_ =	shalt  }
0x41: {  	_ =	shalt  }
0x42: {  	_ =	shalt  }
0x43: {  	_ =	shalt  }
0x44: {  	_ =	shalt  }
0x45: {  	_ =	shalt  }
0x46: {  	_ =	shalt  }
0x47: {  	_ =	shalt  }
0x48: {  	_ =	shalt  }
0x49: {  	_ =	shalt  }
0x4a: {  	_ =	shalt  }
0x4b: {  	_ =	shalt  }
0x4c: {  	_ =	shalt  }
0x4d: {  	_ =	shalt  }
0x4e: {  	_ =	shalt  }
0x4f: {  	_ =	shalt  }
0x50: {  	_ =	shalt  }
0x51: {  	_ =	shalt  }
0x52: {  	_ =	shalt  }
0x53: {  	_ =	shalt  }
0x54: {  	_ =	shalt  }
0x55: {  	_ =	shalt  }
0x56: {  	_ =	shalt  }
0x57: {  	_ =	shalt  }
0x58: {  	_ =	shalt  }
0x59: {  	_ =	shalt  }
0x5a: {  	_ =	shalt  }
0x5b: {  	_ =	shalt  }
0x5c: {  	_ =	shalt  }
0x5d: {  	_ =	shalt  }
0x5e: {  	_ =	shalt  }
0x5f: {  	_ =	shalt  }
0x60: {  	_ =	shalt  }
0x61: {  	_ =	shalt  }
0x62: {  	_ =	shalt  }
0x63: {  	_ =	shalt  }
0x64: {  	_ =	shalt  }
0x65: {  	_ =	shalt  }
0x66: {  	_ =	shalt  }
0x67: {  	_ =	shalt  }
0x68: {  	_ =	shalt  }
0x69: {  	_ =	shalt  }
0x6a: {  	_ =	shalt  }
0x6b: {  	_ =	shalt  }
0x6c: {  	_ =	shalt  }
0x6d: {  	_ =	shalt  }
0x6e: {  	_ =	shalt  }
0x6f: {  	_ =	shalt  }
0x70: {  	_ =	shalt  }
0x71: {  	_ =	shalt  }
0x72: {  	_ =	shalt  }
0x73: {  	_ =	shalt  }
0x74: {  	_ =	shalt  }
0x75: {  	_ =	shalt  }
0x76: {  	_ =	shalt  }
0x77: {  	_ =	shalt  }
0x78: {  	_ =	shalt  }
0x79: {  	_ =	shalt  }
0x7a: {  	_ =	shalt  }
0x7b: {  	_ =	shalt  }
0x7c: {  	_ =	shalt  }
0x7d: {  	_ =	shalt  }
0x7e: {  	_ =	shalt  }
0x7f: {  	_ =	shalt  }
0x80: {  	_ =	shalt  }
0x81: {  	_ =	shalt  }
0x82: {  	_ =	shalt  }
0x83: {  	_ =	shalt  }
0x84: {  	_ =	shalt  }
0x85: {  	_ =	shalt  }
0x86: {  	_ =	shalt  }
0x87: {  	_ =	shalt  }
.Lfunc_end0:
.L_simem_size_0:
called_computation.10_lowered:
.L_overlay_start_0:
0x88: {  	s2 =	sld [smem:$0x3FD9]  }
0x89: {  	s3 =	sld [smem:$0x3FFE];
	_ =	sdelay $0x1  }
0x8a: {  	s1 =	srdreg.scid  }
0x8b: {  	s0 =	sand.u32 $0x1, s1  }
0x8c: {  	s16 =	sshll.u32 s0, $0xA;
	s2 =	sadd.s32 s3, s2  }
0x8d: {  	s2 =	sadd.s32 s2, s16  }
0x8e: {  	[smem:$0x3F9B] =	sst s2  }
0x8f: {  	_ = 	snop  }
0x90: {  	(tm) =	ssettm $0x1  }
0x91: {  	s17 =	sld [smem:$0x3FFB];
	_ =	sdelay $0x3  }
0x92: {  	_ =	strace s17  }
0x93: {  	s2 =	sld [smem:$0x3FFC];
	_ =	sdelay $0x3  }
0x94: {  	_ =	strace s2  }
0x95: {  	s2 =	sld [smem:$0x3FFD];
	_ =	sdelay $0x3  }
0x96: {  	_ =	strace s2  }
0x97: {  	_ =	strace $0x8FFFFFFF  }
0x98: {  	s18 =	sld [smem:$0x3FDB];
	_ =	sdelay $0x1  }
0x99: {  	s19 =	simm.s32 $_scs_section_size  }
0x9a: {  	s4 =	simm.s32 $_size__tile_overlayer_lowered;
	s5 =	simm.s32 $_tile_overlayer_lowered  }
0x9b: {  	s22 =	simm.s32 $0x1BFF;
	s21 =	sshll.u32 s5, $0x1;
	s2 =	sadd.s32 s19, s18  }
0x9c: {  	s6 =	simm.s32 $0x0;
	s20 =	sshll.u32 s4, $0x1;
	s4 =	sadd.s32 s21, s2  }
0x9d: {  	[timem:s6], [sflag:s22] =	dma.local [hbm:s4], s20  }
0x9e: {  	_ =	swait.ge [sflag:s22], s20  }
0x9f: {  	s3 =	ssub.s32 $0x0, s20;
	[sflag:s22] =	ssyncset.done $0x0  }
0xa0: {  	[sflag:s22] =	ssyncadd.s32 s3;
	_ =	sdelay $0x1  }
0xa1: {  	s23 =	simm.s32 $0x1B8B  }
0xa2: {  	_ =	swait.ge [sflag:s23], $0x1  }
0xa3: {  	[sflag:s23] =	ssyncset.done $0x0  }
0xa4: {  	s25 =	simm.s32 $0x1B8E;
	s24 =	sld [smem:$0x3FFE];
	[sflag:s23] =	ssyncadd.s32 $0xFFFFFFFF  }
0xa5: {  	s26 =	simm.s32 $execute0_lowered;
	[smem:$0x3FD2] =	sst s25  }
0xa6: {  	s4 =	sshll.u32 s26, $0x1;
	_ =	strace $0x80000064;
	[dreg:$0x1] =	wrdreg $0xFFFFFFFF  }
0xa7: {  	s28 =	simm.s32 $_size_execute0_lowered;
	s2 =	sadd.s32 s2, s4;
	[dreg:$0x0] =	wrdreg $0x0  }
0xa8: {  	s4 =	sshll.u32 s28, $0x1;
	[dreg:$0x2] =	wrdreg s2  }
0xa9: {  	[dreg:$0x3] =	wrdreg s4  }
0xaa: {  	[dreg:$0x4] =	wrdreg $0xC0  }
0xab: {  	_ =	task [dreg:s6], $0x5FFFF  }
0xac: {  	[dreg:$0x1] =	wrdreg $0xFFFFFFFF  }
0xad: {  	[dreg:$0x0] =	wrdreg $0x60  }
0xae: {  	[dreg:$0x2] =	wrdreg s24  }
0xaf: {  	[dreg:$0x3] =	wrdreg $0x23000  }
0xb0: {  	[dreg:$0x4] =	wrdreg $0x9  }
0xb1: {  	_ =	task.clear_ibuf [dreg:s6], $0x5FFFF;
	_ =	strace $0x90000064  }
0xb2: {  	s29 =	simm.s32 $0x9;
	_ =	strace $0x80000066  }
0xb3: {  	_ =	swait.ge [sflag:s29], $0x1  }
0xb4: {  	[sflag:s29] =	ssyncadd.s32 $0xFFFFFFFF  }
0xb5: {  	_ =	strace $0x90000066  }
0xb6: {  	_ =	sfence  }
0xb7: {  	s30 =	sld [smem:$0x0];
	_ =	sdelay $0x2  }
0xb8: {  	s31 =	sshll.u32 s1, $0xD;
	s1 =	sshrl.u32 s1, $0x2  }
0xb9: {  	s3 =	sand.u32 $0x4000, s31;
	s1 =	sadd.s32 s1, s30  }
0xba: {  	s0 =	sor.u32 s3, s0;
	s1 =	sshll.u32 s1, $0x11  }
0xbb: {  	s0 =	sor.u32 s1, s0  }
0xbc: {  	s0 =	sadd.s32 $0x8F2B, s0  }
0xbd: {  	[sflag:s0] =	ssyncadd.remote.s32 $0x1  }
0xbe: {  	_ =	sfence.sel $0xFFFF  }
0xbf: {  	[dreg:$0x0] =	wrdreg $0xFFFFFFFF;
	(pc) =	sbr.abs _section_cstart, $3  }
0xc0: {  	[dreg:$0x1] =	wrdreg $0xFFFFFFFF  }
0xc1: {  	_ =	task.clear_ibuf [dreg:s6], $0x2FFFF;
	_ =	strace $0x9FFFFFFF  }
0xc2: {  	(tm) =	ssettm $0x7FFFFFFF  }
0xc3: {  	_ =	shalt  }
tec
execute0_lowered:
.L_overlay_start_1:
0x0: {  	(tag) =	ssettag $0x1  }
0x1: {  	s5 =	rddreg [dreg:$0x0]  }
0x2: {  	s0 =	srdreg.scid;
	s2 =	rddreg [dreg:$0x1]  }
0x3: {  	s3 =	simm.s32 $0x0;
	s14 =	simm.s32 $0x1400;
	s4 =	sand.u32 $0x1, s0  }
0x4: {  	s15 =	simm.s32 $0x28;
	s0 =	stileid.u32;
	s6 =	smul.u32 $0x1D4C00, s4  }
0x5: {  	s16 =	simm.s32 $0x0;
	[smem:$0x7FF] =	sst s3;
	s8 =	smul.u32 $0xF000, s0  }
0x6: {  	s1 =	sshll.u32 s4, $0x4;
	s9 =	smul.u32 $0xF0000, s4;
	s4 =	ssub.s32 $0x2, s4  }
0x7: {  	s30 =	sshll.u32 s0, $0x6;
	s12 =	smul.u32 $0x1D4C0, s0;
	s1 =	sor.u32 s0, s1  }
0x8: {  	s29 =	sshrl.u32 s4, $0x1;
	s7 =	smul.u32 $0x280, s1;
	s1 =	rddreg [dreg:$0x2]  }
0x9: {  	_ =	strace $0x80000065;
	s10 =	sadd.s32 s6, s5;
	s26 =	sadd.s32 s8, s9  }
0xa: {  	s28 =	sshrl.u32 s8, $0x3;
	s11 =	ssub.s32 s4, s29;
	s13 =	sadd.s32 s8, s2  }
0xb: {  	s9 =	sadd.s32 s28, s5;
	s31 =	sadd.s32 s12, s10;
	s8 =	smax.u32 s11, $0x1  }
0xc: {  	s10 =	sshrl.u32 s13, $0x3;
	s11 =	simm.s32 $0x1;
	s12 =	simm.s32 $0x60  }
0xd: {  	s13 =	simm.s32 $0xC0;
	s25 =	sadd.s32 s7, s5;
	s7 =	sshrl.u32 s26, $0x3  }
0xe: {  	s4 =	sadd.s32 $0x213800, s9;
	s9 =	sadd.s32 $0x2BBA00, s31;
	s7 =	sadd.s32 s7, s5  }
0xf: {  	s5 =	sor.u32 $0x1C01, s30;
	s6 =	sadd.s32 $0x10200, s25;
	s7 =	sadd.s32 $0x231800, s7  }
.LBB2_1:
0x10: {  	[spmem:s10], [sflag:s5] =	dma.local [hbm:s4], $0x1E00  }
0x11: {  	_ =	swait.ge [sflag:s11], $0x1E00  }
0x12: {  	[sflag:s11] =	ssyncset.done $0x0  }
0x13: {  	[sflag:s11] =	ssyncadd.s32 $0xFFFFE200  }
0x14: {  	[tilespmem:s3], [sflag:$0x1] =	stream.linear.gather [hbm4b:s6+s3], $0x1400, $0x38;
	[tilespmem:$0x11300] =	vst v63  }
0x15: {  	_ =	swait.ge [sflag:s11], $0x1400  }
0x16: {  	[sflag:s11] =	ssyncset.done $0x0  }
0x17: {  	[sflag:s11] =	ssyncadd.s32 $0xFFFFEC00  }
0x18: {  	[bflag:$0x0] =	sbarrier.arrive $0xFFFF  }
0x19: {  	[tilespmem:s14], [sflag:$0x1] =	stream.strided.gather [hbm4b:s9+s12], $0xF00, s13, s12, $0x38;
	[tilespmem:$0x11300] =	vst v63  }
0x1a: {  	_ =	swait.ge [sflag:s11], $0xF00  }
0x1b: {  	[sflag:s11] =	ssyncset.done $0x0  }
0x1c: {  	s17 =	simm.s32 $0x0;
	[sflag:s11] =	ssyncadd.s32 $0xFFFFF100  }
0x1d: {  	[spmem:s2] =	stream.indirect.scatter.add.f32 [tilespmem:s14], [sflag:$0x1], $0x60, s17, s15, $0xb8;
	[tilespmem:$0x11300] =	vst v63  }
0x1e: {  	_ =	swait.ge [sflag:s11], $0xF00  }
0x1f: {  	s18 =	smov.u32 s9;
	s17 =	simm.s32 $0xA0;
	[sflag:s11] =	ssyncset.done $0x0  }
.LBB2_2:
0x20: {  	p0 =	sne.s32 s17, $0x4D80;
	[sflag:s11] =	ssyncadd.s32 $0xFFFFF100;
	s18 =	sadd.s32 $0x3C0, s18  }
0x21: {  	[tilespmem:s14], [sflag:$0x1] =	stream.strided.gather [hbm4b:s18+s12], $0xF00, s13, s12, $0x38;
	[tilespmem:$0x11300] =	vst v63  }
0x22: {  	s19 =	smov.u32 s17;
	s17 =	sadd.s32 $0xA0, s17;
	_ =	swait.ge [sflag:s11], $0xF00  }
.Ltmp0:
0x23: {  	[sflag:s11] =	ssyncset.done $0x0;
	(pc) =	sbr.rel @p0 .LBB2_2-.Ltmp0, $4  }
0x24: {  	s19 =	sshra.s32 s19, $0x2;
	[sflag:s11] =	ssyncadd.s32 $0xFFFFF100  }
0x25: {  	[spmem:s2] =	stream.indirect.scatter.add.f32 [tilespmem:s14], [sflag:$0x1], $0x60, s19, s15, $0xb8;
	[tilespmem:$0x11300] =	vst v63  }
0x26: {  	_ =	swait.ge [sflag:s11], $0xF00  }
0x27: {  	[sflag:s11] =	ssyncset.done $0x0  }
0x28: {  	s16 =	sadd.s32 $0x1, s16  }
0x29: {  	[sflag:s11] =	ssyncadd.s32 $0xFFFFF100;
	p0 =	sne.s32 s16, s8  }
.Ltmp1:
0x2a: {  	[bflag:$0x0] =	sbarrier.arrive $0xFFFF;
	(pc) =	sbr.rel @p0 .LBB2_1-.Ltmp1, $4  }
0x2b: {  	[hbm:s7], [sflag:s5] =	dma.local [spmem:s10], $0x1E00  }
0x2c: {  	_ =	swait.ge [sflag:s11], $0x1E00  }
0x2d: {  	[sflag:s11] =	ssyncset.done $0x0  }
0x2e: {  	[sflag:s11] =	ssyncadd.s32 $0xFFFFE200  }
0x2f: {  	_ =	sfence.sel $0x180000  }
0x30: {  	[bflag:$0x0] =	sbarrier.arrive $0xFFFF  }
0x31: {  	p0 =	sne.s32 s0, $0x0;
	_ =	strace $0x90000065  }
0x32: {  	s0 =	sadd.s32 @!p0 $0x100000, s1;
	[bflag:$0x2] =	sbarrier.arrive $0xFFFF  }
0x33: {  	[sflag:s0] =	ssyncadd.tile.s32 @!p0 $0x1;
	_ =	shalt  }
.Lfunc_end2:
_tile_overlayer_lowered:
.L_overlay_start_2:
0x34: {  	(tag) =	ssettag $0x2  }
0x35: {  	s0 =	rddreg [dreg:$0x0];
	s2 =	stileid.u32  }
0x36: {  	s1 =	rddreg [dreg:$0x1];
	p0 =	sne.s32 s2, $0x0  }
0x37: {  	s3 =	rddreg [dreg:$0x2];
	[bflag:$0x3] =	sbarrier.arrive $0xFFFF;
	s2 =	simm.s32 @!p0 $0x1C01  }
0x38: {  	[timem:s3], [sflag:s2] =	dma.local @!p0 [hbm:s0], s1  }
0x39: {  	s0 =	simm.s32 @!p0 $0x1  }
0x3a: {  	_ =	swait.ge @!p0 [sflag:s0], s1  }
0x3b: {  	s1 =	ssub.s32 @!p0 $0x0, s1;
	[sflag:s0] =	ssyncset.done @!p0 $0x0  }
0x3c: {  	[sflag:s0] =	ssyncadd.s32 @!p0 s1  }
0x3d: {  	[bflag:$0x3] =	sbarrier.arrive $0xFFFF  }
0x3e: {  	_ =	shalt  }

// kernel: kernel.61.cloned.1.call-start
scs
__scs_entry_jumppad:
0x0: {  	(pc) =	sbr.rel $0x88, $3  }
0x1: {  	(tag) =	ssettag $0x0;
	lr =	simm.s32 $0x1  }
0x2: {  	[smem:$0x3F74] =	sst lr;
	_ =	strace $0xD0000000  }
0x3: {  	_ = 	snop  }
0x4: {  	_ = 	snop  }
0x5: {  	_ = 	snop  }
0x6: {  	_ = 	snop  }
0x7: {  	_ = 	snop  }
__scs_overlays_trampoline_lowered:
0x8: {  	[smem:$0x3F83] =	sst s0  }
0x9: {  	[smem:$0x3F84] =	sst s1  }
0xa: {  	[smem:$0x3F85] =	sst s2  }
0xb: {  	[smem:$0x3F86] =	sst s3  }
0xc: {  	[smem:$0x3F87] =	sst s4  }
0xd: {  	[smem:$0x3F88] =	sst s5  }
0xe: {  	[smem:$0x3F89] =	sst s6  }
0xf: {  	[smem:$0x3F8A] =	sst s7  }
0x10: {  	[smem:$0x3F8B] =	sst s8  }
0x11: {  	[smem:$0x3F8C] =	sst s9;
	s0 =	simm.s32 @!p0 $0x0  }
0x12: {  	s1 =	sld [smem:$0x3F72];
	s0 =	simm.s32 @p0 $0x1  }
0x13: {  	[smem:$0x3F8D] =	sst s0;
	s0 =	simm.s32 @!p1 $0x0  }
0x14: {  	s2 =	sld [smem:$0x3F71];
	s0 =	simm.s32 @p1 $0x1  }
0x15: {  	[smem:$0x3F8E] =	sst s0;
	s0 =	simm.s32 @!p2 $0x0  }
0x16: {  	s3 =	sld [smem:$0x3FDB];
	s0 =	simm.s32 @p2 $0x1  }
0x17: {  	s4 =	simm.s32 $0x1BF5;
	[smem:$0x3F90] =	sst s0  }
0x18: {  	s0 =	sld [smem:$0x3F73];
	_ =	swait.ge [sflag:s4], $0x0  }
0x19: {  	s7 =	sld [smem:$0x3F74]  }
0x1a: {  	s8 =	sadd.s32 $0xFFFFE003, lr  }
0x1b: {  	s9 =	sadd.s32 $0xFFFFFEF7, lr;
	s5 =	simm.s32 $0xFFFFFFFF;
	p2 =	slt.u32 s8, $0xFFFFF086  }
0x1c: {  	p1 =	slt.u32 s9, $0xF7A;
	s5 =	simm.s32 @!p2 $0x0  }
0x1d: {  	s5 =	simm.s32 @p1 $0x1;
	p0 =	seq.s32 s7, s2  }
0x1e: {  	s7 =	smul.u32 @!p0 $0xF7A, s2;
	p2 =	seq.s32 @!p0 s5, $0x0  }
0x1f: {  	s9 =	smul.u32 $0xF7A, s1;
	s8 =	simm.s32 @!p0 $0x1BF5;
	p2 =	por !p2, p0  }
0x20: {  	[sflag:s8] =	ssyncset.s32 @!p0 $0xFFFFF086;
	s6 =	sadd.s32 @!p0 s3, s7;
	s7 =	simm.s32 @!p0 $0x108  }
0x21: {  	s3 =	sadd.s32 s3, s9;
	s6 =	sadd.s32 @!p0 $0x88, s6;
	s7 =	simm.s32 @p2 $0x1082  }
0x22: {  	[simem:s7], [sflag:s8] =	dma.local @!p0 [hbm:s6], $0xF7A  }
0x23: {  	s9 =	sor.u32 $0xD0000000, s2;
	s6 =	simm.s32 $0x108;
	_ =	swait.ge @!p0 [sflag:s8], $0x0  }
0x24: {  	s3 =	sadd.s32 $0x88, s3;
	s6 =	simm.s32 @!p1 $0x1082;
	[sflag:s4] =	ssyncset.s32 $0xFFFFF086  }
0x25: {  	[simem:s6], [sflag:s4] =	dma.local [hbm:s3], $0xF7A  }
0x26: {  	[smem:$0x3F74] =	sst s1;
	(tag) =	ssettag s2;
	_ =	strace s9  }
0x27: {  	s1 =	sld [smem:$0x3F84]  }
0x28: {  	s2 =	sld [smem:$0x3F85]  }
0x29: {  	s4 =	sld [smem:$0x3F87]  }
0x2a: {  	p0 =	seq.s32 s5, $0x0;
	s5 =	sld [smem:$0x3F88]  }
0x2b: {  	s6 =	sld [smem:$0x3F89]  }
0x2c: {  	s7 =	sld [smem:$0x3F8A]  }
0x2d: {  	s3 =	simm.s32 $0x108;
	s8 =	sld [smem:$0x3F8B]  }
0x2e: {  	s3 =	simm.s32 @!p0 $0x1082;
	s9 =	sld [smem:$0x3F8C]  }
0x2f: {  	lr =	sadd.s32 s0, s3;
	s0 =	sld [smem:$0x3F83]  }
0x30: {  	s3 =	sld [smem:$0x3F86]  }
0x31: {  	[smem:$0x3F8F] =	sst s10  }
0x32: {  	s10 =	sld [smem:$0x3F8D];
	_ =	sdelay $0x3  }
0x33: {  	p0 =	seq.s32 s10, $0x1;
	s10 =	sld [smem:$0x3F8F];
	_ =	sdelay $0x3  }
0x34: {  	[smem:$0x3F8F] =	sst s10  }
0x35: {  	s10 =	sld [smem:$0x3F8E];
	_ =	sdelay $0x3  }
0x36: {  	p1 =	seq.s32 s10, $0x1;
	s10 =	sld [smem:$0x3F8F];
	_ =	sdelay $0x3  }
0x37: {  	[smem:$0x3F8F] =	sst s10  }
0x38: {  	s10 =	sld [smem:$0x3F90]  }
0x39: {  	_ = 	snop;
	(pc) =	sbr.ind lr, $3  }
0x3a: {  	_ = 	snop  }
0x3b: {  	_ = 	snop  }
0x3c: {  	p2 =	seq.s32 s10, $0x1;
	s10 =	sld [smem:$0x3F8F]  }
0x3d: {  	_ =	shalt  }
0x3e: {  	_ =	shalt  }
0x3f: {  	_ =	shalt  }
0x40: {  	_ =	shalt  }
0x41: {  	_ =	shalt  }
0x42: {  	_ =	shalt  }
0x43: {  	_ =	shalt  }
0x44: {  	_ =	shalt  }
0x45: {  	_ =	shalt  }
0x46: {  	_ =	shalt  }
0x47: {  	_ =	shalt  }
0x48: {  	_ =	shalt  }
0x49: {  	_ =	shalt  }
0x4a: {  	_ =	shalt  }
0x4b: {  	_ =	shalt  }
0x4c: {  	_ =	shalt  }
0x4d: {  	_ =	shalt  }
0x4e: {  	_ =	shalt  }
0x4f: {  	_ =	shalt  }
0x50: {  	_ =	shalt  }
0x51: {  	_ =	shalt  }
0x52: {  	_ =	shalt  }
0x53: {  	_ =	shalt  }
0x54: {  	_ =	shalt  }
0x55: {  	_ =	shalt  }
0x56: {  	_ =	shalt  }
0x57: {  	_ =	shalt  }
0x58: {  	_ =	shalt  }
0x59: {  	_ =	shalt  }
0x5a: {  	_ =	shalt  }
0x5b: {  	_ =	shalt  }
0x5c: {  	_ =	shalt  }
0x5d: {  	_ =	shalt  }
0x5e: {  	_ =	shalt  }
0x5f: {  	_ =	shalt  }
0x60: {  	_ =	shalt  }
0x61: {  	_ =	shalt  }
0x62: {  	_ =	shalt  }
0x63: {  	_ =	shalt  }
0x64: {  	_ =	shalt  }
0x65: {  	_ =	shalt  }
0x66: {  	_ =	shalt  }
0x67: {  	_ =	shalt  }
0x68: {  	_ =	shalt  }
0x69: {  	_ =	shalt  }
0x6a: {  	_ =	shalt  }
0x6b: {  	_ =	shalt  }
0x6c: {  	_ =	shalt  }
0x6d: {  	_ =	shalt  }
0x6e: {  	_ =	shalt  }
0x6f: {  	_ =	shalt  }
0x70: {  	_ =	shalt  }
0x71: {  	_ =	shalt  }
0x72: {  	_ =	shalt  }
0x73: {  	_ =	shalt  }
0x74: {  	_ =	shalt  }
0x75: {  	_ =	shalt  }
0x76: {  	_ =	shalt  }
0x77: {  	_ =	shalt  }
0x78: {  	_ =	shalt  }
0x79: {  	_ =	shalt  }
0x7a: {  	_ =	shalt  }
0x7b: {  	_ =	shalt  }
0x7c: {  	_ =	shalt  }
0x7d: {  	_ =	shalt  }
0x7e: {  	_ =	shalt  }
0x7f: {  	_ =	shalt  }
0x80: {  	_ =	shalt  }
0x81: {  	_ =	shalt  }
0x82: {  	_ =	shalt  }
0x83: {  	_ =	shalt  }
0x84: {  	_ =	shalt  }
0x85: {  	_ =	shalt  }
0x86: {  	_ =	shalt  }
0x87: {  	_ =	shalt  }
.Lfunc_end0:
.L_simem_size_0:
called_computation.11_lowered:
.L_overlay_start_0:
0x88: {  	s2 =	sld [smem:$0x3FD9]  }
0x89: {  	s3 =	sld [smem:$0x3FFE];
	_ =	sdelay $0x1  }
0x8a: {  	s1 =	srdreg.scid  }
0x8b: {  	s0 =	sand.u32 $0x1, s1  }
0x8c: {  	s17 =	sshll.u32 s0, $0xA;
	s2 =	sadd.s32 s3, s2  }
0x8d: {  	s2 =	sadd.s32 s2, s17  }
0x8e: {  	[smem:$0x3F9B] =	sst s2  }
0x8f: {  	_ = 	snop  }
0x90: {  	(tm) =	ssettm $0x1  }
0x91: {  	s18 =	sld [smem:$0x3FFB];
	_ =	sdelay $0x3  }
0x92: {  	_ =	strace s18  }
0x93: {  	s2 =	sld [smem:$0x3FFC];
	_ =	sdelay $0x3  }
0x94: {  	_ =	strace s2  }
0x95: {  	s2 =	sld [smem:$0x3FFD];
	_ =	sdelay $0x3  }
0x96: {  	_ =	strace s2  }
0x97: {  	_ =	strace $0x8FFFFFFF  }
0x98: {  	s19 =	sld [smem:$0x3FDB];
	_ =	sdelay $0x1  }
0x99: {  	s20 =	simm.s32 $_scs_section_size  }
0x9a: {  	s4 =	simm.s32 $_size__tile_overlayer_lowered;
	s5 =	simm.s32 $_tile_overlayer_lowered  }
0x9b: {  	s6 =	simm.s32 $0x1BFF;
	s21 =	sshll.u32 s5, $0x1;
	s3 =	sadd.s32 s20, s19  }
0x9c: {  	s22 =	simm.s32 $0x0;
	s4 =	sshll.u32 s4, $0x1;
	s5 =	sadd.s32 s21, s3  }
0x9d: {  	[timem:s22], [sflag:s6] =	dma.local [hbm:s5], s4  }
0x9e: {  	_ =	swait.ge [sflag:s6], s4  }
0x9f: {  	s4 =	ssub.s32 $0x0, s4;
	[sflag:s6] =	ssyncset.done $0x0  }
0xa0: {  	[sflag:s6] =	ssyncadd.s32 s4;
	_ =	sdelay $0x1  }
0xa1: {  	s23 =	simm.s32 $0x1B8B  }
0xa2: {  	_ =	swait.ge [sflag:s23], $0x1  }
0xa3: {  	[sflag:s23] =	ssyncset.done $0x0  }
0xa4: {  	[sflag:s23] =	ssyncadd.s32 $0xFFFFFFFF  }
0xa5: {  	s4 =	sld [smem:$0x0]  }
0xa6: {  	s5 =	sand.u32 $0xFFFFFFFE, s1  }
0xa7: {  	p0 =	sne.s32 s1, s5  }
0xa8: {  	s5 =	sshll.u32 @p0 s5, $0xE  }
0xa9: {  	s5 =	sadd.s32 @p0 $0x11B8D, s5;
	s6 =	sshll.u32 @p0 s4, $0x11  }
0xaa: {  	s5 =	sor.u32 @p0 s6, s5  }
0xab: {  	[sflag:s5] =	ssyncadd.remote.s32 @p0 $0x1;
	_ =	sdelay $0x1  }
0xac: {  	s5 =	simm.s32 @p0 $0x1B8D  }
0xad: {  	_ =	swait.eq @p0 [sflag:s5], $0x1  }
0xae: {  	[sflag:s5] =	ssyncadd.s32 @p0 $0xFFFFFFFF  }
0xaf: {  	s6 =	sshll.u32 @!p0 s1, $0xE  }
0xb0: {  	s6 =	sor.u32 @!p0 $0x4000, s6;
	s5 =	simm.s32 @!p0 $0x1B8D  }
0xb1: {  	s4 =	sshll.u32 @!p0 s4, $0x11;
	s6 =	sadd.s32 @!p0 $0x11B8D, s6;
	_ =	swait.eq @!p0 [sflag:s5], $0x1  }
0xb2: {  	s4 =	sor.u32 @!p0 s4, s6;
	[sflag:s5] =	ssyncadd.s32 @!p0 $0xFFFFFFFF  }
0xb3: {  	s25 =	simm.s32 $0x1B8E;
	s24 =	sld [smem:$0x3FFE];
	[sflag:s4] =	ssyncadd.remote.s32 @!p0 $0x1  }
0xb4: {  	s26 =	simm.s32 $execute0_lowered;
	[smem:$0x3FD2] =	sst s25  }
0xb5: {  	s5 =	sshll.u32 s26, $0x1;
	_ =	strace $0x80000067;
	[dreg:$0x1] =	wrdreg $0xFFFFFFFF  }
0xb6: {  	s28 =	simm.s32 $_size_execute0_lowered;
	s3 =	sadd.s32 s3, s5;
	[dreg:$0x0] =	wrdreg $0x0  }
0xb7: {  	s5 =	sshll.u32 s28, $0x1;
	[dreg:$0x2] =	wrdreg s3  }
0xb8: {  	[dreg:$0x3] =	wrdreg s5  }
0xb9: {  	[dreg:$0x4] =	wrdreg $0xC0  }
0xba: {  	_ =	task [dreg:s22], $0x5FFFF  }
0xbb: {  	[dreg:$0x1] =	wrdreg $0xFFFFFFFF  }
0xbc: {  	[dreg:$0x0] =	wrdreg $0x60  }
0xbd: {  	[dreg:$0x2] =	wrdreg s24  }
0xbe: {  	[dreg:$0x3] =	wrdreg $0x23000  }
0xbf: {  	[dreg:$0x4] =	wrdreg $0xA  }
0xc0: {  	_ =	task.clear_ibuf [dreg:s22], $0x5FFFF;
	_ =	strace $0x90000067  }
0xc1: {  	s29 =	simm.s32 $0xA;
	_ =	strace $0x80000069  }
0xc2: {  	_ =	swait.ge [sflag:s29], $0x1  }
0xc3: {  	[sflag:s29] =	ssyncadd.s32 $0xFFFFFFFF  }
0xc4: {  	_ =	strace $0x90000069  }
0xc5: {  	_ =	sfence  }
0xc6: {  	s30 =	sld [smem:$0x0];
	_ =	sdelay $0x2  }
0xc7: {  	s31 =	sshll.u32 s1, $0xD;
	s1 =	sshrl.u32 s1, $0x2  }
0xc8: {  	s4 =	sand.u32 $0x4000, s31;
	s1 =	sadd.s32 s1, s30  }
0xc9: {  	s0 =	sor.u32 s4, s0;
	s1 =	sshll.u32 s1, $0x11  }
0xca: {  	s0 =	sor.u32 s1, s0  }
0xcb: {  	s0 =	sadd.s32 $0x8F2B, s0  }
0xcc: {  	[sflag:s0] =	ssyncadd.remote.s32 $0x1  }
0xcd: {  	_ =	sfence.sel $0xFFFF  }
0xce: {  	[dreg:$0x0] =	wrdreg $0xFFFFFFFF;
	(pc) =	sbr.abs _section_cstart, $3  }
0xcf: {  	[dreg:$0x1] =	wrdreg $0xFFFFFFFF  }
0xd0: {  	_ =	task.clear_ibuf [dreg:s22], $0x2FFFF;
	_ =	strace $0x9FFFFFFF  }
0xd1: {  	(tm) =	ssettm $0x7FFFFFFF  }
tec
execute0_lowered:
.L_overlay_start_1:
0x0: {  	(tag) =	ssettag $0x1  }
0x1: {  	s5 =	rddreg [dreg:$0x0]  }
0x2: {  	s0 =	srdreg.scid;
	s2 =	rddreg [dreg:$0x1]  }
0x3: {  	s3 =	simm.s32 $0x0;
	s14 =	simm.s32 $0x1400;
	s4 =	sand.u32 $0x1, s0  }
0x4: {  	s15 =	simm.s32 $0x28;
	s0 =	stileid.u32;
	s6 =	smul.u32 $0x1D4C00, s4  }
0x5: {  	s16 =	simm.s32 $0x0;
	[smem:$0x7FF] =	sst s3;
	s8 =	smul.u32 $0xF000, s0  }
0x6: {  	s1 =	sshll.u32 s4, $0x4;
	s9 =	smul.u32 $0xF0000, s4;
	s4 =	ssub.s32 $0x2, s4  }
0x7: {  	s30 =	sshll.u32 s0, $0x6;
	s12 =	smul.u32 $0x1D4C0, s0;
	s1 =	sor.u32 s0, s1  }
0x8: {  	s29 =	sshrl.u32 s4, $0x1;
	s7 =	smul.u32 $0x280, s1;
	s1 =	rddreg [dreg:$0x2]  }
0x9: {  	_ =	strace $0x80000068;
	s10 =	sadd.s32 s6, s5;
	s26 =	sadd.s32 s8, s9  }
0xa: {  	s28 =	sshrl.u32 s8, $0x3;
	s11 =	ssub.s32 s4, s29;
	s13 =	sadd.s32 s8, s2  }
0xb: {  	s9 =	sadd.s32 s28, s5;
	s31 =	sadd.s32 s12, s10;
	s8 =	smax.u32 s11, $0x1  }
0xc: {  	s10 =	sshrl.u32 s13, $0x3;
	s11 =	simm.s32 $0x1;
	s12 =	simm.s32 $0x60  }
0xd: {  	s13 =	simm.s32 $0xC0;
	s25 =	sadd.s32 s7, s5;
	s7 =	sshrl.u32 s26, $0x3  }
0xe: {  	s4 =	sadd.s32 $0x213800, s9;
	s9 =	sadd.s32 $0x2BBA0C, s31;
	s7 =	sadd.s32 s7, s5  }
0xf: {  	s5 =	sor.u32 $0x1C01, s30;
	s6 =	sadd.s32 $0x10200, s25;
	s7 =	sadd.s32 $0x63400, s7  }
.LBB2_1:
0x10: {  	[spmem:s10], [sflag:s5] =	dma.local [hbm:s4], $0x1E00  }
0x11: {  	_ =	swait.ge [sflag:s11], $0x1E00  }
0x12: {  	[sflag:s11] =	ssyncset.done $0x0  }
0x13: {  	[sflag:s11] =	ssyncadd.s32 $0xFFFFE200  }
0x14: {  	[tilespmem:s3], [sflag:$0x1] =	stream.linear.gather [hbm4b:s6+s3], $0x1400, $0x38;
	[tilespmem:$0x11300] =	vst v63  }
0x15: {  	_ =	swait.ge [sflag:s11], $0x1400  }
0x16: {  	[sflag:s11] =	ssyncset.done $0x0  }
0x17: {  	[sflag:s11] =	ssyncadd.s32 $0xFFFFEC00  }
0x18: {  	[bflag:$0x0] =	sbarrier.arrive $0xFFFF  }
0x19: {  	[tilespmem:s14], [sflag:$0x1] =	stream.strided.gather [hbm4b:s9+s12], $0xF00, s13, s12, $0x38;
	[tilespmem:$0x11300] =	vst v63  }
0x1a: {  	_ =	swait.ge [sflag:s11], $0xF00  }
0x1b: {  	[sflag:s11] =	ssyncset.done $0x0  }
0x1c: {  	s17 =	simm.s32 $0x0;
	[sflag:s11] =	ssyncadd.s32 $0xFFFFF100  }
0x1d: {  	[spmem:s2] =	stream.indirect.scatter.add.f32 [tilespmem:s14], [sflag:$0x1], $0x60, s17, s15, $0xb8;
	[tilespmem:$0x11300] =	vst v63  }
0x1e: {  	_ =	swait.ge [sflag:s11], $0xF00  }
0x1f: {  	s18 =	smov.u32 s9;
	s17 =	simm.s32 $0xA0;
	[sflag:s11] =	ssyncset.done $0x0  }
.LBB2_2:
0x20: {  	p0 =	sne.s32 s17, $0x4D80;
	[sflag:s11] =	ssyncadd.s32 $0xFFFFF100;
	s18 =	sadd.s32 $0x3C0, s18  }
0x21: {  	[tilespmem:s14], [sflag:$0x1] =	stream.strided.gather [hbm4b:s18+s12], $0xF00, s13, s12, $0x38;
	[tilespmem:$0x11300] =	vst v63  }
0x22: {  	s19 =	smov.u32 s17;
	s17 =	sadd.s32 $0xA0, s17;
	_ =	swait.ge [sflag:s11], $0xF00  }
.Ltmp0:
0x23: {  	[sflag:s11] =	ssyncset.done $0x0;
	(pc) =	sbr.rel @p0 .LBB2_2-.Ltmp0, $4  }
0x24: {  	s19 =	sshra.s32 s19, $0x2;
	[sflag:s11] =	ssyncadd.s32 $0xFFFFF100  }
0x25: {  	[spmem:s2] =	stream.indirect.scatter.add.f32 [tilespmem:s14], [sflag:$0x1], $0x60, s19, s15, $0xb8;
	[tilespmem:$0x11300] =	vst v63  }
0x26: {  	_ =	swait.ge [sflag:s11], $0xF00  }
0x27: {  	[sflag:s11] =	ssyncset.done $0x0  }
0x28: {  	s16 =	sadd.s32 $0x1, s16  }
0x29: {  	[sflag:s11] =	ssyncadd.s32 $0xFFFFF100;
	p0 =	sne.s32 s16, s8  }
.Ltmp1:
0x2a: {  	[bflag:$0x0] =	sbarrier.arrive $0xFFFF;
	(pc) =	sbr.rel @p0 .LBB2_1-.Ltmp1, $4  }
0x2b: {  	[hbm:s7], [sflag:s5] =	dma.local [spmem:s10], $0x1E00  }
0x2c: {  	_ =	swait.ge [sflag:s11], $0x1E00  }
0x2d: {  	[sflag:s11] =	ssyncset.done $0x0  }
0x2e: {  	[sflag:s11] =	ssyncadd.s32 $0xFFFFE200  }
0x2f: {  	_ =	sfence.sel $0x180000  }
0x30: {  	[bflag:$0x0] =	sbarrier.arrive $0xFFFF  }
0x31: {  	p0 =	sne.s32 s0, $0x0;
	_ =	strace $0x90000068  }
0x32: {  	s0 =	sadd.s32 @!p0 $0x100000, s1;
	[bflag:$0x2] =	sbarrier.arrive $0xFFFF  }
0x33: {  	[sflag:s0] =	ssyncadd.tile.s32 @!p0 $0x1;
	_ =	shalt  }
.Lfunc_end2:
_tile_overlayer_lowered:
.L_overlay_start_2:
0x34: {  	(tag) =	ssettag $0x2  }
0x35: {  	s0 =	rddreg [dreg:$0x0];
	s2 =	stileid.u32  }
0x36: {  	s1 =	rddreg [dreg:$0x1];
	p0 =	sne.s32 s2, $0x0  }
0x37: {  	s3 =	rddreg [dreg:$0x2];
	[bflag:$0x3] =	sbarrier.arrive $0xFFFF;
	s2 =	simm.s32 @!p0 $0x1C01  }
0x38: {  	[timem:s3], [sflag:s2] =	dma.local @!p0 [hbm:s0], s1  }
0x39: {  	s0 =	simm.s32 @!p0 $0x1  }
0x3a: {  	_ =	swait.ge @!p0 [sflag:s0], s1  }
0x3b: {  	s1 =	ssub.s32 @!p0 $0x0, s1;
	[sflag:s0] =	ssyncset.done @!p0 $0x0  }
0x3c: {  	[sflag:s0] =	ssyncadd.s32 @!p0 s1  }
0x3d: {  	[bflag:$0x3] =	sbarrier.arrive $0xFFFF  }
0x3e: {  	_ =	shalt  }

</sc_bundles>
